<compile_context>
chip_gen: v7x
topology: tpu7x:2x2x1
jax: 0.10.2.dev20260603
libtpu: 0.0.44.dev20260713+nightly
codegen_flags: <defaults>
</compile_context>

<pallas_src>
import functools

import jax
import jax.numpy as jnp
from jax import lax
from jax.experimental import pallas as pl
from jax.experimental.pallas import tpu as pltpu
from jax.experimental.pallas import tpu_sc as plsc

N = 10000
E = 320000
D_IN = 128
H = 64
K = 8

NC = 2
NS = 16
CH = 128
NCH = 80
NCH2 = 158
HH = H // 2
EP2 = NS * NCH2 * CH
EP = NC * NS * NCH * CH
TRASH = N
ACC = 10112
ZROWS = ACC // NS
WROWS = 624

@functools.cache
def _mesh():
    return plsc.VectorSubcoreMesh(core_axis_name="c", subcore_axis_name="s",
                                  num_cores=NC, num_subcores=NS)


_SC_PARAMS = pltpu.CompilerParams(use_tc_tiling_on_sc=False)



def _sc_prop(g, src4, dst4, zeros_h):
    return pl.kernel(
        _sc_prop_body,
        mesh=_mesh(),
        out_type=jax.ShapeDtypeStruct((NC, N, HH), jnp.float32),
        scratch_types=[
            pltpu.VMEM((NCH2, CH), jnp.int32),
            pltpu.VMEM((NCH2, CH), jnp.int32),
            pltpu.VMEM((CH, HH), jnp.float32),
            pltpu.VMEM((CH, HH), jnp.float32),
            pltpu.VMEM((CH, HH), jnp.float32),
            pltpu.VMEM((CH, HH), jnp.float32),
            pltpu.VMEM_SHARED((ACC, HH), jnp.float32),
            pltpu.VMEM_SHARED((N, HH), jnp.float32),
            pltpu.SemaphoreType.DMA,
            pltpu.SemaphoreType.DMA,
            pltpu.SemaphoreType.DMA,
            pltpu.SemaphoreType.DMA,
            pltpu.SemaphoreType.DMA,
            pltpu.SemaphoreType.DMA,
            pltpu.SemaphoreType.DMA,
            pltpu.SemaphoreType.DMA,
        ],
        compiler_params=_SC_PARAMS,
    )(g, src4, dst4, zeros_h)


def _sc_prop_body(g_hbm, src_hbm, dst_hbm, zeros_hbm, s_out,
                  isrc, idst, gb0, gb1, gb2, gb3, acc, gsh,
                  gs0, gs1, gs2, gs3, ss0, ss1, ss2, ss3):
    gbufs = (gb0, gb1, gb2, gb3)
    gsems = (gs0, gs1, gs2, gs3)
    ssems = (ss0, ss1, ss2, ss3)
    """Per-core partial S[c] = A_c g: s_out[c, d] = sum_{e in core c: dst=d} g[src_e]."""
    c = lax.axis_index("c")
    s = lax.axis_index("s")
    cz = pltpu.async_copy(zeros_hbm.at[pl.ds(s * ZROWS, ZROWS)],
                          acc.at[pl.ds(s * ZROWS, ZROWS)], gs0)
    cg = pltpu.async_copy(g_hbm.at[c, pl.ds(s * WROWS, WROWS)],
                          gsh.at[pl.ds(s * WROWS, WROWS)], gs1)
    ci = pltpu.async_copy(src_hbm.at[s], isrc, gs2)
    cj = pltpu.async_copy(dst_hbm.at[s], idst, gs3)

    @pl.when(s == 0)
    def _():
        pltpu.sync_copy(g_hbm.at[c, pl.ds(NS * WROWS, N - NS * WROWS)],
                        gsh.at[pl.ds(NS * WROWS, N - NS * WROWS)])

    cz.wait()
    cg.wait()
    ci.wait()
    cj.wait()
    plsc.subcore_barrier()

    @pl.loop(0, NCH2 // 2)
    def _(jj):
        j0 = jj * 2
        for i in range(2):
            @pl.when(jj > 0)
            def _(i=i):
                pltpu.make_async_copy(gbufs[i], acc.at[idst.at[j0 - 2 + i]],
                                      ssems[i]).wait()
            pltpu.async_copy(gsh.at[isrc.at[j0 + i]], gbufs[i], gsems[i])
        for i in range(2):
            pltpu.make_async_copy(gsh.at[isrc.at[j0 + i]], gbufs[i],
                                  gsems[i]).wait()
            pltpu.async_copy(gbufs[i], acc.at[idst.at[j0 + i]], ssems[i],
                             add=True)

    for i in range(2):
        pltpu.make_async_copy(gbufs[i], acc.at[idst.at[NCH2 - 2 + i]],
                              ssems[i]).wait()

    plsc.subcore_barrier()
    pltpu.sync_copy(acc.at[pl.ds(s * WROWS, WROWS)],
                    s_out.at[c, pl.ds(s * WROWS, WROWS)])

    @pl.when(s == 0)
    def _():
        pltpu.sync_copy(acc.at[pl.ds(NS * WROWS, N - NS * WROWS)],
                        s_out.at[c, pl.ds(NS * WROWS, N - NS * WROWS)])


def _sc_deg(src4, ones_16, zeros_16):
    return pl.kernel(
        _sc_deg_body,
        mesh=_mesh(),
        out_type=jax.ShapeDtypeStruct((NC, N, 16), jnp.float32),
        scratch_types=[
            pltpu.VMEM((NCH, CH), jnp.int32),
            pltpu.VMEM((CH, 16), jnp.float32),
            pltpu.VMEM_SHARED((ACC, 16), jnp.float32),
            pltpu.SemaphoreType.DMA,
        ],
        compiler_params=_SC_PARAMS,
    )(src4, ones_16, zeros_16)


def _sc_deg_body(src_hbm, ones_hbm, zeros_hbm, d_out, isrc, ones_v, acc, sem):
    c = lax.axis_index("c")
    s = lax.axis_index("s")
    pltpu.sync_copy(zeros_hbm.at[pl.ds(s * ZROWS, ZROWS)],
                    acc.at[pl.ds(s * ZROWS, ZROWS)])
    pltpu.sync_copy(src_hbm.at[c, s], isrc)
    pltpu.sync_copy(ones_hbm, ones_v)
    plsc.subcore_barrier()

    @pl.loop(0, NCH)
    def _(j):
        pltpu.sync_copy(ones_v, acc.at[isrc.at[j]], add=True)

    plsc.subcore_barrier()
    pltpu.sync_copy(acc.at[pl.ds(s * WROWS, WROWS)],
                    d_out.at[c, pl.ds(s * WROWS, WROWS)])

    @pl.when(s == 0)
    def _():
        pltpu.sync_copy(acc.at[pl.ds(NS * WROWS, N - NS * WROWS)],
                        d_out.at[c, pl.ds(NS * WROWS, N - NS * WROWS)])



BM = 2000
BD = 2000


def _mm_body(x_ref, w_ref, o_ref):
    o_ref[0] = jnp.dot(x_ref[...], w_ref[0],
                       preferred_element_type=jnp.float32)


def _matmul(x, W):
    return pl.pallas_call(
        _mm_body,
        grid=(N // BM, K),
        in_specs=[
            pl.BlockSpec((BM, D_IN), lambda i, k: (i, 0)),
            pl.BlockSpec((1, D_IN, H), lambda i, k: (k, 0, 0)),
        ],
        out_specs=pl.BlockSpec((1, BM, H), lambda i, k: (k, i, 0)),
        out_shape=jax.ShapeDtypeStruct((K, N, H), jnp.float32),
    )(x, W)


def _pre_body(deg_ref, a7_ref, dinv_ref, g_ref):
    deg = deg_ref[0, :, 0:1] + deg_ref[1, :, 0:1]
    dinv = jnp.where(deg > 0, lax.rsqrt(jnp.maximum(deg, 1.0)), 0.0)
    dinv_ref[...] = dinv
    g = dinv * a7_ref[0]
    g_ref[0] = g[:, :HH]
    g_ref[1] = g[:, HH:]


def _pre(deg_parts, a):
    return pl.pallas_call(
        _pre_body,
        grid=(N // BD,),
        in_specs=[
            pl.BlockSpec((NC, BD, 16), lambda i: (0, i, 0)),
            pl.BlockSpec((1, BD, H), lambda i: (K - 1, i, 0)),
        ],
        out_specs=[
            pl.BlockSpec((BD, 1), lambda i: (i, 0)),
            pl.BlockSpec((NC, BD, HH), lambda i: (0, i, 0)),
        ],
        out_shape=[
            jax.ShapeDtypeStruct((N, 1), jnp.float32),
            jax.ShapeDtypeStruct((NC, N, HH), jnp.float32),
        ],
    )(deg_parts, a)


def _dense_body(a_ref, s_ref, dinv_ref, bk2_ref, bk_ref, g_ref):
    ssum = jnp.concatenate([s_ref[0], s_ref[1]], axis=-1)
    dinv = dinv_ref[...]
    bk = a_ref[0] - 2.0 * dinv * ssum - bk2_ref[...]
    bk_ref[...] = bk
    g = dinv * bk
    g_ref[0] = g[:, :HH]
    g_ref[1] = g[:, HH:]


def _dense_body_nob(a_ref, s_ref, dinv_ref, bk_ref, g_ref):
    ssum = jnp.concatenate([s_ref[0], s_ref[1]], axis=-1)
    dinv = dinv_ref[...]
    bk = a_ref[0] - 2.0 * dinv * ssum
    bk_ref[...] = bk
    g = dinv * bk
    g_ref[0] = g[:, :HH]
    g_ref[1] = g[:, HH:]


def _dense(k, a, s_parts, dinv, bk2):
    in_specs = [
        pl.BlockSpec((1, BD, H), lambda i, k=k: (k, i, 0)),
        pl.BlockSpec((NC, BD, HH), lambda i: (0, i, 0)),
        pl.BlockSpec((BD, 1), lambda i: (i, 0)),
    ]
    args = [a, s_parts, dinv]
    if bk2 is None:
        body = _dense_body_nob
    else:
        body = _dense_body
        in_specs.append(pl.BlockSpec((BD, H), lambda i: (i, 0)))
        args.append(bk2)
    return pl.pallas_call(
        body,
        grid=(N // BD,),
        in_specs=in_specs,
        out_specs=[
            pl.BlockSpec((BD, H), lambda i: (i, 0)),
            pl.BlockSpec((NC, BD, HH), lambda i: (0, i, 0)),
        ],
        out_shape=[
            jax.ShapeDtypeStruct((N, H), jnp.float32),
            jax.ShapeDtypeStruct((NC, N, HH), jnp.float32),
        ],
    )(*args)


def _final_body(a_ref, s_ref, dinv_ref, b2_ref, bias_ref, o_ref):
    ssum = jnp.concatenate([s_ref[0], s_ref[1]], axis=-1)
    o_ref[...] = jnp.maximum(
        a_ref[0] - dinv_ref[...] * ssum - b2_ref[...] + bias_ref[...], 0.0)


def _final(a, s_parts, dinv, b2, bias2d):
    return pl.pallas_call(
        _final_body,
        grid=(N // BD,),
        in_specs=[
            pl.BlockSpec((1, BD, H), lambda i: (0, i, 0)),
            pl.BlockSpec((NC, BD, HH), lambda i: (0, i, 0)),
            pl.BlockSpec((BD, 1), lambda i: (i, 0)),
            pl.BlockSpec((BD, H), lambda i: (i, 0)),
            pl.BlockSpec((1, H), lambda i: (0, 0)),
        ],
        out_specs=pl.BlockSpec((BD, H), lambda i: (i, 0)),
        out_shape=jax.ShapeDtypeStruct((N, H), jnp.float32),
    )(a, s_parts, dinv, b2, bias2d)



def kernel(x, edge_index, W, b):
    src = edge_index[0].astype(jnp.int32)
    dst = edge_index[1].astype(jnp.int32)
    pad = EP - E
    shape4 = (NC, NS, NCH, CH)
    src_s = jnp.concatenate([src, jnp.full((pad,), TRASH, jnp.int32)]).reshape(shape4)
    pad2 = EP2 - E
    shape3 = (NS, NCH2, CH)
    src_g = jnp.concatenate([src, jnp.zeros((pad2,), jnp.int32)]).reshape(shape3)
    dst_s = jnp.concatenate([dst, jnp.full((pad2,), TRASH, jnp.int32)]).reshape(shape3)

    bias2d = b.reshape(1, H)
    zeros_h = jnp.zeros((ACC, HH), jnp.float32)
    zeros_16 = jnp.zeros((ACC, 16), jnp.float32)
    ones_16 = jnp.ones((CH, 16), jnp.float32)

    deg_parts = _sc_deg(src_s, ones_16, zeros_16)
    a = _matmul(x, W)
    dinv, g = _pre(deg_parts, a)

    b_prev2 = None
    b_prev1 = a[K - 1]
    for k in range(K - 2, 0, -1):
        s_parts = _sc_prop(g, src_g, dst_s, zeros_h)
        bk, g = _dense(k, a, s_parts, dinv, b_prev2)
        b_prev2, b_prev1 = b_prev1, bk

    s_parts = _sc_prop(g, src_g, dst_s, zeros_h)
    return _final(a, s_parts, dinv, b_prev2, bias2d)

# --- scband reference (transcript-rebuilt; emitter-appended) ---
"""Pipeline reference for scband-kipfblock-7748121002165 (READ-ONLY COPY).

The authoritative reference and input builder live on the scoring server;
editing this copy changes nothing except your own understanding.
"""

import jax, jax.numpy as jnp
import numpy as np

N_NODES = 10000
N_EDGES = 320000
D_IN = 128
D_HID = 64
K = 8


def setup_inputs(seed: int = 0) -> dict:
    key = jax.random.key(seed)
    k1, k2, k3, k4 = jax.random.split(key, 4)
    x = jax.random.normal(k1, (N_NODES, D_IN), dtype=jnp.float32)
    edge_index = jax.random.randint(k2, (2, N_EDGES), 0, N_NODES, dtype=jnp.int64)
    # ChebConv weights: one [D_IN, D_HID] matrix per Chebyshev order (glorot-style init)
    scale = np.sqrt(6.0 / (D_IN + D_HID))
    W = jax.random.uniform(k3, (K, D_IN, D_HID), dtype=jnp.float32, minval=-scale, maxval=scale)
    b = jnp.zeros((D_HID,), dtype=jnp.float32)
    return {"x": x, "edge_index": edge_index, "W": W, "b": b}


def _prop(h, src, dst, w, n):
    # scaled-Laplacian sparse matvec: (L_hat h)[dst] += w_e * h[src]
    msg = w[:, None] * jnp.take(h, src, axis=0)
    return jnp.zeros((n, h.shape[1]), h.dtype).at[dst].add(msg)


def reference(x, edge_index, W, b):
    n = x.shape[0]
    src = edge_index[0]
    dst = edge_index[1]
    # symmetric normalization; lambda_max = 2.0 (PyG default) => L_hat = L - I = -D^{-1/2} A D^{-1/2}
    deg = jnp.zeros((n,), x.dtype).at[src].add(jnp.ones(src.shape, x.dtype))
    dinv = jnp.where(deg > 0, 1.0 / jnp.sqrt(jnp.where(deg > 0, deg, 1.0)), 0.0)
    w = -dinv[src] * dinv[dst]
    Tx0 = x
    out = Tx0 @ W[0]
    Tx1 = _prop(Tx0, src, dst, w, n)
    out = out + Tx1 @ W[1]
    for k in range(2, K):
        Tx2 = 2.0 * _prop(Tx1, src, dst, w, n) - Tx0
        out = out + Tx2 @ W[k]
        Tx0, Tx1 = Tx1, Tx2
    out = out + b
    # BatchNorm disabled (bn=False); dropout is identity in eval mode
    return jax.nn.relu(out)

if __name__ == "__main__":
    import jax
    _d = setup_inputs()
    print(jax.jit(kernel)(*tuple(_d.values())))

</pallas_src>

<mosaic_0001>
#map = affine_map<(d0, d1) -> (0, 0, 0)>
#map1 = affine_map<(d0, d1) -> (0, 0)>
module attributes {stable_mosaic.version = 14 : i64} {
  func.func @_sc_prop_body(%arg0: i32, %arg1: i32, %arg2: memref<2x10000x32xf32, #tpu.memory_space<hbm>>, %arg3: memref<16x158x128xi32, #tpu.memory_space<hbm>>, %arg4: memref<16x158x128xi32, #tpu.memory_space<hbm>>, %arg5: memref<10112x32xf32, #tpu.memory_space<hbm>>, %arg6: memref<2x10000x32xf32, #tpu.memory_space<hbm>>, %arg7: memref<158x128xi32, #tpu.memory_space<vmem>>, %arg8: memref<158x128xi32, #tpu.memory_space<vmem>>, %arg9: memref<128x32xf32, #tpu.memory_space<vmem>>, %arg10: memref<128x32xf32, #tpu.memory_space<vmem>>, %arg11: memref<128x32xf32, #tpu.memory_space<vmem>>, %arg12: memref<128x32xf32, #tpu.memory_space<vmem>>, %arg13: memref<10112x32xf32, #tpu.memory_space<vmem_shared>>, %arg14: memref<10000x32xf32, #tpu.memory_space<vmem_shared>>, %arg15: memref<!tpu.dma_semaphore, #tpu.memory_space<semaphore_mem>>, %arg16: memref<!tpu.dma_semaphore, #tpu.memory_space<semaphore_mem>>, %arg17: memref<!tpu.dma_semaphore, #tpu.memory_space<semaphore_mem>>, %arg18: memref<!tpu.dma_semaphore, #tpu.memory_space<semaphore_mem>>, %arg19: memref<!tpu.dma_semaphore, #tpu.memory_space<semaphore_mem>>, %arg20: memref<!tpu.dma_semaphore, #tpu.memory_space<semaphore_mem>>, %arg21: memref<!tpu.dma_semaphore, #tpu.memory_space<semaphore_mem>>, %arg22: memref<!tpu.dma_semaphore, #tpu.memory_space<semaphore_mem>>) attributes {dimension_semantics = [#tpu.dimension_semantics<core_parallel>, #tpu.dimension_semantics<subcore_parallel>], iteration_bounds = array<i64: 2, 16>, scalar_prefetch = 0 : i64, scratch_operands = 16 : i64, tpu.core_type = #tpu.core_type<sc_vector_subcore>, window_params = [{transform_indices = #map}, {transform_indices = #map}, {transform_indices = #map}, {transform_indices = #map1}, {transform_indices = #map}]} {
    %mul3A = arith.constant 632 : i32
    %mul3A_0 = arith.muli %arg1, %mul3A : i32
    %mul3A_1 = arith.constant 632 : i32
    %mul3A_2 = arith.muli %arg1, %mul3A_1 : i32
    %dma_start3A = arith.constant 0 : i32
    %dma_start3A_3 = tpu.memref_slice %arg13[%mul3A_2, %dma_start3A] : memref<10112x32xf32, #tpu.memory_space<vmem_shared>> -> memref<632x32xf32, #tpu.memory_space<vmem_shared>>
    %dma_start3A_4 = arith.constant 0 : i32
    %dma_start3A_5 = tpu.memref_slice %arg5[%mul3A_0, %dma_start3A_4] : memref<10112x32xf32, #tpu.memory_space<hbm>> -> memref<632x32xf32, #tpu.memory_space<hbm>>
    tpu.enqueue_dma source(%dma_start3A_5 : memref<632x32xf32, #tpu.memory_space<hbm>>) target(%dma_start3A_3 : memref<632x32xf32, #tpu.memory_space<vmem_shared>>) target_semaphore(%arg15 : memref<!tpu.dma_semaphore, #tpu.memory_space<semaphore_mem>>)
    %mul3A_6 = arith.constant 624 : i32
    %mul3A_7 = arith.muli %arg1, %mul3A_6 : i32
    %mul3A_8 = arith.constant 624 : i32
    %mul3A_9 = arith.muli %arg1, %mul3A_8 : i32
    %dma_start3A_10 = arith.constant 0 : i32
    %dma_start3A_11 = tpu.memref_slice %arg14[%mul3A_9, %dma_start3A_10] : memref<10000x32xf32, #tpu.memory_space<vmem_shared>> -> memref<624x32xf32, #tpu.memory_space<vmem_shared>>
    %dma_start3A_12 = arith.constant 0 : i32
    %dma_start3A_13 = tpu.memref_slice %arg2[%arg0, %mul3A_7, %dma_start3A_12] : memref<2x10000x32xf32, #tpu.memory_space<hbm>> -> memref<1x624x32xf32, #tpu.memory_space<hbm>>
    %dma_start3A_14 = tpu.memref_squeeze %dma_start3A_13 : memref<1x624x32xf32, #tpu.memory_space<hbm>> -> memref<624x32xf32, #tpu.memory_space<hbm>>
    tpu.enqueue_dma source(%dma_start3A_14 : memref<624x32xf32, #tpu.memory_space<hbm>>) target(%dma_start3A_11 : memref<624x32xf32, #tpu.memory_space<vmem_shared>>) target_semaphore(%arg16 : memref<!tpu.dma_semaphore, #tpu.memory_space<semaphore_mem>>)
    %dma_start3A_15 = arith.constant 0 : i32
    %dma_start3A_16 = arith.constant 0 : i32
    %dma_start3A_17 = tpu.memref_slice %arg3[%arg1, %dma_start3A_15, %dma_start3A_16] : memref<16x158x128xi32, #tpu.memory_space<hbm>> -> memref<1x158x128xi32, #tpu.memory_space<hbm>>
    %dma_start3A_18 = tpu.memref_squeeze %dma_start3A_17 : memref<1x158x128xi32, #tpu.memory_space<hbm>> -> memref<158x128xi32, #tpu.memory_space<hbm>>
    %dma_start3A_19 = arith.constant 0 : i32
    %dma_start3A_20 = arith.constant 0 : i32
    %dma_start3A_21 = tpu.memref_slice %arg3[%arg1, %dma_start3A_19, %dma_start3A_20] : memref<16x158x128xi32, #tpu.memory_space<hbm>> -> memref<1x158x128xi32, #tpu.memory_space<hbm>>
    %dma_start3A_22 = tpu.memref_squeeze %dma_start3A_21 : memref<1x158x128xi32, #tpu.memory_space<hbm>> -> memref<158x128xi32, #tpu.memory_space<hbm>>
    tpu.enqueue_dma source(%dma_start3A_22 : memref<158x128xi32, #tpu.memory_space<hbm>>) target(%arg7 : memref<158x128xi32, #tpu.memory_space<vmem>>) target_semaphore(%arg17 : memref<!tpu.dma_semaphore, #tpu.memory_space<semaphore_mem>>)
    %dma_start3A_23 = arith.constant 0 : i32
    %dma_start3A_24 = arith.constant 0 : i32
    %dma_start3A_25 = tpu.memref_slice %arg4[%arg1, %dma_start3A_23, %dma_start3A_24] : memref<16x158x128xi32, #tpu.memory_space<hbm>> -> memref<1x158x128xi32, #tpu.memory_space<hbm>>
    %dma_start3A_26 = tpu.memref_squeeze %dma_start3A_25 : memref<1x158x128xi32, #tpu.memory_space<hbm>> -> memref<158x128xi32, #tpu.memory_space<hbm>>
    %dma_start3A_27 = arith.constant 0 : i32
    %dma_start3A_28 = arith.constant 0 : i32
    %dma_start3A_29 = tpu.memref_slice %arg4[%arg1, %dma_start3A_27, %dma_start3A_28] : memref<16x158x128xi32, #tpu.memory_space<hbm>> -> memref<1x158x128xi32, #tpu.memory_space<hbm>>
    %dma_start3A_30 = tpu.memref_squeeze %dma_start3A_29 : memref<1x158x128xi32, #tpu.memory_space<hbm>> -> memref<158x128xi32, #tpu.memory_space<hbm>>
    tpu.enqueue_dma source(%dma_start3A_30 : memref<158x128xi32, #tpu.memory_space<hbm>>) target(%arg8 : memref<158x128xi32, #tpu.memory_space<vmem>>) target_semaphore(%arg18 : memref<!tpu.dma_semaphore, #tpu.memory_space<semaphore_mem>>)
    %eq3A = arith.constant 0 : i32
    %eq3A_31 = arith.cmpi eq, %arg1, %eq3A : i32
    %convert_element_type3A = arith.extui %eq3A_31 : i1 to i32
    %cond3A = arith.constant 0 : i32
    %cond3A_32 = arith.cmpi ne, %convert_element_type3A, %cond3A : i32
    scf.if %cond3A_32 {
      "tpu.region"() ({
        %run_scoped3A = tpu.sem_alloc : memref<!tpu.dma_semaphore, #tpu.memory_space<semaphore_mem>>
        %dma_start3A_85 = arith.constant 9984 : i32
        %dma_start3A_86 = arith.constant 0 : i32
        %dma_start3A_87 = tpu.memref_slice %arg14[%dma_start3A_85, %dma_start3A_86] : memref<10000x32xf32, #tpu.memory_space<vmem_shared>> -> memref<16x32xf32, #tpu.memory_space<vmem_shared>>
        %dma_start3A_88 = arith.constant 9984 : i32
        %dma_start3A_89 = arith.constant 0 : i32
        %dma_start3A_90 = tpu.memref_slice %arg2[%arg0, %dma_start3A_88, %dma_start3A_89] : memref<2x10000x32xf32, #tpu.memory_space<hbm>> -> memref<1x16x32xf32, #tpu.memory_space<hbm>>
        %dma_start3A_91 = tpu.memref_squeeze %dma_start3A_90 : memref<1x16x32xf32, #tpu.memory_space<hbm>> -> memref<16x32xf32, #tpu.memory_space<hbm>>
        tpu.enqueue_dma source(%dma_start3A_91 : memref<16x32xf32, #tpu.memory_space<hbm>>) target(%dma_start3A_87 : memref<16x32xf32, #tpu.memory_space<vmem_shared>>) target_semaphore(%run_scoped3A : memref<!tpu.dma_semaphore, #tpu.memory_space<semaphore_mem>>)
        %dma_wait3A_92 = arith.constant 9984 : i32
        %dma_wait3A_93 = arith.constant 0 : i32
        %dma_wait3A_94 = tpu.memref_slice %arg14[%dma_wait3A_92, %dma_wait3A_93] : memref<10000x32xf32, #tpu.memory_space<vmem_shared>> -> memref<16x32xf32, #tpu.memory_space<vmem_shared>>
        %dma_wait3A_95 = arith.constant 9984 : i32
        %dma_wait3A_96 = arith.constant 0 : i32
        %dma_wait3A_97 = tpu.memref_slice %arg2[%arg0, %dma_wait3A_95, %dma_wait3A_96] : memref<2x10000x32xf32, #tpu.memory_space<hbm>> -> memref<1x16x32xf32, #tpu.memory_space<hbm>>
        %dma_wait3A_98 = tpu.memref_squeeze %dma_wait3A_97 : memref<1x16x32xf32, #tpu.memory_space<hbm>> -> memref<16x32xf32, #tpu.memory_space<hbm>>
        tpu.wait_dma2 semaphore(%run_scoped3A : memref<!tpu.dma_semaphore, #tpu.memory_space<semaphore_mem>>) src(%dma_wait3A_98 : memref<16x32xf32, #tpu.memory_space<hbm>>) dst(%dma_wait3A_94 : memref<16x32xf32, #tpu.memory_space<vmem_shared>>)
        tpu.yield
      }) : () -> ()
    } else {
    }
    %dma_wait3A = arith.constant 0 : i32
    %dma_wait3A_33 = tpu.memref_slice %arg13[%mul3A_2, %dma_wait3A] : memref<10112x32xf32, #tpu.memory_space<vmem_shared>> -> memref<632x32xf32, #tpu.memory_space<vmem_shared>>
    %dma_wait3A_34 = arith.constant 0 : i32
    %dma_wait3A_35 = tpu.memref_slice %arg5[%mul3A_0, %dma_wait3A_34] : memref<10112x32xf32, #tpu.memory_space<hbm>> -> memref<632x32xf32, #tpu.memory_space<hbm>>
    tpu.wait_dma2 semaphore(%arg15 : memref<!tpu.dma_semaphore, #tpu.memory_space<semaphore_mem>>) src(%dma_wait3A_35 : memref<632x32xf32, #tpu.memory_space<hbm>>) dst(%dma_wait3A_33 : memref<632x32xf32, #tpu.memory_space<vmem_shared>>)
    %dma_wait3A_36 = arith.constant 0 : i32
    %dma_wait3A_37 = tpu.memref_slice %arg14[%mul3A_9, %dma_wait3A_36] : memref<10000x32xf32, #tpu.memory_space<vmem_shared>> -> memref<624x32xf32, #tpu.memory_space<vmem_shared>>
    %dma_wait3A_38 = arith.constant 0 : i32
    %dma_wait3A_39 = tpu.memref_slice %arg2[%arg0, %mul3A_7, %dma_wait3A_38] : memref<2x10000x32xf32, #tpu.memory_space<hbm>> -> memref<1x624x32xf32, #tpu.memory_space<hbm>>
    %dma_wait3A_40 = tpu.memref_squeeze %dma_wait3A_39 : memref<1x624x32xf32, #tpu.memory_space<hbm>> -> memref<624x32xf32, #tpu.memory_space<hbm>>
    tpu.wait_dma2 semaphore(%arg16 : memref<!tpu.dma_semaphore, #tpu.memory_space<semaphore_mem>>) src(%dma_wait3A_40 : memref<624x32xf32, #tpu.memory_space<hbm>>) dst(%dma_wait3A_37 : memref<624x32xf32, #tpu.memory_space<vmem_shared>>)
    %dma_wait3A_41 = arith.constant 0 : i32
    %dma_wait3A_42 = arith.constant 0 : i32
    %dma_wait3A_43 = tpu.memref_slice %arg3[%arg1, %dma_wait3A_41, %dma_wait3A_42] : memref<16x158x128xi32, #tpu.memory_space<hbm>> -> memref<1x158x128xi32, #tpu.memory_space<hbm>>
    %dma_wait3A_44 = tpu.memref_squeeze %dma_wait3A_43 : memref<1x158x128xi32, #tpu.memory_space<hbm>> -> memref<158x128xi32, #tpu.memory_space<hbm>>
    %dma_wait3A_45 = arith.constant 0 : i32
    %dma_wait3A_46 = arith.constant 0 : i32
    %dma_wait3A_47 = tpu.memref_slice %arg3[%arg1, %dma_wait3A_45, %dma_wait3A_46] : memref<16x158x128xi32, #tpu.memory_space<hbm>> -> memref<1x158x128xi32, #tpu.memory_space<hbm>>
    %dma_wait3A_48 = tpu.memref_squeeze %dma_wait3A_47 : memref<1x158x128xi32, #tpu.memory_space<hbm>> -> memref<158x128xi32, #tpu.memory_space<hbm>>
    tpu.wait_dma2 semaphore(%arg17 : memref<!tpu.dma_semaphore, #tpu.memory_space<semaphore_mem>>) src(%dma_wait3A_48 : memref<158x128xi32, #tpu.memory_space<hbm>>) dst(%arg7 : memref<158x128xi32, #tpu.memory_space<vmem>>)
    %dma_wait3A_49 = arith.constant 0 : i32
    %dma_wait3A_50 = arith.constant 0 : i32
    %dma_wait3A_51 = tpu.memref_slice %arg4[%arg1, %dma_wait3A_49, %dma_wait3A_50] : memref<16x158x128xi32, #tpu.memory_space<hbm>> -> memref<1x158x128xi32, #tpu.memory_space<hbm>>
    %dma_wait3A_52 = tpu.memref_squeeze %dma_wait3A_51 : memref<1x158x128xi32, #tpu.memory_space<hbm>> -> memref<158x128xi32, #tpu.memory_space<hbm>>
    %dma_wait3A_53 = arith.constant 0 : i32
    %dma_wait3A_54 = arith.constant 0 : i32
    %dma_wait3A_55 = tpu.memref_slice %arg4[%arg1, %dma_wait3A_53, %dma_wait3A_54] : memref<16x158x128xi32, #tpu.memory_space<hbm>> -> memref<1x158x128xi32, #tpu.memory_space<hbm>>
    %dma_wait3A_56 = tpu.memref_squeeze %dma_wait3A_55 : memref<1x158x128xi32, #tpu.memory_space<hbm>> -> memref<158x128xi32, #tpu.memory_space<hbm>>
    tpu.wait_dma2 semaphore(%arg18 : memref<!tpu.dma_semaphore, #tpu.memory_space<semaphore_mem>>) src(%dma_wait3A_56 : memref<158x128xi32, #tpu.memory_space<hbm>>) dst(%arg8 : memref<158x128xi32, #tpu.memory_space<vmem>>)
    %barrier3A = arith.constant 0 : index
    tpu.barrier barrier_id(%barrier3A)
    %scan3A = arith.constant 0 : i32
    %scan3A_57 = arith.constant 79 : i32
    %scan3A_58 = arith.addi %scan3A, %scan3A_57 : i32
    %scan3A_59 = arith.constant 1 : i32
    scf.for %scan3A_85 = %scan3A to %scan3A_58 step %scan3A_59  : i32 {
      %mul3A_86 = arith.constant 1 : i32
      %mul3A_87 = arith.muli %scan3A_85, %mul3A_86 : i32
      %add3A = arith.constant 0 : i32
      %add3A_88 = arith.addi %add3A, %mul3A_87 : i32
      %mul3A_89 = arith.constant 2 : i32
      %mul3A_90 = arith.muli %add3A_88, %mul3A_89 : i32
      %gt3A = arith.constant 0 : i32
      %gt3A_91 = arith.cmpi sgt, %add3A_88, %gt3A : i32
      %convert_element_type3A_92 = arith.extui %gt3A_91 : i1 to i32
      %cond3A_93 = arith.constant 0 : i32
      %cond3A_94 = arith.cmpi ne, %convert_element_type3A_92, %cond3A_93 : i32
      scf.if %cond3A_94 {
        %sub3A = arith.constant 2 : i32
        %sub3A_148 = arith.subi %mul3A_90, %sub3A : i32
        %add3A_149 = arith.constant 0 : i32
        %add3A_150 = arith.addi %sub3A_148, %add3A_149 : i32
        %dma_wait3A_151 = arith.constant 0 : i32
        %dma_wait3A_152 = tpu.memref_slice %arg8[%add3A_150, %dma_wait3A_151] : memref<158x128xi32, #tpu.memory_space<vmem>> -> memref<1x128xi32, #tpu.memory_space<vmem>>
        %dma_wait3A_153 = tpu.memref_squeeze %dma_wait3A_152 : memref<1x128xi32, #tpu.memory_space<vmem>> -> memref<128xi32, #tpu.memory_space<vmem>>
        %dma_wait3A_154 = arith.constant 0 : i32
        %dma_wait3A_155 = arith.constant 0 : i32
        %dma_wait3A_156 = tpu.memref_slice %arg13[%dma_wait3A_154, %dma_wait3A_155] : memref<10112x32xf32, #tpu.memory_space<vmem_shared>> -> memref<10112x32xf32, #tpu.memory_space<vmem_shared>>
        tpu.wait_indirect_dma semaphore(%arg19 : memref<!tpu.dma_semaphore, #tpu.memory_space<semaphore_mem>>) src(%arg9 : memref<128x32xf32, #tpu.memory_space<vmem>>) dst(%dma_wait3A_156 : memref<10112x32xf32, #tpu.memory_space<vmem_shared>>)
      } else {
      }
      %add3A_95 = arith.constant 0 : i32
      %add3A_96 = arith.addi %mul3A_90, %add3A_95 : i32
      %dma_start3A_97 = arith.constant 0 : i32
      %dma_start3A_98 = tpu.memref_slice %arg7[%add3A_96, %dma_start3A_97] : memref<158x128xi32, #tpu.memory_space<vmem>> -> memref<1x128xi32, #tpu.memory_space<vmem>>
      %dma_start3A_99 = tpu.memref_squeeze %dma_start3A_98 : memref<1x128xi32, #tpu.memory_space<vmem>> -> memref<128xi32, #tpu.memory_space<vmem>>
      %dma_start3A_100 = arith.constant 0 : i32
      %dma_start3A_101 = arith.constant 0 : i32
      %dma_start3A_102 = tpu.memref_slice %arg14[%dma_start3A_100, %dma_start3A_101] : memref<10000x32xf32, #tpu.memory_space<vmem_shared>> -> memref<10000x32xf32, #tpu.memory_space<vmem_shared>>
      tpu.enqueue_indirect_dma source(%dma_start3A_102 : memref<10000x32xf32, #tpu.memory_space<vmem_shared>>) target(%arg9 : memref<128x32xf32, #tpu.memory_space<vmem>>) offsets(%dma_start3A_99 : memref<128xi32, #tpu.memory_space<vmem>>) semaphore(%arg15 : memref<!tpu.dma_semaphore, #tpu.memory_space<semaphore_mem>>)
      %gt3A_103 = arith.constant 0 : i32
      %gt3A_104 = arith.cmpi sgt, %add3A_88, %gt3A_103 : i32
      %convert_element_type3A_105 = arith.extui %gt3A_104 : i1 to i32
      %cond3A_106 = arith.constant 0 : i32
      %cond3A_107 = arith.cmpi ne, %convert_element_type3A_105, %cond3A_106 : i32
      scf.if %cond3A_107 {
        %sub3A = arith.constant 2 : i32
        %sub3A_148 = arith.subi %mul3A_90, %sub3A : i32
        %add3A_149 = arith.constant 1 : i32
        %add3A_150 = arith.addi %sub3A_148, %add3A_149 : i32
        %dma_wait3A_151 = arith.constant 0 : i32
        %dma_wait3A_152 = tpu.memref_slice %arg8[%add3A_150, %dma_wait3A_151] : memref<158x128xi32, #tpu.memory_space<vmem>> -> memref<1x128xi32, #tpu.memory_space<vmem>>
        %dma_wait3A_153 = tpu.memref_squeeze %dma_wait3A_152 : memref<1x128xi32, #tpu.memory_space<vmem>> -> memref<128xi32, #tpu.memory_space<vmem>>
        %dma_wait3A_154 = arith.constant 0 : i32
        %dma_wait3A_155 = arith.constant 0 : i32
        %dma_wait3A_156 = tpu.memref_slice %arg13[%dma_wait3A_154, %dma_wait3A_155] : memref<10112x32xf32, #tpu.memory_space<vmem_shared>> -> memref<10112x32xf32, #tpu.memory_space<vmem_shared>>
        tpu.wait_indirect_dma semaphore(%arg20 : memref<!tpu.dma_semaphore, #tpu.memory_space<semaphore_mem>>) src(%arg10 : memref<128x32xf32, #tpu.memory_space<vmem>>) dst(%dma_wait3A_156 : memref<10112x32xf32, #tpu.memory_space<vmem_shared>>)
      } else {
      }
      %add3A_108 = arith.constant 1 : i32
      %add3A_109 = arith.addi %mul3A_90, %add3A_108 : i32
      %dma_start3A_110 = arith.constant 0 : i32
      %dma_start3A_111 = tpu.memref_slice %arg7[%add3A_109, %dma_start3A_110] : memref<158x128xi32, #tpu.memory_space<vmem>> -> memref<1x128xi32, #tpu.memory_space<vmem>>
      %dma_start3A_112 = tpu.memref_squeeze %dma_start3A_111 : memref<1x128xi32, #tpu.memory_space<vmem>> -> memref<128xi32, #tpu.memory_space<vmem>>
      %dma_start3A_113 = arith.constant 0 : i32
      %dma_start3A_114 = arith.constant 0 : i32
      %dma_start3A_115 = tpu.memref_slice %arg14[%dma_start3A_113, %dma_start3A_114] : memref<10000x32xf32, #tpu.memory_space<vmem_shared>> -> memref<10000x32xf32, #tpu.memory_space<vmem_shared>>
      tpu.enqueue_indirect_dma source(%dma_start3A_115 : memref<10000x32xf32, #tpu.memory_space<vmem_shared>>) target(%arg10 : memref<128x32xf32, #tpu.memory_space<vmem>>) offsets(%dma_start3A_112 : memref<128xi32, #tpu.memory_space<vmem>>) semaphore(%arg16 : memref<!tpu.dma_semaphore, #tpu.memory_space<semaphore_mem>>)
      %add3A_116 = arith.constant 0 : i32
      %add3A_117 = arith.addi %mul3A_90, %add3A_116 : i32
      %dma_wait3A_118 = arith.constant 0 : i32
      %dma_wait3A_119 = tpu.memref_slice %arg7[%add3A_117, %dma_wait3A_118] : memref<158x128xi32, #tpu.memory_space<vmem>> -> memref<1x128xi32, #tpu.memory_space<vmem>>
      %dma_wait3A_120 = tpu.memref_squeeze %dma_wait3A_119 : memref<1x128xi32, #tpu.memory_space<vmem>> -> memref<128xi32, #tpu.memory_space<vmem>>
      %dma_wait3A_121 = arith.constant 0 : i32
      %dma_wait3A_122 = arith.constant 0 : i32
      %dma_wait3A_123 = tpu.memref_slice %arg14[%dma_wait3A_121, %dma_wait3A_122] : memref<10000x32xf32, #tpu.memory_space<vmem_shared>> -> memref<10000x32xf32, #tpu.memory_space<vmem_shared>>
      tpu.wait_indirect_dma semaphore(%arg15 : memref<!tpu.dma_semaphore, #tpu.memory_space<semaphore_mem>>) src(%dma_wait3A_123 : memref<10000x32xf32, #tpu.memory_space<vmem_shared>>) dst(%arg9 : memref<128x32xf32, #tpu.memory_space<vmem>>)
      %add3A_124 = arith.constant 0 : i32
      %add3A_125 = arith.addi %mul3A_90, %add3A_124 : i32
      %dma_start3A_126 = arith.constant 0 : i32
      %dma_start3A_127 = tpu.memref_slice %arg8[%add3A_125, %dma_start3A_126] : memref<158x128xi32, #tpu.memory_space<vmem>> -> memref<1x128xi32, #tpu.memory_space<vmem>>
      %dma_start3A_128 = tpu.memref_squeeze %dma_start3A_127 : memref<1x128xi32, #tpu.memory_space<vmem>> -> memref<128xi32, #tpu.memory_space<vmem>>
      %dma_start3A_129 = arith.constant 0 : i32
      %dma_start3A_130 = arith.constant 0 : i32
      %dma_start3A_131 = tpu.memref_slice %arg13[%dma_start3A_129, %dma_start3A_130] : memref<10112x32xf32, #tpu.memory_space<vmem_shared>> -> memref<10112x32xf32, #tpu.memory_space<vmem_shared>>
      tpu.enqueue_indirect_dma source(%arg9 : memref<128x32xf32, #tpu.memory_space<vmem>>) target(%dma_start3A_131 : memref<10112x32xf32, #tpu.memory_space<vmem_shared>>) offsets(%dma_start3A_128 : memref<128xi32, #tpu.memory_space<vmem>>) semaphore(%arg19 : memref<!tpu.dma_semaphore, #tpu.memory_space<semaphore_mem>>) {add = true}
      %add3A_132 = arith.constant 1 : i32
      %add3A_133 = arith.addi %mul3A_90, %add3A_132 : i32
      %dma_wait3A_134 = arith.constant 0 : i32
      %dma_wait3A_135 = tpu.memref_slice %arg7[%add3A_133, %dma_wait3A_134] : memref<158x128xi32, #tpu.memory_space<vmem>> -> memref<1x128xi32, #tpu.memory_space<vmem>>
      %dma_wait3A_136 = tpu.memref_squeeze %dma_wait3A_135 : memref<1x128xi32, #tpu.memory_space<vmem>> -> memref<128xi32, #tpu.memory_space<vmem>>
      %dma_wait3A_137 = arith.constant 0 : i32
      %dma_wait3A_138 = arith.constant 0 : i32
      %dma_wait3A_139 = tpu.memref_slice %arg14[%dma_wait3A_137, %dma_wait3A_138] : memref<10000x32xf32, #tpu.memory_space<vmem_shared>> -> memref<10000x32xf32, #tpu.memory_space<vmem_shared>>
      tpu.wait_indirect_dma semaphore(%arg16 : memref<!tpu.dma_semaphore, #tpu.memory_space<semaphore_mem>>) src(%dma_wait3A_139 : memref<10000x32xf32, #tpu.memory_space<vmem_shared>>) dst(%arg10 : memref<128x32xf32, #tpu.memory_space<vmem>>)
      %add3A_140 = arith.constant 1 : i32
      %add3A_141 = arith.addi %mul3A_90, %add3A_140 : i32
      %dma_start3A_142 = arith.constant 0 : i32
      %dma_start3A_143 = tpu.memref_slice %arg8[%add3A_141, %dma_start3A_142] : memref<158x128xi32, #tpu.memory_space<vmem>> -> memref<1x128xi32, #tpu.memory_space<vmem>>
      %dma_start3A_144 = tpu.memref_squeeze %dma_start3A_143 : memref<1x128xi32, #tpu.memory_space<vmem>> -> memref<128xi32, #tpu.memory_space<vmem>>
      %dma_start3A_145 = arith.constant 0 : i32
      %dma_start3A_146 = arith.constant 0 : i32
      %dma_start3A_147 = tpu.memref_slice %arg13[%dma_start3A_145, %dma_start3A_146] : memref<10112x32xf32, #tpu.memory_space<vmem_shared>> -> memref<10112x32xf32, #tpu.memory_space<vmem_shared>>
      tpu.enqueue_indirect_dma source(%arg10 : memref<128x32xf32, #tpu.memory_space<vmem>>) target(%dma_start3A_147 : memref<10112x32xf32, #tpu.memory_space<vmem_shared>>) offsets(%dma_start3A_144 : memref<128xi32, #tpu.memory_space<vmem>>) semaphore(%arg20 : memref<!tpu.dma_semaphore, #tpu.memory_space<semaphore_mem>>) {add = true}
    }
    %scan3A_60 = arith.constant 79 : i32
    %dma_wait3A_61 = arith.constant 156 : i32
    %dma_wait3A_62 = arith.constant 0 : i32
    %dma_wait3A_63 = tpu.memref_slice %arg8[%dma_wait3A_61, %dma_wait3A_62] : memref<158x128xi32, #tpu.memory_space<vmem>> -> memref<1x128xi32, #tpu.memory_space<vmem>>
    %dma_wait3A_64 = tpu.memref_squeeze %dma_wait3A_63 : memref<1x128xi32, #tpu.memory_space<vmem>> -> memref<128xi32, #tpu.memory_space<vmem>>
    %dma_wait3A_65 = arith.constant 0 : i32
    %dma_wait3A_66 = arith.constant 0 : i32
    %dma_wait3A_67 = tpu.memref_slice %arg13[%dma_wait3A_65, %dma_wait3A_66] : memref<10112x32xf32, #tpu.memory_space<vmem_shared>> -> memref<10112x32xf32, #tpu.memory_space<vmem_shared>>
    tpu.wait_indirect_dma semaphore(%arg19 : memref<!tpu.dma_semaphore, #tpu.memory_space<semaphore_mem>>) src(%arg9 : memref<128x32xf32, #tpu.memory_space<vmem>>) dst(%dma_wait3A_67 : memref<10112x32xf32, #tpu.memory_space<vmem_shared>>)
    %dma_wait3A_68 = arith.constant 157 : i32
    %dma_wait3A_69 = arith.constant 0 : i32
    %dma_wait3A_70 = tpu.memref_slice %arg8[%dma_wait3A_68, %dma_wait3A_69] : memref<158x128xi32, #tpu.memory_space<vmem>> -> memref<1x128xi32, #tpu.memory_space<vmem>>
    %dma_wait3A_71 = tpu.memref_squeeze %dma_wait3A_70 : memref<1x128xi32, #tpu.memory_space<vmem>> -> memref<128xi32, #tpu.memory_space<vmem>>
    %dma_wait3A_72 = arith.constant 0 : i32
    %dma_wait3A_73 = arith.constant 0 : i32
    %dma_wait3A_74 = tpu.memref_slice %arg13[%dma_wait3A_72, %dma_wait3A_73] : memref<10112x32xf32, #tpu.memory_space<vmem_shared>> -> memref<10112x32xf32, #tpu.memory_space<vmem_shared>>
    tpu.wait_indirect_dma semaphore(%arg20 : memref<!tpu.dma_semaphore, #tpu.memory_space<semaphore_mem>>) src(%arg10 : memref<128x32xf32, #tpu.memory_space<vmem>>) dst(%dma_wait3A_74 : memref<10112x32xf32, #tpu.memory_space<vmem_shared>>)
    %barrier3A_75 = arith.constant 0 : index
    tpu.barrier barrier_id(%barrier3A_75)
    %mul3A_76 = arith.constant 624 : i32
    %mul3A_77 = arith.muli %arg1, %mul3A_76 : i32
    %mul3A_78 = arith.constant 624 : i32
    %mul3A_79 = arith.muli %arg1, %mul3A_78 : i32
    "tpu.region"() ({
      %run_scoped3A = tpu.sem_alloc : memref<!tpu.dma_semaphore, #tpu.memory_space<semaphore_mem>>
      %dma_start3A_85 = arith.constant 0 : i32
      %dma_start3A_86 = tpu.memref_slice %arg6[%arg0, %mul3A_79, %dma_start3A_85] : memref<2x10000x32xf32, #tpu.memory_space<hbm>> -> memref<1x624x32xf32, #tpu.memory_space<hbm>>
      %dma_start3A_87 = tpu.memref_squeeze %dma_start3A_86 : memref<1x624x32xf32, #tpu.memory_space<hbm>> -> memref<624x32xf32, #tpu.memory_space<hbm>>
      %dma_start3A_88 = arith.constant 0 : i32
      %dma_start3A_89 = tpu.memref_slice %arg13[%mul3A_77, %dma_start3A_88] : memref<10112x32xf32, #tpu.memory_space<vmem_shared>> -> memref<624x32xf32, #tpu.memory_space<vmem_shared>>
      tpu.enqueue_dma source(%dma_start3A_89 : memref<624x32xf32, #tpu.memory_space<vmem_shared>>) target(%dma_start3A_87 : memref<624x32xf32, #tpu.memory_space<hbm>>) target_semaphore(%run_scoped3A : memref<!tpu.dma_semaphore, #tpu.memory_space<semaphore_mem>>)
      %dma_wait3A_90 = arith.constant 0 : i32
      %dma_wait3A_91 = tpu.memref_slice %arg6[%arg0, %mul3A_79, %dma_wait3A_90] : memref<2x10000x32xf32, #tpu.memory_space<hbm>> -> memref<1x624x32xf32, #tpu.memory_space<hbm>>
      %dma_wait3A_92 = tpu.memref_squeeze %dma_wait3A_91 : memref<1x624x32xf32, #tpu.memory_space<hbm>> -> memref<624x32xf32, #tpu.memory_space<hbm>>
      %dma_wait3A_93 = arith.constant 0 : i32
      %dma_wait3A_94 = tpu.memref_slice %arg13[%mul3A_77, %dma_wait3A_93] : memref<10112x32xf32, #tpu.memory_space<vmem_shared>> -> memref<624x32xf32, #tpu.memory_space<vmem_shared>>
      tpu.wait_dma2 semaphore(%run_scoped3A : memref<!tpu.dma_semaphore, #tpu.memory_space<semaphore_mem>>) src(%dma_wait3A_94 : memref<624x32xf32, #tpu.memory_space<vmem_shared>>) dst(%dma_wait3A_92 : memref<624x32xf32, #tpu.memory_space<hbm>>)
      tpu.yield
    }) : () -> ()
    %eq3A_80 = arith.constant 0 : i32
    %eq3A_81 = arith.cmpi eq, %arg1, %eq3A_80 : i32
    %convert_element_type3A_82 = arith.extui %eq3A_81 : i1 to i32
    %cond3A_83 = arith.constant 0 : i32
    %cond3A_84 = arith.cmpi ne, %convert_element_type3A_82, %cond3A_83 : i32
    scf.if %cond3A_84 {
      "tpu.region"() ({
        %run_scoped3A = tpu.sem_alloc : memref<!tpu.dma_semaphore, #tpu.memory_space<semaphore_mem>>
        %dma_start3A_85 = arith.constant 9984 : i32
        %dma_start3A_86 = arith.constant 0 : i32
        %dma_start3A_87 = tpu.memref_slice %arg6[%arg0, %dma_start3A_85, %dma_start3A_86] : memref<2x10000x32xf32, #tpu.memory_space<hbm>> -> memref<1x16x32xf32, #tpu.memory_space<hbm>>
        %dma_start3A_88 = tpu.memref_squeeze %dma_start3A_87 : memref<1x16x32xf32, #tpu.memory_space<hbm>> -> memref<16x32xf32, #tpu.memory_space<hbm>>
        %dma_start3A_89 = arith.constant 9984 : i32
        %dma_start3A_90 = arith.constant 0 : i32
        %dma_start3A_91 = tpu.memref_slice %arg13[%dma_start3A_89, %dma_start3A_90] : memref<10112x32xf32, #tpu.memory_space<vmem_shared>> -> memref<16x32xf32, #tpu.memory_space<vmem_shared>>
        tpu.enqueue_dma source(%dma_start3A_91 : memref<16x32xf32, #tpu.memory_space<vmem_shared>>) target(%dma_start3A_88 : memref<16x32xf32, #tpu.memory_space<hbm>>) target_semaphore(%run_scoped3A : memref<!tpu.dma_semaphore, #tpu.memory_space<semaphore_mem>>)
        %dma_wait3A_92 = arith.constant 9984 : i32
        %dma_wait3A_93 = arith.constant 0 : i32
        %dma_wait3A_94 = tpu.memref_slice %arg6[%arg0, %dma_wait3A_92, %dma_wait3A_93] : memref<2x10000x32xf32, #tpu.memory_space<hbm>> -> memref<1x16x32xf32, #tpu.memory_space<hbm>>
        %dma_wait3A_95 = tpu.memref_squeeze %dma_wait3A_94 : memref<1x16x32xf32, #tpu.memory_space<hbm>> -> memref<16x32xf32, #tpu.memory_space<hbm>>
        %dma_wait3A_96 = arith.constant 9984 : i32
        %dma_wait3A_97 = arith.constant 0 : i32
        %dma_wait3A_98 = tpu.memref_slice %arg13[%dma_wait3A_96, %dma_wait3A_97] : memref<10112x32xf32, #tpu.memory_space<vmem_shared>> -> memref<16x32xf32, #tpu.memory_space<vmem_shared>>
        tpu.wait_dma2 semaphore(%run_scoped3A : memref<!tpu.dma_semaphore, #tpu.memory_space<semaphore_mem>>) src(%dma_wait3A_98 : memref<16x32xf32, #tpu.memory_space<vmem_shared>>) dst(%dma_wait3A_95 : memref<16x32xf32, #tpu.memory_space<hbm>>)
        tpu.yield
      }) : () -> ()
    } else {
    }
    return
  }
}

#map = affine_map<(d0, d1) -> (0, 0, 0, 0)>
#map1 = affine_map<(d0, d1) -> (0, 0)>
#map2 = affine_map<(d0, d1) -> (0, 0, 0)>
module attributes {stable_mosaic.version = 14 : i64} {
  func.func @_sc_deg_body(%arg0: i32, %arg1: i32, %arg2: memref<2x16x80x128xi32, #tpu.memory_space<hbm>>, %arg3: memref<128x16xf32, #tpu.memory_space<hbm>>, %arg4: memref<10112x16xf32, #tpu.memory_space<hbm>>, %arg5: memref<2x10000x16xf32, #tpu.memory_space<hbm>>, %arg6: memref<80x128xi32, #tpu.memory_space<vmem>>, %arg7: memref<128x16xf32, #tpu.memory_space<vmem>>, %arg8: memref<10112x16xf32, #tpu.memory_space<vmem_shared>>, %arg9: memref<!tpu.dma_semaphore, #tpu.memory_space<semaphore_mem>>) attributes {dimension_semantics = [#tpu.dimension_semantics<core_parallel>, #tpu.dimension_semantics<subcore_parallel>], iteration_bounds = array<i64: 2, 16>, scalar_prefetch = 0 : i64, scratch_operands = 4 : i64, tpu.core_type = #tpu.core_type<sc_vector_subcore>, window_params = [{transform_indices = #map}, {transform_indices = #map1}, {transform_indices = #map1}, {transform_indices = #map2}]} {
    %mul3A = arith.constant 632 : i32
    %mul3A_0 = arith.muli %arg1, %mul3A : i32
    %mul3A_1 = arith.constant 632 : i32
    %mul3A_2 = arith.muli %arg1, %mul3A_1 : i32
    "tpu.region"() ({
      %run_scoped3A = tpu.sem_alloc : memref<!tpu.dma_semaphore, #tpu.memory_space<semaphore_mem>>
      %dma_start3A = arith.constant 0 : i32
      %dma_start3A_14 = tpu.memref_slice %arg8[%mul3A_2, %dma_start3A] : memref<10112x16xf32, #tpu.memory_space<vmem_shared>> -> memref<632x16xf32, #tpu.memory_space<vmem_shared>>
      %dma_start3A_15 = arith.constant 0 : i32
      %dma_start3A_16 = tpu.memref_slice %arg4[%mul3A_0, %dma_start3A_15] : memref<10112x16xf32, #tpu.memory_space<hbm>> -> memref<632x16xf32, #tpu.memory_space<hbm>>
      tpu.enqueue_dma source(%dma_start3A_16 : memref<632x16xf32, #tpu.memory_space<hbm>>) target(%dma_start3A_14 : memref<632x16xf32, #tpu.memory_space<vmem_shared>>) target_semaphore(%run_scoped3A : memref<!tpu.dma_semaphore, #tpu.memory_space<semaphore_mem>>)
      %dma_wait3A = arith.constant 0 : i32
      %dma_wait3A_17 = tpu.memref_slice %arg8[%mul3A_2, %dma_wait3A] : memref<10112x16xf32, #tpu.memory_space<vmem_shared>> -> memref<632x16xf32, #tpu.memory_space<vmem_shared>>
      %dma_wait3A_18 = arith.constant 0 : i32
      %dma_wait3A_19 = tpu.memref_slice %arg4[%mul3A_0, %dma_wait3A_18] : memref<10112x16xf32, #tpu.memory_space<hbm>> -> memref<632x16xf32, #tpu.memory_space<hbm>>
      tpu.wait_dma2 semaphore(%run_scoped3A : memref<!tpu.dma_semaphore, #tpu.memory_space<semaphore_mem>>) src(%dma_wait3A_19 : memref<632x16xf32, #tpu.memory_space<hbm>>) dst(%dma_wait3A_17 : memref<632x16xf32, #tpu.memory_space<vmem_shared>>)
      tpu.yield
    }) : () -> ()
    "tpu.region"() ({
      %run_scoped3A = tpu.sem_alloc : memref<!tpu.dma_semaphore, #tpu.memory_space<semaphore_mem>>
      %dma_start3A = arith.constant 0 : i32
      %dma_start3A_14 = arith.constant 0 : i32
      %dma_start3A_15 = tpu.memref_slice %arg2[%arg0, %arg1, %dma_start3A, %dma_start3A_14] : memref<2x16x80x128xi32, #tpu.memory_space<hbm>> -> memref<1x1x80x128xi32, #tpu.memory_space<hbm>>
      %dma_start3A_16 = tpu.memref_squeeze %dma_start3A_15 : memref<1x1x80x128xi32, #tpu.memory_space<hbm>> -> memref<80x128xi32, #tpu.memory_space<hbm>>
      %dma_start3A_17 = arith.constant 0 : i32
      %dma_start3A_18 = arith.constant 0 : i32
      %dma_start3A_19 = tpu.memref_slice %arg2[%arg0, %arg1, %dma_start3A_17, %dma_start3A_18] : memref<2x16x80x128xi32, #tpu.memory_space<hbm>> -> memref<1x1x80x128xi32, #tpu.memory_space<hbm>>
      %dma_start3A_20 = tpu.memref_squeeze %dma_start3A_19 : memref<1x1x80x128xi32, #tpu.memory_space<hbm>> -> memref<80x128xi32, #tpu.memory_space<hbm>>
      tpu.enqueue_dma source(%dma_start3A_20 : memref<80x128xi32, #tpu.memory_space<hbm>>) target(%arg6 : memref<80x128xi32, #tpu.memory_space<vmem>>) target_semaphore(%run_scoped3A : memref<!tpu.dma_semaphore, #tpu.memory_space<semaphore_mem>>)
      %dma_wait3A = arith.constant 0 : i32
      %dma_wait3A_21 = arith.constant 0 : i32
      %dma_wait3A_22 = tpu.memref_slice %arg2[%arg0, %arg1, %dma_wait3A, %dma_wait3A_21] : memref<2x16x80x128xi32, #tpu.memory_space<hbm>> -> memref<1x1x80x128xi32, #tpu.memory_space<hbm>>
      %dma_wait3A_23 = tpu.memref_squeeze %dma_wait3A_22 : memref<1x1x80x128xi32, #tpu.memory_space<hbm>> -> memref<80x128xi32, #tpu.memory_space<hbm>>
      %dma_wait3A_24 = arith.constant 0 : i32
      %dma_wait3A_25 = arith.constant 0 : i32
      %dma_wait3A_26 = tpu.memref_slice %arg2[%arg0, %arg1, %dma_wait3A_24, %dma_wait3A_25] : memref<2x16x80x128xi32, #tpu.memory_space<hbm>> -> memref<1x1x80x128xi32, #tpu.memory_space<hbm>>
      %dma_wait3A_27 = tpu.memref_squeeze %dma_wait3A_26 : memref<1x1x80x128xi32, #tpu.memory_space<hbm>> -> memref<80x128xi32, #tpu.memory_space<hbm>>
      tpu.wait_dma2 semaphore(%run_scoped3A : memref<!tpu.dma_semaphore, #tpu.memory_space<semaphore_mem>>) src(%dma_wait3A_27 : memref<80x128xi32, #tpu.memory_space<hbm>>) dst(%arg6 : memref<80x128xi32, #tpu.memory_space<vmem>>)
      tpu.yield
    }) : () -> ()
    "tpu.region"() ({
      %run_scoped3A = tpu.sem_alloc : memref<!tpu.dma_semaphore, #tpu.memory_space<semaphore_mem>>
      tpu.enqueue_dma source(%arg3 : memref<128x16xf32, #tpu.memory_space<hbm>>) target(%arg7 : memref<128x16xf32, #tpu.memory_space<vmem>>) target_semaphore(%run_scoped3A : memref<!tpu.dma_semaphore, #tpu.memory_space<semaphore_mem>>)
      tpu.wait_dma2 semaphore(%run_scoped3A : memref<!tpu.dma_semaphore, #tpu.memory_space<semaphore_mem>>) src(%arg3 : memref<128x16xf32, #tpu.memory_space<hbm>>) dst(%arg7 : memref<128x16xf32, #tpu.memory_space<vmem>>)
      tpu.yield
    }) : () -> ()
    %barrier3A = arith.constant 0 : index
    tpu.barrier barrier_id(%barrier3A)
    %scan3A = arith.constant 0 : i32
    %scan3A_3 = arith.constant 80 : i32
    %scan3A_4 = arith.addi %scan3A, %scan3A_3 : i32
    %scan3A_5 = arith.constant 1 : i32
    scf.for %scan3A_14 = %scan3A to %scan3A_4 step %scan3A_5  : i32 {
      %mul3A_15 = arith.constant 1 : i32
      %mul3A_16 = arith.muli %scan3A_14, %mul3A_15 : i32
      %add3A = arith.constant 0 : i32
      %add3A_17 = arith.addi %add3A, %mul3A_16 : i32
      "tpu.region"() ({
        %run_scoped3A = tpu.sem_alloc : memref<!tpu.dma_semaphore, #tpu.memory_space<semaphore_mem>>
        %dma_start3A = arith.constant 0 : i32
        %dma_start3A_18 = tpu.memref_slice %arg6[%add3A_17, %dma_start3A] : memref<80x128xi32, #tpu.memory_space<vmem>> -> memref<1x128xi32, #tpu.memory_space<vmem>>
        %dma_start3A_19 = tpu.memref_squeeze %dma_start3A_18 : memref<1x128xi32, #tpu.memory_space<vmem>> -> memref<128xi32, #tpu.memory_space<vmem>>
        %dma_start3A_20 = arith.constant 0 : i32
        %dma_start3A_21 = arith.constant 0 : i32
        %dma_start3A_22 = tpu.memref_slice %arg8[%dma_start3A_20, %dma_start3A_21] : memref<10112x16xf32, #tpu.memory_space<vmem_shared>> -> memref<10112x16xf32, #tpu.memory_space<vmem_shared>>
        tpu.enqueue_indirect_dma source(%arg7 : memref<128x16xf32, #tpu.memory_space<vmem>>) target(%dma_start3A_22 : memref<10112x16xf32, #tpu.memory_space<vmem_shared>>) offsets(%dma_start3A_19 : memref<128xi32, #tpu.memory_space<vmem>>) semaphore(%run_scoped3A : memref<!tpu.dma_semaphore, #tpu.memory_space<semaphore_mem>>) {add = true}
        %dma_wait3A = arith.constant 0 : i32
        %dma_wait3A_23 = tpu.memref_slice %arg6[%add3A_17, %dma_wait3A] : memref<80x128xi32, #tpu.memory_space<vmem>> -> memref<1x128xi32, #tpu.memory_space<vmem>>
        %dma_wait3A_24 = tpu.memref_squeeze %dma_wait3A_23 : memref<1x128xi32, #tpu.memory_space<vmem>> -> memref<128xi32, #tpu.memory_space<vmem>>
        %dma_wait3A_25 = arith.constant 0 : i32
        %dma_wait3A_26 = arith.constant 0 : i32
        %dma_wait3A_27 = tpu.memref_slice %arg8[%dma_wait3A_25, %dma_wait3A_26] : memref<10112x16xf32, #tpu.memory_space<vmem_shared>> -> memref<10112x16xf32, #tpu.memory_space<vmem_shared>>
        tpu.wait_indirect_dma semaphore(%run_scoped3A : memref<!tpu.dma_semaphore, #tpu.memory_space<semaphore_mem>>) src(%arg7 : memref<128x16xf32, #tpu.memory_space<vmem>>) dst(%dma_wait3A_27 : memref<10112x16xf32, #tpu.memory_space<vmem_shared>>)
        tpu.yield
      }) : () -> ()
    }
    %scan3A_6 = arith.constant 80 : i32
    %barrier3A_7 = arith.constant 0 : index
    tpu.barrier barrier_id(%barrier3A_7)
    %mul3A_8 = arith.constant 624 : i32
    %mul3A_9 = arith.muli %arg1, %mul3A_8 : i32
    %mul3A_10 = arith.constant 624 : i32
    %mul3A_11 = arith.muli %arg1, %mul3A_10 : i32
    "tpu.region"() ({
      %run_scoped3A = tpu.sem_alloc : memref<!tpu.dma_semaphore, #tpu.memory_space<semaphore_mem>>
      %dma_start3A = arith.constant 0 : i32
      %dma_start3A_14 = tpu.memref_slice %arg5[%arg0, %mul3A_11, %dma_start3A] : memref<2x10000x16xf32, #tpu.memory_space<hbm>> -> memref<1x624x16xf32, #tpu.memory_space<hbm>>
      %dma_start3A_15 = tpu.memref_squeeze %dma_start3A_14 : memref<1x624x16xf32, #tpu.memory_space<hbm>> -> memref<624x16xf32, #tpu.memory_space<hbm>>
      %dma_start3A_16 = arith.constant 0 : i32
      %dma_start3A_17 = tpu.memref_slice %arg8[%mul3A_9, %dma_start3A_16] : memref<10112x16xf32, #tpu.memory_space<vmem_shared>> -> memref<624x16xf32, #tpu.memory_space<vmem_shared>>
      tpu.enqueue_dma source(%dma_start3A_17 : memref<624x16xf32, #tpu.memory_space<vmem_shared>>) target(%dma_start3A_15 : memref<624x16xf32, #tpu.memory_space<hbm>>) target_semaphore(%run_scoped3A : memref<!tpu.dma_semaphore, #tpu.memory_space<semaphore_mem>>)
      %dma_wait3A = arith.constant 0 : i32
      %dma_wait3A_18 = tpu.memref_slice %arg5[%arg0, %mul3A_11, %dma_wait3A] : memref<2x10000x16xf32, #tpu.memory_space<hbm>> -> memref<1x624x16xf32, #tpu.memory_space<hbm>>
      %dma_wait3A_19 = tpu.memref_squeeze %dma_wait3A_18 : memref<1x624x16xf32, #tpu.memory_space<hbm>> -> memref<624x16xf32, #tpu.memory_space<hbm>>
      %dma_wait3A_20 = arith.constant 0 : i32
      %dma_wait3A_21 = tpu.memref_slice %arg8[%mul3A_9, %dma_wait3A_20] : memref<10112x16xf32, #tpu.memory_space<vmem_shared>> -> memref<624x16xf32, #tpu.memory_space<vmem_shared>>
      tpu.wait_dma2 semaphore(%run_scoped3A : memref<!tpu.dma_semaphore, #tpu.memory_space<semaphore_mem>>) src(%dma_wait3A_21 : memref<624x16xf32, #tpu.memory_space<vmem_shared>>) dst(%dma_wait3A_19 : memref<624x16xf32, #tpu.memory_space<hbm>>)
      tpu.yield
    }) : () -> ()
    %eq3A = arith.constant 0 : i32
    %eq3A_12 = arith.cmpi eq, %arg1, %eq3A : i32
    %convert_element_type3A = arith.extui %eq3A_12 : i1 to i32
    %cond3A = arith.constant 0 : i32
    %cond3A_13 = arith.cmpi ne, %convert_element_type3A, %cond3A : i32
    scf.if %cond3A_13 {
      "tpu.region"() ({
        %run_scoped3A = tpu.sem_alloc : memref<!tpu.dma_semaphore, #tpu.memory_space<semaphore_mem>>
        %dma_start3A = arith.constant 9984 : i32
        %dma_start3A_14 = arith.constant 0 : i32
        %dma_start3A_15 = tpu.memref_slice %arg5[%arg0, %dma_start3A, %dma_start3A_14] : memref<2x10000x16xf32, #tpu.memory_space<hbm>> -> memref<1x16x16xf32, #tpu.memory_space<hbm>>
        %dma_start3A_16 = tpu.memref_squeeze %dma_start3A_15 : memref<1x16x16xf32, #tpu.memory_space<hbm>> -> memref<16x16xf32, #tpu.memory_space<hbm>>
        %dma_start3A_17 = arith.constant 9984 : i32
        %dma_start3A_18 = arith.constant 0 : i32
        %dma_start3A_19 = tpu.memref_slice %arg8[%dma_start3A_17, %dma_start3A_18] : memref<10112x16xf32, #tpu.memory_space<vmem_shared>> -> memref<16x16xf32, #tpu.memory_space<vmem_shared>>
        tpu.enqueue_dma source(%dma_start3A_19 : memref<16x16xf32, #tpu.memory_space<vmem_shared>>) target(%dma_start3A_16 : memref<16x16xf32, #tpu.memory_space<hbm>>) target_semaphore(%run_scoped3A : memref<!tpu.dma_semaphore, #tpu.memory_space<semaphore_mem>>)
        %dma_wait3A = arith.constant 9984 : i32
        %dma_wait3A_20 = arith.constant 0 : i32
        %dma_wait3A_21 = tpu.memref_slice %arg5[%arg0, %dma_wait3A, %dma_wait3A_20] : memref<2x10000x16xf32, #tpu.memory_space<hbm>> -> memref<1x16x16xf32, #tpu.memory_space<hbm>>
        %dma_wait3A_22 = tpu.memref_squeeze %dma_wait3A_21 : memref<1x16x16xf32, #tpu.memory_space<hbm>> -> memref<16x16xf32, #tpu.memory_space<hbm>>
        %dma_wait3A_23 = arith.constant 9984 : i32
        %dma_wait3A_24 = arith.constant 0 : i32
        %dma_wait3A_25 = tpu.memref_slice %arg8[%dma_wait3A_23, %dma_wait3A_24] : memref<10112x16xf32, #tpu.memory_space<vmem_shared>> -> memref<16x16xf32, #tpu.memory_space<vmem_shared>>
        tpu.wait_dma2 semaphore(%run_scoped3A : memref<!tpu.dma_semaphore, #tpu.memory_space<semaphore_mem>>) src(%dma_wait3A_25 : memref<16x16xf32, #tpu.memory_space<vmem_shared>>) dst(%dma_wait3A_22 : memref<16x16xf32, #tpu.memory_space<hbm>>)
        tpu.yield
      }) : () -> ()
    } else {
    }
    return
  }
}

#map = affine_map<(d0, d1) -> (0, 0, 0)>
#map1 = affine_map<(d0, d1) -> (0, 0)>
module attributes {stable_mosaic.version = 14 : i64} {
  func.func @_sc_prop_body(%arg0: i32, %arg1: i32, %arg2: memref<2x10000x32xf32, #tpu.memory_space<hbm>>, %arg3: memref<16x158x128xi32, #tpu.memory_space<hbm>>, %arg4: memref<16x158x128xi32, #tpu.memory_space<hbm>>, %arg5: memref<10112x32xf32, #tpu.memory_space<hbm>>, %arg6: memref<2x10000x32xf32, #tpu.memory_space<hbm>>, %arg7: memref<158x128xi32, #tpu.memory_space<vmem>>, %arg8: memref<158x128xi32, #tpu.memory_space<vmem>>, %arg9: memref<128x32xf32, #tpu.memory_space<vmem>>, %arg10: memref<128x32xf32, #tpu.memory_space<vmem>>, %arg11: memref<128x32xf32, #tpu.memory_space<vmem>>, %arg12: memref<128x32xf32, #tpu.memory_space<vmem>>, %arg13: memref<10112x32xf32, #tpu.memory_space<vmem_shared>>, %arg14: memref<10000x32xf32, #tpu.memory_space<vmem_shared>>, %arg15: memref<!tpu.dma_semaphore, #tpu.memory_space<semaphore_mem>>, %arg16: memref<!tpu.dma_semaphore, #tpu.memory_space<semaphore_mem>>, %arg17: memref<!tpu.dma_semaphore, #tpu.memory_space<semaphore_mem>>, %arg18: memref<!tpu.dma_semaphore, #tpu.memory_space<semaphore_mem>>, %arg19: memref<!tpu.dma_semaphore, #tpu.memory_space<semaphore_mem>>, %arg20: memref<!tpu.dma_semaphore, #tpu.memory_space<semaphore_mem>>, %arg21: memref<!tpu.dma_semaphore, #tpu.memory_space<semaphore_mem>>, %arg22: memref<!tpu.dma_semaphore, #tpu.memory_space<semaphore_mem>>) attributes {dimension_semantics = [#tpu.dimension_semantics<core_parallel>, #tpu.dimension_semantics<subcore_parallel>], iteration_bounds = array<i64: 2, 16>, scalar_prefetch = 0 : i64, scratch_operands = 16 : i64, tpu.core_type = #tpu.core_type<sc_vector_subcore>, window_params = [{transform_indices = #map}, {transform_indices = #map}, {transform_indices = #map}, {transform_indices = #map1}, {transform_indices = #map}]} {
    %mul3A = arith.constant 632 : i32
    %mul3A_0 = arith.muli %arg1, %mul3A : i32
    %mul3A_1 = arith.constant 632 : i32
    %mul3A_2 = arith.muli %arg1, %mul3A_1 : i32
    %dma_start3A = arith.constant 0 : i32
    %dma_start3A_3 = tpu.memref_slice %arg13[%mul3A_2, %dma_start3A] : memref<10112x32xf32, #tpu.memory_space<vmem_shared>> -> memref<632x32xf32, #tpu.memory_space<vmem_shared>>
    %dma_start3A_4 = arith.constant 0 : i32
    %dma_start3A_5 = tpu.memref_slice %arg5[%mul3A_0, %dma_start3A_4] : memref<10112x32xf32, #tpu.memory_space<hbm>> -> memref<632x32xf32, #tpu.memory_space<hbm>>
    tpu.enqueue_dma source(%dma_start3A_5 : memref<632x32xf32, #tpu.memory_space<hbm>>) target(%dma_start3A_3 : memref<632x32xf32, #tpu.memory_space<vmem_shared>>) target_semaphore(%arg15 : memref<!tpu.dma_semaphore, #tpu.memory_space<semaphore_mem>>)
    %mul3A_6 = arith.constant 624 : i32
    %mul3A_7 = arith.muli %arg1, %mul3A_6 : i32
    %mul3A_8 = arith.constant 624 : i32
    %mul3A_9 = arith.muli %arg1, %mul3A_8 : i32
    %dma_start3A_10 = arith.constant 0 : i32
    %dma_start3A_11 = tpu.memref_slice %arg14[%mul3A_9, %dma_start3A_10] : memref<10000x32xf32, #tpu.memory_space<vmem_shared>> -> memref<624x32xf32, #tpu.memory_space<vmem_shared>>
    %dma_start3A_12 = arith.constant 0 : i32
    %dma_start3A_13 = tpu.memref_slice %arg2[%arg0, %mul3A_7, %dma_start3A_12] : memref<2x10000x32xf32, #tpu.memory_space<hbm>> -> memref<1x624x32xf32, #tpu.memory_space<hbm>>
    %dma_start3A_14 = tpu.memref_squeeze %dma_start3A_13 : memref<1x624x32xf32, #tpu.memory_space<hbm>> -> memref<624x32xf32, #tpu.memory_space<hbm>>
    tpu.enqueue_dma source(%dma_start3A_14 : memref<624x32xf32, #tpu.memory_space<hbm>>) target(%dma_start3A_11 : memref<624x32xf32, #tpu.memory_space<vmem_shared>>) target_semaphore(%arg16 : memref<!tpu.dma_semaphore, #tpu.memory_space<semaphore_mem>>)
    %dma_start3A_15 = arith.constant 0 : i32
    %dma_start3A_16 = arith.constant 0 : i32
    %dma_start3A_17 = tpu.memref_slice %arg3[%arg1, %dma_start3A_15, %dma_start3A_16] : memref<16x158x128xi32, #tpu.memory_space<hbm>> -> memref<1x158x128xi32, #tpu.memory_space<hbm>>
    %dma_start3A_18 = tpu.memref_squeeze %dma_start3A_17 : memref<1x158x128xi32, #tpu.memory_space<hbm>> -> memref<158x128xi32, #tpu.memory_space<hbm>>
    %dma_start3A_19 = arith.constant 0 : i32
    %dma_start3A_20 = arith.constant 0 : i32
    %dma_start3A_21 = tpu.memref_slice %arg3[%arg1, %dma_start3A_19, %dma_start3A_20] : memref<16x158x128xi32, #tpu.memory_space<hbm>> -> memref<1x158x128xi32, #tpu.memory_space<hbm>>
    %dma_start3A_22 = tpu.memref_squeeze %dma_start3A_21 : memref<1x158x128xi32, #tpu.memory_space<hbm>> -> memref<158x128xi32, #tpu.memory_space<hbm>>
    tpu.enqueue_dma source(%dma_start3A_22 : memref<158x128xi32, #tpu.memory_space<hbm>>) target(%arg7 : memref<158x128xi32, #tpu.memory_space<vmem>>) target_semaphore(%arg17 : memref<!tpu.dma_semaphore, #tpu.memory_space<semaphore_mem>>)
    %dma_start3A_23 = arith.constant 0 : i32
    %dma_start3A_24 = arith.constant 0 : i32
    %dma_start3A_25 = tpu.memref_slice %arg4[%arg1, %dma_start3A_23, %dma_start3A_24] : memref<16x158x128xi32, #tpu.memory_space<hbm>> -> memref<1x158x128xi32, #tpu.memory_space<hbm>>
    %dma_start3A_26 = tpu.memref_squeeze %dma_start3A_25 : memref<1x158x128xi32, #tpu.memory_space<hbm>> -> memref<158x128xi32, #tpu.memory_space<hbm>>
    %dma_start3A_27 = arith.constant 0 : i32
    %dma_start3A_28 = arith.constant 0 : i32
    %dma_start3A_29 = tpu.memref_slice %arg4[%arg1, %dma_start3A_27, %dma_start3A_28] : memref<16x158x128xi32, #tpu.memory_space<hbm>> -> memref<1x158x128xi32, #tpu.memory_space<hbm>>
    %dma_start3A_30 = tpu.memref_squeeze %dma_start3A_29 : memref<1x158x128xi32, #tpu.memory_space<hbm>> -> memref<158x128xi32, #tpu.memory_space<hbm>>
    tpu.enqueue_dma source(%dma_start3A_30 : memref<158x128xi32, #tpu.memory_space<hbm>>) target(%arg8 : memref<158x128xi32, #tpu.memory_space<vmem>>) target_semaphore(%arg18 : memref<!tpu.dma_semaphore, #tpu.memory_space<semaphore_mem>>)
    %eq3A = arith.constant 0 : i32
    %eq3A_31 = arith.cmpi eq, %arg1, %eq3A : i32
    %convert_element_type3A = arith.extui %eq3A_31 : i1 to i32
    %cond3A = arith.constant 0 : i32
    %cond3A_32 = arith.cmpi ne, %convert_element_type3A, %cond3A : i32
    scf.if %cond3A_32 {
      "tpu.region"() ({
        %run_scoped3A = tpu.sem_alloc : memref<!tpu.dma_semaphore, #tpu.memory_space<semaphore_mem>>
        %dma_start3A_85 = arith.constant 9984 : i32
        %dma_start3A_86 = arith.constant 0 : i32
        %dma_start3A_87 = tpu.memref_slice %arg14[%dma_start3A_85, %dma_start3A_86] : memref<10000x32xf32, #tpu.memory_space<vmem_shared>> -> memref<16x32xf32, #tpu.memory_space<vmem_shared>>
        %dma_start3A_88 = arith.constant 9984 : i32
        %dma_start3A_89 = arith.constant 0 : i32
        %dma_start3A_90 = tpu.memref_slice %arg2[%arg0, %dma_start3A_88, %dma_start3A_89] : memref<2x10000x32xf32, #tpu.memory_space<hbm>> -> memref<1x16x32xf32, #tpu.memory_space<hbm>>
        %dma_start3A_91 = tpu.memref_squeeze %dma_start3A_90 : memref<1x16x32xf32, #tpu.memory_space<hbm>> -> memref<16x32xf32, #tpu.memory_space<hbm>>
        tpu.enqueue_dma source(%dma_start3A_91 : memref<16x32xf32, #tpu.memory_space<hbm>>) target(%dma_start3A_87 : memref<16x32xf32, #tpu.memory_space<vmem_shared>>) target_semaphore(%run_scoped3A : memref<!tpu.dma_semaphore, #tpu.memory_space<semaphore_mem>>)
        %dma_wait3A_92 = arith.constant 9984 : i32
        %dma_wait3A_93 = arith.constant 0 : i32
        %dma_wait3A_94 = tpu.memref_slice %arg14[%dma_wait3A_92, %dma_wait3A_93] : memref<10000x32xf32, #tpu.memory_space<vmem_shared>> -> memref<16x32xf32, #tpu.memory_space<vmem_shared>>
        %dma_wait3A_95 = arith.constant 9984 : i32
        %dma_wait3A_96 = arith.constant 0 : i32
        %dma_wait3A_97 = tpu.memref_slice %arg2[%arg0, %dma_wait3A_95, %dma_wait3A_96] : memref<2x10000x32xf32, #tpu.memory_space<hbm>> -> memref<1x16x32xf32, #tpu.memory_space<hbm>>
        %dma_wait3A_98 = tpu.memref_squeeze %dma_wait3A_97 : memref<1x16x32xf32, #tpu.memory_space<hbm>> -> memref<16x32xf32, #tpu.memory_space<hbm>>
        tpu.wait_dma2 semaphore(%run_scoped3A : memref<!tpu.dma_semaphore, #tpu.memory_space<semaphore_mem>>) src(%dma_wait3A_98 : memref<16x32xf32, #tpu.memory_space<hbm>>) dst(%dma_wait3A_94 : memref<16x32xf32, #tpu.memory_space<vmem_shared>>)
        tpu.yield
      }) : () -> ()
    } else {
    }
    %dma_wait3A = arith.constant 0 : i32
    %dma_wait3A_33 = tpu.memref_slice %arg13[%mul3A_2, %dma_wait3A] : memref<10112x32xf32, #tpu.memory_space<vmem_shared>> -> memref<632x32xf32, #tpu.memory_space<vmem_shared>>
    %dma_wait3A_34 = arith.constant 0 : i32
    %dma_wait3A_35 = tpu.memref_slice %arg5[%mul3A_0, %dma_wait3A_34] : memref<10112x32xf32, #tpu.memory_space<hbm>> -> memref<632x32xf32, #tpu.memory_space<hbm>>
    tpu.wait_dma2 semaphore(%arg15 : memref<!tpu.dma_semaphore, #tpu.memory_space<semaphore_mem>>) src(%dma_wait3A_35 : memref<632x32xf32, #tpu.memory_space<hbm>>) dst(%dma_wait3A_33 : memref<632x32xf32, #tpu.memory_space<vmem_shared>>)
    %dma_wait3A_36 = arith.constant 0 : i32
    %dma_wait3A_37 = tpu.memref_slice %arg14[%mul3A_9, %dma_wait3A_36] : memref<10000x32xf32, #tpu.memory_space<vmem_shared>> -> memref<624x32xf32, #tpu.memory_space<vmem_shared>>
    %dma_wait3A_38 = arith.constant 0 : i32
    %dma_wait3A_39 = tpu.memref_slice %arg2[%arg0, %mul3A_7, %dma_wait3A_38] : memref<2x10000x32xf32, #tpu.memory_space<hbm>> -> memref<1x624x32xf32, #tpu.memory_space<hbm>>
    %dma_wait3A_40 = tpu.memref_squeeze %dma_wait3A_39 : memref<1x624x32xf32, #tpu.memory_space<hbm>> -> memref<624x32xf32, #tpu.memory_space<hbm>>
    tpu.wait_dma2 semaphore(%arg16 : memref<!tpu.dma_semaphore, #tpu.memory_space<semaphore_mem>>) src(%dma_wait3A_40 : memref<624x32xf32, #tpu.memory_space<hbm>>) dst(%dma_wait3A_37 : memref<624x32xf32, #tpu.memory_space<vmem_shared>>)
    %dma_wait3A_41 = arith.constant 0 : i32
    %dma_wait3A_42 = arith.constant 0 : i32
    %dma_wait3A_43 = tpu.memref_slice %arg3[%arg1, %dma_wait3A_41, %dma_wait3A_42] : memref<16x158x128xi32, #tpu.memory_space<hbm>> -> memref<1x158x128xi32, #tpu.memory_space<hbm>>
    %dma_wait3A_44 = tpu.memref_squeeze %dma_wait3A_43 : memref<1x158x128xi32, #tpu.memory_space<hbm>> -> memref<158x128xi32, #tpu.memory_space<hbm>>
    %dma_wait3A_45 = arith.constant 0 : i32
    %dma_wait3A_46 = arith.constant 0 : i32
    %dma_wait3A_47 = tpu.memref_slice %arg3[%arg1, %dma_wait3A_45, %dma_wait3A_46] : memref<16x158x128xi32, #tpu.memory_space<hbm>> -> memref<1x158x128xi32, #tpu.memory_space<hbm>>
    %dma_wait3A_48 = tpu.memref_squeeze %dma_wait3A_47 : memref<1x158x128xi32, #tpu.memory_space<hbm>> -> memref<158x128xi32, #tpu.memory_space<hbm>>
    tpu.wait_dma2 semaphore(%arg17 : memref<!tpu.dma_semaphore, #tpu.memory_space<semaphore_mem>>) src(%dma_wait3A_48 : memref<158x128xi32, #tpu.memory_space<hbm>>) dst(%arg7 : memref<158x128xi32, #tpu.memory_space<vmem>>)
    %dma_wait3A_49 = arith.constant 0 : i32
    %dma_wait3A_50 = arith.constant 0 : i32
    %dma_wait3A_51 = tpu.memref_slice %arg4[%arg1, %dma_wait3A_49, %dma_wait3A_50] : memref<16x158x128xi32, #tpu.memory_space<hbm>> -> memref<1x158x128xi32, #tpu.memory_space<hbm>>
    %dma_wait3A_52 = tpu.memref_squeeze %dma_wait3A_51 : memref<1x158x128xi32, #tpu.memory_space<hbm>> -> memref<158x128xi32, #tpu.memory_space<hbm>>
    %dma_wait3A_53 = arith.constant 0 : i32
    %dma_wait3A_54 = arith.constant 0 : i32
    %dma_wait3A_55 = tpu.memref_slice %arg4[%arg1, %dma_wait3A_53, %dma_wait3A_54] : memref<16x158x128xi32, #tpu.memory_space<hbm>> -> memref<1x158x128xi32, #tpu.memory_space<hbm>>
    %dma_wait3A_56 = tpu.memref_squeeze %dma_wait3A_55 : memref<1x158x128xi32, #tpu.memory_space<hbm>> -> memref<158x128xi32, #tpu.memory_space<hbm>>
    tpu.wait_dma2 semaphore(%arg18 : memref<!tpu.dma_semaphore, #tpu.memory_space<semaphore_mem>>) src(%dma_wait3A_56 : memref<158x128xi32, #tpu.memory_space<hbm>>) dst(%arg8 : memref<158x128xi32, #tpu.memory_space<vmem>>)
    %barrier3A = arith.constant 0 : index
    tpu.barrier barrier_id(%barrier3A)
    %scan3A = arith.constant 0 : i32
    %scan3A_57 = arith.constant 79 : i32
    %scan3A_58 = arith.addi %scan3A, %scan3A_57 : i32
    %scan3A_59 = arith.constant 1 : i32
    scf.for %scan3A_85 = %scan3A to %scan3A_58 step %scan3A_59  : i32 {
      %mul3A_86 = arith.constant 1 : i32
      %mul3A_87 = arith.muli %scan3A_85, %mul3A_86 : i32
      %add3A = arith.constant 0 : i32
      %add3A_88 = arith.addi %add3A, %mul3A_87 : i32
      %mul3A_89 = arith.constant 2 : i32
      %mul3A_90 = arith.muli %add3A_88, %mul3A_89 : i32
      %gt3A = arith.constant 0 : i32
      %gt3A_91 = arith.cmpi sgt, %add3A_88, %gt3A : i32
      %convert_element_type3A_92 = arith.extui %gt3A_91 : i1 to i32
      %cond3A_93 = arith.constant 0 : i32
      %cond3A_94 = arith.cmpi ne, %convert_element_type3A_92, %cond3A_93 : i32
      scf.if %cond3A_94 {
        %sub3A = arith.constant 2 : i32
        %sub3A_148 = arith.subi %mul3A_90, %sub3A : i32
        %add3A_149 = arith.constant 0 : i32
        %add3A_150 = arith.addi %sub3A_148, %add3A_149 : i32
        %dma_wait3A_151 = arith.constant 0 : i32
        %dma_wait3A_152 = tpu.memref_slice %arg8[%add3A_150, %dma_wait3A_151] : memref<158x128xi32, #tpu.memory_space<vmem>> -> memref<1x128xi32, #tpu.memory_space<vmem>>
        %dma_wait3A_153 = tpu.memref_squeeze %dma_wait3A_152 : memref<1x128xi32, #tpu.memory_space<vmem>> -> memref<128xi32, #tpu.memory_space<vmem>>
        %dma_wait3A_154 = arith.constant 0 : i32
        %dma_wait3A_155 = arith.constant 0 : i32
        %dma_wait3A_156 = tpu.memref_slice %arg13[%dma_wait3A_154, %dma_wait3A_155] : memref<10112x32xf32, #tpu.memory_space<vmem_shared>> -> memref<10112x32xf32, #tpu.memory_space<vmem_shared>>
        tpu.wait_indirect_dma semaphore(%arg19 : memref<!tpu.dma_semaphore, #tpu.memory_space<semaphore_mem>>) src(%arg9 : memref<128x32xf32, #tpu.memory_space<vmem>>) dst(%dma_wait3A_156 : memref<10112x32xf32, #tpu.memory_space<vmem_shared>>)
      } else {
      }
      %add3A_95 = arith.constant 0 : i32
      %add3A_96 = arith.addi %mul3A_90, %add3A_95 : i32
      %dma_start3A_97 = arith.constant 0 : i32
      %dma_start3A_98 = tpu.memref_slice %arg7[%add3A_96, %dma_start3A_97] : memref<158x128xi32, #tpu.memory_space<vmem>> -> memref<1x128xi32, #tpu.memory_space<vmem>>
      %dma_start3A_99 = tpu.memref_squeeze %dma_start3A_98 : memref<1x128xi32, #tpu.memory_space<vmem>> -> memref<128xi32, #tpu.memory_space<vmem>>
      %dma_start3A_100 = arith.constant 0 : i32
      %dma_start3A_101 = arith.constant 0 : i32
      %dma_start3A_102 = tpu.memref_slice %arg14[%dma_start3A_100, %dma_start3A_101] : memref<10000x32xf32, #tpu.memory_space<vmem_shared>> -> memref<10000x32xf32, #tpu.memory_space<vmem_shared>>
      tpu.enqueue_indirect_dma source(%dma_start3A_102 : memref<10000x32xf32, #tpu.memory_space<vmem_shared>>) target(%arg9 : memref<128x32xf32, #tpu.memory_space<vmem>>) offsets(%dma_start3A_99 : memref<128xi32, #tpu.memory_space<vmem>>) semaphore(%arg15 : memref<!tpu.dma_semaphore, #tpu.memory_space<semaphore_mem>>)
      %gt3A_103 = arith.constant 0 : i32
      %gt3A_104 = arith.cmpi sgt, %add3A_88, %gt3A_103 : i32
      %convert_element_type3A_105 = arith.extui %gt3A_104 : i1 to i32
      %cond3A_106 = arith.constant 0 : i32
      %cond3A_107 = arith.cmpi ne, %convert_element_type3A_105, %cond3A_106 : i32
      scf.if %cond3A_107 {
        %sub3A = arith.constant 2 : i32
        %sub3A_148 = arith.subi %mul3A_90, %sub3A : i32
        %add3A_149 = arith.constant 1 : i32
        %add3A_150 = arith.addi %sub3A_148, %add3A_149 : i32
        %dma_wait3A_151 = arith.constant 0 : i32
        %dma_wait3A_152 = tpu.memref_slice %arg8[%add3A_150, %dma_wait3A_151] : memref<158x128xi32, #tpu.memory_space<vmem>> -> memref<1x128xi32, #tpu.memory_space<vmem>>
        %dma_wait3A_153 = tpu.memref_squeeze %dma_wait3A_152 : memref<1x128xi32, #tpu.memory_space<vmem>> -> memref<128xi32, #tpu.memory_space<vmem>>
        %dma_wait3A_154 = arith.constant 0 : i32
        %dma_wait3A_155 = arith.constant 0 : i32
        %dma_wait3A_156 = tpu.memref_slice %arg13[%dma_wait3A_154, %dma_wait3A_155] : memref<10112x32xf32, #tpu.memory_space<vmem_shared>> -> memref<10112x32xf32, #tpu.memory_space<vmem_shared>>
        tpu.wait_indirect_dma semaphore(%arg20 : memref<!tpu.dma_semaphore, #tpu.memory_space<semaphore_mem>>) src(%arg10 : memref<128x32xf32, #tpu.memory_space<vmem>>) dst(%dma_wait3A_156 : memref<10112x32xf32, #tpu.memory_space<vmem_shared>>)
      } else {
      }
      %add3A_108 = arith.constant 1 : i32
      %add3A_109 = arith.addi %mul3A_90, %add3A_108 : i32
      %dma_start3A_110 = arith.constant 0 : i32
      %dma_start3A_111 = tpu.memref_slice %arg7[%add3A_109, %dma_start3A_110] : memref<158x128xi32, #tpu.memory_space<vmem>> -> memref<1x128xi32, #tpu.memory_space<vmem>>
      %dma_start3A_112 = tpu.memref_squeeze %dma_start3A_111 : memref<1x128xi32, #tpu.memory_space<vmem>> -> memref<128xi32, #tpu.memory_space<vmem>>
      %dma_start3A_113 = arith.constant 0 : i32
      %dma_start3A_114 = arith.constant 0 : i32
      %dma_start3A_115 = tpu.memref_slice %arg14[%dma_start3A_113, %dma_start3A_114] : memref<10000x32xf32, #tpu.memory_space<vmem_shared>> -> memref<10000x32xf32, #tpu.memory_space<vmem_shared>>
      tpu.enqueue_indirect_dma source(%dma_start3A_115 : memref<10000x32xf32, #tpu.memory_space<vmem_shared>>) target(%arg10 : memref<128x32xf32, #tpu.memory_space<vmem>>) offsets(%dma_start3A_112 : memref<128xi32, #tpu.memory_space<vmem>>) semaphore(%arg16 : memref<!tpu.dma_semaphore, #tpu.memory_space<semaphore_mem>>)
      %add3A_116 = arith.constant 0 : i32
      %add3A_117 = arith.addi %mul3A_90, %add3A_116 : i32
      %dma_wait3A_118 = arith.constant 0 : i32
      %dma_wait3A_119 = tpu.memref_slice %arg7[%add3A_117, %dma_wait3A_118] : memref<158x128xi32, #tpu.memory_space<vmem>> -> memref<1x128xi32, #tpu.memory_space<vmem>>
      %dma_wait3A_120 = tpu.memref_squeeze %dma_wait3A_119 : memref<1x128xi32, #tpu.memory_space<vmem>> -> memref<128xi32, #tpu.memory_space<vmem>>
      %dma_wait3A_121 = arith.constant 0 : i32
      %dma_wait3A_122 = arith.constant 0 : i32
      %dma_wait3A_123 = tpu.memref_slice %arg14[%dma_wait3A_121, %dma_wait3A_122] : memref<10000x32xf32, #tpu.memory_space<vmem_shared>> -> memref<10000x32xf32, #tpu.memory_space<vmem_shared>>
      tpu.wait_indirect_dma semaphore(%arg15 : memref<!tpu.dma_semaphore, #tpu.memory_space<semaphore_mem>>) src(%dma_wait3A_123 : memref<10000x32xf32, #tpu.memory_space<vmem_shared>>) dst(%arg9 : memref<128x32xf32, #tpu.memory_space<vmem>>)
      %add3A_124 = arith.constant 0 : i32
      %add3A_125 = arith.addi %mul3A_90, %add3A_124 : i32
      %dma_start3A_126 = arith.constant 0 : i32
      %dma_start3A_127 = tpu.memref_slice %arg8[%add3A_125, %dma_start3A_126] : memref<158x128xi32, #tpu.memory_space<vmem>> -> memref<1x128xi32, #tpu.memory_space<vmem>>
      %dma_start3A_128 = tpu.memref_squeeze %dma_start3A_127 : memref<1x128xi32, #tpu.memory_space<vmem>> -> memref<128xi32, #tpu.memory_space<vmem>>
      %dma_start3A_129 = arith.constant 0 : i32
      %dma_start3A_130 = arith.constant 0 : i32
      %dma_start3A_131 = tpu.memref_slice %arg13[%dma_start3A_129, %dma_start3A_130] : memref<10112x32xf32, #tpu.memory_space<vmem_shared>> -> memref<10112x32xf32, #tpu.memory_space<vmem_shared>>
      tpu.enqueue_indirect_dma source(%arg9 : memref<128x32xf32, #tpu.memory_space<vmem>>) target(%dma_start3A_131 : memref<10112x32xf32, #tpu.memory_space<vmem_shared>>) offsets(%dma_start3A_128 : memref<128xi32, #tpu.memory_space<vmem>>) semaphore(%arg19 : memref<!tpu.dma_semaphore, #tpu.memory_space<semaphore_mem>>) {add = true}
      %add3A_132 = arith.constant 1 : i32
      %add3A_133 = arith.addi %mul3A_90, %add3A_132 : i32
      %dma_wait3A_134 = arith.constant 0 : i32
      %dma_wait3A_135 = tpu.memref_slice %arg7[%add3A_133, %dma_wait3A_134] : memref<158x128xi32, #tpu.memory_space<vmem>> -> memref<1x128xi32, #tpu.memory_space<vmem>>
      %dma_wait3A_136 = tpu.memref_squeeze %dma_wait3A_135 : memref<1x128xi32, #tpu.memory_space<vmem>> -> memref<128xi32, #tpu.memory_space<vmem>>
      %dma_wait3A_137 = arith.constant 0 : i32
      %dma_wait3A_138 = arith.constant 0 : i32
      %dma_wait3A_139 = tpu.memref_slice %arg14[%dma_wait3A_137, %dma_wait3A_138] : memref<10000x32xf32, #tpu.memory_space<vmem_shared>> -> memref<10000x32xf32, #tpu.memory_space<vmem_shared>>
      tpu.wait_indirect_dma semaphore(%arg16 : memref<!tpu.dma_semaphore, #tpu.memory_space<semaphore_mem>>) src(%dma_wait3A_139 : memref<10000x32xf32, #tpu.memory_space<vmem_shared>>) dst(%arg10 : memref<128x32xf32, #tpu.memory_space<vmem>>)
      %add3A_140 = arith.constant 1 : i32
      %add3A_141 = arith.addi %mul3A_90, %add3A_140 : i32
      %dma_start3A_142 = arith.constant 0 : i32
      %dma_start3A_143 = tpu.memref_slice %arg8[%add3A_141, %dma_start3A_142] : memref<158x128xi32, #tpu.memory_space<vmem>> -> memref<1x128xi32, #tpu.memory_space<vmem>>
      %dma_start3A_144 = tpu.memref_squeeze %dma_start3A_143 : memref<1x128xi32, #tpu.memory_space<vmem>> -> memref<128xi32, #tpu.memory_space<vmem>>
      %dma_start3A_145 = arith.constant 0 : i32
      %dma_start3A_146 = arith.constant 0 : i32
      %dma_start3A_147 = tpu.memref_slice %arg13[%dma_start3A_145, %dma_start3A_146] : memref<10112x32xf32, #tpu.memory_space<vmem_shared>> -> memref<10112x32xf32, #tpu.memory_space<vmem_shared>>
      tpu.enqueue_indirect_dma source(%arg10 : memref<128x32xf32, #tpu.memory_space<vmem>>) target(%dma_start3A_147 : memref<10112x32xf32, #tpu.memory_space<vmem_shared>>) offsets(%dma_start3A_144 : memref<128xi32, #tpu.memory_space<vmem>>) semaphore(%arg20 : memref<!tpu.dma_semaphore, #tpu.memory_space<semaphore_mem>>) {add = true}
    }
    %scan3A_60 = arith.constant 79 : i32
    %dma_wait3A_61 = arith.constant 156 : i32
    %dma_wait3A_62 = arith.constant 0 : i32
    %dma_wait3A_63 = tpu.memref_slice %arg8[%dma_wait3A_61, %dma_wait3A_62] : memref<158x128xi32, #tpu.memory_space<vmem>> -> memref<1x128xi32, #tpu.memory_space<vmem>>
    %dma_wait3A_64 = tpu.memref_squeeze %dma_wait3A_63 : memref<1x128xi32, #tpu.memory_space<vmem>> -> memref<128xi32, #tpu.memory_space<vmem>>
    %dma_wait3A_65 = arith.constant 0 : i32
    %dma_wait3A_66 = arith.constant 0 : i32
    %dma_wait3A_67 = tpu.memref_slice %arg13[%dma_wait3A_65, %dma_wait3A_66] : memref<10112x32xf32, #tpu.memory_space<vmem_shared>> -> memref<10112x32xf32, #tpu.memory_space<vmem_shared>>
    tpu.wait_indirect_dma semaphore(%arg19 : memref<!tpu.dma_semaphore, #tpu.memory_space<semaphore_mem>>) src(%arg9 : memref<128x32xf32, #tpu.memory_space<vmem>>) dst(%dma_wait3A_67 : memref<10112x32xf32, #tpu.memory_space<vmem_shared>>)
    %dma_wait3A_68 = arith.constant 157 : i32
    %dma_wait3A_69 = arith.constant 0 : i32
    %dma_wait3A_70 = tpu.memref_slice %arg8[%dma_wait3A_68, %dma_wait3A_69] : memref<158x128xi32, #tpu.memory_space<vmem>> -> memref<1x128xi32, #tpu.memory_space<vmem>>
    %dma_wait3A_71 = tpu.memref_squeeze %dma_wait3A_70 : memref<1x128xi32, #tpu.memory_space<vmem>> -> memref<128xi32, #tpu.memory_space<vmem>>
    %dma_wait3A_72 = arith.constant 0 : i32
    %dma_wait3A_73 = arith.constant 0 : i32
    %dma_wait3A_74 = tpu.memref_slice %arg13[%dma_wait3A_72, %dma_wait3A_73] : memref<10112x32xf32, #tpu.memory_space<vmem_shared>> -> memref<10112x32xf32, #tpu.memory_space<vmem_shared>>
    tpu.wait_indirect_dma semaphore(%arg20 : memref<!tpu.dma_semaphore, #tpu.memory_space<semaphore_mem>>) src(%arg10 : memref<128x32xf32, #tpu.memory_space<vmem>>) dst(%dma_wait3A_74 : memref<10112x32xf32, #tpu.memory_space<vmem_shared>>)
    %barrier3A_75 = arith.constant 0 : index
    tpu.barrier barrier_id(%barrier3A_75)
    %mul3A_76 = arith.constant 624 : i32
    %mul3A_77 = arith.muli %arg1, %mul3A_76 : i32
    %mul3A_78 = arith.constant 624 : i32
    %mul3A_79 = arith.muli %arg1, %mul3A_78 : i32
    "tpu.region"() ({
      %run_scoped3A = tpu.sem_alloc : memref<!tpu.dma_semaphore, #tpu.memory_space<semaphore_mem>>
      %dma_start3A_85 = arith.constant 0 : i32
      %dma_start3A_86 = tpu.memref_slice %arg6[%arg0, %mul3A_79, %dma_start3A_85] : memref<2x10000x32xf32, #tpu.memory_space<hbm>> -> memref<1x624x32xf32, #tpu.memory_space<hbm>>
      %dma_start3A_87 = tpu.memref_squeeze %dma_start3A_86 : memref<1x624x32xf32, #tpu.memory_space<hbm>> -> memref<624x32xf32, #tpu.memory_space<hbm>>
      %dma_start3A_88 = arith.constant 0 : i32
      %dma_start3A_89 = tpu.memref_slice %arg13[%mul3A_77, %dma_start3A_88] : memref<10112x32xf32, #tpu.memory_space<vmem_shared>> -> memref<624x32xf32, #tpu.memory_space<vmem_shared>>
      tpu.enqueue_dma source(%dma_start3A_89 : memref<624x32xf32, #tpu.memory_space<vmem_shared>>) target(%dma_start3A_87 : memref<624x32xf32, #tpu.memory_space<hbm>>) target_semaphore(%run_scoped3A : memref<!tpu.dma_semaphore, #tpu.memory_space<semaphore_mem>>)
      %dma_wait3A_90 = arith.constant 0 : i32
      %dma_wait3A_91 = tpu.memref_slice %arg6[%arg0, %mul3A_79, %dma_wait3A_90] : memref<2x10000x32xf32, #tpu.memory_space<hbm>> -> memref<1x624x32xf32, #tpu.memory_space<hbm>>
      %dma_wait3A_92 = tpu.memref_squeeze %dma_wait3A_91 : memref<1x624x32xf32, #tpu.memory_space<hbm>> -> memref<624x32xf32, #tpu.memory_space<hbm>>
      %dma_wait3A_93 = arith.constant 0 : i32
      %dma_wait3A_94 = tpu.memref_slice %arg13[%mul3A_77, %dma_wait3A_93] : memref<10112x32xf32, #tpu.memory_space<vmem_shared>> -> memref<624x32xf32, #tpu.memory_space<vmem_shared>>
      tpu.wait_dma2 semaphore(%run_scoped3A : memref<!tpu.dma_semaphore, #tpu.memory_space<semaphore_mem>>) src(%dma_wait3A_94 : memref<624x32xf32, #tpu.memory_space<vmem_shared>>) dst(%dma_wait3A_92 : memref<624x32xf32, #tpu.memory_space<hbm>>)
      tpu.yield
    }) : () -> ()
    %eq3A_80 = arith.constant 0 : i32
    %eq3A_81 = arith.cmpi eq, %arg1, %eq3A_80 : i32
    %convert_element_type3A_82 = arith.extui %eq3A_81 : i1 to i32
    %cond3A_83 = arith.constant 0 : i32
    %cond3A_84 = arith.cmpi ne, %convert_element_type3A_82, %cond3A_83 : i32
    scf.if %cond3A_84 {
      "tpu.region"() ({
        %run_scoped3A = tpu.sem_alloc : memref<!tpu.dma_semaphore, #tpu.memory_space<semaphore_mem>>
        %dma_start3A_85 = arith.constant 9984 : i32
        %dma_start3A_86 = arith.constant 0 : i32
        %dma_start3A_87 = tpu.memref_slice %arg6[%arg0, %dma_start3A_85, %dma_start3A_86] : memref<2x10000x32xf32, #tpu.memory_space<hbm>> -> memref<1x16x32xf32, #tpu.memory_space<hbm>>
        %dma_start3A_88 = tpu.memref_squeeze %dma_start3A_87 : memref<1x16x32xf32, #tpu.memory_space<hbm>> -> memref<16x32xf32, #tpu.memory_space<hbm>>
        %dma_start3A_89 = arith.constant 9984 : i32
        %dma_start3A_90 = arith.constant 0 : i32
        %dma_start3A_91 = tpu.memref_slice %arg13[%dma_start3A_89, %dma_start3A_90] : memref<10112x32xf32, #tpu.memory_space<vmem_shared>> -> memref<16x32xf32, #tpu.memory_space<vmem_shared>>
        tpu.enqueue_dma source(%dma_start3A_91 : memref<16x32xf32, #tpu.memory_space<vmem_shared>>) target(%dma_start3A_88 : memref<16x32xf32, #tpu.memory_space<hbm>>) target_semaphore(%run_scoped3A : memref<!tpu.dma_semaphore, #tpu.memory_space<semaphore_mem>>)
        %dma_wait3A_92 = arith.constant 9984 : i32
        %dma_wait3A_93 = arith.constant 0 : i32
        %dma_wait3A_94 = tpu.memref_slice %arg6[%arg0, %dma_wait3A_92, %dma_wait3A_93] : memref<2x10000x32xf32, #tpu.memory_space<hbm>> -> memref<1x16x32xf32, #tpu.memory_space<hbm>>
        %dma_wait3A_95 = tpu.memref_squeeze %dma_wait3A_94 : memref<1x16x32xf32, #tpu.memory_space<hbm>> -> memref<16x32xf32, #tpu.memory_space<hbm>>
        %dma_wait3A_96 = arith.constant 9984 : i32
        %dma_wait3A_97 = arith.constant 0 : i32
        %dma_wait3A_98 = tpu.memref_slice %arg13[%dma_wait3A_96, %dma_wait3A_97] : memref<10112x32xf32, #tpu.memory_space<vmem_shared>> -> memref<16x32xf32, #tpu.memory_space<vmem_shared>>
        tpu.wait_dma2 semaphore(%run_scoped3A : memref<!tpu.dma_semaphore, #tpu.memory_space<semaphore_mem>>) src(%dma_wait3A_98 : memref<16x32xf32, #tpu.memory_space<vmem_shared>>) dst(%dma_wait3A_95 : memref<16x32xf32, #tpu.memory_space<hbm>>)
        tpu.yield
      }) : () -> ()
    } else {
    }
    return
  }
}

#map = affine_map<(d0, d1) -> (0, 0, 0)>
#map1 = affine_map<(d0, d1) -> (0, 0)>
module attributes {stable_mosaic.version = 14 : i64} {
  func.func @_sc_prop_body(%arg0: i32, %arg1: i32, %arg2: memref<2x10000x32xf32, #tpu.memory_space<hbm>>, %arg3: memref<16x158x128xi32, #tpu.memory_space<hbm>>, %arg4: memref<16x158x128xi32, #tpu.memory_space<hbm>>, %arg5: memref<10112x32xf32, #tpu.memory_space<hbm>>, %arg6: memref<2x10000x32xf32, #tpu.memory_space<hbm>>, %arg7: memref<158x128xi32, #tpu.memory_space<vmem>>, %arg8: memref<158x128xi32, #tpu.memory_space<vmem>>, %arg9: memref<128x32xf32, #tpu.memory_space<vmem>>, %arg10: memref<128x32xf32, #tpu.memory_space<vmem>>, %arg11: memref<128x32xf32, #tpu.memory_space<vmem>>, %arg12: memref<128x32xf32, #tpu.memory_space<vmem>>, %arg13: memref<10112x32xf32, #tpu.memory_space<vmem_shared>>, %arg14: memref<10000x32xf32, #tpu.memory_space<vmem_shared>>, %arg15: memref<!tpu.dma_semaphore, #tpu.memory_space<semaphore_mem>>, %arg16: memref<!tpu.dma_semaphore, #tpu.memory_space<semaphore_mem>>, %arg17: memref<!tpu.dma_semaphore, #tpu.memory_space<semaphore_mem>>, %arg18: memref<!tpu.dma_semaphore, #tpu.memory_space<semaphore_mem>>, %arg19: memref<!tpu.dma_semaphore, #tpu.memory_space<semaphore_mem>>, %arg20: memref<!tpu.dma_semaphore, #tpu.memory_space<semaphore_mem>>, %arg21: memref<!tpu.dma_semaphore, #tpu.memory_space<semaphore_mem>>, %arg22: memref<!tpu.dma_semaphore, #tpu.memory_space<semaphore_mem>>) attributes {dimension_semantics = [#tpu.dimension_semantics<core_parallel>, #tpu.dimension_semantics<subcore_parallel>], iteration_bounds = array<i64: 2, 16>, scalar_prefetch = 0 : i64, scratch_operands = 16 : i64, tpu.core_type = #tpu.core_type<sc_vector_subcore>, window_params = [{transform_indices = #map}, {transform_indices = #map}, {transform_indices = #map}, {transform_indices = #map1}, {transform_indices = #map}]} {
    %mul3A = arith.constant 632 : i32
    %mul3A_0 = arith.muli %arg1, %mul3A : i32
    %mul3A_1 = arith.constant 632 : i32
    %mul3A_2 = arith.muli %arg1, %mul3A_1 : i32
    %dma_start3A = arith.constant 0 : i32
    %dma_start3A_3 = tpu.memref_slice %arg13[%mul3A_2, %dma_start3A] : memref<10112x32xf32, #tpu.memory_space<vmem_shared>> -> memref<632x32xf32, #tpu.memory_space<vmem_shared>>
    %dma_start3A_4 = arith.constant 0 : i32
    %dma_start3A_5 = tpu.memref_slice %arg5[%mul3A_0, %dma_start3A_4] : memref<10112x32xf32, #tpu.memory_space<hbm>> -> memref<632x32xf32, #tpu.memory_space<hbm>>
    tpu.enqueue_dma source(%dma_start3A_5 : memref<632x32xf32, #tpu.memory_space<hbm>>) target(%dma_start3A_3 : memref<632x32xf32, #tpu.memory_space<vmem_shared>>) target_semaphore(%arg15 : memref<!tpu.dma_semaphore, #tpu.memory_space<semaphore_mem>>)
    %mul3A_6 = arith.constant 624 : i32
    %mul3A_7 = arith.muli %arg1, %mul3A_6 : i32
    %mul3A_8 = arith.constant 624 : i32
    %mul3A_9 = arith.muli %arg1, %mul3A_8 : i32
    %dma_start3A_10 = arith.constant 0 : i32
    %dma_start3A_11 = tpu.memref_slice %arg14[%mul3A_9, %dma_start3A_10] : memref<10000x32xf32, #tpu.memory_space<vmem_shared>> -> memref<624x32xf32, #tpu.memory_space<vmem_shared>>
    %dma_start3A_12 = arith.constant 0 : i32
    %dma_start3A_13 = tpu.memref_slice %arg2[%arg0, %mul3A_7, %dma_start3A_12] : memref<2x10000x32xf32, #tpu.memory_space<hbm>> -> memref<1x624x32xf32, #tpu.memory_space<hbm>>
    %dma_start3A_14 = tpu.memref_squeeze %dma_start3A_13 : memref<1x624x32xf32, #tpu.memory_space<hbm>> -> memref<624x32xf32, #tpu.memory_space<hbm>>
    tpu.enqueue_dma source(%dma_start3A_14 : memref<624x32xf32, #tpu.memory_space<hbm>>) target(%dma_start3A_11 : memref<624x32xf32, #tpu.memory_space<vmem_shared>>) target_semaphore(%arg16 : memref<!tpu.dma_semaphore, #tpu.memory_space<semaphore_mem>>)
    %dma_start3A_15 = arith.constant 0 : i32
    %dma_start3A_16 = arith.constant 0 : i32
    %dma_start3A_17 = tpu.memref_slice %arg3[%arg1, %dma_start3A_15, %dma_start3A_16] : memref<16x158x128xi32, #tpu.memory_space<hbm>> -> memref<1x158x128xi32, #tpu.memory_space<hbm>>
    %dma_start3A_18 = tpu.memref_squeeze %dma_start3A_17 : memref<1x158x128xi32, #tpu.memory_space<hbm>> -> memref<158x128xi32, #tpu.memory_space<hbm>>
    %dma_start3A_19 = arith.constant 0 : i32
    %dma_start3A_20 = arith.constant 0 : i32
    %dma_start3A_21 = tpu.memref_slice %arg3[%arg1, %dma_start3A_19, %dma_start3A_20] : memref<16x158x128xi32, #tpu.memory_space<hbm>> -> memref<1x158x128xi32, #tpu.memory_space<hbm>>
    %dma_start3A_22 = tpu.memref_squeeze %dma_start3A_21 : memref<1x158x128xi32, #tpu.memory_space<hbm>> -> memref<158x128xi32, #tpu.memory_space<hbm>>
    tpu.enqueue_dma source(%dma_start3A_22 : memref<158x128xi32, #tpu.memory_space<hbm>>) target(%arg7 : memref<158x128xi32, #tpu.memory_space<vmem>>) target_semaphore(%arg17 : memref<!tpu.dma_semaphore, #tpu.memory_space<semaphore_mem>>)
    %dma_start3A_23 = arith.constant 0 : i32
    %dma_start3A_24 = arith.constant 0 : i32
    %dma_start3A_25 = tpu.memref_slice %arg4[%arg1, %dma_start3A_23, %dma_start3A_24] : memref<16x158x128xi32, #tpu.memory_space<hbm>> -> memref<1x158x128xi32, #tpu.memory_space<hbm>>
    %dma_start3A_26 = tpu.memref_squeeze %dma_start3A_25 : memref<1x158x128xi32, #tpu.memory_space<hbm>> -> memref<158x128xi32, #tpu.memory_space<hbm>>
    %dma_start3A_27 = arith.constant 0 : i32
    %dma_start3A_28 = arith.constant 0 : i32
    %dma_start3A_29 = tpu.memref_slice %arg4[%arg1, %dma_start3A_27, %dma_start3A_28] : memref<16x158x128xi32, #tpu.memory_space<hbm>> -> memref<1x158x128xi32, #tpu.memory_space<hbm>>
    %dma_start3A_30 = tpu.memref_squeeze %dma_start3A_29 : memref<1x158x128xi32, #tpu.memory_space<hbm>> -> memref<158x128xi32, #tpu.memory_space<hbm>>
    tpu.enqueue_dma source(%dma_start3A_30 : memref<158x128xi32, #tpu.memory_space<hbm>>) target(%arg8 : memref<158x128xi32, #tpu.memory_space<vmem>>) target_semaphore(%arg18 : memref<!tpu.dma_semaphore, #tpu.memory_space<semaphore_mem>>)
    %eq3A = arith.constant 0 : i32
    %eq3A_31 = arith.cmpi eq, %arg1, %eq3A : i32
    %convert_element_type3A = arith.extui %eq3A_31 : i1 to i32
    %cond3A = arith.constant 0 : i32
    %cond3A_32 = arith.cmpi ne, %convert_element_type3A, %cond3A : i32
    scf.if %cond3A_32 {
      "tpu.region"() ({
        %run_scoped3A = tpu.sem_alloc : memref<!tpu.dma_semaphore, #tpu.memory_space<semaphore_mem>>
        %dma_start3A_85 = arith.constant 9984 : i32
        %dma_start3A_86 = arith.constant 0 : i32
        %dma_start3A_87 = tpu.memref_slice %arg14[%dma_start3A_85, %dma_start3A_86] : memref<10000x32xf32, #tpu.memory_space<vmem_shared>> -> memref<16x32xf32, #tpu.memory_space<vmem_shared>>
        %dma_start3A_88 = arith.constant 9984 : i32
        %dma_start3A_89 = arith.constant 0 : i32
        %dma_start3A_90 = tpu.memref_slice %arg2[%arg0, %dma_start3A_88, %dma_start3A_89] : memref<2x10000x32xf32, #tpu.memory_space<hbm>> -> memref<1x16x32xf32, #tpu.memory_space<hbm>>
        %dma_start3A_91 = tpu.memref_squeeze %dma_start3A_90 : memref<1x16x32xf32, #tpu.memory_space<hbm>> -> memref<16x32xf32, #tpu.memory_space<hbm>>
        tpu.enqueue_dma source(%dma_start3A_91 : memref<16x32xf32, #tpu.memory_space<hbm>>) target(%dma_start3A_87 : memref<16x32xf32, #tpu.memory_space<vmem_shared>>) target_semaphore(%run_scoped3A : memref<!tpu.dma_semaphore, #tpu.memory_space<semaphore_mem>>)
        %dma_wait3A_92 = arith.constant 9984 : i32
        %dma_wait3A_93 = arith.constant 0 : i32
        %dma_wait3A_94 = tpu.memref_slice %arg14[%dma_wait3A_92, %dma_wait3A_93] : memref<10000x32xf32, #tpu.memory_space<vmem_shared>> -> memref<16x32xf32, #tpu.memory_space<vmem_shared>>
        %dma_wait3A_95 = arith.constant 9984 : i32
        %dma_wait3A_96 = arith.constant 0 : i32
        %dma_wait3A_97 = tpu.memref_slice %arg2[%arg0, %dma_wait3A_95, %dma_wait3A_96] : memref<2x10000x32xf32, #tpu.memory_space<hbm>> -> memref<1x16x32xf32, #tpu.memory_space<hbm>>
        %dma_wait3A_98 = tpu.memref_squeeze %dma_wait3A_97 : memref<1x16x32xf32, #tpu.memory_space<hbm>> -> memref<16x32xf32, #tpu.memory_space<hbm>>
        tpu.wait_dma2 semaphore(%run_scoped3A : memref<!tpu.dma_semaphore, #tpu.memory_space<semaphore_mem>>) src(%dma_wait3A_98 : memref<16x32xf32, #tpu.memory_space<hbm>>) dst(%dma_wait3A_94 : memref<16x32xf32, #tpu.memory_space<vmem_shared>>)
        tpu.yield
      }) : () -> ()
    } else {
    }
    %dma_wait3A = arith.constant 0 : i32
    %dma_wait3A_33 = tpu.memref_slice %arg13[%mul3A_2, %dma_wait3A] : memref<10112x32xf32, #tpu.memory_space<vmem_shared>> -> memref<632x32xf32, #tpu.memory_space<vmem_shared>>
    %dma_wait3A_34 = arith.constant 0 : i32
    %dma_wait3A_35 = tpu.memref_slice %arg5[%mul3A_0, %dma_wait3A_34] : memref<10112x32xf32, #tpu.memory_space<hbm>> -> memref<632x32xf32, #tpu.memory_space<hbm>>
    tpu.wait_dma2 semaphore(%arg15 : memref<!tpu.dma_semaphore, #tpu.memory_space<semaphore_mem>>) src(%dma_wait3A_35 : memref<632x32xf32, #tpu.memory_space<hbm>>) dst(%dma_wait3A_33 : memref<632x32xf32, #tpu.memory_space<vmem_shared>>)
    %dma_wait3A_36 = arith.constant 0 : i32
    %dma_wait3A_37 = tpu.memref_slice %arg14[%mul3A_9, %dma_wait3A_36] : memref<10000x32xf32, #tpu.memory_space<vmem_shared>> -> memref<624x32xf32, #tpu.memory_space<vmem_shared>>
    %dma_wait3A_38 = arith.constant 0 : i32
    %dma_wait3A_39 = tpu.memref_slice %arg2[%arg0, %mul3A_7, %dma_wait3A_38] : memref<2x10000x32xf32, #tpu.memory_space<hbm>> -> memref<1x624x32xf32, #tpu.memory_space<hbm>>
    %dma_wait3A_40 = tpu.memref_squeeze %dma_wait3A_39 : memref<1x624x32xf32, #tpu.memory_space<hbm>> -> memref<624x32xf32, #tpu.memory_space<hbm>>
    tpu.wait_dma2 semaphore(%arg16 : memref<!tpu.dma_semaphore, #tpu.memory_space<semaphore_mem>>) src(%dma_wait3A_40 : memref<624x32xf32, #tpu.memory_space<hbm>>) dst(%dma_wait3A_37 : memref<624x32xf32, #tpu.memory_space<vmem_shared>>)
    %dma_wait3A_41 = arith.constant 0 : i32
    %dma_wait3A_42 = arith.constant 0 : i32
    %dma_wait3A_43 = tpu.memref_slice %arg3[%arg1, %dma_wait3A_41, %dma_wait3A_42] : memref<16x158x128xi32, #tpu.memory_space<hbm>> -> memref<1x158x128xi32, #tpu.memory_space<hbm>>
    %dma_wait3A_44 = tpu.memref_squeeze %dma_wait3A_43 : memref<1x158x128xi32, #tpu.memory_space<hbm>> -> memref<158x128xi32, #tpu.memory_space<hbm>>
    %dma_wait3A_45 = arith.constant 0 : i32
    %dma_wait3A_46 = arith.constant 0 : i32
    %dma_wait3A_47 = tpu.memref_slice %arg3[%arg1, %dma_wait3A_45, %dma_wait3A_46] : memref<16x158x128xi32, #tpu.memory_space<hbm>> -> memref<1x158x128xi32, #tpu.memory_space<hbm>>
    %dma_wait3A_48 = tpu.memref_squeeze %dma_wait3A_47 : memref<1x158x128xi32, #tpu.memory_space<hbm>> -> memref<158x128xi32, #tpu.memory_space<hbm>>
    tpu.wait_dma2 semaphore(%arg17 : memref<!tpu.dma_semaphore, #tpu.memory_space<semaphore_mem>>) src(%dma_wait3A_48 : memref<158x128xi32, #tpu.memory_space<hbm>>) dst(%arg7 : memref<158x128xi32, #tpu.memory_space<vmem>>)
    %dma_wait3A_49 = arith.constant 0 : i32
    %dma_wait3A_50 = arith.constant 0 : i32
    %dma_wait3A_51 = tpu.memref_slice %arg4[%arg1, %dma_wait3A_49, %dma_wait3A_50] : memref<16x158x128xi32, #tpu.memory_space<hbm>> -> memref<1x158x128xi32, #tpu.memory_space<hbm>>
    %dma_wait3A_52 = tpu.memref_squeeze %dma_wait3A_51 : memref<1x158x128xi32, #tpu.memory_space<hbm>> -> memref<158x128xi32, #tpu.memory_space<hbm>>
    %dma_wait3A_53 = arith.constant 0 : i32
    %dma_wait3A_54 = arith.constant 0 : i32
    %dma_wait3A_55 = tpu.memref_slice %arg4[%arg1, %dma_wait3A_53, %dma_wait3A_54] : memref<16x158x128xi32, #tpu.memory_space<hbm>> -> memref<1x158x128xi32, #tpu.memory_space<hbm>>
    %dma_wait3A_56 = tpu.memref_squeeze %dma_wait3A_55 : memref<1x158x128xi32, #tpu.memory_space<hbm>> -> memref<158x128xi32, #tpu.memory_space<hbm>>
    tpu.wait_dma2 semaphore(%arg18 : memref<!tpu.dma_semaphore, #tpu.memory_space<semaphore_mem>>) src(%dma_wait3A_56 : memref<158x128xi32, #tpu.memory_space<hbm>>) dst(%arg8 : memref<158x128xi32, #tpu.memory_space<vmem>>)
    %barrier3A = arith.constant 0 : index
    tpu.barrier barrier_id(%barrier3A)
    %scan3A = arith.constant 0 : i32
    %scan3A_57 = arith.constant 79 : i32
    %scan3A_58 = arith.addi %scan3A, %scan3A_57 : i32
    %scan3A_59 = arith.constant 1 : i32
    scf.for %scan3A_85 = %scan3A to %scan3A_58 step %scan3A_59  : i32 {
      %mul3A_86 = arith.constant 1 : i32
      %mul3A_87 = arith.muli %scan3A_85, %mul3A_86 : i32
      %add3A = arith.constant 0 : i32
      %add3A_88 = arith.addi %add3A, %mul3A_87 : i32
      %mul3A_89 = arith.constant 2 : i32
      %mul3A_90 = arith.muli %add3A_88, %mul3A_89 : i32
      %gt3A = arith.constant 0 : i32
      %gt3A_91 = arith.cmpi sgt, %add3A_88, %gt3A : i32
      %convert_element_type3A_92 = arith.extui %gt3A_91 : i1 to i32
      %cond3A_93 = arith.constant 0 : i32
      %cond3A_94 = arith.cmpi ne, %convert_element_type3A_92, %cond3A_93 : i32
      scf.if %cond3A_94 {
        %sub3A = arith.constant 2 : i32
        %sub3A_148 = arith.subi %mul3A_90, %sub3A : i32
        %add3A_149 = arith.constant 0 : i32
        %add3A_150 = arith.addi %sub3A_148, %add3A_149 : i32
        %dma_wait3A_151 = arith.constant 0 : i32
        %dma_wait3A_152 = tpu.memref_slice %arg8[%add3A_150, %dma_wait3A_151] : memref<158x128xi32, #tpu.memory_space<vmem>> -> memref<1x128xi32, #tpu.memory_space<vmem>>
        %dma_wait3A_153 = tpu.memref_squeeze %dma_wait3A_152 : memref<1x128xi32, #tpu.memory_space<vmem>> -> memref<128xi32, #tpu.memory_space<vmem>>
        %dma_wait3A_154 = arith.constant 0 : i32
        %dma_wait3A_155 = arith.constant 0 : i32
        %dma_wait3A_156 = tpu.memref_slice %arg13[%dma_wait3A_154, %dma_wait3A_155] : memref<10112x32xf32, #tpu.memory_space<vmem_shared>> -> memref<10112x32xf32, #tpu.memory_space<vmem_shared>>
        tpu.wait_indirect_dma semaphore(%arg19 : memref<!tpu.dma_semaphore, #tpu.memory_space<semaphore_mem>>) src(%arg9 : memref<128x32xf32, #tpu.memory_space<vmem>>) dst(%dma_wait3A_156 : memref<10112x32xf32, #tpu.memory_space<vmem_shared>>)
      } else {
      }
      %add3A_95 = arith.constant 0 : i32
      %add3A_96 = arith.addi %mul3A_90, %add3A_95 : i32
      %dma_start3A_97 = arith.constant 0 : i32
      %dma_start3A_98 = tpu.memref_slice %arg7[%add3A_96, %dma_start3A_97] : memref<158x128xi32, #tpu.memory_space<vmem>> -> memref<1x128xi32, #tpu.memory_space<vmem>>
      %dma_start3A_99 = tpu.memref_squeeze %dma_start3A_98 : memref<1x128xi32, #tpu.memory_space<vmem>> -> memref<128xi32, #tpu.memory_space<vmem>>
      %dma_start3A_100 = arith.constant 0 : i32
      %dma_start3A_101 = arith.constant 0 : i32
      %dma_start3A_102 = tpu.memref_slice %arg14[%dma_start3A_100, %dma_start3A_101] : memref<10000x32xf32, #tpu.memory_space<vmem_shared>> -> memref<10000x32xf32, #tpu.memory_space<vmem_shared>>
      tpu.enqueue_indirect_dma source(%dma_start3A_102 : memref<10000x32xf32, #tpu.memory_space<vmem_shared>>) target(%arg9 : memref<128x32xf32, #tpu.memory_space<vmem>>) offsets(%dma_start3A_99 : memref<128xi32, #tpu.memory_space<vmem>>) semaphore(%arg15 : memref<!tpu.dma_semaphore, #tpu.memory_space<semaphore_mem>>)
      %gt3A_103 = arith.constant 0 : i32
      %gt3A_104 = arith.cmpi sgt, %add3A_88, %gt3A_103 : i32
      %convert_element_type3A_105 = arith.extui %gt3A_104 : i1 to i32
      %cond3A_106 = arith.constant 0 : i32
      %cond3A_107 = arith.cmpi ne, %convert_element_type3A_105, %cond3A_106 : i32
      scf.if %cond3A_107 {
        %sub3A = arith.constant 2 : i32
        %sub3A_148 = arith.subi %mul3A_90, %sub3A : i32
        %add3A_149 = arith.constant 1 : i32
        %add3A_150 = arith.addi %sub3A_148, %add3A_149 : i32
        %dma_wait3A_151 = arith.constant 0 : i32
        %dma_wait3A_152 = tpu.memref_slice %arg8[%add3A_150, %dma_wait3A_151] : memref<158x128xi32, #tpu.memory_space<vmem>> -> memref<1x128xi32, #tpu.memory_space<vmem>>
        %dma_wait3A_153 = tpu.memref_squeeze %dma_wait3A_152 : memref<1x128xi32, #tpu.memory_space<vmem>> -> memref<128xi32, #tpu.memory_space<vmem>>
        %dma_wait3A_154 = arith.constant 0 : i32
        %dma_wait3A_155 = arith.constant 0 : i32
        %dma_wait3A_156 = tpu.memref_slice %arg13[%dma_wait3A_154, %dma_wait3A_155] : memref<10112x32xf32, #tpu.memory_space<vmem_shared>> -> memref<10112x32xf32, #tpu.memory_space<vmem_shared>>
        tpu.wait_indirect_dma semaphore(%arg20 : memref<!tpu.dma_semaphore, #tpu.memory_space<semaphore_mem>>) src(%arg10 : memref<128x32xf32, #tpu.memory_space<vmem>>) dst(%dma_wait3A_156 : memref<10112x32xf32, #tpu.memory_space<vmem_shared>>)
      } else {
      }
      %add3A_108 = arith.constant 1 : i32
      %add3A_109 = arith.addi %mul3A_90, %add3A_108 : i32
      %dma_start3A_110 = arith.constant 0 : i32
      %dma_start3A_111 = tpu.memref_slice %arg7[%add3A_109, %dma_start3A_110] : memref<158x128xi32, #tpu.memory_space<vmem>> -> memref<1x128xi32, #tpu.memory_space<vmem>>
      %dma_start3A_112 = tpu.memref_squeeze %dma_start3A_111 : memref<1x128xi32, #tpu.memory_space<vmem>> -> memref<128xi32, #tpu.memory_space<vmem>>
      %dma_start3A_113 = arith.constant 0 : i32
      %dma_start3A_114 = arith.constant 0 : i32
      %dma_start3A_115 = tpu.memref_slice %arg14[%dma_start3A_113, %dma_start3A_114] : memref<10000x32xf32, #tpu.memory_space<vmem_shared>> -> memref<10000x32xf32, #tpu.memory_space<vmem_shared>>
      tpu.enqueue_indirect_dma source(%dma_start3A_115 : memref<10000x32xf32, #tpu.memory_space<vmem_shared>>) target(%arg10 : memref<128x32xf32, #tpu.memory_space<vmem>>) offsets(%dma_start3A_112 : memref<128xi32, #tpu.memory_space<vmem>>) semaphore(%arg16 : memref<!tpu.dma_semaphore, #tpu.memory_space<semaphore_mem>>)
      %add3A_116 = arith.constant 0 : i32
      %add3A_117 = arith.addi %mul3A_90, %add3A_116 : i32
      %dma_wait3A_118 = arith.constant 0 : i32
      %dma_wait3A_119 = tpu.memref_slice %arg7[%add3A_117, %dma_wait3A_118] : memref<158x128xi32, #tpu.memory_space<vmem>> -> memref<1x128xi32, #tpu.memory_space<vmem>>
      %dma_wait3A_120 = tpu.memref_squeeze %dma_wait3A_119 : memref<1x128xi32, #tpu.memory_space<vmem>> -> memref<128xi32, #tpu.memory_space<vmem>>
      %dma_wait3A_121 = arith.constant 0 : i32
      %dma_wait3A_122 = arith.constant 0 : i32
      %dma_wait3A_123 = tpu.memref_slice %arg14[%dma_wait3A_121, %dma_wait3A_122] : memref<10000x32xf32, #tpu.memory_space<vmem_shared>> -> memref<10000x32xf32, #tpu.memory_space<vmem_shared>>
      tpu.wait_indirect_dma semaphore(%arg15 : memref<!tpu.dma_semaphore, #tpu.memory_space<semaphore_mem>>) src(%dma_wait3A_123 : memref<10000x32xf32, #tpu.memory_space<vmem_shared>>) dst(%arg9 : memref<128x32xf32, #tpu.memory_space<vmem>>)
      %add3A_124 = arith.constant 0 : i32
      %add3A_125 = arith.addi %mul3A_90, %add3A_124 : i32
      %dma_start3A_126 = arith.constant 0 : i32
      %dma_start3A_127 = tpu.memref_slice %arg8[%add3A_125, %dma_start3A_126] : memref<158x128xi32, #tpu.memory_space<vmem>> -> memref<1x128xi32, #tpu.memory_space<vmem>>
      %dma_start3A_128 = tpu.memref_squeeze %dma_start3A_127 : memref<1x128xi32, #tpu.memory_space<vmem>> -> memref<128xi32, #tpu.memory_space<vmem>>
      %dma_start3A_129 = arith.constant 0 : i32
      %dma_start3A_130 = arith.constant 0 : i32
      %dma_start3A_131 = tpu.memref_slice %arg13[%dma_start3A_129, %dma_start3A_130] : memref<10112x32xf32, #tpu.memory_space<vmem_shared>> -> memref<10112x32xf32, #tpu.memory_space<vmem_shared>>
      tpu.enqueue_indirect_dma source(%arg9 : memref<128x32xf32, #tpu.memory_space<vmem>>) target(%dma_start3A_131 : memref<10112x32xf32, #tpu.memory_space<vmem_shared>>) offsets(%dma_start3A_128 : memref<128xi32, #tpu.memory_space<vmem>>) semaphore(%arg19 : memref<!tpu.dma_semaphore, #tpu.memory_space<semaphore_mem>>) {add = true}
      %add3A_132 = arith.constant 1 : i32
      %add3A_133 = arith.addi %mul3A_90, %add3A_132 : i32
      %dma_wait3A_134 = arith.constant 0 : i32
      %dma_wait3A_135 = tpu.memref_slice %arg7[%add3A_133, %dma_wait3A_134] : memref<158x128xi32, #tpu.memory_space<vmem>> -> memref<1x128xi32, #tpu.memory_space<vmem>>
      %dma_wait3A_136 = tpu.memref_squeeze %dma_wait3A_135 : memref<1x128xi32, #tpu.memory_space<vmem>> -> memref<128xi32, #tpu.memory_space<vmem>>
      %dma_wait3A_137 = arith.constant 0 : i32
      %dma_wait3A_138 = arith.constant 0 : i32
      %dma_wait3A_139 = tpu.memref_slice %arg14[%dma_wait3A_137, %dma_wait3A_138] : memref<10000x32xf32, #tpu.memory_space<vmem_shared>> -> memref<10000x32xf32, #tpu.memory_space<vmem_shared>>
      tpu.wait_indirect_dma semaphore(%arg16 : memref<!tpu.dma_semaphore, #tpu.memory_space<semaphore_mem>>) src(%dma_wait3A_139 : memref<10000x32xf32, #tpu.memory_space<vmem_shared>>) dst(%arg10 : memref<128x32xf32, #tpu.memory_space<vmem>>)
      %add3A_140 = arith.constant 1 : i32
      %add3A_141 = arith.addi %mul3A_90, %add3A_140 : i32
      %dma_start3A_142 = arith.constant 0 : i32
      %dma_start3A_143 = tpu.memref_slice %arg8[%add3A_141, %dma_start3A_142] : memref<158x128xi32, #tpu.memory_space<vmem>> -> memref<1x128xi32, #tpu.memory_space<vmem>>
      %dma_start3A_144 = tpu.memref_squeeze %dma_start3A_143 : memref<1x128xi32, #tpu.memory_space<vmem>> -> memref<128xi32, #tpu.memory_space<vmem>>
      %dma_start3A_145 = arith.constant 0 : i32
      %dma_start3A_146 = arith.constant 0 : i32
      %dma_start3A_147 = tpu.memref_slice %arg13[%dma_start3A_145, %dma_start3A_146] : memref<10112x32xf32, #tpu.memory_space<vmem_shared>> -> memref<10112x32xf32, #tpu.memory_space<vmem_shared>>
      tpu.enqueue_indirect_dma source(%arg10 : memref<128x32xf32, #tpu.memory_space<vmem>>) target(%dma_start3A_147 : memref<10112x32xf32, #tpu.memory_space<vmem_shared>>) offsets(%dma_start3A_144 : memref<128xi32, #tpu.memory_space<vmem>>) semaphore(%arg20 : memref<!tpu.dma_semaphore, #tpu.memory_space<semaphore_mem>>) {add = true}
    }
    %scan3A_60 = arith.constant 79 : i32
    %dma_wait3A_61 = arith.constant 156 : i32
    %dma_wait3A_62 = arith.constant 0 : i32
    %dma_wait3A_63 = tpu.memref_slice %arg8[%dma_wait3A_61, %dma_wait3A_62] : memref<158x128xi32, #tpu.memory_space<vmem>> -> memref<1x128xi32, #tpu.memory_space<vmem>>
    %dma_wait3A_64 = tpu.memref_squeeze %dma_wait3A_63 : memref<1x128xi32, #tpu.memory_space<vmem>> -> memref<128xi32, #tpu.memory_space<vmem>>
    %dma_wait3A_65 = arith.constant 0 : i32
    %dma_wait3A_66 = arith.constant 0 : i32
    %dma_wait3A_67 = tpu.memref_slice %arg13[%dma_wait3A_65, %dma_wait3A_66] : memref<10112x32xf32, #tpu.memory_space<vmem_shared>> -> memref<10112x32xf32, #tpu.memory_space<vmem_shared>>
    tpu.wait_indirect_dma semaphore(%arg19 : memref<!tpu.dma_semaphore, #tpu.memory_space<semaphore_mem>>) src(%arg9 : memref<128x32xf32, #tpu.memory_space<vmem>>) dst(%dma_wait3A_67 : memref<10112x32xf32, #tpu.memory_space<vmem_shared>>)
    %dma_wait3A_68 = arith.constant 157 : i32
    %dma_wait3A_69 = arith.constant 0 : i32
    %dma_wait3A_70 = tpu.memref_slice %arg8[%dma_wait3A_68, %dma_wait3A_69] : memref<158x128xi32, #tpu.memory_space<vmem>> -> memref<1x128xi32, #tpu.memory_space<vmem>>
    %dma_wait3A_71 = tpu.memref_squeeze %dma_wait3A_70 : memref<1x128xi32, #tpu.memory_space<vmem>> -> memref<128xi32, #tpu.memory_space<vmem>>
    %dma_wait3A_72 = arith.constant 0 : i32
    %dma_wait3A_73 = arith.constant 0 : i32
    %dma_wait3A_74 = tpu.memref_slice %arg13[%dma_wait3A_72, %dma_wait3A_73] : memref<10112x32xf32, #tpu.memory_space<vmem_shared>> -> memref<10112x32xf32, #tpu.memory_space<vmem_shared>>
    tpu.wait_indirect_dma semaphore(%arg20 : memref<!tpu.dma_semaphore, #tpu.memory_space<semaphore_mem>>) src(%arg10 : memref<128x32xf32, #tpu.memory_space<vmem>>) dst(%dma_wait3A_74 : memref<10112x32xf32, #tpu.memory_space<vmem_shared>>)
    %barrier3A_75 = arith.constant 0 : index
    tpu.barrier barrier_id(%barrier3A_75)
    %mul3A_76 = arith.constant 624 : i32
    %mul3A_77 = arith.muli %arg1, %mul3A_76 : i32
    %mul3A_78 = arith.constant 624 : i32
    %mul3A_79 = arith.muli %arg1, %mul3A_78 : i32
    "tpu.region"() ({
      %run_scoped3A = tpu.sem_alloc : memref<!tpu.dma_semaphore, #tpu.memory_space<semaphore_mem>>
      %dma_start3A_85 = arith.constant 0 : i32
      %dma_start3A_86 = tpu.memref_slice %arg6[%arg0, %mul3A_79, %dma_start3A_85] : memref<2x10000x32xf32, #tpu.memory_space<hbm>> -> memref<1x624x32xf32, #tpu.memory_space<hbm>>
      %dma_start3A_87 = tpu.memref_squeeze %dma_start3A_86 : memref<1x624x32xf32, #tpu.memory_space<hbm>> -> memref<624x32xf32, #tpu.memory_space<hbm>>
      %dma_start3A_88 = arith.constant 0 : i32
      %dma_start3A_89 = tpu.memref_slice %arg13[%mul3A_77, %dma_start3A_88] : memref<10112x32xf32, #tpu.memory_space<vmem_shared>> -> memref<624x32xf32, #tpu.memory_space<vmem_shared>>
      tpu.enqueue_dma source(%dma_start3A_89 : memref<624x32xf32, #tpu.memory_space<vmem_shared>>) target(%dma_start3A_87 : memref<624x32xf32, #tpu.memory_space<hbm>>) target_semaphore(%run_scoped3A : memref<!tpu.dma_semaphore, #tpu.memory_space<semaphore_mem>>)
      %dma_wait3A_90 = arith.constant 0 : i32
      %dma_wait3A_91 = tpu.memref_slice %arg6[%arg0, %mul3A_79, %dma_wait3A_90] : memref<2x10000x32xf32, #tpu.memory_space<hbm>> -> memref<1x624x32xf32, #tpu.memory_space<hbm>>
      %dma_wait3A_92 = tpu.memref_squeeze %dma_wait3A_91 : memref<1x624x32xf32, #tpu.memory_space<hbm>> -> memref<624x32xf32, #tpu.memory_space<hbm>>
      %dma_wait3A_93 = arith.constant 0 : i32
      %dma_wait3A_94 = tpu.memref_slice %arg13[%mul3A_77, %dma_wait3A_93] : memref<10112x32xf32, #tpu.memory_space<vmem_shared>> -> memref<624x32xf32, #tpu.memory_space<vmem_shared>>
      tpu.wait_dma2 semaphore(%run_scoped3A : memref<!tpu.dma_semaphore, #tpu.memory_space<semaphore_mem>>) src(%dma_wait3A_94 : memref<624x32xf32, #tpu.memory_space<vmem_shared>>) dst(%dma_wait3A_92 : memref<624x32xf32, #tpu.memory_space<hbm>>)
      tpu.yield
    }) : () -> ()
    %eq3A_80 = arith.constant 0 : i32
    %eq3A_81 = arith.cmpi eq, %arg1, %eq3A_80 : i32
    %convert_element_type3A_82 = arith.extui %eq3A_81 : i1 to i32
    %cond3A_83 = arith.constant 0 : i32
    %cond3A_84 = arith.cmpi ne, %convert_element_type3A_82, %cond3A_83 : i32
    scf.if %cond3A_84 {
      "tpu.region"() ({
        %run_scoped3A = tpu.sem_alloc : memref<!tpu.dma_semaphore, #tpu.memory_space<semaphore_mem>>
        %dma_start3A_85 = arith.constant 9984 : i32
        %dma_start3A_86 = arith.constant 0 : i32
        %dma_start3A_87 = tpu.memref_slice %arg6[%arg0, %dma_start3A_85, %dma_start3A_86] : memref<2x10000x32xf32, #tpu.memory_space<hbm>> -> memref<1x16x32xf32, #tpu.memory_space<hbm>>
        %dma_start3A_88 = tpu.memref_squeeze %dma_start3A_87 : memref<1x16x32xf32, #tpu.memory_space<hbm>> -> memref<16x32xf32, #tpu.memory_space<hbm>>
        %dma_start3A_89 = arith.constant 9984 : i32
        %dma_start3A_90 = arith.constant 0 : i32
        %dma_start3A_91 = tpu.memref_slice %arg13[%dma_start3A_89, %dma_start3A_90] : memref<10112x32xf32, #tpu.memory_space<vmem_shared>> -> memref<16x32xf32, #tpu.memory_space<vmem_shared>>
        tpu.enqueue_dma source(%dma_start3A_91 : memref<16x32xf32, #tpu.memory_space<vmem_shared>>) target(%dma_start3A_88 : memref<16x32xf32, #tpu.memory_space<hbm>>) target_semaphore(%run_scoped3A : memref<!tpu.dma_semaphore, #tpu.memory_space<semaphore_mem>>)
        %dma_wait3A_92 = arith.constant 9984 : i32
        %dma_wait3A_93 = arith.constant 0 : i32
        %dma_wait3A_94 = tpu.memref_slice %arg6[%arg0, %dma_wait3A_92, %dma_wait3A_93] : memref<2x10000x32xf32, #tpu.memory_space<hbm>> -> memref<1x16x32xf32, #tpu.memory_space<hbm>>
        %dma_wait3A_95 = tpu.memref_squeeze %dma_wait3A_94 : memref<1x16x32xf32, #tpu.memory_space<hbm>> -> memref<16x32xf32, #tpu.memory_space<hbm>>
        %dma_wait3A_96 = arith.constant 9984 : i32
        %dma_wait3A_97 = arith.constant 0 : i32
        %dma_wait3A_98 = tpu.memref_slice %arg13[%dma_wait3A_96, %dma_wait3A_97] : memref<10112x32xf32, #tpu.memory_space<vmem_shared>> -> memref<16x32xf32, #tpu.memory_space<vmem_shared>>
        tpu.wait_dma2 semaphore(%run_scoped3A : memref<!tpu.dma_semaphore, #tpu.memory_space<semaphore_mem>>) src(%dma_wait3A_98 : memref<16x32xf32, #tpu.memory_space<vmem_shared>>) dst(%dma_wait3A_95 : memref<16x32xf32, #tpu.memory_space<hbm>>)
        tpu.yield
      }) : () -> ()
    } else {
    }
    return
  }
}

#map = affine_map<(d0, d1) -> (0, 0, 0)>
#map1 = affine_map<(d0, d1) -> (0, 0)>
module attributes {stable_mosaic.version = 14 : i64} {
  func.func @_sc_prop_body(%arg0: i32, %arg1: i32, %arg2: memref<2x10000x32xf32, #tpu.memory_space<hbm>>, %arg3: memref<16x158x128xi32, #tpu.memory_space<hbm>>, %arg4: memref<16x158x128xi32, #tpu.memory_space<hbm>>, %arg5: memref<10112x32xf32, #tpu.memory_space<hbm>>, %arg6: memref<2x10000x32xf32, #tpu.memory_space<hbm>>, %arg7: memref<158x128xi32, #tpu.memory_space<vmem>>, %arg8: memref<158x128xi32, #tpu.memory_space<vmem>>, %arg9: memref<128x32xf32, #tpu.memory_space<vmem>>, %arg10: memref<128x32xf32, #tpu.memory_space<vmem>>, %arg11: memref<128x32xf32, #tpu.memory_space<vmem>>, %arg12: memref<128x32xf32, #tpu.memory_space<vmem>>, %arg13: memref<10112x32xf32, #tpu.memory_space<vmem_shared>>, %arg14: memref<10000x32xf32, #tpu.memory_space<vmem_shared>>, %arg15: memref<!tpu.dma_semaphore, #tpu.memory_space<semaphore_mem>>, %arg16: memref<!tpu.dma_semaphore, #tpu.memory_space<semaphore_mem>>, %arg17: memref<!tpu.dma_semaphore, #tpu.memory_space<semaphore_mem>>, %arg18: memref<!tpu.dma_semaphore, #tpu.memory_space<semaphore_mem>>, %arg19: memref<!tpu.dma_semaphore, #tpu.memory_space<semaphore_mem>>, %arg20: memref<!tpu.dma_semaphore, #tpu.memory_space<semaphore_mem>>, %arg21: memref<!tpu.dma_semaphore, #tpu.memory_space<semaphore_mem>>, %arg22: memref<!tpu.dma_semaphore, #tpu.memory_space<semaphore_mem>>) attributes {dimension_semantics = [#tpu.dimension_semantics<core_parallel>, #tpu.dimension_semantics<subcore_parallel>], iteration_bounds = array<i64: 2, 16>, scalar_prefetch = 0 : i64, scratch_operands = 16 : i64, tpu.core_type = #tpu.core_type<sc_vector_subcore>, window_params = [{transform_indices = #map}, {transform_indices = #map}, {transform_indices = #map}, {transform_indices = #map1}, {transform_indices = #map}]} {
    %mul3A = arith.constant 632 : i32
    %mul3A_0 = arith.muli %arg1, %mul3A : i32
    %mul3A_1 = arith.constant 632 : i32
    %mul3A_2 = arith.muli %arg1, %mul3A_1 : i32
    %dma_start3A = arith.constant 0 : i32
    %dma_start3A_3 = tpu.memref_slice %arg13[%mul3A_2, %dma_start3A] : memref<10112x32xf32, #tpu.memory_space<vmem_shared>> -> memref<632x32xf32, #tpu.memory_space<vmem_shared>>
    %dma_start3A_4 = arith.constant 0 : i32
    %dma_start3A_5 = tpu.memref_slice %arg5[%mul3A_0, %dma_start3A_4] : memref<10112x32xf32, #tpu.memory_space<hbm>> -> memref<632x32xf32, #tpu.memory_space<hbm>>
    tpu.enqueue_dma source(%dma_start3A_5 : memref<632x32xf32, #tpu.memory_space<hbm>>) target(%dma_start3A_3 : memref<632x32xf32, #tpu.memory_space<vmem_shared>>) target_semaphore(%arg15 : memref<!tpu.dma_semaphore, #tpu.memory_space<semaphore_mem>>)
    %mul3A_6 = arith.constant 624 : i32
    %mul3A_7 = arith.muli %arg1, %mul3A_6 : i32
    %mul3A_8 = arith.constant 624 : i32
    %mul3A_9 = arith.muli %arg1, %mul3A_8 : i32
    %dma_start3A_10 = arith.constant 0 : i32
    %dma_start3A_11 = tpu.memref_slice %arg14[%mul3A_9, %dma_start3A_10] : memref<10000x32xf32, #tpu.memory_space<vmem_shared>> -> memref<624x32xf32, #tpu.memory_space<vmem_shared>>
    %dma_start3A_12 = arith.constant 0 : i32
    %dma_start3A_13 = tpu.memref_slice %arg2[%arg0, %mul3A_7, %dma_start3A_12] : memref<2x10000x32xf32, #tpu.memory_space<hbm>> -> memref<1x624x32xf32, #tpu.memory_space<hbm>>
    %dma_start3A_14 = tpu.memref_squeeze %dma_start3A_13 : memref<1x624x32xf32, #tpu.memory_space<hbm>> -> memref<624x32xf32, #tpu.memory_space<hbm>>
    tpu.enqueue_dma source(%dma_start3A_14 : memref<624x32xf32, #tpu.memory_space<hbm>>) target(%dma_start3A_11 : memref<624x32xf32, #tpu.memory_space<vmem_shared>>) target_semaphore(%arg16 : memref<!tpu.dma_semaphore, #tpu.memory_space<semaphore_mem>>)
    %dma_start3A_15 = arith.constant 0 : i32
    %dma_start3A_16 = arith.constant 0 : i32
    %dma_start3A_17 = tpu.memref_slice %arg3[%arg1, %dma_start3A_15, %dma_start3A_16] : memref<16x158x128xi32, #tpu.memory_space<hbm>> -> memref<1x158x128xi32, #tpu.memory_space<hbm>>
    %dma_start3A_18 = tpu.memref_squeeze %dma_start3A_17 : memref<1x158x128xi32, #tpu.memory_space<hbm>> -> memref<158x128xi32, #tpu.memory_space<hbm>>
    %dma_start3A_19 = arith.constant 0 : i32
    %dma_start3A_20 = arith.constant 0 : i32
    %dma_start3A_21 = tpu.memref_slice %arg3[%arg1, %dma_start3A_19, %dma_start3A_20] : memref<16x158x128xi32, #tpu.memory_space<hbm>> -> memref<1x158x128xi32, #tpu.memory_space<hbm>>
    %dma_start3A_22 = tpu.memref_squeeze %dma_start3A_21 : memref<1x158x128xi32, #tpu.memory_space<hbm>> -> memref<158x128xi32, #tpu.memory_space<hbm>>
    tpu.enqueue_dma source(%dma_start3A_22 : memref<158x128xi32, #tpu.memory_space<hbm>>) target(%arg7 : memref<158x128xi32, #tpu.memory_space<vmem>>) target_semaphore(%arg17 : memref<!tpu.dma_semaphore, #tpu.memory_space<semaphore_mem>>)
    %dma_start3A_23 = arith.constant 0 : i32
    %dma_start3A_24 = arith.constant 0 : i32
    %dma_start3A_25 = tpu.memref_slice %arg4[%arg1, %dma_start3A_23, %dma_start3A_24] : memref<16x158x128xi32, #tpu.memory_space<hbm>> -> memref<1x158x128xi32, #tpu.memory_space<hbm>>
    %dma_start3A_26 = tpu.memref_squeeze %dma_start3A_25 : memref<1x158x128xi32, #tpu.memory_space<hbm>> -> memref<158x128xi32, #tpu.memory_space<hbm>>
    %dma_start3A_27 = arith.constant 0 : i32
    %dma_start3A_28 = arith.constant 0 : i32
    %dma_start3A_29 = tpu.memref_slice %arg4[%arg1, %dma_start3A_27, %dma_start3A_28] : memref<16x158x128xi32, #tpu.memory_space<hbm>> -> memref<1x158x128xi32, #tpu.memory_space<hbm>>
    %dma_start3A_30 = tpu.memref_squeeze %dma_start3A_29 : memref<1x158x128xi32, #tpu.memory_space<hbm>> -> memref<158x128xi32, #tpu.memory_space<hbm>>
    tpu.enqueue_dma source(%dma_start3A_30 : memref<158x128xi32, #tpu.memory_space<hbm>>) target(%arg8 : memref<158x128xi32, #tpu.memory_space<vmem>>) target_semaphore(%arg18 : memref<!tpu.dma_semaphore, #tpu.memory_space<semaphore_mem>>)
    %eq3A = arith.constant 0 : i32
    %eq3A_31 = arith.cmpi eq, %arg1, %eq3A : i32
    %convert_element_type3A = arith.extui %eq3A_31 : i1 to i32
    %cond3A = arith.constant 0 : i32
    %cond3A_32 = arith.cmpi ne, %convert_element_type3A, %cond3A : i32
    scf.if %cond3A_32 {
      "tpu.region"() ({
        %run_scoped3A = tpu.sem_alloc : memref<!tpu.dma_semaphore, #tpu.memory_space<semaphore_mem>>
        %dma_start3A_85 = arith.constant 9984 : i32
        %dma_start3A_86 = arith.constant 0 : i32
        %dma_start3A_87 = tpu.memref_slice %arg14[%dma_start3A_85, %dma_start3A_86] : memref<10000x32xf32, #tpu.memory_space<vmem_shared>> -> memref<16x32xf32, #tpu.memory_space<vmem_shared>>
        %dma_start3A_88 = arith.constant 9984 : i32
        %dma_start3A_89 = arith.constant 0 : i32
        %dma_start3A_90 = tpu.memref_slice %arg2[%arg0, %dma_start3A_88, %dma_start3A_89] : memref<2x10000x32xf32, #tpu.memory_space<hbm>> -> memref<1x16x32xf32, #tpu.memory_space<hbm>>
        %dma_start3A_91 = tpu.memref_squeeze %dma_start3A_90 : memref<1x16x32xf32, #tpu.memory_space<hbm>> -> memref<16x32xf32, #tpu.memory_space<hbm>>
        tpu.enqueue_dma source(%dma_start3A_91 : memref<16x32xf32, #tpu.memory_space<hbm>>) target(%dma_start3A_87 : memref<16x32xf32, #tpu.memory_space<vmem_shared>>) target_semaphore(%run_scoped3A : memref<!tpu.dma_semaphore, #tpu.memory_space<semaphore_mem>>)
        %dma_wait3A_92 = arith.constant 9984 : i32
        %dma_wait3A_93 = arith.constant 0 : i32
        %dma_wait3A_94 = tpu.memref_slice %arg14[%dma_wait3A_92, %dma_wait3A_93] : memref<10000x32xf32, #tpu.memory_space<vmem_shared>> -> memref<16x32xf32, #tpu.memory_space<vmem_shared>>
        %dma_wait3A_95 = arith.constant 9984 : i32
        %dma_wait3A_96 = arith.constant 0 : i32
        %dma_wait3A_97 = tpu.memref_slice %arg2[%arg0, %dma_wait3A_95, %dma_wait3A_96] : memref<2x10000x32xf32, #tpu.memory_space<hbm>> -> memref<1x16x32xf32, #tpu.memory_space<hbm>>
        %dma_wait3A_98 = tpu.memref_squeeze %dma_wait3A_97 : memref<1x16x32xf32, #tpu.memory_space<hbm>> -> memref<16x32xf32, #tpu.memory_space<hbm>>
        tpu.wait_dma2 semaphore(%run_scoped3A : memref<!tpu.dma_semaphore, #tpu.memory_space<semaphore_mem>>) src(%dma_wait3A_98 : memref<16x32xf32, #tpu.memory_space<hbm>>) dst(%dma_wait3A_94 : memref<16x32xf32, #tpu.memory_space<vmem_shared>>)
        tpu.yield
      }) : () -> ()
    } else {
    }
    %dma_wait3A = arith.constant 0 : i32
    %dma_wait3A_33 = tpu.memref_slice %arg13[%mul3A_2, %dma_wait3A] : memref<10112x32xf32, #tpu.memory_space<vmem_shared>> -> memref<632x32xf32, #tpu.memory_space<vmem_shared>>
    %dma_wait3A_34 = arith.constant 0 : i32
    %dma_wait3A_35 = tpu.memref_slice %arg5[%mul3A_0, %dma_wait3A_34] : memref<10112x32xf32, #tpu.memory_space<hbm>> -> memref<632x32xf32, #tpu.memory_space<hbm>>
    tpu.wait_dma2 semaphore(%arg15 : memref<!tpu.dma_semaphore, #tpu.memory_space<semaphore_mem>>) src(%dma_wait3A_35 : memref<632x32xf32, #tpu.memory_space<hbm>>) dst(%dma_wait3A_33 : memref<632x32xf32, #tpu.memory_space<vmem_shared>>)
    %dma_wait3A_36 = arith.constant 0 : i32
    %dma_wait3A_37 = tpu.memref_slice %arg14[%mul3A_9, %dma_wait3A_36] : memref<10000x32xf32, #tpu.memory_space<vmem_shared>> -> memref<624x32xf32, #tpu.memory_space<vmem_shared>>
    %dma_wait3A_38 = arith.constant 0 : i32
    %dma_wait3A_39 = tpu.memref_slice %arg2[%arg0, %mul3A_7, %dma_wait3A_38] : memref<2x10000x32xf32, #tpu.memory_space<hbm>> -> memref<1x624x32xf32, #tpu.memory_space<hbm>>
    %dma_wait3A_40 = tpu.memref_squeeze %dma_wait3A_39 : memref<1x624x32xf32, #tpu.memory_space<hbm>> -> memref<624x32xf32, #tpu.memory_space<hbm>>
    tpu.wait_dma2 semaphore(%arg16 : memref<!tpu.dma_semaphore, #tpu.memory_space<semaphore_mem>>) src(%dma_wait3A_40 : memref<624x32xf32, #tpu.memory_space<hbm>>) dst(%dma_wait3A_37 : memref<624x32xf32, #tpu.memory_space<vmem_shared>>)
    %dma_wait3A_41 = arith.constant 0 : i32
    %dma_wait3A_42 = arith.constant 0 : i32
    %dma_wait3A_43 = tpu.memref_slice %arg3[%arg1, %dma_wait3A_41, %dma_wait3A_42] : memref<16x158x128xi32, #tpu.memory_space<hbm>> -> memref<1x158x128xi32, #tpu.memory_space<hbm>>
    %dma_wait3A_44 = tpu.memref_squeeze %dma_wait3A_43 : memref<1x158x128xi32, #tpu.memory_space<hbm>> -> memref<158x128xi32, #tpu.memory_space<hbm>>
    %dma_wait3A_45 = arith.constant 0 : i32
    %dma_wait3A_46 = arith.constant 0 : i32
    %dma_wait3A_47 = tpu.memref_slice %arg3[%arg1, %dma_wait3A_45, %dma_wait3A_46] : memref<16x158x128xi32, #tpu.memory_space<hbm>> -> memref<1x158x128xi32, #tpu.memory_space<hbm>>
    %dma_wait3A_48 = tpu.memref_squeeze %dma_wait3A_47 : memref<1x158x128xi32, #tpu.memory_space<hbm>> -> memref<158x128xi32, #tpu.memory_space<hbm>>
    tpu.wait_dma2 semaphore(%arg17 : memref<!tpu.dma_semaphore, #tpu.memory_space<semaphore_mem>>) src(%dma_wait3A_48 : memref<158x128xi32, #tpu.memory_space<hbm>>) dst(%arg7 : memref<158x128xi32, #tpu.memory_space<vmem>>)
    %dma_wait3A_49 = arith.constant 0 : i32
    %dma_wait3A_50 = arith.constant 0 : i32
    %dma_wait3A_51 = tpu.memref_slice %arg4[%arg1, %dma_wait3A_49, %dma_wait3A_50] : memref<16x158x128xi32, #tpu.memory_space<hbm>> -> memref<1x158x128xi32, #tpu.memory_space<hbm>>
    %dma_wait3A_52 = tpu.memref_squeeze %dma_wait3A_51 : memref<1x158x128xi32, #tpu.memory_space<hbm>> -> memref<158x128xi32, #tpu.memory_space<hbm>>
    %dma_wait3A_53 = arith.constant 0 : i32
    %dma_wait3A_54 = arith.constant 0 : i32
    %dma_wait3A_55 = tpu.memref_slice %arg4[%arg1, %dma_wait3A_53, %dma_wait3A_54] : memref<16x158x128xi32, #tpu.memory_space<hbm>> -> memref<1x158x128xi32, #tpu.memory_space<hbm>>
    %dma_wait3A_56 = tpu.memref_squeeze %dma_wait3A_55 : memref<1x158x128xi32, #tpu.memory_space<hbm>> -> memref<158x128xi32, #tpu.memory_space<hbm>>
    tpu.wait_dma2 semaphore(%arg18 : memref<!tpu.dma_semaphore, #tpu.memory_space<semaphore_mem>>) src(%dma_wait3A_56 : memref<158x128xi32, #tpu.memory_space<hbm>>) dst(%arg8 : memref<158x128xi32, #tpu.memory_space<vmem>>)
    %barrier3A = arith.constant 0 : index
    tpu.barrier barrier_id(%barrier3A)
    %scan3A = arith.constant 0 : i32
    %scan3A_57 = arith.constant 79 : i32
    %scan3A_58 = arith.addi %scan3A, %scan3A_57 : i32
    %scan3A_59 = arith.constant 1 : i32
    scf.for %scan3A_85 = %scan3A to %scan3A_58 step %scan3A_59  : i32 {
      %mul3A_86 = arith.constant 1 : i32
      %mul3A_87 = arith.muli %scan3A_85, %mul3A_86 : i32
      %add3A = arith.constant 0 : i32
      %add3A_88 = arith.addi %add3A, %mul3A_87 : i32
      %mul3A_89 = arith.constant 2 : i32
      %mul3A_90 = arith.muli %add3A_88, %mul3A_89 : i32
      %gt3A = arith.constant 0 : i32
      %gt3A_91 = arith.cmpi sgt, %add3A_88, %gt3A : i32
      %convert_element_type3A_92 = arith.extui %gt3A_91 : i1 to i32
      %cond3A_93 = arith.constant 0 : i32
      %cond3A_94 = arith.cmpi ne, %convert_element_type3A_92, %cond3A_93 : i32
      scf.if %cond3A_94 {
        %sub3A = arith.constant 2 : i32
        %sub3A_148 = arith.subi %mul3A_90, %sub3A : i32
        %add3A_149 = arith.constant 0 : i32
        %add3A_150 = arith.addi %sub3A_148, %add3A_149 : i32
        %dma_wait3A_151 = arith.constant 0 : i32
        %dma_wait3A_152 = tpu.memref_slice %arg8[%add3A_150, %dma_wait3A_151] : memref<158x128xi32, #tpu.memory_space<vmem>> -> memref<1x128xi32, #tpu.memory_space<vmem>>
        %dma_wait3A_153 = tpu.memref_squeeze %dma_wait3A_152 : memref<1x128xi32, #tpu.memory_space<vmem>> -> memref<128xi32, #tpu.memory_space<vmem>>
        %dma_wait3A_154 = arith.constant 0 : i32
        %dma_wait3A_155 = arith.constant 0 : i32
        %dma_wait3A_156 = tpu.memref_slice %arg13[%dma_wait3A_154, %dma_wait3A_155] : memref<10112x32xf32, #tpu.memory_space<vmem_shared>> -> memref<10112x32xf32, #tpu.memory_space<vmem_shared>>
        tpu.wait_indirect_dma semaphore(%arg19 : memref<!tpu.dma_semaphore, #tpu.memory_space<semaphore_mem>>) src(%arg9 : memref<128x32xf32, #tpu.memory_space<vmem>>) dst(%dma_wait3A_156 : memref<10112x32xf32, #tpu.memory_space<vmem_shared>>)
      } else {
      }
      %add3A_95 = arith.constant 0 : i32
      %add3A_96 = arith.addi %mul3A_90, %add3A_95 : i32
      %dma_start3A_97 = arith.constant 0 : i32
      %dma_start3A_98 = tpu.memref_slice %arg7[%add3A_96, %dma_start3A_97] : memref<158x128xi32, #tpu.memory_space<vmem>> -> memref<1x128xi32, #tpu.memory_space<vmem>>
      %dma_start3A_99 = tpu.memref_squeeze %dma_start3A_98 : memref<1x128xi32, #tpu.memory_space<vmem>> -> memref<128xi32, #tpu.memory_space<vmem>>
      %dma_start3A_100 = arith.constant 0 : i32
      %dma_start3A_101 = arith.constant 0 : i32
      %dma_start3A_102 = tpu.memref_slice %arg14[%dma_start3A_100, %dma_start3A_101] : memref<10000x32xf32, #tpu.memory_space<vmem_shared>> -> memref<10000x32xf32, #tpu.memory_space<vmem_shared>>
      tpu.enqueue_indirect_dma source(%dma_start3A_102 : memref<10000x32xf32, #tpu.memory_space<vmem_shared>>) target(%arg9 : memref<128x32xf32, #tpu.memory_space<vmem>>) offsets(%dma_start3A_99 : memref<128xi32, #tpu.memory_space<vmem>>) semaphore(%arg15 : memref<!tpu.dma_semaphore, #tpu.memory_space<semaphore_mem>>)
      %gt3A_103 = arith.constant 0 : i32
      %gt3A_104 = arith.cmpi sgt, %add3A_88, %gt3A_103 : i32
      %convert_element_type3A_105 = arith.extui %gt3A_104 : i1 to i32
      %cond3A_106 = arith.constant 0 : i32
      %cond3A_107 = arith.cmpi ne, %convert_element_type3A_105, %cond3A_106 : i32
      scf.if %cond3A_107 {
        %sub3A = arith.constant 2 : i32
        %sub3A_148 = arith.subi %mul3A_90, %sub3A : i32
        %add3A_149 = arith.constant 1 : i32
        %add3A_150 = arith.addi %sub3A_148, %add3A_149 : i32
        %dma_wait3A_151 = arith.constant 0 : i32
        %dma_wait3A_152 = tpu.memref_slice %arg8[%add3A_150, %dma_wait3A_151] : memref<158x128xi32, #tpu.memory_space<vmem>> -> memref<1x128xi32, #tpu.memory_space<vmem>>
        %dma_wait3A_153 = tpu.memref_squeeze %dma_wait3A_152 : memref<1x128xi32, #tpu.memory_space<vmem>> -> memref<128xi32, #tpu.memory_space<vmem>>
        %dma_wait3A_154 = arith.constant 0 : i32
        %dma_wait3A_155 = arith.constant 0 : i32
        %dma_wait3A_156 = tpu.memref_slice %arg13[%dma_wait3A_154, %dma_wait3A_155] : memref<10112x32xf32, #tpu.memory_space<vmem_shared>> -> memref<10112x32xf32, #tpu.memory_space<vmem_shared>>
        tpu.wait_indirect_dma semaphore(%arg20 : memref<!tpu.dma_semaphore, #tpu.memory_space<semaphore_mem>>) src(%arg10 : memref<128x32xf32, #tpu.memory_space<vmem>>) dst(%dma_wait3A_156 : memref<10112x32xf32, #tpu.memory_space<vmem_shared>>)
      } else {
      }
      %add3A_108 = arith.constant 1 : i32
      %add3A_109 = arith.addi %mul3A_90, %add3A_108 : i32
      %dma_start3A_110 = arith.constant 0 : i32
      %dma_start3A_111 = tpu.memref_slice %arg7[%add3A_109, %dma_start3A_110] : memref<158x128xi32, #tpu.memory_space<vmem>> -> memref<1x128xi32, #tpu.memory_space<vmem>>
      %dma_start3A_112 = tpu.memref_squeeze %dma_start3A_111 : memref<1x128xi32, #tpu.memory_space<vmem>> -> memref<128xi32, #tpu.memory_space<vmem>>
      %dma_start3A_113 = arith.constant 0 : i32
      %dma_start3A_114 = arith.constant 0 : i32
      %dma_start3A_115 = tpu.memref_slice %arg14[%dma_start3A_113, %dma_start3A_114] : memref<10000x32xf32, #tpu.memory_space<vmem_shared>> -> memref<10000x32xf32, #tpu.memory_space<vmem_shared>>
      tpu.enqueue_indirect_dma source(%dma_start3A_115 : memref<10000x32xf32, #tpu.memory_space<vmem_shared>>) target(%arg10 : memref<128x32xf32, #tpu.memory_space<vmem>>) offsets(%dma_start3A_112 : memref<128xi32, #tpu.memory_space<vmem>>) semaphore(%arg16 : memref<!tpu.dma_semaphore, #tpu.memory_space<semaphore_mem>>)
      %add3A_116 = arith.constant 0 : i32
      %add3A_117 = arith.addi %mul3A_90, %add3A_116 : i32
      %dma_wait3A_118 = arith.constant 0 : i32
      %dma_wait3A_119 = tpu.memref_slice %arg7[%add3A_117, %dma_wait3A_118] : memref<158x128xi32, #tpu.memory_space<vmem>> -> memref<1x128xi32, #tpu.memory_space<vmem>>
      %dma_wait3A_120 = tpu.memref_squeeze %dma_wait3A_119 : memref<1x128xi32, #tpu.memory_space<vmem>> -> memref<128xi32, #tpu.memory_space<vmem>>
      %dma_wait3A_121 = arith.constant 0 : i32
      %dma_wait3A_122 = arith.constant 0 : i32
      %dma_wait3A_123 = tpu.memref_slice %arg14[%dma_wait3A_121, %dma_wait3A_122] : memref<10000x32xf32, #tpu.memory_space<vmem_shared>> -> memref<10000x32xf32, #tpu.memory_space<vmem_shared>>
      tpu.wait_indirect_dma semaphore(%arg15 : memref<!tpu.dma_semaphore, #tpu.memory_space<semaphore_mem>>) src(%dma_wait3A_123 : memref<10000x32xf32, #tpu.memory_space<vmem_shared>>) dst(%arg9 : memref<128x32xf32, #tpu.memory_space<vmem>>)
      %add3A_124 = arith.constant 0 : i32
      %add3A_125 = arith.addi %mul3A_90, %add3A_124 : i32
      %dma_start3A_126 = arith.constant 0 : i32
      %dma_start3A_127 = tpu.memref_slice %arg8[%add3A_125, %dma_start3A_126] : memref<158x128xi32, #tpu.memory_space<vmem>> -> memref<1x128xi32, #tpu.memory_space<vmem>>
      %dma_start3A_128 = tpu.memref_squeeze %dma_start3A_127 : memref<1x128xi32, #tpu.memory_space<vmem>> -> memref<128xi32, #tpu.memory_space<vmem>>
      %dma_start3A_129 = arith.constant 0 : i32
      %dma_start3A_130 = arith.constant 0 : i32
      %dma_start3A_131 = tpu.memref_slice %arg13[%dma_start3A_129, %dma_start3A_130] : memref<10112x32xf32, #tpu.memory_space<vmem_shared>> -> memref<10112x32xf32, #tpu.memory_space<vmem_shared>>
      tpu.enqueue_indirect_dma source(%arg9 : memref<128x32xf32, #tpu.memory_space<vmem>>) target(%dma_start3A_131 : memref<10112x32xf32, #tpu.memory_space<vmem_shared>>) offsets(%dma_start3A_128 : memref<128xi32, #tpu.memory_space<vmem>>) semaphore(%arg19 : memref<!tpu.dma_semaphore, #tpu.memory_space<semaphore_mem>>) {add = true}
      %add3A_132 = arith.constant 1 : i32
      %add3A_133 = arith.addi %mul3A_90, %add3A_132 : i32
      %dma_wait3A_134 = arith.constant 0 : i32
      %dma_wait3A_135 = tpu.memref_slice %arg7[%add3A_133, %dma_wait3A_134] : memref<158x128xi32, #tpu.memory_space<vmem>> -> memref<1x128xi32, #tpu.memory_space<vmem>>
      %dma_wait3A_136 = tpu.memref_squeeze %dma_wait3A_135 : memref<1x128xi32, #tpu.memory_space<vmem>> -> memref<128xi32, #tpu.memory_space<vmem>>
      %dma_wait3A_137 = arith.constant 0 : i32
      %dma_wait3A_138 = arith.constant 0 : i32
      %dma_wait3A_139 = tpu.memref_slice %arg14[%dma_wait3A_137, %dma_wait3A_138] : memref<10000x32xf32, #tpu.memory_space<vmem_shared>> -> memref<10000x32xf32, #tpu.memory_space<vmem_shared>>
      tpu.wait_indirect_dma semaphore(%arg16 : memref<!tpu.dma_semaphore, #tpu.memory_space<semaphore_mem>>) src(%dma_wait3A_139 : memref<10000x32xf32, #tpu.memory_space<vmem_shared>>) dst(%arg10 : memref<128x32xf32, #tpu.memory_space<vmem>>)
      %add3A_140 = arith.constant 1 : i32
      %add3A_141 = arith.addi %mul3A_90, %add3A_140 : i32
      %dma_start3A_142 = arith.constant 0 : i32
      %dma_start3A_143 = tpu.memref_slice %arg8[%add3A_141, %dma_start3A_142] : memref<158x128xi32, #tpu.memory_space<vmem>> -> memref<1x128xi32, #tpu.memory_space<vmem>>
      %dma_start3A_144 = tpu.memref_squeeze %dma_start3A_143 : memref<1x128xi32, #tpu.memory_space<vmem>> -> memref<128xi32, #tpu.memory_space<vmem>>
      %dma_start3A_145 = arith.constant 0 : i32
      %dma_start3A_146 = arith.constant 0 : i32
      %dma_start3A_147 = tpu.memref_slice %arg13[%dma_start3A_145, %dma_start3A_146] : memref<10112x32xf32, #tpu.memory_space<vmem_shared>> -> memref<10112x32xf32, #tpu.memory_space<vmem_shared>>
      tpu.enqueue_indirect_dma source(%arg10 : memref<128x32xf32, #tpu.memory_space<vmem>>) target(%dma_start3A_147 : memref<10112x32xf32, #tpu.memory_space<vmem_shared>>) offsets(%dma_start3A_144 : memref<128xi32, #tpu.memory_space<vmem>>) semaphore(%arg20 : memref<!tpu.dma_semaphore, #tpu.memory_space<semaphore_mem>>) {add = true}
    }
    %scan3A_60 = arith.constant 79 : i32
    %dma_wait3A_61 = arith.constant 156 : i32
    %dma_wait3A_62 = arith.constant 0 : i32
    %dma_wait3A_63 = tpu.memref_slice %arg8[%dma_wait3A_61, %dma_wait3A_62] : memref<158x128xi32, #tpu.memory_space<vmem>> -> memref<1x128xi32, #tpu.memory_space<vmem>>
    %dma_wait3A_64 = tpu.memref_squeeze %dma_wait3A_63 : memref<1x128xi32, #tpu.memory_space<vmem>> -> memref<128xi32, #tpu.memory_space<vmem>>
    %dma_wait3A_65 = arith.constant 0 : i32
    %dma_wait3A_66 = arith.constant 0 : i32
    %dma_wait3A_67 = tpu.memref_slice %arg13[%dma_wait3A_65, %dma_wait3A_66] : memref<10112x32xf32, #tpu.memory_space<vmem_shared>> -> memref<10112x32xf32, #tpu.memory_space<vmem_shared>>
    tpu.wait_indirect_dma semaphore(%arg19 : memref<!tpu.dma_semaphore, #tpu.memory_space<semaphore_mem>>) src(%arg9 : memref<128x32xf32, #tpu.memory_space<vmem>>) dst(%dma_wait3A_67 : memref<10112x32xf32, #tpu.memory_space<vmem_shared>>)
    %dma_wait3A_68 = arith.constant 157 : i32
    %dma_wait3A_69 = arith.constant 0 : i32
    %dma_wait3A_70 = tpu.memref_slice %arg8[%dma_wait3A_68, %dma_wait3A_69] : memref<158x128xi32, #tpu.memory_space<vmem>> -> memref<1x128xi32, #tpu.memory_space<vmem>>
    %dma_wait3A_71 = tpu.memref_squeeze %dma_wait3A_70 : memref<1x128xi32, #tpu.memory_space<vmem>> -> memref<128xi32, #tpu.memory_space<vmem>>
    %dma_wait3A_72 = arith.constant 0 : i32
    %dma_wait3A_73 = arith.constant 0 : i32
    %dma_wait3A_74 = tpu.memref_slice %arg13[%dma_wait3A_72, %dma_wait3A_73] : memref<10112x32xf32, #tpu.memory_space<vmem_shared>> -> memref<10112x32xf32, #tpu.memory_space<vmem_shared>>
    tpu.wait_indirect_dma semaphore(%arg20 : memref<!tpu.dma_semaphore, #tpu.memory_space<semaphore_mem>>) src(%arg10 : memref<128x32xf32, #tpu.memory_space<vmem>>) dst(%dma_wait3A_74 : memref<10112x32xf32, #tpu.memory_space<vmem_shared>>)
    %barrier3A_75 = arith.constant 0 : index
    tpu.barrier barrier_id(%barrier3A_75)
    %mul3A_76 = arith.constant 624 : i32
    %mul3A_77 = arith.muli %arg1, %mul3A_76 : i32
    %mul3A_78 = arith.constant 624 : i32
    %mul3A_79 = arith.muli %arg1, %mul3A_78 : i32
    "tpu.region"() ({
      %run_scoped3A = tpu.sem_alloc : memref<!tpu.dma_semaphore, #tpu.memory_space<semaphore_mem>>
      %dma_start3A_85 = arith.constant 0 : i32
      %dma_start3A_86 = tpu.memref_slice %arg6[%arg0, %mul3A_79, %dma_start3A_85] : memref<2x10000x32xf32, #tpu.memory_space<hbm>> -> memref<1x624x32xf32, #tpu.memory_space<hbm>>
      %dma_start3A_87 = tpu.memref_squeeze %dma_start3A_86 : memref<1x624x32xf32, #tpu.memory_space<hbm>> -> memref<624x32xf32, #tpu.memory_space<hbm>>
      %dma_start3A_88 = arith.constant 0 : i32
      %dma_start3A_89 = tpu.memref_slice %arg13[%mul3A_77, %dma_start3A_88] : memref<10112x32xf32, #tpu.memory_space<vmem_shared>> -> memref<624x32xf32, #tpu.memory_space<vmem_shared>>
      tpu.enqueue_dma source(%dma_start3A_89 : memref<624x32xf32, #tpu.memory_space<vmem_shared>>) target(%dma_start3A_87 : memref<624x32xf32, #tpu.memory_space<hbm>>) target_semaphore(%run_scoped3A : memref<!tpu.dma_semaphore, #tpu.memory_space<semaphore_mem>>)
      %dma_wait3A_90 = arith.constant 0 : i32
      %dma_wait3A_91 = tpu.memref_slice %arg6[%arg0, %mul3A_79, %dma_wait3A_90] : memref<2x10000x32xf32, #tpu.memory_space<hbm>> -> memref<1x624x32xf32, #tpu.memory_space<hbm>>
      %dma_wait3A_92 = tpu.memref_squeeze %dma_wait3A_91 : memref<1x624x32xf32, #tpu.memory_space<hbm>> -> memref<624x32xf32, #tpu.memory_space<hbm>>
      %dma_wait3A_93 = arith.constant 0 : i32
      %dma_wait3A_94 = tpu.memref_slice %arg13[%mul3A_77, %dma_wait3A_93] : memref<10112x32xf32, #tpu.memory_space<vmem_shared>> -> memref<624x32xf32, #tpu.memory_space<vmem_shared>>
      tpu.wait_dma2 semaphore(%run_scoped3A : memref<!tpu.dma_semaphore, #tpu.memory_space<semaphore_mem>>) src(%dma_wait3A_94 : memref<624x32xf32, #tpu.memory_space<vmem_shared>>) dst(%dma_wait3A_92 : memref<624x32xf32, #tpu.memory_space<hbm>>)
      tpu.yield
    }) : () -> ()
    %eq3A_80 = arith.constant 0 : i32
    %eq3A_81 = arith.cmpi eq, %arg1, %eq3A_80 : i32
    %convert_element_type3A_82 = arith.extui %eq3A_81 : i1 to i32
    %cond3A_83 = arith.constant 0 : i32
    %cond3A_84 = arith.cmpi ne, %convert_element_type3A_82, %cond3A_83 : i32
    scf.if %cond3A_84 {
      "tpu.region"() ({
        %run_scoped3A = tpu.sem_alloc : memref<!tpu.dma_semaphore, #tpu.memory_space<semaphore_mem>>
        %dma_start3A_85 = arith.constant 9984 : i32
        %dma_start3A_86 = arith.constant 0 : i32
        %dma_start3A_87 = tpu.memref_slice %arg6[%arg0, %dma_start3A_85, %dma_start3A_86] : memref<2x10000x32xf32, #tpu.memory_space<hbm>> -> memref<1x16x32xf32, #tpu.memory_space<hbm>>
        %dma_start3A_88 = tpu.memref_squeeze %dma_start3A_87 : memref<1x16x32xf32, #tpu.memory_space<hbm>> -> memref<16x32xf32, #tpu.memory_space<hbm>>
        %dma_start3A_89 = arith.constant 9984 : i32
        %dma_start3A_90 = arith.constant 0 : i32
        %dma_start3A_91 = tpu.memref_slice %arg13[%dma_start3A_89, %dma_start3A_90] : memref<10112x32xf32, #tpu.memory_space<vmem_shared>> -> memref<16x32xf32, #tpu.memory_space<vmem_shared>>
        tpu.enqueue_dma source(%dma_start3A_91 : memref<16x32xf32, #tpu.memory_space<vmem_shared>>) target(%dma_start3A_88 : memref<16x32xf32, #tpu.memory_space<hbm>>) target_semaphore(%run_scoped3A : memref<!tpu.dma_semaphore, #tpu.memory_space<semaphore_mem>>)
        %dma_wait3A_92 = arith.constant 9984 : i32
        %dma_wait3A_93 = arith.constant 0 : i32
        %dma_wait3A_94 = tpu.memref_slice %arg6[%arg0, %dma_wait3A_92, %dma_wait3A_93] : memref<2x10000x32xf32, #tpu.memory_space<hbm>> -> memref<1x16x32xf32, #tpu.memory_space<hbm>>
        %dma_wait3A_95 = tpu.memref_squeeze %dma_wait3A_94 : memref<1x16x32xf32, #tpu.memory_space<hbm>> -> memref<16x32xf32, #tpu.memory_space<hbm>>
        %dma_wait3A_96 = arith.constant 9984 : i32
        %dma_wait3A_97 = arith.constant 0 : i32
        %dma_wait3A_98 = tpu.memref_slice %arg13[%dma_wait3A_96, %dma_wait3A_97] : memref<10112x32xf32, #tpu.memory_space<vmem_shared>> -> memref<16x32xf32, #tpu.memory_space<vmem_shared>>
        tpu.wait_dma2 semaphore(%run_scoped3A : memref<!tpu.dma_semaphore, #tpu.memory_space<semaphore_mem>>) src(%dma_wait3A_98 : memref<16x32xf32, #tpu.memory_space<vmem_shared>>) dst(%dma_wait3A_95 : memref<16x32xf32, #tpu.memory_space<hbm>>)
        tpu.yield
      }) : () -> ()
    } else {
    }
    return
  }
}

#map = affine_map<(d0, d1) -> (0, 0, 0)>
#map1 = affine_map<(d0, d1) -> (0, 0)>
module attributes {stable_mosaic.version = 14 : i64} {
  func.func @_sc_prop_body(%arg0: i32, %arg1: i32, %arg2: memref<2x10000x32xf32, #tpu.memory_space<hbm>>, %arg3: memref<16x158x128xi32, #tpu.memory_space<hbm>>, %arg4: memref<16x158x128xi32, #tpu.memory_space<hbm>>, %arg5: memref<10112x32xf32, #tpu.memory_space<hbm>>, %arg6: memref<2x10000x32xf32, #tpu.memory_space<hbm>>, %arg7: memref<158x128xi32, #tpu.memory_space<vmem>>, %arg8: memref<158x128xi32, #tpu.memory_space<vmem>>, %arg9: memref<128x32xf32, #tpu.memory_space<vmem>>, %arg10: memref<128x32xf32, #tpu.memory_space<vmem>>, %arg11: memref<128x32xf32, #tpu.memory_space<vmem>>, %arg12: memref<128x32xf32, #tpu.memory_space<vmem>>, %arg13: memref<10112x32xf32, #tpu.memory_space<vmem_shared>>, %arg14: memref<10000x32xf32, #tpu.memory_space<vmem_shared>>, %arg15: memref<!tpu.dma_semaphore, #tpu.memory_space<semaphore_mem>>, %arg16: memref<!tpu.dma_semaphore, #tpu.memory_space<semaphore_mem>>, %arg17: memref<!tpu.dma_semaphore, #tpu.memory_space<semaphore_mem>>, %arg18: memref<!tpu.dma_semaphore, #tpu.memory_space<semaphore_mem>>, %arg19: memref<!tpu.dma_semaphore, #tpu.memory_space<semaphore_mem>>, %arg20: memref<!tpu.dma_semaphore, #tpu.memory_space<semaphore_mem>>, %arg21: memref<!tpu.dma_semaphore, #tpu.memory_space<semaphore_mem>>, %arg22: memref<!tpu.dma_semaphore, #tpu.memory_space<semaphore_mem>>) attributes {dimension_semantics = [#tpu.dimension_semantics<core_parallel>, #tpu.dimension_semantics<subcore_parallel>], iteration_bounds = array<i64: 2, 16>, scalar_prefetch = 0 : i64, scratch_operands = 16 : i64, tpu.core_type = #tpu.core_type<sc_vector_subcore>, window_params = [{transform_indices = #map}, {transform_indices = #map}, {transform_indices = #map}, {transform_indices = #map1}, {transform_indices = #map}]} {
    %mul3A = arith.constant 632 : i32
    %mul3A_0 = arith.muli %arg1, %mul3A : i32
    %mul3A_1 = arith.constant 632 : i32
    %mul3A_2 = arith.muli %arg1, %mul3A_1 : i32
    %dma_start3A = arith.constant 0 : i32
    %dma_start3A_3 = tpu.memref_slice %arg13[%mul3A_2, %dma_start3A] : memref<10112x32xf32, #tpu.memory_space<vmem_shared>> -> memref<632x32xf32, #tpu.memory_space<vmem_shared>>
    %dma_start3A_4 = arith.constant 0 : i32
    %dma_start3A_5 = tpu.memref_slice %arg5[%mul3A_0, %dma_start3A_4] : memref<10112x32xf32, #tpu.memory_space<hbm>> -> memref<632x32xf32, #tpu.memory_space<hbm>>
    tpu.enqueue_dma source(%dma_start3A_5 : memref<632x32xf32, #tpu.memory_space<hbm>>) target(%dma_start3A_3 : memref<632x32xf32, #tpu.memory_space<vmem_shared>>) target_semaphore(%arg15 : memref<!tpu.dma_semaphore, #tpu.memory_space<semaphore_mem>>)
    %mul3A_6 = arith.constant 624 : i32
    %mul3A_7 = arith.muli %arg1, %mul3A_6 : i32
    %mul3A_8 = arith.constant 624 : i32
    %mul3A_9 = arith.muli %arg1, %mul3A_8 : i32
    %dma_start3A_10 = arith.constant 0 : i32
    %dma_start3A_11 = tpu.memref_slice %arg14[%mul3A_9, %dma_start3A_10] : memref<10000x32xf32, #tpu.memory_space<vmem_shared>> -> memref<624x32xf32, #tpu.memory_space<vmem_shared>>
    %dma_start3A_12 = arith.constant 0 : i32
    %dma_start3A_13 = tpu.memref_slice %arg2[%arg0, %mul3A_7, %dma_start3A_12] : memref<2x10000x32xf32, #tpu.memory_space<hbm>> -> memref<1x624x32xf32, #tpu.memory_space<hbm>>
    %dma_start3A_14 = tpu.memref_squeeze %dma_start3A_13 : memref<1x624x32xf32, #tpu.memory_space<hbm>> -> memref<624x32xf32, #tpu.memory_space<hbm>>
    tpu.enqueue_dma source(%dma_start3A_14 : memref<624x32xf32, #tpu.memory_space<hbm>>) target(%dma_start3A_11 : memref<624x32xf32, #tpu.memory_space<vmem_shared>>) target_semaphore(%arg16 : memref<!tpu.dma_semaphore, #tpu.memory_space<semaphore_mem>>)
    %dma_start3A_15 = arith.constant 0 : i32
    %dma_start3A_16 = arith.constant 0 : i32
    %dma_start3A_17 = tpu.memref_slice %arg3[%arg1, %dma_start3A_15, %dma_start3A_16] : memref<16x158x128xi32, #tpu.memory_space<hbm>> -> memref<1x158x128xi32, #tpu.memory_space<hbm>>
    %dma_start3A_18 = tpu.memref_squeeze %dma_start3A_17 : memref<1x158x128xi32, #tpu.memory_space<hbm>> -> memref<158x128xi32, #tpu.memory_space<hbm>>
    %dma_start3A_19 = arith.constant 0 : i32
    %dma_start3A_20 = arith.constant 0 : i32
    %dma_start3A_21 = tpu.memref_slice %arg3[%arg1, %dma_start3A_19, %dma_start3A_20] : memref<16x158x128xi32, #tpu.memory_space<hbm>> -> memref<1x158x128xi32, #tpu.memory_space<hbm>>
    %dma_start3A_22 = tpu.memref_squeeze %dma_start3A_21 : memref<1x158x128xi32, #tpu.memory_space<hbm>> -> memref<158x128xi32, #tpu.memory_space<hbm>>
    tpu.enqueue_dma source(%dma_start3A_22 : memref<158x128xi32, #tpu.memory_space<hbm>>) target(%arg7 : memref<158x128xi32, #tpu.memory_space<vmem>>) target_semaphore(%arg17 : memref<!tpu.dma_semaphore, #tpu.memory_space<semaphore_mem>>)
    %dma_start3A_23 = arith.constant 0 : i32
    %dma_start3A_24 = arith.constant 0 : i32
    %dma_start3A_25 = tpu.memref_slice %arg4[%arg1, %dma_start3A_23, %dma_start3A_24] : memref<16x158x128xi32, #tpu.memory_space<hbm>> -> memref<1x158x128xi32, #tpu.memory_space<hbm>>
    %dma_start3A_26 = tpu.memref_squeeze %dma_start3A_25 : memref<1x158x128xi32, #tpu.memory_space<hbm>> -> memref<158x128xi32, #tpu.memory_space<hbm>>
    %dma_start3A_27 = arith.constant 0 : i32
    %dma_start3A_28 = arith.constant 0 : i32
    %dma_start3A_29 = tpu.memref_slice %arg4[%arg1, %dma_start3A_27, %dma_start3A_28] : memref<16x158x128xi32, #tpu.memory_space<hbm>> -> memref<1x158x128xi32, #tpu.memory_space<hbm>>
    %dma_start3A_30 = tpu.memref_squeeze %dma_start3A_29 : memref<1x158x128xi32, #tpu.memory_space<hbm>> -> memref<158x128xi32, #tpu.memory_space<hbm>>
    tpu.enqueue_dma source(%dma_start3A_30 : memref<158x128xi32, #tpu.memory_space<hbm>>) target(%arg8 : memref<158x128xi32, #tpu.memory_space<vmem>>) target_semaphore(%arg18 : memref<!tpu.dma_semaphore, #tpu.memory_space<semaphore_mem>>)
    %eq3A = arith.constant 0 : i32
    %eq3A_31 = arith.cmpi eq, %arg1, %eq3A : i32
    %convert_element_type3A = arith.extui %eq3A_31 : i1 to i32
    %cond3A = arith.constant 0 : i32
    %cond3A_32 = arith.cmpi ne, %convert_element_type3A, %cond3A : i32
    scf.if %cond3A_32 {
      "tpu.region"() ({
        %run_scoped3A = tpu.sem_alloc : memref<!tpu.dma_semaphore, #tpu.memory_space<semaphore_mem>>
        %dma_start3A_85 = arith.constant 9984 : i32
        %dma_start3A_86 = arith.constant 0 : i32
        %dma_start3A_87 = tpu.memref_slice %arg14[%dma_start3A_85, %dma_start3A_86] : memref<10000x32xf32, #tpu.memory_space<vmem_shared>> -> memref<16x32xf32, #tpu.memory_space<vmem_shared>>
        %dma_start3A_88 = arith.constant 9984 : i32
        %dma_start3A_89 = arith.constant 0 : i32
        %dma_start3A_90 = tpu.memref_slice %arg2[%arg0, %dma_start3A_88, %dma_start3A_89] : memref<2x10000x32xf32, #tpu.memory_space<hbm>> -> memref<1x16x32xf32, #tpu.memory_space<hbm>>
        %dma_start3A_91 = tpu.memref_squeeze %dma_start3A_90 : memref<1x16x32xf32, #tpu.memory_space<hbm>> -> memref<16x32xf32, #tpu.memory_space<hbm>>
        tpu.enqueue_dma source(%dma_start3A_91 : memref<16x32xf32, #tpu.memory_space<hbm>>) target(%dma_start3A_87 : memref<16x32xf32, #tpu.memory_space<vmem_shared>>) target_semaphore(%run_scoped3A : memref<!tpu.dma_semaphore, #tpu.memory_space<semaphore_mem>>)
        %dma_wait3A_92 = arith.constant 9984 : i32
        %dma_wait3A_93 = arith.constant 0 : i32
        %dma_wait3A_94 = tpu.memref_slice %arg14[%dma_wait3A_92, %dma_wait3A_93] : memref<10000x32xf32, #tpu.memory_space<vmem_shared>> -> memref<16x32xf32, #tpu.memory_space<vmem_shared>>
        %dma_wait3A_95 = arith.constant 9984 : i32
        %dma_wait3A_96 = arith.constant 0 : i32
        %dma_wait3A_97 = tpu.memref_slice %arg2[%arg0, %dma_wait3A_95, %dma_wait3A_96] : memref<2x10000x32xf32, #tpu.memory_space<hbm>> -> memref<1x16x32xf32, #tpu.memory_space<hbm>>
        %dma_wait3A_98 = tpu.memref_squeeze %dma_wait3A_97 : memref<1x16x32xf32, #tpu.memory_space<hbm>> -> memref<16x32xf32, #tpu.memory_space<hbm>>
        tpu.wait_dma2 semaphore(%run_scoped3A : memref<!tpu.dma_semaphore, #tpu.memory_space<semaphore_mem>>) src(%dma_wait3A_98 : memref<16x32xf32, #tpu.memory_space<hbm>>) dst(%dma_wait3A_94 : memref<16x32xf32, #tpu.memory_space<vmem_shared>>)
        tpu.yield
      }) : () -> ()
    } else {
    }
    %dma_wait3A = arith.constant 0 : i32
    %dma_wait3A_33 = tpu.memref_slice %arg13[%mul3A_2, %dma_wait3A] : memref<10112x32xf32, #tpu.memory_space<vmem_shared>> -> memref<632x32xf32, #tpu.memory_space<vmem_shared>>
    %dma_wait3A_34 = arith.constant 0 : i32
    %dma_wait3A_35 = tpu.memref_slice %arg5[%mul3A_0, %dma_wait3A_34] : memref<10112x32xf32, #tpu.memory_space<hbm>> -> memref<632x32xf32, #tpu.memory_space<hbm>>
    tpu.wait_dma2 semaphore(%arg15 : memref<!tpu.dma_semaphore, #tpu.memory_space<semaphore_mem>>) src(%dma_wait3A_35 : memref<632x32xf32, #tpu.memory_space<hbm>>) dst(%dma_wait3A_33 : memref<632x32xf32, #tpu.memory_space<vmem_shared>>)
    %dma_wait3A_36 = arith.constant 0 : i32
    %dma_wait3A_37 = tpu.memref_slice %arg14[%mul3A_9, %dma_wait3A_36] : memref<10000x32xf32, #tpu.memory_space<vmem_shared>> -> memref<624x32xf32, #tpu.memory_space<vmem_shared>>
    %dma_wait3A_38 = arith.constant 0 : i32
    %dma_wait3A_39 = tpu.memref_slice %arg2[%arg0, %mul3A_7, %dma_wait3A_38] : memref<2x10000x32xf32, #tpu.memory_space<hbm>> -> memref<1x624x32xf32, #tpu.memory_space<hbm>>
    %dma_wait3A_40 = tpu.memref_squeeze %dma_wait3A_39 : memref<1x624x32xf32, #tpu.memory_space<hbm>> -> memref<624x32xf32, #tpu.memory_space<hbm>>
    tpu.wait_dma2 semaphore(%arg16 : memref<!tpu.dma_semaphore, #tpu.memory_space<semaphore_mem>>) src(%dma_wait3A_40 : memref<624x32xf32, #tpu.memory_space<hbm>>) dst(%dma_wait3A_37 : memref<624x32xf32, #tpu.memory_space<vmem_shared>>)
    %dma_wait3A_41 = arith.constant 0 : i32
    %dma_wait3A_42 = arith.constant 0 : i32
    %dma_wait3A_43 = tpu.memref_slice %arg3[%arg1, %dma_wait3A_41, %dma_wait3A_42] : memref<16x158x128xi32, #tpu.memory_space<hbm>> -> memref<1x158x128xi32, #tpu.memory_space<hbm>>
    %dma_wait3A_44 = tpu.memref_squeeze %dma_wait3A_43 : memref<1x158x128xi32, #tpu.memory_space<hbm>> -> memref<158x128xi32, #tpu.memory_space<hbm>>
    %dma_wait3A_45 = arith.constant 0 : i32
    %dma_wait3A_46 = arith.constant 0 : i32
    %dma_wait3A_47 = tpu.memref_slice %arg3[%arg1, %dma_wait3A_45, %dma_wait3A_46] : memref<16x158x128xi32, #tpu.memory_space<hbm>> -> memref<1x158x128xi32, #tpu.memory_space<hbm>>
    %dma_wait3A_48 = tpu.memref_squeeze %dma_wait3A_47 : memref<1x158x128xi32, #tpu.memory_space<hbm>> -> memref<158x128xi32, #tpu.memory_space<hbm>>
    tpu.wait_dma2 semaphore(%arg17 : memref<!tpu.dma_semaphore, #tpu.memory_space<semaphore_mem>>) src(%dma_wait3A_48 : memref<158x128xi32, #tpu.memory_space<hbm>>) dst(%arg7 : memref<158x128xi32, #tpu.memory_space<vmem>>)
    %dma_wait3A_49 = arith.constant 0 : i32
    %dma_wait3A_50 = arith.constant 0 : i32
    %dma_wait3A_51 = tpu.memref_slice %arg4[%arg1, %dma_wait3A_49, %dma_wait3A_50] : memref<16x158x128xi32, #tpu.memory_space<hbm>> -> memref<1x158x128xi32, #tpu.memory_space<hbm>>
    %dma_wait3A_52 = tpu.memref_squeeze %dma_wait3A_51 : memref<1x158x128xi32, #tpu.memory_space<hbm>> -> memref<158x128xi32, #tpu.memory_space<hbm>>
    %dma_wait3A_53 = arith.constant 0 : i32
    %dma_wait3A_54 = arith.constant 0 : i32
    %dma_wait3A_55 = tpu.memref_slice %arg4[%arg1, %dma_wait3A_53, %dma_wait3A_54] : memref<16x158x128xi32, #tpu.memory_space<hbm>> -> memref<1x158x128xi32, #tpu.memory_space<hbm>>
    %dma_wait3A_56 = tpu.memref_squeeze %dma_wait3A_55 : memref<1x158x128xi32, #tpu.memory_space<hbm>> -> memref<158x128xi32, #tpu.memory_space<hbm>>
    tpu.wait_dma2 semaphore(%arg18 : memref<!tpu.dma_semaphore, #tpu.memory_space<semaphore_mem>>) src(%dma_wait3A_56 : memref<158x128xi32, #tpu.memory_space<hbm>>) dst(%arg8 : memref<158x128xi32, #tpu.memory_space<vmem>>)
    %barrier3A = arith.constant 0 : index
    tpu.barrier barrier_id(%barrier3A)
    %scan3A = arith.constant 0 : i32
    %scan3A_57 = arith.constant 79 : i32
    %scan3A_58 = arith.addi %scan3A, %scan3A_57 : i32
    %scan3A_59 = arith.constant 1 : i32
    scf.for %scan3A_85 = %scan3A to %scan3A_58 step %scan3A_59  : i32 {
      %mul3A_86 = arith.constant 1 : i32
      %mul3A_87 = arith.muli %scan3A_85, %mul3A_86 : i32
      %add3A = arith.constant 0 : i32
      %add3A_88 = arith.addi %add3A, %mul3A_87 : i32
      %mul3A_89 = arith.constant 2 : i32
      %mul3A_90 = arith.muli %add3A_88, %mul3A_89 : i32
      %gt3A = arith.constant 0 : i32
      %gt3A_91 = arith.cmpi sgt, %add3A_88, %gt3A : i32
      %convert_element_type3A_92 = arith.extui %gt3A_91 : i1 to i32
      %cond3A_93 = arith.constant 0 : i32
      %cond3A_94 = arith.cmpi ne, %convert_element_type3A_92, %cond3A_93 : i32
      scf.if %cond3A_94 {
        %sub3A = arith.constant 2 : i32
        %sub3A_148 = arith.subi %mul3A_90, %sub3A : i32
        %add3A_149 = arith.constant 0 : i32
        %add3A_150 = arith.addi %sub3A_148, %add3A_149 : i32
        %dma_wait3A_151 = arith.constant 0 : i32
        %dma_wait3A_152 = tpu.memref_slice %arg8[%add3A_150, %dma_wait3A_151] : memref<158x128xi32, #tpu.memory_space<vmem>> -> memref<1x128xi32, #tpu.memory_space<vmem>>
        %dma_wait3A_153 = tpu.memref_squeeze %dma_wait3A_152 : memref<1x128xi32, #tpu.memory_space<vmem>> -> memref<128xi32, #tpu.memory_space<vmem>>
        %dma_wait3A_154 = arith.constant 0 : i32
        %dma_wait3A_155 = arith.constant 0 : i32
        %dma_wait3A_156 = tpu.memref_slice %arg13[%dma_wait3A_154, %dma_wait3A_155] : memref<10112x32xf32, #tpu.memory_space<vmem_shared>> -> memref<10112x32xf32, #tpu.memory_space<vmem_shared>>
        tpu.wait_indirect_dma semaphore(%arg19 : memref<!tpu.dma_semaphore, #tpu.memory_space<semaphore_mem>>) src(%arg9 : memref<128x32xf32, #tpu.memory_space<vmem>>) dst(%dma_wait3A_156 : memref<10112x32xf32, #tpu.memory_space<vmem_shared>>)
      } else {
      }
      %add3A_95 = arith.constant 0 : i32
      %add3A_96 = arith.addi %mul3A_90, %add3A_95 : i32
      %dma_start3A_97 = arith.constant 0 : i32
      %dma_start3A_98 = tpu.memref_slice %arg7[%add3A_96, %dma_start3A_97] : memref<158x128xi32, #tpu.memory_space<vmem>> -> memref<1x128xi32, #tpu.memory_space<vmem>>
      %dma_start3A_99 = tpu.memref_squeeze %dma_start3A_98 : memref<1x128xi32, #tpu.memory_space<vmem>> -> memref<128xi32, #tpu.memory_space<vmem>>
      %dma_start3A_100 = arith.constant 0 : i32
      %dma_start3A_101 = arith.constant 0 : i32
      %dma_start3A_102 = tpu.memref_slice %arg14[%dma_start3A_100, %dma_start3A_101] : memref<10000x32xf32, #tpu.memory_space<vmem_shared>> -> memref<10000x32xf32, #tpu.memory_space<vmem_shared>>
      tpu.enqueue_indirect_dma source(%dma_start3A_102 : memref<10000x32xf32, #tpu.memory_space<vmem_shared>>) target(%arg9 : memref<128x32xf32, #tpu.memory_space<vmem>>) offsets(%dma_start3A_99 : memref<128xi32, #tpu.memory_space<vmem>>) semaphore(%arg15 : memref<!tpu.dma_semaphore, #tpu.memory_space<semaphore_mem>>)
      %gt3A_103 = arith.constant 0 : i32
      %gt3A_104 = arith.cmpi sgt, %add3A_88, %gt3A_103 : i32
      %convert_element_type3A_105 = arith.extui %gt3A_104 : i1 to i32
      %cond3A_106 = arith.constant 0 : i32
      %cond3A_107 = arith.cmpi ne, %convert_element_type3A_105, %cond3A_106 : i32
      scf.if %cond3A_107 {
        %sub3A = arith.constant 2 : i32
        %sub3A_148 = arith.subi %mul3A_90, %sub3A : i32
        %add3A_149 = arith.constant 1 : i32
        %add3A_150 = arith.addi %sub3A_148, %add3A_149 : i32
        %dma_wait3A_151 = arith.constant 0 : i32
        %dma_wait3A_152 = tpu.memref_slice %arg8[%add3A_150, %dma_wait3A_151] : memref<158x128xi32, #tpu.memory_space<vmem>> -> memref<1x128xi32, #tpu.memory_space<vmem>>
        %dma_wait3A_153 = tpu.memref_squeeze %dma_wait3A_152 : memref<1x128xi32, #tpu.memory_space<vmem>> -> memref<128xi32, #tpu.memory_space<vmem>>
        %dma_wait3A_154 = arith.constant 0 : i32
        %dma_wait3A_155 = arith.constant 0 : i32
        %dma_wait3A_156 = tpu.memref_slice %arg13[%dma_wait3A_154, %dma_wait3A_155] : memref<10112x32xf32, #tpu.memory_space<vmem_shared>> -> memref<10112x32xf32, #tpu.memory_space<vmem_shared>>
        tpu.wait_indirect_dma semaphore(%arg20 : memref<!tpu.dma_semaphore, #tpu.memory_space<semaphore_mem>>) src(%arg10 : memref<128x32xf32, #tpu.memory_space<vmem>>) dst(%dma_wait3A_156 : memref<10112x32xf32, #tpu.memory_space<vmem_shared>>)
      } else {
      }
      %add3A_108 = arith.constant 1 : i32
      %add3A_109 = arith.addi %mul3A_90, %add3A_108 : i32
      %dma_start3A_110 = arith.constant 0 : i32
      %dma_start3A_111 = tpu.memref_slice %arg7[%add3A_109, %dma_start3A_110] : memref<158x128xi32, #tpu.memory_space<vmem>> -> memref<1x128xi32, #tpu.memory_space<vmem>>
      %dma_start3A_112 = tpu.memref_squeeze %dma_start3A_111 : memref<1x128xi32, #tpu.memory_space<vmem>> -> memref<128xi32, #tpu.memory_space<vmem>>
      %dma_start3A_113 = arith.constant 0 : i32
      %dma_start3A_114 = arith.constant 0 : i32
      %dma_start3A_115 = tpu.memref_slice %arg14[%dma_start3A_113, %dma_start3A_114] : memref<10000x32xf32, #tpu.memory_space<vmem_shared>> -> memref<10000x32xf32, #tpu.memory_space<vmem_shared>>
      tpu.enqueue_indirect_dma source(%dma_start3A_115 : memref<10000x32xf32, #tpu.memory_space<vmem_shared>>) target(%arg10 : memref<128x32xf32, #tpu.memory_space<vmem>>) offsets(%dma_start3A_112 : memref<128xi32, #tpu.memory_space<vmem>>) semaphore(%arg16 : memref<!tpu.dma_semaphore, #tpu.memory_space<semaphore_mem>>)
      %add3A_116 = arith.constant 0 : i32
      %add3A_117 = arith.addi %mul3A_90, %add3A_116 : i32
      %dma_wait3A_118 = arith.constant 0 : i32
      %dma_wait3A_119 = tpu.memref_slice %arg7[%add3A_117, %dma_wait3A_118] : memref<158x128xi32, #tpu.memory_space<vmem>> -> memref<1x128xi32, #tpu.memory_space<vmem>>
      %dma_wait3A_120 = tpu.memref_squeeze %dma_wait3A_119 : memref<1x128xi32, #tpu.memory_space<vmem>> -> memref<128xi32, #tpu.memory_space<vmem>>
      %dma_wait3A_121 = arith.constant 0 : i32
      %dma_wait3A_122 = arith.constant 0 : i32
      %dma_wait3A_123 = tpu.memref_slice %arg14[%dma_wait3A_121, %dma_wait3A_122] : memref<10000x32xf32, #tpu.memory_space<vmem_shared>> -> memref<10000x32xf32, #tpu.memory_space<vmem_shared>>
      tpu.wait_indirect_dma semaphore(%arg15 : memref<!tpu.dma_semaphore, #tpu.memory_space<semaphore_mem>>) src(%dma_wait3A_123 : memref<10000x32xf32, #tpu.memory_space<vmem_shared>>) dst(%arg9 : memref<128x32xf32, #tpu.memory_space<vmem>>)
      %add3A_124 = arith.constant 0 : i32
      %add3A_125 = arith.addi %mul3A_90, %add3A_124 : i32
      %dma_start3A_126 = arith.constant 0 : i32
      %dma_start3A_127 = tpu.memref_slice %arg8[%add3A_125, %dma_start3A_126] : memref<158x128xi32, #tpu.memory_space<vmem>> -> memref<1x128xi32, #tpu.memory_space<vmem>>
      %dma_start3A_128 = tpu.memref_squeeze %dma_start3A_127 : memref<1x128xi32, #tpu.memory_space<vmem>> -> memref<128xi32, #tpu.memory_space<vmem>>
      %dma_start3A_129 = arith.constant 0 : i32
      %dma_start3A_130 = arith.constant 0 : i32
      %dma_start3A_131 = tpu.memref_slice %arg13[%dma_start3A_129, %dma_start3A_130] : memref<10112x32xf32, #tpu.memory_space<vmem_shared>> -> memref<10112x32xf32, #tpu.memory_space<vmem_shared>>
      tpu.enqueue_indirect_dma source(%arg9 : memref<128x32xf32, #tpu.memory_space<vmem>>) target(%dma_start3A_131 : memref<10112x32xf32, #tpu.memory_space<vmem_shared>>) offsets(%dma_start3A_128 : memref<128xi32, #tpu.memory_space<vmem>>) semaphore(%arg19 : memref<!tpu.dma_semaphore, #tpu.memory_space<semaphore_mem>>) {add = true}
      %add3A_132 = arith.constant 1 : i32
      %add3A_133 = arith.addi %mul3A_90, %add3A_132 : i32
      %dma_wait3A_134 = arith.constant 0 : i32
      %dma_wait3A_135 = tpu.memref_slice %arg7[%add3A_133, %dma_wait3A_134] : memref<158x128xi32, #tpu.memory_space<vmem>> -> memref<1x128xi32, #tpu.memory_space<vmem>>
      %dma_wait3A_136 = tpu.memref_squeeze %dma_wait3A_135 : memref<1x128xi32, #tpu.memory_space<vmem>> -> memref<128xi32, #tpu.memory_space<vmem>>
      %dma_wait3A_137 = arith.constant 0 : i32
      %dma_wait3A_138 = arith.constant 0 : i32
      %dma_wait3A_139 = tpu.memref_slice %arg14[%dma_wait3A_137, %dma_wait3A_138] : memref<10000x32xf32, #tpu.memory_space<vmem_shared>> -> memref<10000x32xf32, #tpu.memory_space<vmem_shared>>
      tpu.wait_indirect_dma semaphore(%arg16 : memref<!tpu.dma_semaphore, #tpu.memory_space<semaphore_mem>>) src(%dma_wait3A_139 : memref<10000x32xf32, #tpu.memory_space<vmem_shared>>) dst(%arg10 : memref<128x32xf32, #tpu.memory_space<vmem>>)
      %add3A_140 = arith.constant 1 : i32
      %add3A_141 = arith.addi %mul3A_90, %add3A_140 : i32
      %dma_start3A_142 = arith.constant 0 : i32
      %dma_start3A_143 = tpu.memref_slice %arg8[%add3A_141, %dma_start3A_142] : memref<158x128xi32, #tpu.memory_space<vmem>> -> memref<1x128xi32, #tpu.memory_space<vmem>>
      %dma_start3A_144 = tpu.memref_squeeze %dma_start3A_143 : memref<1x128xi32, #tpu.memory_space<vmem>> -> memref<128xi32, #tpu.memory_space<vmem>>
      %dma_start3A_145 = arith.constant 0 : i32
      %dma_start3A_146 = arith.constant 0 : i32
      %dma_start3A_147 = tpu.memref_slice %arg13[%dma_start3A_145, %dma_start3A_146] : memref<10112x32xf32, #tpu.memory_space<vmem_shared>> -> memref<10112x32xf32, #tpu.memory_space<vmem_shared>>
      tpu.enqueue_indirect_dma source(%arg10 : memref<128x32xf32, #tpu.memory_space<vmem>>) target(%dma_start3A_147 : memref<10112x32xf32, #tpu.memory_space<vmem_shared>>) offsets(%dma_start3A_144 : memref<128xi32, #tpu.memory_space<vmem>>) semaphore(%arg20 : memref<!tpu.dma_semaphore, #tpu.memory_space<semaphore_mem>>) {add = true}
    }
    %scan3A_60 = arith.constant 79 : i32
    %dma_wait3A_61 = arith.constant 156 : i32
    %dma_wait3A_62 = arith.constant 0 : i32
    %dma_wait3A_63 = tpu.memref_slice %arg8[%dma_wait3A_61, %dma_wait3A_62] : memref<158x128xi32, #tpu.memory_space<vmem>> -> memref<1x128xi32, #tpu.memory_space<vmem>>
    %dma_wait3A_64 = tpu.memref_squeeze %dma_wait3A_63 : memref<1x128xi32, #tpu.memory_space<vmem>> -> memref<128xi32, #tpu.memory_space<vmem>>
    %dma_wait3A_65 = arith.constant 0 : i32
    %dma_wait3A_66 = arith.constant 0 : i32
    %dma_wait3A_67 = tpu.memref_slice %arg13[%dma_wait3A_65, %dma_wait3A_66] : memref<10112x32xf32, #tpu.memory_space<vmem_shared>> -> memref<10112x32xf32, #tpu.memory_space<vmem_shared>>
    tpu.wait_indirect_dma semaphore(%arg19 : memref<!tpu.dma_semaphore, #tpu.memory_space<semaphore_mem>>) src(%arg9 : memref<128x32xf32, #tpu.memory_space<vmem>>) dst(%dma_wait3A_67 : memref<10112x32xf32, #tpu.memory_space<vmem_shared>>)
    %dma_wait3A_68 = arith.constant 157 : i32
    %dma_wait3A_69 = arith.constant 0 : i32
    %dma_wait3A_70 = tpu.memref_slice %arg8[%dma_wait3A_68, %dma_wait3A_69] : memref<158x128xi32, #tpu.memory_space<vmem>> -> memref<1x128xi32, #tpu.memory_space<vmem>>
    %dma_wait3A_71 = tpu.memref_squeeze %dma_wait3A_70 : memref<1x128xi32, #tpu.memory_space<vmem>> -> memref<128xi32, #tpu.memory_space<vmem>>
    %dma_wait3A_72 = arith.constant 0 : i32
    %dma_wait3A_73 = arith.constant 0 : i32
    %dma_wait3A_74 = tpu.memref_slice %arg13[%dma_wait3A_72, %dma_wait3A_73] : memref<10112x32xf32, #tpu.memory_space<vmem_shared>> -> memref<10112x32xf32, #tpu.memory_space<vmem_shared>>
    tpu.wait_indirect_dma semaphore(%arg20 : memref<!tpu.dma_semaphore, #tpu.memory_space<semaphore_mem>>) src(%arg10 : memref<128x32xf32, #tpu.memory_space<vmem>>) dst(%dma_wait3A_74 : memref<10112x32xf32, #tpu.memory_space<vmem_shared>>)
    %barrier3A_75 = arith.constant 0 : index
    tpu.barrier barrier_id(%barrier3A_75)
    %mul3A_76 = arith.constant 624 : i32
    %mul3A_77 = arith.muli %arg1, %mul3A_76 : i32
    %mul3A_78 = arith.constant 624 : i32
    %mul3A_79 = arith.muli %arg1, %mul3A_78 : i32
    "tpu.region"() ({
      %run_scoped3A = tpu.sem_alloc : memref<!tpu.dma_semaphore, #tpu.memory_space<semaphore_mem>>
      %dma_start3A_85 = arith.constant 0 : i32
      %dma_start3A_86 = tpu.memref_slice %arg6[%arg0, %mul3A_79, %dma_start3A_85] : memref<2x10000x32xf32, #tpu.memory_space<hbm>> -> memref<1x624x32xf32, #tpu.memory_space<hbm>>
      %dma_start3A_87 = tpu.memref_squeeze %dma_start3A_86 : memref<1x624x32xf32, #tpu.memory_space<hbm>> -> memref<624x32xf32, #tpu.memory_space<hbm>>
      %dma_start3A_88 = arith.constant 0 : i32
      %dma_start3A_89 = tpu.memref_slice %arg13[%mul3A_77, %dma_start3A_88] : memref<10112x32xf32, #tpu.memory_space<vmem_shared>> -> memref<624x32xf32, #tpu.memory_space<vmem_shared>>
      tpu.enqueue_dma source(%dma_start3A_89 : memref<624x32xf32, #tpu.memory_space<vmem_shared>>) target(%dma_start3A_87 : memref<624x32xf32, #tpu.memory_space<hbm>>) target_semaphore(%run_scoped3A : memref<!tpu.dma_semaphore, #tpu.memory_space<semaphore_mem>>)
      %dma_wait3A_90 = arith.constant 0 : i32
      %dma_wait3A_91 = tpu.memref_slice %arg6[%arg0, %mul3A_79, %dma_wait3A_90] : memref<2x10000x32xf32, #tpu.memory_space<hbm>> -> memref<1x624x32xf32, #tpu.memory_space<hbm>>
      %dma_wait3A_92 = tpu.memref_squeeze %dma_wait3A_91 : memref<1x624x32xf32, #tpu.memory_space<hbm>> -> memref<624x32xf32, #tpu.memory_space<hbm>>
      %dma_wait3A_93 = arith.constant 0 : i32
      %dma_wait3A_94 = tpu.memref_slice %arg13[%mul3A_77, %dma_wait3A_93] : memref<10112x32xf32, #tpu.memory_space<vmem_shared>> -> memref<624x32xf32, #tpu.memory_space<vmem_shared>>
      tpu.wait_dma2 semaphore(%run_scoped3A : memref<!tpu.dma_semaphore, #tpu.memory_space<semaphore_mem>>) src(%dma_wait3A_94 : memref<624x32xf32, #tpu.memory_space<vmem_shared>>) dst(%dma_wait3A_92 : memref<624x32xf32, #tpu.memory_space<hbm>>)
      tpu.yield
    }) : () -> ()
    %eq3A_80 = arith.constant 0 : i32
    %eq3A_81 = arith.cmpi eq, %arg1, %eq3A_80 : i32
    %convert_element_type3A_82 = arith.extui %eq3A_81 : i1 to i32
    %cond3A_83 = arith.constant 0 : i32
    %cond3A_84 = arith.cmpi ne, %convert_element_type3A_82, %cond3A_83 : i32
    scf.if %cond3A_84 {
      "tpu.region"() ({
        %run_scoped3A = tpu.sem_alloc : memref<!tpu.dma_semaphore, #tpu.memory_space<semaphore_mem>>
        %dma_start3A_85 = arith.constant 9984 : i32
        %dma_start3A_86 = arith.constant 0 : i32
        %dma_start3A_87 = tpu.memref_slice %arg6[%arg0, %dma_start3A_85, %dma_start3A_86] : memref<2x10000x32xf32, #tpu.memory_space<hbm>> -> memref<1x16x32xf32, #tpu.memory_space<hbm>>
        %dma_start3A_88 = tpu.memref_squeeze %dma_start3A_87 : memref<1x16x32xf32, #tpu.memory_space<hbm>> -> memref<16x32xf32, #tpu.memory_space<hbm>>
        %dma_start3A_89 = arith.constant 9984 : i32
        %dma_start3A_90 = arith.constant 0 : i32
        %dma_start3A_91 = tpu.memref_slice %arg13[%dma_start3A_89, %dma_start3A_90] : memref<10112x32xf32, #tpu.memory_space<vmem_shared>> -> memref<16x32xf32, #tpu.memory_space<vmem_shared>>
        tpu.enqueue_dma source(%dma_start3A_91 : memref<16x32xf32, #tpu.memory_space<vmem_shared>>) target(%dma_start3A_88 : memref<16x32xf32, #tpu.memory_space<hbm>>) target_semaphore(%run_scoped3A : memref<!tpu.dma_semaphore, #tpu.memory_space<semaphore_mem>>)
        %dma_wait3A_92 = arith.constant 9984 : i32
        %dma_wait3A_93 = arith.constant 0 : i32
        %dma_wait3A_94 = tpu.memref_slice %arg6[%arg0, %dma_wait3A_92, %dma_wait3A_93] : memref<2x10000x32xf32, #tpu.memory_space<hbm>> -> memref<1x16x32xf32, #tpu.memory_space<hbm>>
        %dma_wait3A_95 = tpu.memref_squeeze %dma_wait3A_94 : memref<1x16x32xf32, #tpu.memory_space<hbm>> -> memref<16x32xf32, #tpu.memory_space<hbm>>
        %dma_wait3A_96 = arith.constant 9984 : i32
        %dma_wait3A_97 = arith.constant 0 : i32
        %dma_wait3A_98 = tpu.memref_slice %arg13[%dma_wait3A_96, %dma_wait3A_97] : memref<10112x32xf32, #tpu.memory_space<vmem_shared>> -> memref<16x32xf32, #tpu.memory_space<vmem_shared>>
        tpu.wait_dma2 semaphore(%run_scoped3A : memref<!tpu.dma_semaphore, #tpu.memory_space<semaphore_mem>>) src(%dma_wait3A_98 : memref<16x32xf32, #tpu.memory_space<vmem_shared>>) dst(%dma_wait3A_95 : memref<16x32xf32, #tpu.memory_space<hbm>>)
        tpu.yield
      }) : () -> ()
    } else {
    }
    return
  }
}

#map = affine_map<(d0, d1) -> (0, 0, 0)>
#map1 = affine_map<(d0, d1) -> (0, 0)>
module attributes {stable_mosaic.version = 14 : i64} {
  func.func @_sc_prop_body(%arg0: i32, %arg1: i32, %arg2: memref<2x10000x32xf32, #tpu.memory_space<hbm>>, %arg3: memref<16x158x128xi32, #tpu.memory_space<hbm>>, %arg4: memref<16x158x128xi32, #tpu.memory_space<hbm>>, %arg5: memref<10112x32xf32, #tpu.memory_space<hbm>>, %arg6: memref<2x10000x32xf32, #tpu.memory_space<hbm>>, %arg7: memref<158x128xi32, #tpu.memory_space<vmem>>, %arg8: memref<158x128xi32, #tpu.memory_space<vmem>>, %arg9: memref<128x32xf32, #tpu.memory_space<vmem>>, %arg10: memref<128x32xf32, #tpu.memory_space<vmem>>, %arg11: memref<128x32xf32, #tpu.memory_space<vmem>>, %arg12: memref<128x32xf32, #tpu.memory_space<vmem>>, %arg13: memref<10112x32xf32, #tpu.memory_space<vmem_shared>>, %arg14: memref<10000x32xf32, #tpu.memory_space<vmem_shared>>, %arg15: memref<!tpu.dma_semaphore, #tpu.memory_space<semaphore_mem>>, %arg16: memref<!tpu.dma_semaphore, #tpu.memory_space<semaphore_mem>>, %arg17: memref<!tpu.dma_semaphore, #tpu.memory_space<semaphore_mem>>, %arg18: memref<!tpu.dma_semaphore, #tpu.memory_space<semaphore_mem>>, %arg19: memref<!tpu.dma_semaphore, #tpu.memory_space<semaphore_mem>>, %arg20: memref<!tpu.dma_semaphore, #tpu.memory_space<semaphore_mem>>, %arg21: memref<!tpu.dma_semaphore, #tpu.memory_space<semaphore_mem>>, %arg22: memref<!tpu.dma_semaphore, #tpu.memory_space<semaphore_mem>>) attributes {dimension_semantics = [#tpu.dimension_semantics<core_parallel>, #tpu.dimension_semantics<subcore_parallel>], iteration_bounds = array<i64: 2, 16>, scalar_prefetch = 0 : i64, scratch_operands = 16 : i64, tpu.core_type = #tpu.core_type<sc_vector_subcore>, window_params = [{transform_indices = #map}, {transform_indices = #map}, {transform_indices = #map}, {transform_indices = #map1}, {transform_indices = #map}]} {
    %mul3A = arith.constant 632 : i32
    %mul3A_0 = arith.muli %arg1, %mul3A : i32
    %mul3A_1 = arith.constant 632 : i32
    %mul3A_2 = arith.muli %arg1, %mul3A_1 : i32
    %dma_start3A = arith.constant 0 : i32
    %dma_start3A_3 = tpu.memref_slice %arg13[%mul3A_2, %dma_start3A] : memref<10112x32xf32, #tpu.memory_space<vmem_shared>> -> memref<632x32xf32, #tpu.memory_space<vmem_shared>>
    %dma_start3A_4 = arith.constant 0 : i32
    %dma_start3A_5 = tpu.memref_slice %arg5[%mul3A_0, %dma_start3A_4] : memref<10112x32xf32, #tpu.memory_space<hbm>> -> memref<632x32xf32, #tpu.memory_space<hbm>>
    tpu.enqueue_dma source(%dma_start3A_5 : memref<632x32xf32, #tpu.memory_space<hbm>>) target(%dma_start3A_3 : memref<632x32xf32, #tpu.memory_space<vmem_shared>>) target_semaphore(%arg15 : memref<!tpu.dma_semaphore, #tpu.memory_space<semaphore_mem>>)
    %mul3A_6 = arith.constant 624 : i32
    %mul3A_7 = arith.muli %arg1, %mul3A_6 : i32
    %mul3A_8 = arith.constant 624 : i32
    %mul3A_9 = arith.muli %arg1, %mul3A_8 : i32
    %dma_start3A_10 = arith.constant 0 : i32
    %dma_start3A_11 = tpu.memref_slice %arg14[%mul3A_9, %dma_start3A_10] : memref<10000x32xf32, #tpu.memory_space<vmem_shared>> -> memref<624x32xf32, #tpu.memory_space<vmem_shared>>
    %dma_start3A_12 = arith.constant 0 : i32
    %dma_start3A_13 = tpu.memref_slice %arg2[%arg0, %mul3A_7, %dma_start3A_12] : memref<2x10000x32xf32, #tpu.memory_space<hbm>> -> memref<1x624x32xf32, #tpu.memory_space<hbm>>
    %dma_start3A_14 = tpu.memref_squeeze %dma_start3A_13 : memref<1x624x32xf32, #tpu.memory_space<hbm>> -> memref<624x32xf32, #tpu.memory_space<hbm>>
    tpu.enqueue_dma source(%dma_start3A_14 : memref<624x32xf32, #tpu.memory_space<hbm>>) target(%dma_start3A_11 : memref<624x32xf32, #tpu.memory_space<vmem_shared>>) target_semaphore(%arg16 : memref<!tpu.dma_semaphore, #tpu.memory_space<semaphore_mem>>)
    %dma_start3A_15 = arith.constant 0 : i32
    %dma_start3A_16 = arith.constant 0 : i32
    %dma_start3A_17 = tpu.memref_slice %arg3[%arg1, %dma_start3A_15, %dma_start3A_16] : memref<16x158x128xi32, #tpu.memory_space<hbm>> -> memref<1x158x128xi32, #tpu.memory_space<hbm>>
    %dma_start3A_18 = tpu.memref_squeeze %dma_start3A_17 : memref<1x158x128xi32, #tpu.memory_space<hbm>> -> memref<158x128xi32, #tpu.memory_space<hbm>>
    %dma_start3A_19 = arith.constant 0 : i32
    %dma_start3A_20 = arith.constant 0 : i32
    %dma_start3A_21 = tpu.memref_slice %arg3[%arg1, %dma_start3A_19, %dma_start3A_20] : memref<16x158x128xi32, #tpu.memory_space<hbm>> -> memref<1x158x128xi32, #tpu.memory_space<hbm>>
    %dma_start3A_22 = tpu.memref_squeeze %dma_start3A_21 : memref<1x158x128xi32, #tpu.memory_space<hbm>> -> memref<158x128xi32, #tpu.memory_space<hbm>>
    tpu.enqueue_dma source(%dma_start3A_22 : memref<158x128xi32, #tpu.memory_space<hbm>>) target(%arg7 : memref<158x128xi32, #tpu.memory_space<vmem>>) target_semaphore(%arg17 : memref<!tpu.dma_semaphore, #tpu.memory_space<semaphore_mem>>)
    %dma_start3A_23 = arith.constant 0 : i32
    %dma_start3A_24 = arith.constant 0 : i32
    %dma_start3A_25 = tpu.memref_slice %arg4[%arg1, %dma_start3A_23, %dma_start3A_24] : memref<16x158x128xi32, #tpu.memory_space<hbm>> -> memref<1x158x128xi32, #tpu.memory_space<hbm>>
    %dma_start3A_26 = tpu.memref_squeeze %dma_start3A_25 : memref<1x158x128xi32, #tpu.memory_space<hbm>> -> memref<158x128xi32, #tpu.memory_space<hbm>>
    %dma_start3A_27 = arith.constant 0 : i32
    %dma_start3A_28 = arith.constant 0 : i32
    %dma_start3A_29 = tpu.memref_slice %arg4[%arg1, %dma_start3A_27, %dma_start3A_28] : memref<16x158x128xi32, #tpu.memory_space<hbm>> -> memref<1x158x128xi32, #tpu.memory_space<hbm>>
    %dma_start3A_30 = tpu.memref_squeeze %dma_start3A_29 : memref<1x158x128xi32, #tpu.memory_space<hbm>> -> memref<158x128xi32, #tpu.memory_space<hbm>>
    tpu.enqueue_dma source(%dma_start3A_30 : memref<158x128xi32, #tpu.memory_space<hbm>>) target(%arg8 : memref<158x128xi32, #tpu.memory_space<vmem>>) target_semaphore(%arg18 : memref<!tpu.dma_semaphore, #tpu.memory_space<semaphore_mem>>)
    %eq3A = arith.constant 0 : i32
    %eq3A_31 = arith.cmpi eq, %arg1, %eq3A : i32
    %convert_element_type3A = arith.extui %eq3A_31 : i1 to i32
    %cond3A = arith.constant 0 : i32
    %cond3A_32 = arith.cmpi ne, %convert_element_type3A, %cond3A : i32
    scf.if %cond3A_32 {
      "tpu.region"() ({
        %run_scoped3A = tpu.sem_alloc : memref<!tpu.dma_semaphore, #tpu.memory_space<semaphore_mem>>
        %dma_start3A_85 = arith.constant 9984 : i32
        %dma_start3A_86 = arith.constant 0 : i32
        %dma_start3A_87 = tpu.memref_slice %arg14[%dma_start3A_85, %dma_start3A_86] : memref<10000x32xf32, #tpu.memory_space<vmem_shared>> -> memref<16x32xf32, #tpu.memory_space<vmem_shared>>
        %dma_start3A_88 = arith.constant 9984 : i32
        %dma_start3A_89 = arith.constant 0 : i32
        %dma_start3A_90 = tpu.memref_slice %arg2[%arg0, %dma_start3A_88, %dma_start3A_89] : memref<2x10000x32xf32, #tpu.memory_space<hbm>> -> memref<1x16x32xf32, #tpu.memory_space<hbm>>
        %dma_start3A_91 = tpu.memref_squeeze %dma_start3A_90 : memref<1x16x32xf32, #tpu.memory_space<hbm>> -> memref<16x32xf32, #tpu.memory_space<hbm>>
        tpu.enqueue_dma source(%dma_start3A_91 : memref<16x32xf32, #tpu.memory_space<hbm>>) target(%dma_start3A_87 : memref<16x32xf32, #tpu.memory_space<vmem_shared>>) target_semaphore(%run_scoped3A : memref<!tpu.dma_semaphore, #tpu.memory_space<semaphore_mem>>)
        %dma_wait3A_92 = arith.constant 9984 : i32
        %dma_wait3A_93 = arith.constant 0 : i32
        %dma_wait3A_94 = tpu.memref_slice %arg14[%dma_wait3A_92, %dma_wait3A_93] : memref<10000x32xf32, #tpu.memory_space<vmem_shared>> -> memref<16x32xf32, #tpu.memory_space<vmem_shared>>
        %dma_wait3A_95 = arith.constant 9984 : i32
        %dma_wait3A_96 = arith.constant 0 : i32
        %dma_wait3A_97 = tpu.memref_slice %arg2[%arg0, %dma_wait3A_95, %dma_wait3A_96] : memref<2x10000x32xf32, #tpu.memory_space<hbm>> -> memref<1x16x32xf32, #tpu.memory_space<hbm>>
        %dma_wait3A_98 = tpu.memref_squeeze %dma_wait3A_97 : memref<1x16x32xf32, #tpu.memory_space<hbm>> -> memref<16x32xf32, #tpu.memory_space<hbm>>
        tpu.wait_dma2 semaphore(%run_scoped3A : memref<!tpu.dma_semaphore, #tpu.memory_space<semaphore_mem>>) src(%dma_wait3A_98 : memref<16x32xf32, #tpu.memory_space<hbm>>) dst(%dma_wait3A_94 : memref<16x32xf32, #tpu.memory_space<vmem_shared>>)
        tpu.yield
      }) : () -> ()
    } else {
    }
    %dma_wait3A = arith.constant 0 : i32
    %dma_wait3A_33 = tpu.memref_slice %arg13[%mul3A_2, %dma_wait3A] : memref<10112x32xf32, #tpu.memory_space<vmem_shared>> -> memref<632x32xf32, #tpu.memory_space<vmem_shared>>
    %dma_wait3A_34 = arith.constant 0 : i32
    %dma_wait3A_35 = tpu.memref_slice %arg5[%mul3A_0, %dma_wait3A_34] : memref<10112x32xf32, #tpu.memory_space<hbm>> -> memref<632x32xf32, #tpu.memory_space<hbm>>
    tpu.wait_dma2 semaphore(%arg15 : memref<!tpu.dma_semaphore, #tpu.memory_space<semaphore_mem>>) src(%dma_wait3A_35 : memref<632x32xf32, #tpu.memory_space<hbm>>) dst(%dma_wait3A_33 : memref<632x32xf32, #tpu.memory_space<vmem_shared>>)
    %dma_wait3A_36 = arith.constant 0 : i32
    %dma_wait3A_37 = tpu.memref_slice %arg14[%mul3A_9, %dma_wait3A_36] : memref<10000x32xf32, #tpu.memory_space<vmem_shared>> -> memref<624x32xf32, #tpu.memory_space<vmem_shared>>
    %dma_wait3A_38 = arith.constant 0 : i32
    %dma_wait3A_39 = tpu.memref_slice %arg2[%arg0, %mul3A_7, %dma_wait3A_38] : memref<2x10000x32xf32, #tpu.memory_space<hbm>> -> memref<1x624x32xf32, #tpu.memory_space<hbm>>
    %dma_wait3A_40 = tpu.memref_squeeze %dma_wait3A_39 : memref<1x624x32xf32, #tpu.memory_space<hbm>> -> memref<624x32xf32, #tpu.memory_space<hbm>>
    tpu.wait_dma2 semaphore(%arg16 : memref<!tpu.dma_semaphore, #tpu.memory_space<semaphore_mem>>) src(%dma_wait3A_40 : memref<624x32xf32, #tpu.memory_space<hbm>>) dst(%dma_wait3A_37 : memref<624x32xf32, #tpu.memory_space<vmem_shared>>)
    %dma_wait3A_41 = arith.constant 0 : i32
    %dma_wait3A_42 = arith.constant 0 : i32
    %dma_wait3A_43 = tpu.memref_slice %arg3[%arg1, %dma_wait3A_41, %dma_wait3A_42] : memref<16x158x128xi32, #tpu.memory_space<hbm>> -> memref<1x158x128xi32, #tpu.memory_space<hbm>>
    %dma_wait3A_44 = tpu.memref_squeeze %dma_wait3A_43 : memref<1x158x128xi32, #tpu.memory_space<hbm>> -> memref<158x128xi32, #tpu.memory_space<hbm>>
    %dma_wait3A_45 = arith.constant 0 : i32
    %dma_wait3A_46 = arith.constant 0 : i32
    %dma_wait3A_47 = tpu.memref_slice %arg3[%arg1, %dma_wait3A_45, %dma_wait3A_46] : memref<16x158x128xi32, #tpu.memory_space<hbm>> -> memref<1x158x128xi32, #tpu.memory_space<hbm>>
    %dma_wait3A_48 = tpu.memref_squeeze %dma_wait3A_47 : memref<1x158x128xi32, #tpu.memory_space<hbm>> -> memref<158x128xi32, #tpu.memory_space<hbm>>
    tpu.wait_dma2 semaphore(%arg17 : memref<!tpu.dma_semaphore, #tpu.memory_space<semaphore_mem>>) src(%dma_wait3A_48 : memref<158x128xi32, #tpu.memory_space<hbm>>) dst(%arg7 : memref<158x128xi32, #tpu.memory_space<vmem>>)
    %dma_wait3A_49 = arith.constant 0 : i32
    %dma_wait3A_50 = arith.constant 0 : i32
    %dma_wait3A_51 = tpu.memref_slice %arg4[%arg1, %dma_wait3A_49, %dma_wait3A_50] : memref<16x158x128xi32, #tpu.memory_space<hbm>> -> memref<1x158x128xi32, #tpu.memory_space<hbm>>
    %dma_wait3A_52 = tpu.memref_squeeze %dma_wait3A_51 : memref<1x158x128xi32, #tpu.memory_space<hbm>> -> memref<158x128xi32, #tpu.memory_space<hbm>>
    %dma_wait3A_53 = arith.constant 0 : i32
    %dma_wait3A_54 = arith.constant 0 : i32
    %dma_wait3A_55 = tpu.memref_slice %arg4[%arg1, %dma_wait3A_53, %dma_wait3A_54] : memref<16x158x128xi32, #tpu.memory_space<hbm>> -> memref<1x158x128xi32, #tpu.memory_space<hbm>>
    %dma_wait3A_56 = tpu.memref_squeeze %dma_wait3A_55 : memref<1x158x128xi32, #tpu.memory_space<hbm>> -> memref<158x128xi32, #tpu.memory_space<hbm>>
    tpu.wait_dma2 semaphore(%arg18 : memref<!tpu.dma_semaphore, #tpu.memory_space<semaphore_mem>>) src(%dma_wait3A_56 : memref<158x128xi32, #tpu.memory_space<hbm>>) dst(%arg8 : memref<158x128xi32, #tpu.memory_space<vmem>>)
    %barrier3A = arith.constant 0 : index
    tpu.barrier barrier_id(%barrier3A)
    %scan3A = arith.constant 0 : i32
    %scan3A_57 = arith.constant 79 : i32
    %scan3A_58 = arith.addi %scan3A, %scan3A_57 : i32
    %scan3A_59 = arith.constant 1 : i32
    scf.for %scan3A_85 = %scan3A to %scan3A_58 step %scan3A_59  : i32 {
      %mul3A_86 = arith.constant 1 : i32
      %mul3A_87 = arith.muli %scan3A_85, %mul3A_86 : i32
      %add3A = arith.constant 0 : i32
      %add3A_88 = arith.addi %add3A, %mul3A_87 : i32
      %mul3A_89 = arith.constant 2 : i32
      %mul3A_90 = arith.muli %add3A_88, %mul3A_89 : i32
      %gt3A = arith.constant 0 : i32
      %gt3A_91 = arith.cmpi sgt, %add3A_88, %gt3A : i32
      %convert_element_type3A_92 = arith.extui %gt3A_91 : i1 to i32
      %cond3A_93 = arith.constant 0 : i32
      %cond3A_94 = arith.cmpi ne, %convert_element_type3A_92, %cond3A_93 : i32
      scf.if %cond3A_94 {
        %sub3A = arith.constant 2 : i32
        %sub3A_148 = arith.subi %mul3A_90, %sub3A : i32
        %add3A_149 = arith.constant 0 : i32
        %add3A_150 = arith.addi %sub3A_148, %add3A_149 : i32
        %dma_wait3A_151 = arith.constant 0 : i32
        %dma_wait3A_152 = tpu.memref_slice %arg8[%add3A_150, %dma_wait3A_151] : memref<158x128xi32, #tpu.memory_space<vmem>> -> memref<1x128xi32, #tpu.memory_space<vmem>>
        %dma_wait3A_153 = tpu.memref_squeeze %dma_wait3A_152 : memref<1x128xi32, #tpu.memory_space<vmem>> -> memref<128xi32, #tpu.memory_space<vmem>>
        %dma_wait3A_154 = arith.constant 0 : i32
        %dma_wait3A_155 = arith.constant 0 : i32
        %dma_wait3A_156 = tpu.memref_slice %arg13[%dma_wait3A_154, %dma_wait3A_155] : memref<10112x32xf32, #tpu.memory_space<vmem_shared>> -> memref<10112x32xf32, #tpu.memory_space<vmem_shared>>
        tpu.wait_indirect_dma semaphore(%arg19 : memref<!tpu.dma_semaphore, #tpu.memory_space<semaphore_mem>>) src(%arg9 : memref<128x32xf32, #tpu.memory_space<vmem>>) dst(%dma_wait3A_156 : memref<10112x32xf32, #tpu.memory_space<vmem_shared>>)
      } else {
      }
      %add3A_95 = arith.constant 0 : i32
      %add3A_96 = arith.addi %mul3A_90, %add3A_95 : i32
      %dma_start3A_97 = arith.constant 0 : i32
      %dma_start3A_98 = tpu.memref_slice %arg7[%add3A_96, %dma_start3A_97] : memref<158x128xi32, #tpu.memory_space<vmem>> -> memref<1x128xi32, #tpu.memory_space<vmem>>
      %dma_start3A_99 = tpu.memref_squeeze %dma_start3A_98 : memref<1x128xi32, #tpu.memory_space<vmem>> -> memref<128xi32, #tpu.memory_space<vmem>>
      %dma_start3A_100 = arith.constant 0 : i32
      %dma_start3A_101 = arith.constant 0 : i32
      %dma_start3A_102 = tpu.memref_slice %arg14[%dma_start3A_100, %dma_start3A_101] : memref<10000x32xf32, #tpu.memory_space<vmem_shared>> -> memref<10000x32xf32, #tpu.memory_space<vmem_shared>>
      tpu.enqueue_indirect_dma source(%dma_start3A_102 : memref<10000x32xf32, #tpu.memory_space<vmem_shared>>) target(%arg9 : memref<128x32xf32, #tpu.memory_space<vmem>>) offsets(%dma_start3A_99 : memref<128xi32, #tpu.memory_space<vmem>>) semaphore(%arg15 : memref<!tpu.dma_semaphore, #tpu.memory_space<semaphore_mem>>)
      %gt3A_103 = arith.constant 0 : i32
      %gt3A_104 = arith.cmpi sgt, %add3A_88, %gt3A_103 : i32
      %convert_element_type3A_105 = arith.extui %gt3A_104 : i1 to i32
      %cond3A_106 = arith.constant 0 : i32
      %cond3A_107 = arith.cmpi ne, %convert_element_type3A_105, %cond3A_106 : i32
      scf.if %cond3A_107 {
        %sub3A = arith.constant 2 : i32
        %sub3A_148 = arith.subi %mul3A_90, %sub3A : i32
        %add3A_149 = arith.constant 1 : i32
        %add3A_150 = arith.addi %sub3A_148, %add3A_149 : i32
        %dma_wait3A_151 = arith.constant 0 : i32
        %dma_wait3A_152 = tpu.memref_slice %arg8[%add3A_150, %dma_wait3A_151] : memref<158x128xi32, #tpu.memory_space<vmem>> -> memref<1x128xi32, #tpu.memory_space<vmem>>
        %dma_wait3A_153 = tpu.memref_squeeze %dma_wait3A_152 : memref<1x128xi32, #tpu.memory_space<vmem>> -> memref<128xi32, #tpu.memory_space<vmem>>
        %dma_wait3A_154 = arith.constant 0 : i32
        %dma_wait3A_155 = arith.constant 0 : i32
        %dma_wait3A_156 = tpu.memref_slice %arg13[%dma_wait3A_154, %dma_wait3A_155] : memref<10112x32xf32, #tpu.memory_space<vmem_shared>> -> memref<10112x32xf32, #tpu.memory_space<vmem_shared>>
        tpu.wait_indirect_dma semaphore(%arg20 : memref<!tpu.dma_semaphore, #tpu.memory_space<semaphore_mem>>) src(%arg10 : memref<128x32xf32, #tpu.memory_space<vmem>>) dst(%dma_wait3A_156 : memref<10112x32xf32, #tpu.memory_space<vmem_shared>>)
      } else {
      }
      %add3A_108 = arith.constant 1 : i32
      %add3A_109 = arith.addi %mul3A_90, %add3A_108 : i32
      %dma_start3A_110 = arith.constant 0 : i32
      %dma_start3A_111 = tpu.memref_slice %arg7[%add3A_109, %dma_start3A_110] : memref<158x128xi32, #tpu.memory_space<vmem>> -> memref<1x128xi32, #tpu.memory_space<vmem>>
      %dma_start3A_112 = tpu.memref_squeeze %dma_start3A_111 : memref<1x128xi32, #tpu.memory_space<vmem>> -> memref<128xi32, #tpu.memory_space<vmem>>
      %dma_start3A_113 = arith.constant 0 : i32
      %dma_start3A_114 = arith.constant 0 : i32
      %dma_start3A_115 = tpu.memref_slice %arg14[%dma_start3A_113, %dma_start3A_114] : memref<10000x32xf32, #tpu.memory_space<vmem_shared>> -> memref<10000x32xf32, #tpu.memory_space<vmem_shared>>
      tpu.enqueue_indirect_dma source(%dma_start3A_115 : memref<10000x32xf32, #tpu.memory_space<vmem_shared>>) target(%arg10 : memref<128x32xf32, #tpu.memory_space<vmem>>) offsets(%dma_start3A_112 : memref<128xi32, #tpu.memory_space<vmem>>) semaphore(%arg16 : memref<!tpu.dma_semaphore, #tpu.memory_space<semaphore_mem>>)
      %add3A_116 = arith.constant 0 : i32
      %add3A_117 = arith.addi %mul3A_90, %add3A_116 : i32
      %dma_wait3A_118 = arith.constant 0 : i32
      %dma_wait3A_119 = tpu.memref_slice %arg7[%add3A_117, %dma_wait3A_118] : memref<158x128xi32, #tpu.memory_space<vmem>> -> memref<1x128xi32, #tpu.memory_space<vmem>>
      %dma_wait3A_120 = tpu.memref_squeeze %dma_wait3A_119 : memref<1x128xi32, #tpu.memory_space<vmem>> -> memref<128xi32, #tpu.memory_space<vmem>>
      %dma_wait3A_121 = arith.constant 0 : i32
      %dma_wait3A_122 = arith.constant 0 : i32
      %dma_wait3A_123 = tpu.memref_slice %arg14[%dma_wait3A_121, %dma_wait3A_122] : memref<10000x32xf32, #tpu.memory_space<vmem_shared>> -> memref<10000x32xf32, #tpu.memory_space<vmem_shared>>
      tpu.wait_indirect_dma semaphore(%arg15 : memref<!tpu.dma_semaphore, #tpu.memory_space<semaphore_mem>>) src(%dma_wait3A_123 : memref<10000x32xf32, #tpu.memory_space<vmem_shared>>) dst(%arg9 : memref<128x32xf32, #tpu.memory_space<vmem>>)
      %add3A_124 = arith.constant 0 : i32
      %add3A_125 = arith.addi %mul3A_90, %add3A_124 : i32
      %dma_start3A_126 = arith.constant 0 : i32
      %dma_start3A_127 = tpu.memref_slice %arg8[%add3A_125, %dma_start3A_126] : memref<158x128xi32, #tpu.memory_space<vmem>> -> memref<1x128xi32, #tpu.memory_space<vmem>>
      %dma_start3A_128 = tpu.memref_squeeze %dma_start3A_127 : memref<1x128xi32, #tpu.memory_space<vmem>> -> memref<128xi32, #tpu.memory_space<vmem>>
      %dma_start3A_129 = arith.constant 0 : i32
      %dma_start3A_130 = arith.constant 0 : i32
      %dma_start3A_131 = tpu.memref_slice %arg13[%dma_start3A_129, %dma_start3A_130] : memref<10112x32xf32, #tpu.memory_space<vmem_shared>> -> memref<10112x32xf32, #tpu.memory_space<vmem_shared>>
      tpu.enqueue_indirect_dma source(%arg9 : memref<128x32xf32, #tpu.memory_space<vmem>>) target(%dma_start3A_131 : memref<10112x32xf32, #tpu.memory_space<vmem_shared>>) offsets(%dma_start3A_128 : memref<128xi32, #tpu.memory_space<vmem>>) semaphore(%arg19 : memref<!tpu.dma_semaphore, #tpu.memory_space<semaphore_mem>>) {add = true}
      %add3A_132 = arith.constant 1 : i32
      %add3A_133 = arith.addi %mul3A_90, %add3A_132 : i32
      %dma_wait3A_134 = arith.constant 0 : i32
      %dma_wait3A_135 = tpu.memref_slice %arg7[%add3A_133, %dma_wait3A_134] : memref<158x128xi32, #tpu.memory_space<vmem>> -> memref<1x128xi32, #tpu.memory_space<vmem>>
      %dma_wait3A_136 = tpu.memref_squeeze %dma_wait3A_135 : memref<1x128xi32, #tpu.memory_space<vmem>> -> memref<128xi32, #tpu.memory_space<vmem>>
      %dma_wait3A_137 = arith.constant 0 : i32
      %dma_wait3A_138 = arith.constant 0 : i32
      %dma_wait3A_139 = tpu.memref_slice %arg14[%dma_wait3A_137, %dma_wait3A_138] : memref<10000x32xf32, #tpu.memory_space<vmem_shared>> -> memref<10000x32xf32, #tpu.memory_space<vmem_shared>>
      tpu.wait_indirect_dma semaphore(%arg16 : memref<!tpu.dma_semaphore, #tpu.memory_space<semaphore_mem>>) src(%dma_wait3A_139 : memref<10000x32xf32, #tpu.memory_space<vmem_shared>>) dst(%arg10 : memref<128x32xf32, #tpu.memory_space<vmem>>)
      %add3A_140 = arith.constant 1 : i32
      %add3A_141 = arith.addi %mul3A_90, %add3A_140 : i32
      %dma_start3A_142 = arith.constant 0 : i32
      %dma_start3A_143 = tpu.memref_slice %arg8[%add3A_141, %dma_start3A_142] : memref<158x128xi32, #tpu.memory_space<vmem>> -> memref<1x128xi32, #tpu.memory_space<vmem>>
      %dma_start3A_144 = tpu.memref_squeeze %dma_start3A_143 : memref<1x128xi32, #tpu.memory_space<vmem>> -> memref<128xi32, #tpu.memory_space<vmem>>
      %dma_start3A_145 = arith.constant 0 : i32
      %dma_start3A_146 = arith.constant 0 : i32
      %dma_start3A_147 = tpu.memref_slice %arg13[%dma_start3A_145, %dma_start3A_146] : memref<10112x32xf32, #tpu.memory_space<vmem_shared>> -> memref<10112x32xf32, #tpu.memory_space<vmem_shared>>
      tpu.enqueue_indirect_dma source(%arg10 : memref<128x32xf32, #tpu.memory_space<vmem>>) target(%dma_start3A_147 : memref<10112x32xf32, #tpu.memory_space<vmem_shared>>) offsets(%dma_start3A_144 : memref<128xi32, #tpu.memory_space<vmem>>) semaphore(%arg20 : memref<!tpu.dma_semaphore, #tpu.memory_space<semaphore_mem>>) {add = true}
    }
    %scan3A_60 = arith.constant 79 : i32
    %dma_wait3A_61 = arith.constant 156 : i32
    %dma_wait3A_62 = arith.constant 0 : i32
    %dma_wait3A_63 = tpu.memref_slice %arg8[%dma_wait3A_61, %dma_wait3A_62] : memref<158x128xi32, #tpu.memory_space<vmem>> -> memref<1x128xi32, #tpu.memory_space<vmem>>
    %dma_wait3A_64 = tpu.memref_squeeze %dma_wait3A_63 : memref<1x128xi32, #tpu.memory_space<vmem>> -> memref<128xi32, #tpu.memory_space<vmem>>
    %dma_wait3A_65 = arith.constant 0 : i32
    %dma_wait3A_66 = arith.constant 0 : i32
    %dma_wait3A_67 = tpu.memref_slice %arg13[%dma_wait3A_65, %dma_wait3A_66] : memref<10112x32xf32, #tpu.memory_space<vmem_shared>> -> memref<10112x32xf32, #tpu.memory_space<vmem_shared>>
    tpu.wait_indirect_dma semaphore(%arg19 : memref<!tpu.dma_semaphore, #tpu.memory_space<semaphore_mem>>) src(%arg9 : memref<128x32xf32, #tpu.memory_space<vmem>>) dst(%dma_wait3A_67 : memref<10112x32xf32, #tpu.memory_space<vmem_shared>>)
    %dma_wait3A_68 = arith.constant 157 : i32
    %dma_wait3A_69 = arith.constant 0 : i32
    %dma_wait3A_70 = tpu.memref_slice %arg8[%dma_wait3A_68, %dma_wait3A_69] : memref<158x128xi32, #tpu.memory_space<vmem>> -> memref<1x128xi32, #tpu.memory_space<vmem>>
    %dma_wait3A_71 = tpu.memref_squeeze %dma_wait3A_70 : memref<1x128xi32, #tpu.memory_space<vmem>> -> memref<128xi32, #tpu.memory_space<vmem>>
    %dma_wait3A_72 = arith.constant 0 : i32
    %dma_wait3A_73 = arith.constant 0 : i32
    %dma_wait3A_74 = tpu.memref_slice %arg13[%dma_wait3A_72, %dma_wait3A_73] : memref<10112x32xf32, #tpu.memory_space<vmem_shared>> -> memref<10112x32xf32, #tpu.memory_space<vmem_shared>>
    tpu.wait_indirect_dma semaphore(%arg20 : memref<!tpu.dma_semaphore, #tpu.memory_space<semaphore_mem>>) src(%arg10 : memref<128x32xf32, #tpu.memory_space<vmem>>) dst(%dma_wait3A_74 : memref<10112x32xf32, #tpu.memory_space<vmem_shared>>)
    %barrier3A_75 = arith.constant 0 : index
    tpu.barrier barrier_id(%barrier3A_75)
    %mul3A_76 = arith.constant 624 : i32
    %mul3A_77 = arith.muli %arg1, %mul3A_76 : i32
    %mul3A_78 = arith.constant 624 : i32
    %mul3A_79 = arith.muli %arg1, %mul3A_78 : i32
    "tpu.region"() ({
      %run_scoped3A = tpu.sem_alloc : memref<!tpu.dma_semaphore, #tpu.memory_space<semaphore_mem>>
      %dma_start3A_85 = arith.constant 0 : i32
      %dma_start3A_86 = tpu.memref_slice %arg6[%arg0, %mul3A_79, %dma_start3A_85] : memref<2x10000x32xf32, #tpu.memory_space<hbm>> -> memref<1x624x32xf32, #tpu.memory_space<hbm>>
      %dma_start3A_87 = tpu.memref_squeeze %dma_start3A_86 : memref<1x624x32xf32, #tpu.memory_space<hbm>> -> memref<624x32xf32, #tpu.memory_space<hbm>>
      %dma_start3A_88 = arith.constant 0 : i32
      %dma_start3A_89 = tpu.memref_slice %arg13[%mul3A_77, %dma_start3A_88] : memref<10112x32xf32, #tpu.memory_space<vmem_shared>> -> memref<624x32xf32, #tpu.memory_space<vmem_shared>>
      tpu.enqueue_dma source(%dma_start3A_89 : memref<624x32xf32, #tpu.memory_space<vmem_shared>>) target(%dma_start3A_87 : memref<624x32xf32, #tpu.memory_space<hbm>>) target_semaphore(%run_scoped3A : memref<!tpu.dma_semaphore, #tpu.memory_space<semaphore_mem>>)
      %dma_wait3A_90 = arith.constant 0 : i32
      %dma_wait3A_91 = tpu.memref_slice %arg6[%arg0, %mul3A_79, %dma_wait3A_90] : memref<2x10000x32xf32, #tpu.memory_space<hbm>> -> memref<1x624x32xf32, #tpu.memory_space<hbm>>
      %dma_wait3A_92 = tpu.memref_squeeze %dma_wait3A_91 : memref<1x624x32xf32, #tpu.memory_space<hbm>> -> memref<624x32xf32, #tpu.memory_space<hbm>>
      %dma_wait3A_93 = arith.constant 0 : i32
      %dma_wait3A_94 = tpu.memref_slice %arg13[%mul3A_77, %dma_wait3A_93] : memref<10112x32xf32, #tpu.memory_space<vmem_shared>> -> memref<624x32xf32, #tpu.memory_space<vmem_shared>>
      tpu.wait_dma2 semaphore(%run_scoped3A : memref<!tpu.dma_semaphore, #tpu.memory_space<semaphore_mem>>) src(%dma_wait3A_94 : memref<624x32xf32, #tpu.memory_space<vmem_shared>>) dst(%dma_wait3A_92 : memref<624x32xf32, #tpu.memory_space<hbm>>)
      tpu.yield
    }) : () -> ()
    %eq3A_80 = arith.constant 0 : i32
    %eq3A_81 = arith.cmpi eq, %arg1, %eq3A_80 : i32
    %convert_element_type3A_82 = arith.extui %eq3A_81 : i1 to i32
    %cond3A_83 = arith.constant 0 : i32
    %cond3A_84 = arith.cmpi ne, %convert_element_type3A_82, %cond3A_83 : i32
    scf.if %cond3A_84 {
      "tpu.region"() ({
        %run_scoped3A = tpu.sem_alloc : memref<!tpu.dma_semaphore, #tpu.memory_space<semaphore_mem>>
        %dma_start3A_85 = arith.constant 9984 : i32
        %dma_start3A_86 = arith.constant 0 : i32
        %dma_start3A_87 = tpu.memref_slice %arg6[%arg0, %dma_start3A_85, %dma_start3A_86] : memref<2x10000x32xf32, #tpu.memory_space<hbm>> -> memref<1x16x32xf32, #tpu.memory_space<hbm>>
        %dma_start3A_88 = tpu.memref_squeeze %dma_start3A_87 : memref<1x16x32xf32, #tpu.memory_space<hbm>> -> memref<16x32xf32, #tpu.memory_space<hbm>>
        %dma_start3A_89 = arith.constant 9984 : i32
        %dma_start3A_90 = arith.constant 0 : i32
        %dma_start3A_91 = tpu.memref_slice %arg13[%dma_start3A_89, %dma_start3A_90] : memref<10112x32xf32, #tpu.memory_space<vmem_shared>> -> memref<16x32xf32, #tpu.memory_space<vmem_shared>>
        tpu.enqueue_dma source(%dma_start3A_91 : memref<16x32xf32, #tpu.memory_space<vmem_shared>>) target(%dma_start3A_88 : memref<16x32xf32, #tpu.memory_space<hbm>>) target_semaphore(%run_scoped3A : memref<!tpu.dma_semaphore, #tpu.memory_space<semaphore_mem>>)
        %dma_wait3A_92 = arith.constant 9984 : i32
        %dma_wait3A_93 = arith.constant 0 : i32
        %dma_wait3A_94 = tpu.memref_slice %arg6[%arg0, %dma_wait3A_92, %dma_wait3A_93] : memref<2x10000x32xf32, #tpu.memory_space<hbm>> -> memref<1x16x32xf32, #tpu.memory_space<hbm>>
        %dma_wait3A_95 = tpu.memref_squeeze %dma_wait3A_94 : memref<1x16x32xf32, #tpu.memory_space<hbm>> -> memref<16x32xf32, #tpu.memory_space<hbm>>
        %dma_wait3A_96 = arith.constant 9984 : i32
        %dma_wait3A_97 = arith.constant 0 : i32
        %dma_wait3A_98 = tpu.memref_slice %arg13[%dma_wait3A_96, %dma_wait3A_97] : memref<10112x32xf32, #tpu.memory_space<vmem_shared>> -> memref<16x32xf32, #tpu.memory_space<vmem_shared>>
        tpu.wait_dma2 semaphore(%run_scoped3A : memref<!tpu.dma_semaphore, #tpu.memory_space<semaphore_mem>>) src(%dma_wait3A_98 : memref<16x32xf32, #tpu.memory_space<vmem_shared>>) dst(%dma_wait3A_95 : memref<16x32xf32, #tpu.memory_space<hbm>>)
        tpu.yield
      }) : () -> ()
    } else {
    }
    return
  }
}

#map = affine_map<(d0, d1) -> (0, 0, 0)>
#map1 = affine_map<(d0, d1) -> (0, 0)>
module attributes {stable_mosaic.version = 14 : i64} {
  func.func @_sc_prop_body(%arg0: i32, %arg1: i32, %arg2: memref<2x10000x32xf32, #tpu.memory_space<hbm>>, %arg3: memref<16x158x128xi32, #tpu.memory_space<hbm>>, %arg4: memref<16x158x128xi32, #tpu.memory_space<hbm>>, %arg5: memref<10112x32xf32, #tpu.memory_space<hbm>>, %arg6: memref<2x10000x32xf32, #tpu.memory_space<hbm>>, %arg7: memref<158x128xi32, #tpu.memory_space<vmem>>, %arg8: memref<158x128xi32, #tpu.memory_space<vmem>>, %arg9: memref<128x32xf32, #tpu.memory_space<vmem>>, %arg10: memref<128x32xf32, #tpu.memory_space<vmem>>, %arg11: memref<128x32xf32, #tpu.memory_space<vmem>>, %arg12: memref<128x32xf32, #tpu.memory_space<vmem>>, %arg13: memref<10112x32xf32, #tpu.memory_space<vmem_shared>>, %arg14: memref<10000x32xf32, #tpu.memory_space<vmem_shared>>, %arg15: memref<!tpu.dma_semaphore, #tpu.memory_space<semaphore_mem>>, %arg16: memref<!tpu.dma_semaphore, #tpu.memory_space<semaphore_mem>>, %arg17: memref<!tpu.dma_semaphore, #tpu.memory_space<semaphore_mem>>, %arg18: memref<!tpu.dma_semaphore, #tpu.memory_space<semaphore_mem>>, %arg19: memref<!tpu.dma_semaphore, #tpu.memory_space<semaphore_mem>>, %arg20: memref<!tpu.dma_semaphore, #tpu.memory_space<semaphore_mem>>, %arg21: memref<!tpu.dma_semaphore, #tpu.memory_space<semaphore_mem>>, %arg22: memref<!tpu.dma_semaphore, #tpu.memory_space<semaphore_mem>>) attributes {dimension_semantics = [#tpu.dimension_semantics<core_parallel>, #tpu.dimension_semantics<subcore_parallel>], iteration_bounds = array<i64: 2, 16>, scalar_prefetch = 0 : i64, scratch_operands = 16 : i64, tpu.core_type = #tpu.core_type<sc_vector_subcore>, window_params = [{transform_indices = #map}, {transform_indices = #map}, {transform_indices = #map}, {transform_indices = #map1}, {transform_indices = #map}]} {
    %mul3A = arith.constant 632 : i32
    %mul3A_0 = arith.muli %arg1, %mul3A : i32
    %mul3A_1 = arith.constant 632 : i32
    %mul3A_2 = arith.muli %arg1, %mul3A_1 : i32
    %dma_start3A = arith.constant 0 : i32
    %dma_start3A_3 = tpu.memref_slice %arg13[%mul3A_2, %dma_start3A] : memref<10112x32xf32, #tpu.memory_space<vmem_shared>> -> memref<632x32xf32, #tpu.memory_space<vmem_shared>>
    %dma_start3A_4 = arith.constant 0 : i32
    %dma_start3A_5 = tpu.memref_slice %arg5[%mul3A_0, %dma_start3A_4] : memref<10112x32xf32, #tpu.memory_space<hbm>> -> memref<632x32xf32, #tpu.memory_space<hbm>>
    tpu.enqueue_dma source(%dma_start3A_5 : memref<632x32xf32, #tpu.memory_space<hbm>>) target(%dma_start3A_3 : memref<632x32xf32, #tpu.memory_space<vmem_shared>>) target_semaphore(%arg15 : memref<!tpu.dma_semaphore, #tpu.memory_space<semaphore_mem>>)
    %mul3A_6 = arith.constant 624 : i32
    %mul3A_7 = arith.muli %arg1, %mul3A_6 : i32
    %mul3A_8 = arith.constant 624 : i32
    %mul3A_9 = arith.muli %arg1, %mul3A_8 : i32
    %dma_start3A_10 = arith.constant 0 : i32
    %dma_start3A_11 = tpu.memref_slice %arg14[%mul3A_9, %dma_start3A_10] : memref<10000x32xf32, #tpu.memory_space<vmem_shared>> -> memref<624x32xf32, #tpu.memory_space<vmem_shared>>
    %dma_start3A_12 = arith.constant 0 : i32
    %dma_start3A_13 = tpu.memref_slice %arg2[%arg0, %mul3A_7, %dma_start3A_12] : memref<2x10000x32xf32, #tpu.memory_space<hbm>> -> memref<1x624x32xf32, #tpu.memory_space<hbm>>
    %dma_start3A_14 = tpu.memref_squeeze %dma_start3A_13 : memref<1x624x32xf32, #tpu.memory_space<hbm>> -> memref<624x32xf32, #tpu.memory_space<hbm>>
    tpu.enqueue_dma source(%dma_start3A_14 : memref<624x32xf32, #tpu.memory_space<hbm>>) target(%dma_start3A_11 : memref<624x32xf32, #tpu.memory_space<vmem_shared>>) target_semaphore(%arg16 : memref<!tpu.dma_semaphore, #tpu.memory_space<semaphore_mem>>)
    %dma_start3A_15 = arith.constant 0 : i32
    %dma_start3A_16 = arith.constant 0 : i32
    %dma_start3A_17 = tpu.memref_slice %arg3[%arg1, %dma_start3A_15, %dma_start3A_16] : memref<16x158x128xi32, #tpu.memory_space<hbm>> -> memref<1x158x128xi32, #tpu.memory_space<hbm>>
    %dma_start3A_18 = tpu.memref_squeeze %dma_start3A_17 : memref<1x158x128xi32, #tpu.memory_space<hbm>> -> memref<158x128xi32, #tpu.memory_space<hbm>>
    %dma_start3A_19 = arith.constant 0 : i32
    %dma_start3A_20 = arith.constant 0 : i32
    %dma_start3A_21 = tpu.memref_slice %arg3[%arg1, %dma_start3A_19, %dma_start3A_20] : memref<16x158x128xi32, #tpu.memory_space<hbm>> -> memref<1x158x128xi32, #tpu.memory_space<hbm>>
    %dma_start3A_22 = tpu.memref_squeeze %dma_start3A_21 : memref<1x158x128xi32, #tpu.memory_space<hbm>> -> memref<158x128xi32, #tpu.memory_space<hbm>>
    tpu.enqueue_dma source(%dma_start3A_22 : memref<158x128xi32, #tpu.memory_space<hbm>>) target(%arg7 : memref<158x128xi32, #tpu.memory_space<vmem>>) target_semaphore(%arg17 : memref<!tpu.dma_semaphore, #tpu.memory_space<semaphore_mem>>)
    %dma_start3A_23 = arith.constant 0 : i32
    %dma_start3A_24 = arith.constant 0 : i32
    %dma_start3A_25 = tpu.memref_slice %arg4[%arg1, %dma_start3A_23, %dma_start3A_24] : memref<16x158x128xi32, #tpu.memory_space<hbm>> -> memref<1x158x128xi32, #tpu.memory_space<hbm>>
    %dma_start3A_26 = tpu.memref_squeeze %dma_start3A_25 : memref<1x158x128xi32, #tpu.memory_space<hbm>> -> memref<158x128xi32, #tpu.memory_space<hbm>>
    %dma_start3A_27 = arith.constant 0 : i32
    %dma_start3A_28 = arith.constant 0 : i32
    %dma_start3A_29 = tpu.memref_slice %arg4[%arg1, %dma_start3A_27, %dma_start3A_28] : memref<16x158x128xi32, #tpu.memory_space<hbm>> -> memref<1x158x128xi32, #tpu.memory_space<hbm>>
    %dma_start3A_30 = tpu.memref_squeeze %dma_start3A_29 : memref<1x158x128xi32, #tpu.memory_space<hbm>> -> memref<158x128xi32, #tpu.memory_space<hbm>>
    tpu.enqueue_dma source(%dma_start3A_30 : memref<158x128xi32, #tpu.memory_space<hbm>>) target(%arg8 : memref<158x128xi32, #tpu.memory_space<vmem>>) target_semaphore(%arg18 : memref<!tpu.dma_semaphore, #tpu.memory_space<semaphore_mem>>)
    %eq3A = arith.constant 0 : i32
    %eq3A_31 = arith.cmpi eq, %arg1, %eq3A : i32
    %convert_element_type3A = arith.extui %eq3A_31 : i1 to i32
    %cond3A = arith.constant 0 : i32
    %cond3A_32 = arith.cmpi ne, %convert_element_type3A, %cond3A : i32
    scf.if %cond3A_32 {
      "tpu.region"() ({
        %run_scoped3A = tpu.sem_alloc : memref<!tpu.dma_semaphore, #tpu.memory_space<semaphore_mem>>
        %dma_start3A_85 = arith.constant 9984 : i32
        %dma_start3A_86 = arith.constant 0 : i32
        %dma_start3A_87 = tpu.memref_slice %arg14[%dma_start3A_85, %dma_start3A_86] : memref<10000x32xf32, #tpu.memory_space<vmem_shared>> -> memref<16x32xf32, #tpu.memory_space<vmem_shared>>
        %dma_start3A_88 = arith.constant 9984 : i32
        %dma_start3A_89 = arith.constant 0 : i32
        %dma_start3A_90 = tpu.memref_slice %arg2[%arg0, %dma_start3A_88, %dma_start3A_89] : memref<2x10000x32xf32, #tpu.memory_space<hbm>> -> memref<1x16x32xf32, #tpu.memory_space<hbm>>
        %dma_start3A_91 = tpu.memref_squeeze %dma_start3A_90 : memref<1x16x32xf32, #tpu.memory_space<hbm>> -> memref<16x32xf32, #tpu.memory_space<hbm>>
        tpu.enqueue_dma source(%dma_start3A_91 : memref<16x32xf32, #tpu.memory_space<hbm>>) target(%dma_start3A_87 : memref<16x32xf32, #tpu.memory_space<vmem_shared>>) target_semaphore(%run_scoped3A : memref<!tpu.dma_semaphore, #tpu.memory_space<semaphore_mem>>)
        %dma_wait3A_92 = arith.constant 9984 : i32
        %dma_wait3A_93 = arith.constant 0 : i32
        %dma_wait3A_94 = tpu.memref_slice %arg14[%dma_wait3A_92, %dma_wait3A_93] : memref<10000x32xf32, #tpu.memory_space<vmem_shared>> -> memref<16x32xf32, #tpu.memory_space<vmem_shared>>
        %dma_wait3A_95 = arith.constant 9984 : i32
        %dma_wait3A_96 = arith.constant 0 : i32
        %dma_wait3A_97 = tpu.memref_slice %arg2[%arg0, %dma_wait3A_95, %dma_wait3A_96] : memref<2x10000x32xf32, #tpu.memory_space<hbm>> -> memref<1x16x32xf32, #tpu.memory_space<hbm>>
        %dma_wait3A_98 = tpu.memref_squeeze %dma_wait3A_97 : memref<1x16x32xf32, #tpu.memory_space<hbm>> -> memref<16x32xf32, #tpu.memory_space<hbm>>
        tpu.wait_dma2 semaphore(%run_scoped3A : memref<!tpu.dma_semaphore, #tpu.memory_space<semaphore_mem>>) src(%dma_wait3A_98 : memref<16x32xf32, #tpu.memory_space<hbm>>) dst(%dma_wait3A_94 : memref<16x32xf32, #tpu.memory_space<vmem_shared>>)
        tpu.yield
      }) : () -> ()
    } else {
    }
    %dma_wait3A = arith.constant 0 : i32
    %dma_wait3A_33 = tpu.memref_slice %arg13[%mul3A_2, %dma_wait3A] : memref<10112x32xf32, #tpu.memory_space<vmem_shared>> -> memref<632x32xf32, #tpu.memory_space<vmem_shared>>
    %dma_wait3A_34 = arith.constant 0 : i32
    %dma_wait3A_35 = tpu.memref_slice %arg5[%mul3A_0, %dma_wait3A_34] : memref<10112x32xf32, #tpu.memory_space<hbm>> -> memref<632x32xf32, #tpu.memory_space<hbm>>
    tpu.wait_dma2 semaphore(%arg15 : memref<!tpu.dma_semaphore, #tpu.memory_space<semaphore_mem>>) src(%dma_wait3A_35 : memref<632x32xf32, #tpu.memory_space<hbm>>) dst(%dma_wait3A_33 : memref<632x32xf32, #tpu.memory_space<vmem_shared>>)
    %dma_wait3A_36 = arith.constant 0 : i32
    %dma_wait3A_37 = tpu.memref_slice %arg14[%mul3A_9, %dma_wait3A_36] : memref<10000x32xf32, #tpu.memory_space<vmem_shared>> -> memref<624x32xf32, #tpu.memory_space<vmem_shared>>
    %dma_wait3A_38 = arith.constant 0 : i32
    %dma_wait3A_39 = tpu.memref_slice %arg2[%arg0, %mul3A_7, %dma_wait3A_38] : memref<2x10000x32xf32, #tpu.memory_space<hbm>> -> memref<1x624x32xf32, #tpu.memory_space<hbm>>
    %dma_wait3A_40 = tpu.memref_squeeze %dma_wait3A_39 : memref<1x624x32xf32, #tpu.memory_space<hbm>> -> memref<624x32xf32, #tpu.memory_space<hbm>>
    tpu.wait_dma2 semaphore(%arg16 : memref<!tpu.dma_semaphore, #tpu.memory_space<semaphore_mem>>) src(%dma_wait3A_40 : memref<624x32xf32, #tpu.memory_space<hbm>>) dst(%dma_wait3A_37 : memref<624x32xf32, #tpu.memory_space<vmem_shared>>)
    %dma_wait3A_41 = arith.constant 0 : i32
    %dma_wait3A_42 = arith.constant 0 : i32
    %dma_wait3A_43 = tpu.memref_slice %arg3[%arg1, %dma_wait3A_41, %dma_wait3A_42] : memref<16x158x128xi32, #tpu.memory_space<hbm>> -> memref<1x158x128xi32, #tpu.memory_space<hbm>>
    %dma_wait3A_44 = tpu.memref_squeeze %dma_wait3A_43 : memref<1x158x128xi32, #tpu.memory_space<hbm>> -> memref<158x128xi32, #tpu.memory_space<hbm>>
    %dma_wait3A_45 = arith.constant 0 : i32
    %dma_wait3A_46 = arith.constant 0 : i32
    %dma_wait3A_47 = tpu.memref_slice %arg3[%arg1, %dma_wait3A_45, %dma_wait3A_46] : memref<16x158x128xi32, #tpu.memory_space<hbm>> -> memref<1x158x128xi32, #tpu.memory_space<hbm>>
    %dma_wait3A_48 = tpu.memref_squeeze %dma_wait3A_47 : memref<1x158x128xi32, #tpu.memory_space<hbm>> -> memref<158x128xi32, #tpu.memory_space<hbm>>
    tpu.wait_dma2 semaphore(%arg17 : memref<!tpu.dma_semaphore, #tpu.memory_space<semaphore_mem>>) src(%dma_wait3A_48 : memref<158x128xi32, #tpu.memory_space<hbm>>) dst(%arg7 : memref<158x128xi32, #tpu.memory_space<vmem>>)
    %dma_wait3A_49 = arith.constant 0 : i32
    %dma_wait3A_50 = arith.constant 0 : i32
    %dma_wait3A_51 = tpu.memref_slice %arg4[%arg1, %dma_wait3A_49, %dma_wait3A_50] : memref<16x158x128xi32, #tpu.memory_space<hbm>> -> memref<1x158x128xi32, #tpu.memory_space<hbm>>
    %dma_wait3A_52 = tpu.memref_squeeze %dma_wait3A_51 : memref<1x158x128xi32, #tpu.memory_space<hbm>> -> memref<158x128xi32, #tpu.memory_space<hbm>>
    %dma_wait3A_53 = arith.constant 0 : i32
    %dma_wait3A_54 = arith.constant 0 : i32
    %dma_wait3A_55 = tpu.memref_slice %arg4[%arg1, %dma_wait3A_53, %dma_wait3A_54] : memref<16x158x128xi32, #tpu.memory_space<hbm>> -> memref<1x158x128xi32, #tpu.memory_space<hbm>>
    %dma_wait3A_56 = tpu.memref_squeeze %dma_wait3A_55 : memref<1x158x128xi32, #tpu.memory_space<hbm>> -> memref<158x128xi32, #tpu.memory_space<hbm>>
    tpu.wait_dma2 semaphore(%arg18 : memref<!tpu.dma_semaphore, #tpu.memory_space<semaphore_mem>>) src(%dma_wait3A_56 : memref<158x128xi32, #tpu.memory_space<hbm>>) dst(%arg8 : memref<158x128xi32, #tpu.memory_space<vmem>>)
    %barrier3A = arith.constant 0 : index
    tpu.barrier barrier_id(%barrier3A)
    %scan3A = arith.constant 0 : i32
    %scan3A_57 = arith.constant 79 : i32
    %scan3A_58 = arith.addi %scan3A, %scan3A_57 : i32
    %scan3A_59 = arith.constant 1 : i32
    scf.for %scan3A_85 = %scan3A to %scan3A_58 step %scan3A_59  : i32 {
      %mul3A_86 = arith.constant 1 : i32
      %mul3A_87 = arith.muli %scan3A_85, %mul3A_86 : i32
      %add3A = arith.constant 0 : i32
      %add3A_88 = arith.addi %add3A, %mul3A_87 : i32
      %mul3A_89 = arith.constant 2 : i32
      %mul3A_90 = arith.muli %add3A_88, %mul3A_89 : i32
      %gt3A = arith.constant 0 : i32
      %gt3A_91 = arith.cmpi sgt, %add3A_88, %gt3A : i32
      %convert_element_type3A_92 = arith.extui %gt3A_91 : i1 to i32
      %cond3A_93 = arith.constant 0 : i32
      %cond3A_94 = arith.cmpi ne, %convert_element_type3A_92, %cond3A_93 : i32
      scf.if %cond3A_94 {
        %sub3A = arith.constant 2 : i32
        %sub3A_148 = arith.subi %mul3A_90, %sub3A : i32
        %add3A_149 = arith.constant 0 : i32
        %add3A_150 = arith.addi %sub3A_148, %add3A_149 : i32
        %dma_wait3A_151 = arith.constant 0 : i32
        %dma_wait3A_152 = tpu.memref_slice %arg8[%add3A_150, %dma_wait3A_151] : memref<158x128xi32, #tpu.memory_space<vmem>> -> memref<1x128xi32, #tpu.memory_space<vmem>>
        %dma_wait3A_153 = tpu.memref_squeeze %dma_wait3A_152 : memref<1x128xi32, #tpu.memory_space<vmem>> -> memref<128xi32, #tpu.memory_space<vmem>>
        %dma_wait3A_154 = arith.constant 0 : i32
        %dma_wait3A_155 = arith.constant 0 : i32
        %dma_wait3A_156 = tpu.memref_slice %arg13[%dma_wait3A_154, %dma_wait3A_155] : memref<10112x32xf32, #tpu.memory_space<vmem_shared>> -> memref<10112x32xf32, #tpu.memory_space<vmem_shared>>
        tpu.wait_indirect_dma semaphore(%arg19 : memref<!tpu.dma_semaphore, #tpu.memory_space<semaphore_mem>>) src(%arg9 : memref<128x32xf32, #tpu.memory_space<vmem>>) dst(%dma_wait3A_156 : memref<10112x32xf32, #tpu.memory_space<vmem_shared>>)
      } else {
      }
      %add3A_95 = arith.constant 0 : i32
      %add3A_96 = arith.addi %mul3A_90, %add3A_95 : i32
      %dma_start3A_97 = arith.constant 0 : i32
      %dma_start3A_98 = tpu.memref_slice %arg7[%add3A_96, %dma_start3A_97] : memref<158x128xi32, #tpu.memory_space<vmem>> -> memref<1x128xi32, #tpu.memory_space<vmem>>
      %dma_start3A_99 = tpu.memref_squeeze %dma_start3A_98 : memref<1x128xi32, #tpu.memory_space<vmem>> -> memref<128xi32, #tpu.memory_space<vmem>>
      %dma_start3A_100 = arith.constant 0 : i32
      %dma_start3A_101 = arith.constant 0 : i32
      %dma_start3A_102 = tpu.memref_slice %arg14[%dma_start3A_100, %dma_start3A_101] : memref<10000x32xf32, #tpu.memory_space<vmem_shared>> -> memref<10000x32xf32, #tpu.memory_space<vmem_shared>>
      tpu.enqueue_indirect_dma source(%dma_start3A_102 : memref<10000x32xf32, #tpu.memory_space<vmem_shared>>) target(%arg9 : memref<128x32xf32, #tpu.memory_space<vmem>>) offsets(%dma_start3A_99 : memref<128xi32, #tpu.memory_space<vmem>>) semaphore(%arg15 : memref<!tpu.dma_semaphore, #tpu.memory_space<semaphore_mem>>)
      %gt3A_103 = arith.constant 0 : i32
      %gt3A_104 = arith.cmpi sgt, %add3A_88, %gt3A_103 : i32
      %convert_element_type3A_105 = arith.extui %gt3A_104 : i1 to i32
      %cond3A_106 = arith.constant 0 : i32
      %cond3A_107 = arith.cmpi ne, %convert_element_type3A_105, %cond3A_106 : i32
      scf.if %cond3A_107 {
        %sub3A = arith.constant 2 : i32
        %sub3A_148 = arith.subi %mul3A_90, %sub3A : i32
        %add3A_149 = arith.constant 1 : i32
        %add3A_150 = arith.addi %sub3A_148, %add3A_149 : i32
        %dma_wait3A_151 = arith.constant 0 : i32
        %dma_wait3A_152 = tpu.memref_slice %arg8[%add3A_150, %dma_wait3A_151] : memref<158x128xi32, #tpu.memory_space<vmem>> -> memref<1x128xi32, #tpu.memory_space<vmem>>
        %dma_wait3A_153 = tpu.memref_squeeze %dma_wait3A_152 : memref<1x128xi32, #tpu.memory_space<vmem>> -> memref<128xi32, #tpu.memory_space<vmem>>
        %dma_wait3A_154 = arith.constant 0 : i32
        %dma_wait3A_155 = arith.constant 0 : i32
        %dma_wait3A_156 = tpu.memref_slice %arg13[%dma_wait3A_154, %dma_wait3A_155] : memref<10112x32xf32, #tpu.memory_space<vmem_shared>> -> memref<10112x32xf32, #tpu.memory_space<vmem_shared>>
        tpu.wait_indirect_dma semaphore(%arg20 : memref<!tpu.dma_semaphore, #tpu.memory_space<semaphore_mem>>) src(%arg10 : memref<128x32xf32, #tpu.memory_space<vmem>>) dst(%dma_wait3A_156 : memref<10112x32xf32, #tpu.memory_space<vmem_shared>>)
      } else {
      }
      %add3A_108 = arith.constant 1 : i32
      %add3A_109 = arith.addi %mul3A_90, %add3A_108 : i32
      %dma_start3A_110 = arith.constant 0 : i32
      %dma_start3A_111 = tpu.memref_slice %arg7[%add3A_109, %dma_start3A_110] : memref<158x128xi32, #tpu.memory_space<vmem>> -> memref<1x128xi32, #tpu.memory_space<vmem>>
      %dma_start3A_112 = tpu.memref_squeeze %dma_start3A_111 : memref<1x128xi32, #tpu.memory_space<vmem>> -> memref<128xi32, #tpu.memory_space<vmem>>
      %dma_start3A_113 = arith.constant 0 : i32
      %dma_start3A_114 = arith.constant 0 : i32
      %dma_start3A_115 = tpu.memref_slice %arg14[%dma_start3A_113, %dma_start3A_114] : memref<10000x32xf32, #tpu.memory_space<vmem_shared>> -> memref<10000x32xf32, #tpu.memory_space<vmem_shared>>
      tpu.enqueue_indirect_dma source(%dma_start3A_115 : memref<10000x32xf32, #tpu.memory_space<vmem_shared>>) target(%arg10 : memref<128x32xf32, #tpu.memory_space<vmem>>) offsets(%dma_start3A_112 : memref<128xi32, #tpu.memory_space<vmem>>) semaphore(%arg16 : memref<!tpu.dma_semaphore, #tpu.memory_space<semaphore_mem>>)
      %add3A_116 = arith.constant 0 : i32
      %add3A_117 = arith.addi %mul3A_90, %add3A_116 : i32
      %dma_wait3A_118 = arith.constant 0 : i32
      %dma_wait3A_119 = tpu.memref_slice %arg7[%add3A_117, %dma_wait3A_118] : memref<158x128xi32, #tpu.memory_space<vmem>> -> memref<1x128xi32, #tpu.memory_space<vmem>>
      %dma_wait3A_120 = tpu.memref_squeeze %dma_wait3A_119 : memref<1x128xi32, #tpu.memory_space<vmem>> -> memref<128xi32, #tpu.memory_space<vmem>>
      %dma_wait3A_121 = arith.constant 0 : i32
      %dma_wait3A_122 = arith.constant 0 : i32
      %dma_wait3A_123 = tpu.memref_slice %arg14[%dma_wait3A_121, %dma_wait3A_122] : memref<10000x32xf32, #tpu.memory_space<vmem_shared>> -> memref<10000x32xf32, #tpu.memory_space<vmem_shared>>
      tpu.wait_indirect_dma semaphore(%arg15 : memref<!tpu.dma_semaphore, #tpu.memory_space<semaphore_mem>>) src(%dma_wait3A_123 : memref<10000x32xf32, #tpu.memory_space<vmem_shared>>) dst(%arg9 : memref<128x32xf32, #tpu.memory_space<vmem>>)
      %add3A_124 = arith.constant 0 : i32
      %add3A_125 = arith.addi %mul3A_90, %add3A_124 : i32
      %dma_start3A_126 = arith.constant 0 : i32
      %dma_start3A_127 = tpu.memref_slice %arg8[%add3A_125, %dma_start3A_126] : memref<158x128xi32, #tpu.memory_space<vmem>> -> memref<1x128xi32, #tpu.memory_space<vmem>>
      %dma_start3A_128 = tpu.memref_squeeze %dma_start3A_127 : memref<1x128xi32, #tpu.memory_space<vmem>> -> memref<128xi32, #tpu.memory_space<vmem>>
      %dma_start3A_129 = arith.constant 0 : i32
      %dma_start3A_130 = arith.constant 0 : i32
      %dma_start3A_131 = tpu.memref_slice %arg13[%dma_start3A_129, %dma_start3A_130] : memref<10112x32xf32, #tpu.memory_space<vmem_shared>> -> memref<10112x32xf32, #tpu.memory_space<vmem_shared>>
      tpu.enqueue_indirect_dma source(%arg9 : memref<128x32xf32, #tpu.memory_space<vmem>>) target(%dma_start3A_131 : memref<10112x32xf32, #tpu.memory_space<vmem_shared>>) offsets(%dma_start3A_128 : memref<128xi32, #tpu.memory_space<vmem>>) semaphore(%arg19 : memref<!tpu.dma_semaphore, #tpu.memory_space<semaphore_mem>>) {add = true}
      %add3A_132 = arith.constant 1 : i32
      %add3A_133 = arith.addi %mul3A_90, %add3A_132 : i32
      %dma_wait3A_134 = arith.constant 0 : i32
      %dma_wait3A_135 = tpu.memref_slice %arg7[%add3A_133, %dma_wait3A_134] : memref<158x128xi32, #tpu.memory_space<vmem>> -> memref<1x128xi32, #tpu.memory_space<vmem>>
      %dma_wait3A_136 = tpu.memref_squeeze %dma_wait3A_135 : memref<1x128xi32, #tpu.memory_space<vmem>> -> memref<128xi32, #tpu.memory_space<vmem>>
      %dma_wait3A_137 = arith.constant 0 : i32
      %dma_wait3A_138 = arith.constant 0 : i32
      %dma_wait3A_139 = tpu.memref_slice %arg14[%dma_wait3A_137, %dma_wait3A_138] : memref<10000x32xf32, #tpu.memory_space<vmem_shared>> -> memref<10000x32xf32, #tpu.memory_space<vmem_shared>>
      tpu.wait_indirect_dma semaphore(%arg16 : memref<!tpu.dma_semaphore, #tpu.memory_space<semaphore_mem>>) src(%dma_wait3A_139 : memref<10000x32xf32, #tpu.memory_space<vmem_shared>>) dst(%arg10 : memref<128x32xf32, #tpu.memory_space<vmem>>)
      %add3A_140 = arith.constant 1 : i32
      %add3A_141 = arith.addi %mul3A_90, %add3A_140 : i32
      %dma_start3A_142 = arith.constant 0 : i32
      %dma_start3A_143 = tpu.memref_slice %arg8[%add3A_141, %dma_start3A_142] : memref<158x128xi32, #tpu.memory_space<vmem>> -> memref<1x128xi32, #tpu.memory_space<vmem>>
      %dma_start3A_144 = tpu.memref_squeeze %dma_start3A_143 : memref<1x128xi32, #tpu.memory_space<vmem>> -> memref<128xi32, #tpu.memory_space<vmem>>
      %dma_start3A_145 = arith.constant 0 : i32
      %dma_start3A_146 = arith.constant 0 : i32
      %dma_start3A_147 = tpu.memref_slice %arg13[%dma_start3A_145, %dma_start3A_146] : memref<10112x32xf32, #tpu.memory_space<vmem_shared>> -> memref<10112x32xf32, #tpu.memory_space<vmem_shared>>
      tpu.enqueue_indirect_dma source(%arg10 : memref<128x32xf32, #tpu.memory_space<vmem>>) target(%dma_start3A_147 : memref<10112x32xf32, #tpu.memory_space<vmem_shared>>) offsets(%dma_start3A_144 : memref<128xi32, #tpu.memory_space<vmem>>) semaphore(%arg20 : memref<!tpu.dma_semaphore, #tpu.memory_space<semaphore_mem>>) {add = true}
    }
    %scan3A_60 = arith.constant 79 : i32
    %dma_wait3A_61 = arith.constant 156 : i32
    %dma_wait3A_62 = arith.constant 0 : i32
    %dma_wait3A_63 = tpu.memref_slice %arg8[%dma_wait3A_61, %dma_wait3A_62] : memref<158x128xi32, #tpu.memory_space<vmem>> -> memref<1x128xi32, #tpu.memory_space<vmem>>
    %dma_wait3A_64 = tpu.memref_squeeze %dma_wait3A_63 : memref<1x128xi32, #tpu.memory_space<vmem>> -> memref<128xi32, #tpu.memory_space<vmem>>
    %dma_wait3A_65 = arith.constant 0 : i32
    %dma_wait3A_66 = arith.constant 0 : i32
    %dma_wait3A_67 = tpu.memref_slice %arg13[%dma_wait3A_65, %dma_wait3A_66] : memref<10112x32xf32, #tpu.memory_space<vmem_shared>> -> memref<10112x32xf32, #tpu.memory_space<vmem_shared>>
    tpu.wait_indirect_dma semaphore(%arg19 : memref<!tpu.dma_semaphore, #tpu.memory_space<semaphore_mem>>) src(%arg9 : memref<128x32xf32, #tpu.memory_space<vmem>>) dst(%dma_wait3A_67 : memref<10112x32xf32, #tpu.memory_space<vmem_shared>>)
    %dma_wait3A_68 = arith.constant 157 : i32
    %dma_wait3A_69 = arith.constant 0 : i32
    %dma_wait3A_70 = tpu.memref_slice %arg8[%dma_wait3A_68, %dma_wait3A_69] : memref<158x128xi32, #tpu.memory_space<vmem>> -> memref<1x128xi32, #tpu.memory_space<vmem>>
    %dma_wait3A_71 = tpu.memref_squeeze %dma_wait3A_70 : memref<1x128xi32, #tpu.memory_space<vmem>> -> memref<128xi32, #tpu.memory_space<vmem>>
    %dma_wait3A_72 = arith.constant 0 : i32
    %dma_wait3A_73 = arith.constant 0 : i32
    %dma_wait3A_74 = tpu.memref_slice %arg13[%dma_wait3A_72, %dma_wait3A_73] : memref<10112x32xf32, #tpu.memory_space<vmem_shared>> -> memref<10112x32xf32, #tpu.memory_space<vmem_shared>>
    tpu.wait_indirect_dma semaphore(%arg20 : memref<!tpu.dma_semaphore, #tpu.memory_space<semaphore_mem>>) src(%arg10 : memref<128x32xf32, #tpu.memory_space<vmem>>) dst(%dma_wait3A_74 : memref<10112x32xf32, #tpu.memory_space<vmem_shared>>)
    %barrier3A_75 = arith.constant 0 : index
    tpu.barrier barrier_id(%barrier3A_75)
    %mul3A_76 = arith.constant 624 : i32
    %mul3A_77 = arith.muli %arg1, %mul3A_76 : i32
    %mul3A_78 = arith.constant 624 : i32
    %mul3A_79 = arith.muli %arg1, %mul3A_78 : i32
    "tpu.region"() ({
      %run_scoped3A = tpu.sem_alloc : memref<!tpu.dma_semaphore, #tpu.memory_space<semaphore_mem>>
      %dma_start3A_85 = arith.constant 0 : i32
      %dma_start3A_86 = tpu.memref_slice %arg6[%arg0, %mul3A_79, %dma_start3A_85] : memref<2x10000x32xf32, #tpu.memory_space<hbm>> -> memref<1x624x32xf32, #tpu.memory_space<hbm>>
      %dma_start3A_87 = tpu.memref_squeeze %dma_start3A_86 : memref<1x624x32xf32, #tpu.memory_space<hbm>> -> memref<624x32xf32, #tpu.memory_space<hbm>>
      %dma_start3A_88 = arith.constant 0 : i32
      %dma_start3A_89 = tpu.memref_slice %arg13[%mul3A_77, %dma_start3A_88] : memref<10112x32xf32, #tpu.memory_space<vmem_shared>> -> memref<624x32xf32, #tpu.memory_space<vmem_shared>>
      tpu.enqueue_dma source(%dma_start3A_89 : memref<624x32xf32, #tpu.memory_space<vmem_shared>>) target(%dma_start3A_87 : memref<624x32xf32, #tpu.memory_space<hbm>>) target_semaphore(%run_scoped3A : memref<!tpu.dma_semaphore, #tpu.memory_space<semaphore_mem>>)
      %dma_wait3A_90 = arith.constant 0 : i32
      %dma_wait3A_91 = tpu.memref_slice %arg6[%arg0, %mul3A_79, %dma_wait3A_90] : memref<2x10000x32xf32, #tpu.memory_space<hbm>> -> memref<1x624x32xf32, #tpu.memory_space<hbm>>
      %dma_wait3A_92 = tpu.memref_squeeze %dma_wait3A_91 : memref<1x624x32xf32, #tpu.memory_space<hbm>> -> memref<624x32xf32, #tpu.memory_space<hbm>>
      %dma_wait3A_93 = arith.constant 0 : i32
      %dma_wait3A_94 = tpu.memref_slice %arg13[%mul3A_77, %dma_wait3A_93] : memref<10112x32xf32, #tpu.memory_space<vmem_shared>> -> memref<624x32xf32, #tpu.memory_space<vmem_shared>>
      tpu.wait_dma2 semaphore(%run_scoped3A : memref<!tpu.dma_semaphore, #tpu.memory_space<semaphore_mem>>) src(%dma_wait3A_94 : memref<624x32xf32, #tpu.memory_space<vmem_shared>>) dst(%dma_wait3A_92 : memref<624x32xf32, #tpu.memory_space<hbm>>)
      tpu.yield
    }) : () -> ()
    %eq3A_80 = arith.constant 0 : i32
    %eq3A_81 = arith.cmpi eq, %arg1, %eq3A_80 : i32
    %convert_element_type3A_82 = arith.extui %eq3A_81 : i1 to i32
    %cond3A_83 = arith.constant 0 : i32
    %cond3A_84 = arith.cmpi ne, %convert_element_type3A_82, %cond3A_83 : i32
    scf.if %cond3A_84 {
      "tpu.region"() ({
        %run_scoped3A = tpu.sem_alloc : memref<!tpu.dma_semaphore, #tpu.memory_space<semaphore_mem>>
        %dma_start3A_85 = arith.constant 9984 : i32
        %dma_start3A_86 = arith.constant 0 : i32
        %dma_start3A_87 = tpu.memref_slice %arg6[%arg0, %dma_start3A_85, %dma_start3A_86] : memref<2x10000x32xf32, #tpu.memory_space<hbm>> -> memref<1x16x32xf32, #tpu.memory_space<hbm>>
        %dma_start3A_88 = tpu.memref_squeeze %dma_start3A_87 : memref<1x16x32xf32, #tpu.memory_space<hbm>> -> memref<16x32xf32, #tpu.memory_space<hbm>>
        %dma_start3A_89 = arith.constant 9984 : i32
        %dma_start3A_90 = arith.constant 0 : i32
        %dma_start3A_91 = tpu.memref_slice %arg13[%dma_start3A_89, %dma_start3A_90] : memref<10112x32xf32, #tpu.memory_space<vmem_shared>> -> memref<16x32xf32, #tpu.memory_space<vmem_shared>>
        tpu.enqueue_dma source(%dma_start3A_91 : memref<16x32xf32, #tpu.memory_space<vmem_shared>>) target(%dma_start3A_88 : memref<16x32xf32, #tpu.memory_space<hbm>>) target_semaphore(%run_scoped3A : memref<!tpu.dma_semaphore, #tpu.memory_space<semaphore_mem>>)
        %dma_wait3A_92 = arith.constant 9984 : i32
        %dma_wait3A_93 = arith.constant 0 : i32
        %dma_wait3A_94 = tpu.memref_slice %arg6[%arg0, %dma_wait3A_92, %dma_wait3A_93] : memref<2x10000x32xf32, #tpu.memory_space<hbm>> -> memref<1x16x32xf32, #tpu.memory_space<hbm>>
        %dma_wait3A_95 = tpu.memref_squeeze %dma_wait3A_94 : memref<1x16x32xf32, #tpu.memory_space<hbm>> -> memref<16x32xf32, #tpu.memory_space<hbm>>
        %dma_wait3A_96 = arith.constant 9984 : i32
        %dma_wait3A_97 = arith.constant 0 : i32
        %dma_wait3A_98 = tpu.memref_slice %arg13[%dma_wait3A_96, %dma_wait3A_97] : memref<10112x32xf32, #tpu.memory_space<vmem_shared>> -> memref<16x32xf32, #tpu.memory_space<vmem_shared>>
        tpu.wait_dma2 semaphore(%run_scoped3A : memref<!tpu.dma_semaphore, #tpu.memory_space<semaphore_mem>>) src(%dma_wait3A_98 : memref<16x32xf32, #tpu.memory_space<vmem_shared>>) dst(%dma_wait3A_95 : memref<16x32xf32, #tpu.memory_space<hbm>>)
        tpu.yield
      }) : () -> ()
    } else {
    }
    return
  }
}

module attributes {stable_mosaic.version = 14 : i64} {
  func.func @_mm_body(%arg0: i32, %arg1: i32, %arg2: memref<2000x128xf32, #tpu.memory_space<vmem>>, %arg3: memref<1x128x64xf32, #tpu.memory_space<vmem>>, %arg4: memref<1x2000x64xf32, #tpu.memory_space<vmem>>) attributes {dimension_semantics = [#tpu.dimension_semantics<arbitrary>, #tpu.dimension_semantics<arbitrary>], iteration_bounds = array<i64: 5, 8>, scalar_prefetch = 0 : i64, scratch_operands = 0 : i64, tpu.core_type = #tpu.core_type<tc>, window_params = [{transform_indices = @transform_0, window_bounds = array<i64: 2000, 128>}, {transform_indices = @transform_1, window_bounds = array<i64: 1, 128, 64>}, {transform_indices = @transform_2, window_bounds = array<i64: 1, 2000, 64>}]} {
    %get3A = arith.constant 0 : index
    %get3A_0 = arith.constant 0 : index
    %get3A_1 = vector.load %arg2[%get3A, %get3A_0] : memref<2000x128xf32, #tpu.memory_space<vmem>>, vector<2000x128xf32>
    %get3A_2 = arith.constant 0 : index
    %get3A_3 = arith.constant 0 : index
    %get3A_4 = arith.constant 0 : index
    %get3A_5 = vector.load %arg3[%get3A_2, %get3A_3, %get3A_4] : memref<1x128x64xf32, #tpu.memory_space<vmem>>, vector<1x128x64xf32>
    %get3A_6 = vector.shape_cast %get3A_5 : vector<1x128x64xf32> to vector<128x64xf32>
    %dot_general3A = arith.constant dense<0.000000e+00> : vector<2000x64xf32>
    %dot_general3A_7 = tpu.matmul %get3A_1, %get3A_6, %dot_general3A {dimension_numbers = #tpu.dot_dimension_numbers<[1], [0], [0], [1], [0, 0, 1, 1], [], []>, transpose_lhs_hint = false} : vector<2000x128xf32>, vector<128x64xf32>, vector<2000x64xf32> -> vector<2000x64xf32>
    %swap3A = arith.constant 0 : index
    %swap3A_8 = arith.constant 0 : index
    %swap3A_9 = arith.constant 0 : index
    %swap3A_10 = vector.load %arg4[%swap3A, %swap3A_8, %swap3A_9] : memref<1x2000x64xf32, #tpu.memory_space<vmem>>, vector<1x2000x64xf32>
    %swap3A_11 = vector.shape_cast %swap3A_10 : vector<1x2000x64xf32> to vector<2000x64xf32>
    %swap3A_12 = vector.shape_cast %dot_general3A_7 : vector<2000x64xf32> to vector<1x2000x64xf32>
    tpu.vector_store %arg4[%swap3A, %swap3A_8, %swap3A_9], %swap3A_12 {strides = array<i32>} : memref<1x2000x64xf32, #tpu.memory_space<vmem>>, vector<1x2000x64xf32>,
    return
  }
  func.func @transform_0(%arg0: i32, %arg1: i32) -> (i32, i32) {
    %c0_i32 = arith.constant 0 : i32
    %c0_i32_0 = arith.constant 0 : i32
    return %arg0, %c0_i32 : i32, i32
  }
  func.func @transform_1(%arg0: i32, %arg1: i32) -> (i32, i32, i32) {
    %c0_i32 = arith.constant 0 : i32
    %c0_i32_0 = arith.constant 0 : i32
    %c0_i32_1 = arith.constant 0 : i32
    return %arg1, %c0_i32, %c0_i32_0 : i32, i32, i32
  }
  func.func @transform_2(%arg0: i32, %arg1: i32) -> (i32, i32, i32) {
    %c0_i32 = arith.constant 0 : i32
    %c0_i32_0 = arith.constant 0 : i32
    return %arg1, %arg0, %c0_i32 : i32, i32, i32
  }
}

module attributes {stable_mosaic.version = 14 : i64} {
  func.func @_pre_body(%arg0: i32, %arg1: memref<2x2000x16xf32, #tpu.memory_space<vmem>>, %arg2: memref<1x2000x64xf32, #tpu.memory_space<vmem>>, %arg3: memref<2000x1xf32, #tpu.memory_space<vmem>>, %arg4: memref<2x2000x32xf32, #tpu.memory_space<vmem>>) attributes {dimension_semantics = [#tpu.dimension_semantics<arbitrary>], iteration_bounds = array<i64: 5>, scalar_prefetch = 0 : i64, scratch_operands = 0 : i64, tpu.core_type = #tpu.core_type<tc>, window_params = [{transform_indices = @transform_0, window_bounds = array<i64: 2, 2000, 16>}, {transform_indices = @transform_1, window_bounds = array<i64: 1, 2000, 64>}, {transform_indices = @transform_2, window_bounds = array<i64: 2000, 1>}, {transform_indices = @transform_3, window_bounds = array<i64: 2, 2000, 32>}]} {
    %get3A = arith.constant 0 : index
    %get3A_0 = arith.constant 0 : index
    %get3A_1 = arith.constant 0 : index
    %get3A_2 = vector.load %arg1[%get3A, %get3A_0, %get3A_1] : memref<2x2000x16xf32, #tpu.memory_space<vmem>>, vector<1x2000x1xf32>
    %get3A_3 = vector.shape_cast %get3A_2 : vector<1x2000x1xf32> to vector<2000x1xf32>
    %get3A_4 = arith.constant 1 : index
    %get3A_5 = arith.constant 0 : index
    %get3A_6 = arith.constant 0 : index
    %get3A_7 = vector.load %arg1[%get3A_4, %get3A_5, %get3A_6] : memref<2x2000x16xf32, #tpu.memory_space<vmem>>, vector<1x2000x1xf32>
    %get3A_8 = vector.shape_cast %get3A_7 : vector<1x2000x1xf32> to vector<2000x1xf32>
    %add3A = arith.addf %get3A_3, %get3A_8 : vector<2000x1xf32>
    %gt3A = arith.constant 0.000000e+00 : f32
    %gt3A_9 = vector.broadcast %gt3A : f32 to vector<2000x1xf32>
    %gt3A_10 = arith.cmpf ogt, %add3A, %gt3A_9 : vector<2000x1xf32>
    %max3A = arith.constant 1.000000e+00 : f32
    %max3A_11 = vector.broadcast %max3A : f32 to vector<2000x1xf32>
    %max3A_12 = arith.maximumf %add3A, %max3A_11 : vector<2000x1xf32>
    %rsqrt3A = math.rsqrt %max3A_12 : vector<2000x1xf32>
    %jit3A = arith.constant 0.000000e+00 : f32
    %broadcast_in_dim3A = vector.broadcast %jit3A : f32 to vector<2000x1xf32>
    %select_n3A = arith.select %gt3A_10, %rsqrt3A, %broadcast_in_dim3A : vector<2000x1xi1>, vector<2000x1xf32>
    %swap3A = arith.constant 0 : index
    %swap3A_13 = arith.constant 0 : index
    %swap3A_14 = vector.load %arg3[%swap3A, %swap3A_13] : memref<2000x1xf32, #tpu.memory_space<vmem>>, vector<2000x1xf32>
    tpu.vector_store %arg3[%swap3A, %swap3A_13], %select_n3A {strides = array<i32>} : memref<2000x1xf32, #tpu.memory_space<vmem>>, vector<2000x1xf32>,
    %get3A_15 = arith.constant 0 : index
    %get3A_16 = arith.constant 0 : index
    %get3A_17 = arith.constant 0 : index
    %get3A_18 = vector.load %arg2[%get3A_15, %get3A_16, %get3A_17] : memref<1x2000x64xf32, #tpu.memory_space<vmem>>, vector<1x2000x64xf32>
    %get3A_19 = vector.shape_cast %get3A_18 : vector<1x2000x64xf32> to vector<2000x64xf32>
    %mul3A = vector.broadcast %select_n3A : vector<2000x1xf32> to vector<2000x64xf32>
    %mul3A_20 = arith.mulf %mul3A, %get3A_19 : vector<2000x64xf32>
    %slice3A = vector.extract_strided_slice %mul3A_20 {offsets = [0, 0], sizes = [2000, 32], strides = [1, 1]} : vector<2000x64xf32> to vector<2000x32xf32>
    %swap3A_21 = arith.constant 0 : index
    %swap3A_22 = arith.constant 0 : index
    %swap3A_23 = arith.constant 0 : index
    %swap3A_24 = vector.load %arg4[%swap3A_21, %swap3A_22, %swap3A_23] : memref<2x2000x32xf32, #tpu.memory_space<vmem>>, vector<1x2000x32xf32>
    %swap3A_25 = vector.shape_cast %swap3A_24 : vector<1x2000x32xf32> to vector<2000x32xf32>
    %swap3A_26 = vector.shape_cast %slice3A : vector<2000x32xf32> to vector<1x2000x32xf32>
    tpu.vector_store %arg4[%swap3A_21, %swap3A_22, %swap3A_23], %swap3A_26 {strides = array<i32>} : memref<2x2000x32xf32, #tpu.memory_space<vmem>>, vector<1x2000x32xf32>,
    %slice3A_27 = vector.extract_strided_slice %mul3A_20 {offsets = [0, 32], sizes = [2000, 32], strides = [1, 1]} : vector<2000x64xf32> to vector<2000x32xf32>
    %swap3A_28 = arith.constant 1 : index
    %swap3A_29 = arith.constant 0 : index
    %swap3A_30 = arith.constant 0 : index
    %swap3A_31 = vector.load %arg4[%swap3A_28, %swap3A_29, %swap3A_30] : memref<2x2000x32xf32, #tpu.memory_space<vmem>>, vector<1x2000x32xf32>
    %swap3A_32 = vector.shape_cast %swap3A_31 : vector<1x2000x32xf32> to vector<2000x32xf32>
    %swap3A_33 = vector.shape_cast %slice3A_27 : vector<2000x32xf32> to vector<1x2000x32xf32>
    tpu.vector_store %arg4[%swap3A_28, %swap3A_29, %swap3A_30], %swap3A_33 {strides = array<i32>} : memref<2x2000x32xf32, #tpu.memory_space<vmem>>, vector<1x2000x32xf32>,
    return
  }
  func.func @transform_0(%arg0: i32) -> (i32, i32, i32) {
    %c0_i32 = arith.constant 0 : i32
    %c0_i32_0 = arith.constant 0 : i32
    %c0_i32_1 = arith.constant 0 : i32
    return %c0_i32, %arg0, %c0_i32_0 : i32, i32, i32
  }
  func.func @transform_1(%arg0: i32) -> (i32, i32, i32) {
    %c7_i32 = arith.constant 7 : i32
    %c0_i32 = arith.constant 0 : i32
    %c0_i32_0 = arith.constant 0 : i32
    return %c7_i32, %arg0, %c0_i32 : i32, i32, i32
  }
  func.func @transform_2(%arg0: i32) -> (i32, i32) {
    %c0_i32 = arith.constant 0 : i32
    %c0_i32_0 = arith.constant 0 : i32
    return %arg0, %c0_i32 : i32, i32
  }
  func.func @transform_3(%arg0: i32) -> (i32, i32, i32) {
    %c0_i32 = arith.constant 0 : i32
    %c0_i32_0 = arith.constant 0 : i32
    %c0_i32_1 = arith.constant 0 : i32
    return %c0_i32, %arg0, %c0_i32_0 : i32, i32, i32
  }
}

module attributes {stable_mosaic.version = 14 : i64} {
  func.func @_dense_body_nob(%arg0: i32, %arg1: memref<1x2000x64xf32, #tpu.memory_space<vmem>>, %arg2: memref<2x2000x32xf32, #tpu.memory_space<vmem>>, %arg3: memref<2000x1xf32, #tpu.memory_space<vmem>>, %arg4: memref<2000x64xf32, #tpu.memory_space<vmem>>, %arg5: memref<2x2000x32xf32, #tpu.memory_space<vmem>>) attributes {dimension_semantics = [#tpu.dimension_semantics<arbitrary>], iteration_bounds = array<i64: 5>, scalar_prefetch = 0 : i64, scratch_operands = 0 : i64, tpu.core_type = #tpu.core_type<tc>, window_params = [{transform_indices = @transform_0, window_bounds = array<i64: 1, 2000, 64>}, {transform_indices = @transform_1, window_bounds = array<i64: 2, 2000, 32>}, {transform_indices = @transform_2, window_bounds = array<i64: 2000, 1>}, {transform_indices = @transform_3, window_bounds = array<i64: 2000, 64>}, {transform_indices = @transform_4, window_bounds = array<i64: 2, 2000, 32>}]} {
    %get3A = arith.constant 0 : index
    %get3A_0 = arith.constant 0 : index
    %get3A_1 = arith.constant 0 : index
    %get3A_2 = vector.load %arg2[%get3A, %get3A_0, %get3A_1] : memref<2x2000x32xf32, #tpu.memory_space<vmem>>, vector<1x2000x32xf32>
    %get3A_3 = vector.shape_cast %get3A_2 : vector<1x2000x32xf32> to vector<2000x32xf32>
    %get3A_4 = arith.constant 1 : index
    %get3A_5 = arith.constant 0 : index
    %get3A_6 = arith.constant 0 : index
    %get3A_7 = vector.load %arg2[%get3A_4, %get3A_5, %get3A_6] : memref<2x2000x32xf32, #tpu.memory_space<vmem>>, vector<1x2000x32xf32>
    %get3A_8 = vector.shape_cast %get3A_7 : vector<1x2000x32xf32> to vector<2000x32xf32>
    %concatenate3A = tpu.concatenate %get3A_3, %get3A_8 in 1 : vector<2000x32xf32>, vector<2000x32xf32> -> vector<2000x64xf32>
    %get3A_9 = arith.constant 0 : index
    %get3A_10 = arith.constant 0 : index
    %get3A_11 = vector.load %arg3[%get3A_9, %get3A_10] : memref<2000x1xf32, #tpu.memory_space<vmem>>, vector<2000x1xf32>
    %get3A_12 = arith.constant 0 : index
    %get3A_13 = arith.constant 0 : index
    %get3A_14 = arith.constant 0 : index
    %get3A_15 = vector.load %arg1[%get3A_12, %get3A_13, %get3A_14] : memref<1x2000x64xf32, #tpu.memory_space<vmem>>, vector<1x2000x64xf32>
    %get3A_16 = vector.shape_cast %get3A_15 : vector<1x2000x64xf32> to vector<2000x64xf32>
    %mul3A = arith.constant 2.000000e+00 : f32
    %mul3A_17 = vector.broadcast %mul3A : f32 to vector<2000x1xf32>
    %mul3A_18 = arith.mulf %mul3A_17, %get3A_11 : vector<2000x1xf32>
    %mul3A_19 = vector.broadcast %mul3A_18 : vector<2000x1xf32> to vector<2000x64xf32>
    %mul3A_20 = arith.mulf %mul3A_19, %concatenate3A : vector<2000x64xf32>
    %sub3A = arith.subf %get3A_16, %mul3A_20 : vector<2000x64xf32>
    %swap3A = arith.constant 0 : index
    %swap3A_21 = arith.constant 0 : index
    %swap3A_22 = vector.load %arg4[%swap3A, %swap3A_21] : memref<2000x64xf32, #tpu.memory_space<vmem>>, vector<2000x64xf32>
    tpu.vector_store %arg4[%swap3A, %swap3A_21], %sub3A {strides = array<i32>} : memref<2000x64xf32, #tpu.memory_space<vmem>>, vector<2000x64xf32>,
    %mul3A_23 = vector.broadcast %get3A_11 : vector<2000x1xf32> to vector<2000x64xf32>
    %mul3A_24 = arith.mulf %mul3A_23, %sub3A : vector<2000x64xf32>
    %slice3A = vector.extract_strided_slice %mul3A_24 {offsets = [0, 0], sizes = [2000, 32], strides = [1, 1]} : vector<2000x64xf32> to vector<2000x32xf32>
    %swap3A_25 = arith.constant 0 : index
    %swap3A_26 = arith.constant 0 : index
    %swap3A_27 = arith.constant 0 : index
    %swap3A_28 = vector.load %arg5[%swap3A_25, %swap3A_26, %swap3A_27] : memref<2x2000x32xf32, #tpu.memory_space<vmem>>, vector<1x2000x32xf32>
    %swap3A_29 = vector.shape_cast %swap3A_28 : vector<1x2000x32xf32> to vector<2000x32xf32>
    %swap3A_30 = vector.shape_cast %slice3A : vector<2000x32xf32> to vector<1x2000x32xf32>
    tpu.vector_store %arg5[%swap3A_25, %swap3A_26, %swap3A_27], %swap3A_30 {strides = array<i32>} : memref<2x2000x32xf32, #tpu.memory_space<vmem>>, vector<1x2000x32xf32>,
    %slice3A_31 = vector.extract_strided_slice %mul3A_24 {offsets = [0, 32], sizes = [2000, 32], strides = [1, 1]} : vector<2000x64xf32> to vector<2000x32xf32>
    %swap3A_32 = arith.constant 1 : index
    %swap3A_33 = arith.constant 0 : index
    %swap3A_34 = arith.constant 0 : index
    %swap3A_35 = vector.load %arg5[%swap3A_32, %swap3A_33, %swap3A_34] : memref<2x2000x32xf32, #tpu.memory_space<vmem>>, vector<1x2000x32xf32>
    %swap3A_36 = vector.shape_cast %swap3A_35 : vector<1x2000x32xf32> to vector<2000x32xf32>
    %swap3A_37 = vector.shape_cast %slice3A_31 : vector<2000x32xf32> to vector<1x2000x32xf32>
    tpu.vector_store %arg5[%swap3A_32, %swap3A_33, %swap3A_34], %swap3A_37 {strides = array<i32>} : memref<2x2000x32xf32, #tpu.memory_space<vmem>>, vector<1x2000x32xf32>,
    return
  }
  func.func @transform_0(%arg0: i32) -> (i32, i32, i32) {
    %c6_i32 = arith.constant 6 : i32
    %c0_i32 = arith.constant 0 : i32
    %c0_i32_0 = arith.constant 0 : i32
    return %c6_i32, %arg0, %c0_i32 : i32, i32, i32
  }
  func.func @transform_1(%arg0: i32) -> (i32, i32, i32) {
    %c0_i32 = arith.constant 0 : i32
    %c0_i32_0 = arith.constant 0 : i32
    %c0_i32_1 = arith.constant 0 : i32
    return %c0_i32, %arg0, %c0_i32_0 : i32, i32, i32
  }
  func.func @transform_2(%arg0: i32) -> (i32, i32) {
    %c0_i32 = arith.constant 0 : i32
    %c0_i32_0 = arith.constant 0 : i32
    return %arg0, %c0_i32 : i32, i32
  }
  func.func @transform_3(%arg0: i32) -> (i32, i32) {
    %c0_i32 = arith.constant 0 : i32
    %c0_i32_0 = arith.constant 0 : i32
    return %arg0, %c0_i32 : i32, i32
  }
  func.func @transform_4(%arg0: i32) -> (i32, i32, i32) {
    %c0_i32 = arith.constant 0 : i32
    %c0_i32_0 = arith.constant 0 : i32
    %c0_i32_1 = arith.constant 0 : i32
    return %c0_i32, %arg0, %c0_i32_0 : i32, i32, i32
  }
}

module attributes {stable_mosaic.version = 14 : i64} {
  func.func @_dense_body(%arg0: i32, %arg1: memref<1x2000x64xf32, #tpu.memory_space<vmem>>, %arg2: memref<2x2000x32xf32, #tpu.memory_space<vmem>>, %arg3: memref<2000x1xf32, #tpu.memory_space<vmem>>, %arg4: memref<2000x64xf32, #tpu.memory_space<vmem>>, %arg5: memref<2000x64xf32, #tpu.memory_space<vmem>>, %arg6: memref<2x2000x32xf32, #tpu.memory_space<vmem>>) attributes {dimension_semantics = [#tpu.dimension_semantics<arbitrary>], iteration_bounds = array<i64: 5>, scalar_prefetch = 0 : i64, scratch_operands = 0 : i64, tpu.core_type = #tpu.core_type<tc>, window_params = [{transform_indices = @transform_0, window_bounds = array<i64: 1, 2000, 64>}, {transform_indices = @transform_1, window_bounds = array<i64: 2, 2000, 32>}, {transform_indices = @transform_2, window_bounds = array<i64: 2000, 1>}, {transform_indices = @transform_3, window_bounds = array<i64: 2000, 64>}, {transform_indices = @transform_4, window_bounds = array<i64: 2000, 64>}, {transform_indices = @transform_5, window_bounds = array<i64: 2, 2000, 32>}]} {
    %get3A = arith.constant 0 : index
    %get3A_0 = arith.constant 0 : index
    %get3A_1 = arith.constant 0 : index
    %get3A_2 = vector.load %arg2[%get3A, %get3A_0, %get3A_1] : memref<2x2000x32xf32, #tpu.memory_space<vmem>>, vector<1x2000x32xf32>
    %get3A_3 = vector.shape_cast %get3A_2 : vector<1x2000x32xf32> to vector<2000x32xf32>
    %get3A_4 = arith.constant 1 : index
    %get3A_5 = arith.constant 0 : index
    %get3A_6 = arith.constant 0 : index
    %get3A_7 = vector.load %arg2[%get3A_4, %get3A_5, %get3A_6] : memref<2x2000x32xf32, #tpu.memory_space<vmem>>, vector<1x2000x32xf32>
    %get3A_8 = vector.shape_cast %get3A_7 : vector<1x2000x32xf32> to vector<2000x32xf32>
    %concatenate3A = tpu.concatenate %get3A_3, %get3A_8 in 1 : vector<2000x32xf32>, vector<2000x32xf32> -> vector<2000x64xf32>
    %get3A_9 = arith.constant 0 : index
    %get3A_10 = arith.constant 0 : index
    %get3A_11 = vector.load %arg3[%get3A_9, %get3A_10] : memref<2000x1xf32, #tpu.memory_space<vmem>>, vector<2000x1xf32>
    %get3A_12 = arith.constant 0 : index
    %get3A_13 = arith.constant 0 : index
    %get3A_14 = arith.constant 0 : index
    %get3A_15 = vector.load %arg1[%get3A_12, %get3A_13, %get3A_14] : memref<1x2000x64xf32, #tpu.memory_space<vmem>>, vector<1x2000x64xf32>
    %get3A_16 = vector.shape_cast %get3A_15 : vector<1x2000x64xf32> to vector<2000x64xf32>
    %mul3A = arith.constant 2.000000e+00 : f32
    %mul3A_17 = vector.broadcast %mul3A : f32 to vector<2000x1xf32>
    %mul3A_18 = arith.mulf %mul3A_17, %get3A_11 : vector<2000x1xf32>
    %mul3A_19 = vector.broadcast %mul3A_18 : vector<2000x1xf32> to vector<2000x64xf32>
    %mul3A_20 = arith.mulf %mul3A_19, %concatenate3A : vector<2000x64xf32>
    %sub3A = arith.subf %get3A_16, %mul3A_20 : vector<2000x64xf32>
    %get3A_21 = arith.constant 0 : index
    %get3A_22 = arith.constant 0 : index
    %get3A_23 = vector.load %arg4[%get3A_21, %get3A_22] : memref<2000x64xf32, #tpu.memory_space<vmem>>, vector<2000x64xf32>
    %sub3A_24 = arith.subf %sub3A, %get3A_23 : vector<2000x64xf32>
    %swap3A = arith.constant 0 : index
    %swap3A_25 = arith.constant 0 : index
    %swap3A_26 = vector.load %arg5[%swap3A, %swap3A_25] : memref<2000x64xf32, #tpu.memory_space<vmem>>, vector<2000x64xf32>
    tpu.vector_store %arg5[%swap3A, %swap3A_25], %sub3A_24 {strides = array<i32>} : memref<2000x64xf32, #tpu.memory_space<vmem>>, vector<2000x64xf32>,
    %mul3A_27 = vector.broadcast %get3A_11 : vector<2000x1xf32> to vector<2000x64xf32>
    %mul3A_28 = arith.mulf %mul3A_27, %sub3A_24 : vector<2000x64xf32>
    %slice3A = vector.extract_strided_slice %mul3A_28 {offsets = [0, 0], sizes = [2000, 32], strides = [1, 1]} : vector<2000x64xf32> to vector<2000x32xf32>
    %swap3A_29 = arith.constant 0 : index
    %swap3A_30 = arith.constant 0 : index
    %swap3A_31 = arith.constant 0 : index
    %swap3A_32 = vector.load %arg6[%swap3A_29, %swap3A_30, %swap3A_31] : memref<2x2000x32xf32, #tpu.memory_space<vmem>>, vector<1x2000x32xf32>
    %swap3A_33 = vector.shape_cast %swap3A_32 : vector<1x2000x32xf32> to vector<2000x32xf32>
    %swap3A_34 = vector.shape_cast %slice3A : vector<2000x32xf32> to vector<1x2000x32xf32>
    tpu.vector_store %arg6[%swap3A_29, %swap3A_30, %swap3A_31], %swap3A_34 {strides = array<i32>} : memref<2x2000x32xf32, #tpu.memory_space<vmem>>, vector<1x2000x32xf32>,
    %slice3A_35 = vector.extract_strided_slice %mul3A_28 {offsets = [0, 32], sizes = [2000, 32], strides = [1, 1]} : vector<2000x64xf32> to vector<2000x32xf32>
    %swap3A_36 = arith.constant 1 : index
    %swap3A_37 = arith.constant 0 : index
    %swap3A_38 = arith.constant 0 : index
    %swap3A_39 = vector.load %arg6[%swap3A_36, %swap3A_37, %swap3A_38] : memref<2x2000x32xf32, #tpu.memory_space<vmem>>, vector<1x2000x32xf32>
    %swap3A_40 = vector.shape_cast %swap3A_39 : vector<1x2000x32xf32> to vector<2000x32xf32>
    %swap3A_41 = vector.shape_cast %slice3A_35 : vector<2000x32xf32> to vector<1x2000x32xf32>
    tpu.vector_store %arg6[%swap3A_36, %swap3A_37, %swap3A_38], %swap3A_41 {strides = array<i32>} : memref<2x2000x32xf32, #tpu.memory_space<vmem>>, vector<1x2000x32xf32>,
    return
  }
  func.func @transform_0(%arg0: i32) -> (i32, i32, i32) {
    %c5_i32 = arith.constant 5 : i32
    %c0_i32 = arith.constant 0 : i32
    %c0_i32_0 = arith.constant 0 : i32
    return %c5_i32, %arg0, %c0_i32 : i32, i32, i32
  }
  func.func @transform_1(%arg0: i32) -> (i32, i32, i32) {
    %c0_i32 = arith.constant 0 : i32
    %c0_i32_0 = arith.constant 0 : i32
    %c0_i32_1 = arith.constant 0 : i32
    return %c0_i32, %arg0, %c0_i32_0 : i32, i32, i32
  }
  func.func @transform_2(%arg0: i32) -> (i32, i32) {
    %c0_i32 = arith.constant 0 : i32
    %c0_i32_0 = arith.constant 0 : i32
    return %arg0, %c0_i32 : i32, i32
  }
  func.func @transform_3(%arg0: i32) -> (i32, i32) {
    %c0_i32 = arith.constant 0 : i32
    %c0_i32_0 = arith.constant 0 : i32
    return %arg0, %c0_i32 : i32, i32
  }
  func.func @transform_4(%arg0: i32) -> (i32, i32) {
    %c0_i32 = arith.constant 0 : i32
    %c0_i32_0 = arith.constant 0 : i32
    return %arg0, %c0_i32 : i32, i32
  }
  func.func @transform_5(%arg0: i32) -> (i32, i32, i32) {
    %c0_i32 = arith.constant 0 : i32
    %c0_i32_0 = arith.constant 0 : i32
    %c0_i32_1 = arith.constant 0 : i32
    return %c0_i32, %arg0, %c0_i32_0 : i32, i32, i32
  }
}

module attributes {stable_mosaic.version = 14 : i64} {
  func.func @_dense_body(%arg0: i32, %arg1: memref<1x2000x64xf32, #tpu.memory_space<vmem>>, %arg2: memref<2x2000x32xf32, #tpu.memory_space<vmem>>, %arg3: memref<2000x1xf32, #tpu.memory_space<vmem>>, %arg4: memref<2000x64xf32, #tpu.memory_space<vmem>>, %arg5: memref<2000x64xf32, #tpu.memory_space<vmem>>, %arg6: memref<2x2000x32xf32, #tpu.memory_space<vmem>>) attributes {dimension_semantics = [#tpu.dimension_semantics<arbitrary>], iteration_bounds = array<i64: 5>, scalar_prefetch = 0 : i64, scratch_operands = 0 : i64, tpu.core_type = #tpu.core_type<tc>, window_params = [{transform_indices = @transform_0, window_bounds = array<i64: 1, 2000, 64>}, {transform_indices = @transform_1, window_bounds = array<i64: 2, 2000, 32>}, {transform_indices = @transform_2, window_bounds = array<i64: 2000, 1>}, {transform_indices = @transform_3, window_bounds = array<i64: 2000, 64>}, {transform_indices = @transform_4, window_bounds = array<i64: 2000, 64>}, {transform_indices = @transform_5, window_bounds = array<i64: 2, 2000, 32>}]} {
    %get3A = arith.constant 0 : index
    %get3A_0 = arith.constant 0 : index
    %get3A_1 = arith.constant 0 : index
    %get3A_2 = vector.load %arg2[%get3A, %get3A_0, %get3A_1] : memref<2x2000x32xf32, #tpu.memory_space<vmem>>, vector<1x2000x32xf32>
    %get3A_3 = vector.shape_cast %get3A_2 : vector<1x2000x32xf32> to vector<2000x32xf32>
    %get3A_4 = arith.constant 1 : index
    %get3A_5 = arith.constant 0 : index
    %get3A_6 = arith.constant 0 : index
    %get3A_7 = vector.load %arg2[%get3A_4, %get3A_5, %get3A_6] : memref<2x2000x32xf32, #tpu.memory_space<vmem>>, vector<1x2000x32xf32>
    %get3A_8 = vector.shape_cast %get3A_7 : vector<1x2000x32xf32> to vector<2000x32xf32>
    %concatenate3A = tpu.concatenate %get3A_3, %get3A_8 in 1 : vector<2000x32xf32>, vector<2000x32xf32> -> vector<2000x64xf32>
    %get3A_9 = arith.constant 0 : index
    %get3A_10 = arith.constant 0 : index
    %get3A_11 = vector.load %arg3[%get3A_9, %get3A_10] : memref<2000x1xf32, #tpu.memory_space<vmem>>, vector<2000x1xf32>
    %get3A_12 = arith.constant 0 : index
    %get3A_13 = arith.constant 0 : index
    %get3A_14 = arith.constant 0 : index
    %get3A_15 = vector.load %arg1[%get3A_12, %get3A_13, %get3A_14] : memref<1x2000x64xf32, #tpu.memory_space<vmem>>, vector<1x2000x64xf32>
    %get3A_16 = vector.shape_cast %get3A_15 : vector<1x2000x64xf32> to vector<2000x64xf32>
    %mul3A = arith.constant 2.000000e+00 : f32
    %mul3A_17 = vector.broadcast %mul3A : f32 to vector<2000x1xf32>
    %mul3A_18 = arith.mulf %mul3A_17, %get3A_11 : vector<2000x1xf32>
    %mul3A_19 = vector.broadcast %mul3A_18 : vector<2000x1xf32> to vector<2000x64xf32>
    %mul3A_20 = arith.mulf %mul3A_19, %concatenate3A : vector<2000x64xf32>
    %sub3A = arith.subf %get3A_16, %mul3A_20 : vector<2000x64xf32>
    %get3A_21 = arith.constant 0 : index
    %get3A_22 = arith.constant 0 : index
    %get3A_23 = vector.load %arg4[%get3A_21, %get3A_22] : memref<2000x64xf32, #tpu.memory_space<vmem>>, vector<2000x64xf32>
    %sub3A_24 = arith.subf %sub3A, %get3A_23 : vector<2000x64xf32>
    %swap3A = arith.constant 0 : index
    %swap3A_25 = arith.constant 0 : index
    %swap3A_26 = vector.load %arg5[%swap3A, %swap3A_25] : memref<2000x64xf32, #tpu.memory_space<vmem>>, vector<2000x64xf32>
    tpu.vector_store %arg5[%swap3A, %swap3A_25], %sub3A_24 {strides = array<i32>} : memref<2000x64xf32, #tpu.memory_space<vmem>>, vector<2000x64xf32>,
    %mul3A_27 = vector.broadcast %get3A_11 : vector<2000x1xf32> to vector<2000x64xf32>
    %mul3A_28 = arith.mulf %mul3A_27, %sub3A_24 : vector<2000x64xf32>
    %slice3A = vector.extract_strided_slice %mul3A_28 {offsets = [0, 0], sizes = [2000, 32], strides = [1, 1]} : vector<2000x64xf32> to vector<2000x32xf32>
    %swap3A_29 = arith.constant 0 : index
    %swap3A_30 = arith.constant 0 : index
    %swap3A_31 = arith.constant 0 : index
    %swap3A_32 = vector.load %arg6[%swap3A_29, %swap3A_30, %swap3A_31] : memref<2x2000x32xf32, #tpu.memory_space<vmem>>, vector<1x2000x32xf32>
    %swap3A_33 = vector.shape_cast %swap3A_32 : vector<1x2000x32xf32> to vector<2000x32xf32>
    %swap3A_34 = vector.shape_cast %slice3A : vector<2000x32xf32> to vector<1x2000x32xf32>
    tpu.vector_store %arg6[%swap3A_29, %swap3A_30, %swap3A_31], %swap3A_34 {strides = array<i32>} : memref<2x2000x32xf32, #tpu.memory_space<vmem>>, vector<1x2000x32xf32>,
    %slice3A_35 = vector.extract_strided_slice %mul3A_28 {offsets = [0, 32], sizes = [2000, 32], strides = [1, 1]} : vector<2000x64xf32> to vector<2000x32xf32>
    %swap3A_36 = arith.constant 1 : index
    %swap3A_37 = arith.constant 0 : index
    %swap3A_38 = arith.constant 0 : index
    %swap3A_39 = vector.load %arg6[%swap3A_36, %swap3A_37, %swap3A_38] : memref<2x2000x32xf32, #tpu.memory_space<vmem>>, vector<1x2000x32xf32>
    %swap3A_40 = vector.shape_cast %swap3A_39 : vector<1x2000x32xf32> to vector<2000x32xf32>
    %swap3A_41 = vector.shape_cast %slice3A_35 : vector<2000x32xf32> to vector<1x2000x32xf32>
    tpu.vector_store %arg6[%swap3A_36, %swap3A_37, %swap3A_38], %swap3A_41 {strides = array<i32>} : memref<2x2000x32xf32, #tpu.memory_space<vmem>>, vector<1x2000x32xf32>,
    return
  }
  func.func @transform_0(%arg0: i32) -> (i32, i32, i32) {
    %c4_i32 = arith.constant 4 : i32
    %c0_i32 = arith.constant 0 : i32
    %c0_i32_0 = arith.constant 0 : i32
    return %c4_i32, %arg0, %c0_i32 : i32, i32, i32
  }
  func.func @transform_1(%arg0: i32) -> (i32, i32, i32) {
    %c0_i32 = arith.constant 0 : i32
    %c0_i32_0 = arith.constant 0 : i32
    %c0_i32_1 = arith.constant 0 : i32
    return %c0_i32, %arg0, %c0_i32_0 : i32, i32, i32
  }
  func.func @transform_2(%arg0: i32) -> (i32, i32) {
    %c0_i32 = arith.constant 0 : i32
    %c0_i32_0 = arith.constant 0 : i32
    return %arg0, %c0_i32 : i32, i32
  }
  func.func @transform_3(%arg0: i32) -> (i32, i32) {
    %c0_i32 = arith.constant 0 : i32
    %c0_i32_0 = arith.constant 0 : i32
    return %arg0, %c0_i32 : i32, i32
  }
  func.func @transform_4(%arg0: i32) -> (i32, i32) {
    %c0_i32 = arith.constant 0 : i32
    %c0_i32_0 = arith.constant 0 : i32
    return %arg0, %c0_i32 : i32, i32
  }
  func.func @transform_5(%arg0: i32) -> (i32, i32, i32) {
    %c0_i32 = arith.constant 0 : i32
    %c0_i32_0 = arith.constant 0 : i32
    %c0_i32_1 = arith.constant 0 : i32
    return %c0_i32, %arg0, %c0_i32_0 : i32, i32, i32
  }
}

module attributes {stable_mosaic.version = 14 : i64} {
  func.func @_dense_body(%arg0: i32, %arg1: memref<1x2000x64xf32, #tpu.memory_space<vmem>>, %arg2: memref<2x2000x32xf32, #tpu.memory_space<vmem>>, %arg3: memref<2000x1xf32, #tpu.memory_space<vmem>>, %arg4: memref<2000x64xf32, #tpu.memory_space<vmem>>, %arg5: memref<2000x64xf32, #tpu.memory_space<vmem>>, %arg6: memref<2x2000x32xf32, #tpu.memory_space<vmem>>) attributes {dimension_semantics = [#tpu.dimension_semantics<arbitrary>], iteration_bounds = array<i64: 5>, scalar_prefetch = 0 : i64, scratch_operands = 0 : i64, tpu.core_type = #tpu.core_type<tc>, window_params = [{transform_indices = @transform_0, window_bounds = array<i64: 1, 2000, 64>}, {transform_indices = @transform_1, window_bounds = array<i64: 2, 2000, 32>}, {transform_indices = @transform_2, window_bounds = array<i64: 2000, 1>}, {transform_indices = @transform_3, window_bounds = array<i64: 2000, 64>}, {transform_indices = @transform_4, window_bounds = array<i64: 2000, 64>}, {transform_indices = @transform_5, window_bounds = array<i64: 2, 2000, 32>}]} {
    %get3A = arith.constant 0 : index
    %get3A_0 = arith.constant 0 : index
    %get3A_1 = arith.constant 0 : index
    %get3A_2 = vector.load %arg2[%get3A, %get3A_0, %get3A_1] : memref<2x2000x32xf32, #tpu.memory_space<vmem>>, vector<1x2000x32xf32>
    %get3A_3 = vector.shape_cast %get3A_2 : vector<1x2000x32xf32> to vector<2000x32xf32>
    %get3A_4 = arith.constant 1 : index
    %get3A_5 = arith.constant 0 : index
    %get3A_6 = arith.constant 0 : index
    %get3A_7 = vector.load %arg2[%get3A_4, %get3A_5, %get3A_6] : memref<2x2000x32xf32, #tpu.memory_space<vmem>>, vector<1x2000x32xf32>
    %get3A_8 = vector.shape_cast %get3A_7 : vector<1x2000x32xf32> to vector<2000x32xf32>
    %concatenate3A = tpu.concatenate %get3A_3, %get3A_8 in 1 : vector<2000x32xf32>, vector<2000x32xf32> -> vector<2000x64xf32>
    %get3A_9 = arith.constant 0 : index
    %get3A_10 = arith.constant 0 : index
    %get3A_11 = vector.load %arg3[%get3A_9, %get3A_10] : memref<2000x1xf32, #tpu.memory_space<vmem>>, vector<2000x1xf32>
    %get3A_12 = arith.constant 0 : index
    %get3A_13 = arith.constant 0 : index
    %get3A_14 = arith.constant 0 : index
    %get3A_15 = vector.load %arg1[%get3A_12, %get3A_13, %get3A_14] : memref<1x2000x64xf32, #tpu.memory_space<vmem>>, vector<1x2000x64xf32>
    %get3A_16 = vector.shape_cast %get3A_15 : vector<1x2000x64xf32> to vector<2000x64xf32>
    %mul3A = arith.constant 2.000000e+00 : f32
    %mul3A_17 = vector.broadcast %mul3A : f32 to vector<2000x1xf32>
    %mul3A_18 = arith.mulf %mul3A_17, %get3A_11 : vector<2000x1xf32>
    %mul3A_19 = vector.broadcast %mul3A_18 : vector<2000x1xf32> to vector<2000x64xf32>
    %mul3A_20 = arith.mulf %mul3A_19, %concatenate3A : vector<2000x64xf32>
    %sub3A = arith.subf %get3A_16, %mul3A_20 : vector<2000x64xf32>
    %get3A_21 = arith.constant 0 : index
    %get3A_22 = arith.constant 0 : index
    %get3A_23 = vector.load %arg4[%get3A_21, %get3A_22] : memref<2000x64xf32, #tpu.memory_space<vmem>>, vector<2000x64xf32>
    %sub3A_24 = arith.subf %sub3A, %get3A_23 : vector<2000x64xf32>
    %swap3A = arith.constant 0 : index
    %swap3A_25 = arith.constant 0 : index
    %swap3A_26 = vector.load %arg5[%swap3A, %swap3A_25] : memref<2000x64xf32, #tpu.memory_space<vmem>>, vector<2000x64xf32>
    tpu.vector_store %arg5[%swap3A, %swap3A_25], %sub3A_24 {strides = array<i32>} : memref<2000x64xf32, #tpu.memory_space<vmem>>, vector<2000x64xf32>,
    %mul3A_27 = vector.broadcast %get3A_11 : vector<2000x1xf32> to vector<2000x64xf32>
    %mul3A_28 = arith.mulf %mul3A_27, %sub3A_24 : vector<2000x64xf32>
    %slice3A = vector.extract_strided_slice %mul3A_28 {offsets = [0, 0], sizes = [2000, 32], strides = [1, 1]} : vector<2000x64xf32> to vector<2000x32xf32>
    %swap3A_29 = arith.constant 0 : index
    %swap3A_30 = arith.constant 0 : index
    %swap3A_31 = arith.constant 0 : index
    %swap3A_32 = vector.load %arg6[%swap3A_29, %swap3A_30, %swap3A_31] : memref<2x2000x32xf32, #tpu.memory_space<vmem>>, vector<1x2000x32xf32>
    %swap3A_33 = vector.shape_cast %swap3A_32 : vector<1x2000x32xf32> to vector<2000x32xf32>
    %swap3A_34 = vector.shape_cast %slice3A : vector<2000x32xf32> to vector<1x2000x32xf32>
    tpu.vector_store %arg6[%swap3A_29, %swap3A_30, %swap3A_31], %swap3A_34 {strides = array<i32>} : memref<2x2000x32xf32, #tpu.memory_space<vmem>>, vector<1x2000x32xf32>,
    %slice3A_35 = vector.extract_strided_slice %mul3A_28 {offsets = [0, 32], sizes = [2000, 32], strides = [1, 1]} : vector<2000x64xf32> to vector<2000x32xf32>
    %swap3A_36 = arith.constant 1 : index
    %swap3A_37 = arith.constant 0 : index
    %swap3A_38 = arith.constant 0 : index
    %swap3A_39 = vector.load %arg6[%swap3A_36, %swap3A_37, %swap3A_38] : memref<2x2000x32xf32, #tpu.memory_space<vmem>>, vector<1x2000x32xf32>
    %swap3A_40 = vector.shape_cast %swap3A_39 : vector<1x2000x32xf32> to vector<2000x32xf32>
    %swap3A_41 = vector.shape_cast %slice3A_35 : vector<2000x32xf32> to vector<1x2000x32xf32>
    tpu.vector_store %arg6[%swap3A_36, %swap3A_37, %swap3A_38], %swap3A_41 {strides = array<i32>} : memref<2x2000x32xf32, #tpu.memory_space<vmem>>, vector<1x2000x32xf32>,
    return
  }
  func.func @transform_0(%arg0: i32) -> (i32, i32, i32) {
    %c3_i32 = arith.constant 3 : i32
    %c0_i32 = arith.constant 0 : i32
    %c0_i32_0 = arith.constant 0 : i32
    return %c3_i32, %arg0, %c0_i32 : i32, i32, i32
  }
  func.func @transform_1(%arg0: i32) -> (i32, i32, i32) {
    %c0_i32 = arith.constant 0 : i32
    %c0_i32_0 = arith.constant 0 : i32
    %c0_i32_1 = arith.constant 0 : i32
    return %c0_i32, %arg0, %c0_i32_0 : i32, i32, i32
  }
  func.func @transform_2(%arg0: i32) -> (i32, i32) {
    %c0_i32 = arith.constant 0 : i32
    %c0_i32_0 = arith.constant 0 : i32
    return %arg0, %c0_i32 : i32, i32
  }
  func.func @transform_3(%arg0: i32) -> (i32, i32) {
    %c0_i32 = arith.constant 0 : i32
    %c0_i32_0 = arith.constant 0 : i32
    return %arg0, %c0_i32 : i32, i32
  }
  func.func @transform_4(%arg0: i32) -> (i32, i32) {
    %c0_i32 = arith.constant 0 : i32
    %c0_i32_0 = arith.constant 0 : i32
    return %arg0, %c0_i32 : i32, i32
  }
  func.func @transform_5(%arg0: i32) -> (i32, i32, i32) {
    %c0_i32 = arith.constant 0 : i32
    %c0_i32_0 = arith.constant 0 : i32
    %c0_i32_1 = arith.constant 0 : i32
    return %c0_i32, %arg0, %c0_i32_0 : i32, i32, i32
  }
}

module attributes {stable_mosaic.version = 14 : i64} {
  func.func @_dense_body(%arg0: i32, %arg1: memref<1x2000x64xf32, #tpu.memory_space<vmem>>, %arg2: memref<2x2000x32xf32, #tpu.memory_space<vmem>>, %arg3: memref<2000x1xf32, #tpu.memory_space<vmem>>, %arg4: memref<2000x64xf32, #tpu.memory_space<vmem>>, %arg5: memref<2000x64xf32, #tpu.memory_space<vmem>>, %arg6: memref<2x2000x32xf32, #tpu.memory_space<vmem>>) attributes {dimension_semantics = [#tpu.dimension_semantics<arbitrary>], iteration_bounds = array<i64: 5>, scalar_prefetch = 0 : i64, scratch_operands = 0 : i64, tpu.core_type = #tpu.core_type<tc>, window_params = [{transform_indices = @transform_0, window_bounds = array<i64: 1, 2000, 64>}, {transform_indices = @transform_1, window_bounds = array<i64: 2, 2000, 32>}, {transform_indices = @transform_2, window_bounds = array<i64: 2000, 1>}, {transform_indices = @transform_3, window_bounds = array<i64: 2000, 64>}, {transform_indices = @transform_4, window_bounds = array<i64: 2000, 64>}, {transform_indices = @transform_5, window_bounds = array<i64: 2, 2000, 32>}]} {
    %get3A = arith.constant 0 : index
    %get3A_0 = arith.constant 0 : index
    %get3A_1 = arith.constant 0 : index
    %get3A_2 = vector.load %arg2[%get3A, %get3A_0, %get3A_1] : memref<2x2000x32xf32, #tpu.memory_space<vmem>>, vector<1x2000x32xf32>
    %get3A_3 = vector.shape_cast %get3A_2 : vector<1x2000x32xf32> to vector<2000x32xf32>
    %get3A_4 = arith.constant 1 : index
    %get3A_5 = arith.constant 0 : index
    %get3A_6 = arith.constant 0 : index
    %get3A_7 = vector.load %arg2[%get3A_4, %get3A_5, %get3A_6] : memref<2x2000x32xf32, #tpu.memory_space<vmem>>, vector<1x2000x32xf32>
    %get3A_8 = vector.shape_cast %get3A_7 : vector<1x2000x32xf32> to vector<2000x32xf32>
    %concatenate3A = tpu.concatenate %get3A_3, %get3A_8 in 1 : vector<2000x32xf32>, vector<2000x32xf32> -> vector<2000x64xf32>
    %get3A_9 = arith.constant 0 : index
    %get3A_10 = arith.constant 0 : index
    %get3A_11 = vector.load %arg3[%get3A_9, %get3A_10] : memref<2000x1xf32, #tpu.memory_space<vmem>>, vector<2000x1xf32>
    %get3A_12 = arith.constant 0 : index
    %get3A_13 = arith.constant 0 : index
    %get3A_14 = arith.constant 0 : index
    %get3A_15 = vector.load %arg1[%get3A_12, %get3A_13, %get3A_14] : memref<1x2000x64xf32, #tpu.memory_space<vmem>>, vector<1x2000x64xf32>
    %get3A_16 = vector.shape_cast %get3A_15 : vector<1x2000x64xf32> to vector<2000x64xf32>
    %mul3A = arith.constant 2.000000e+00 : f32
    %mul3A_17 = vector.broadcast %mul3A : f32 to vector<2000x1xf32>
    %mul3A_18 = arith.mulf %mul3A_17, %get3A_11 : vector<2000x1xf32>
    %mul3A_19 = vector.broadcast %mul3A_18 : vector<2000x1xf32> to vector<2000x64xf32>
    %mul3A_20 = arith.mulf %mul3A_19, %concatenate3A : vector<2000x64xf32>
    %sub3A = arith.subf %get3A_16, %mul3A_20 : vector<2000x64xf32>
    %get3A_21 = arith.constant 0 : index
    %get3A_22 = arith.constant 0 : index
    %get3A_23 = vector.load %arg4[%get3A_21, %get3A_22] : memref<2000x64xf32, #tpu.memory_space<vmem>>, vector<2000x64xf32>
    %sub3A_24 = arith.subf %sub3A, %get3A_23 : vector<2000x64xf32>
    %swap3A = arith.constant 0 : index
    %swap3A_25 = arith.constant 0 : index
    %swap3A_26 = vector.load %arg5[%swap3A, %swap3A_25] : memref<2000x64xf32, #tpu.memory_space<vmem>>, vector<2000x64xf32>
    tpu.vector_store %arg5[%swap3A, %swap3A_25], %sub3A_24 {strides = array<i32>} : memref<2000x64xf32, #tpu.memory_space<vmem>>, vector<2000x64xf32>,
    %mul3A_27 = vector.broadcast %get3A_11 : vector<2000x1xf32> to vector<2000x64xf32>
    %mul3A_28 = arith.mulf %mul3A_27, %sub3A_24 : vector<2000x64xf32>
    %slice3A = vector.extract_strided_slice %mul3A_28 {offsets = [0, 0], sizes = [2000, 32], strides = [1, 1]} : vector<2000x64xf32> to vector<2000x32xf32>
    %swap3A_29 = arith.constant 0 : index
    %swap3A_30 = arith.constant 0 : index
    %swap3A_31 = arith.constant 0 : index
    %swap3A_32 = vector.load %arg6[%swap3A_29, %swap3A_30, %swap3A_31] : memref<2x2000x32xf32, #tpu.memory_space<vmem>>, vector<1x2000x32xf32>
    %swap3A_33 = vector.shape_cast %swap3A_32 : vector<1x2000x32xf32> to vector<2000x32xf32>
    %swap3A_34 = vector.shape_cast %slice3A : vector<2000x32xf32> to vector<1x2000x32xf32>
    tpu.vector_store %arg6[%swap3A_29, %swap3A_30, %swap3A_31], %swap3A_34 {strides = array<i32>} : memref<2x2000x32xf32, #tpu.memory_space<vmem>>, vector<1x2000x32xf32>,
    %slice3A_35 = vector.extract_strided_slice %mul3A_28 {offsets = [0, 32], sizes = [2000, 32], strides = [1, 1]} : vector<2000x64xf32> to vector<2000x32xf32>
    %swap3A_36 = arith.constant 1 : index
    %swap3A_37 = arith.constant 0 : index
    %swap3A_38 = arith.constant 0 : index
    %swap3A_39 = vector.load %arg6[%swap3A_36, %swap3A_37, %swap3A_38] : memref<2x2000x32xf32, #tpu.memory_space<vmem>>, vector<1x2000x32xf32>
    %swap3A_40 = vector.shape_cast %swap3A_39 : vector<1x2000x32xf32> to vector<2000x32xf32>
    %swap3A_41 = vector.shape_cast %slice3A_35 : vector<2000x32xf32> to vector<1x2000x32xf32>
    tpu.vector_store %arg6[%swap3A_36, %swap3A_37, %swap3A_38], %swap3A_41 {strides = array<i32>} : memref<2x2000x32xf32, #tpu.memory_space<vmem>>, vector<1x2000x32xf32>,
    return
  }
  func.func @transform_0(%arg0: i32) -> (i32, i32, i32) {
    %c2_i32 = arith.constant 2 : i32
    %c0_i32 = arith.constant 0 : i32
    %c0_i32_0 = arith.constant 0 : i32
    return %c2_i32, %arg0, %c0_i32 : i32, i32, i32
  }
  func.func @transform_1(%arg0: i32) -> (i32, i32, i32) {
    %c0_i32 = arith.constant 0 : i32
    %c0_i32_0 = arith.constant 0 : i32
    %c0_i32_1 = arith.constant 0 : i32
    return %c0_i32, %arg0, %c0_i32_0 : i32, i32, i32
  }
  func.func @transform_2(%arg0: i32) -> (i32, i32) {
    %c0_i32 = arith.constant 0 : i32
    %c0_i32_0 = arith.constant 0 : i32
    return %arg0, %c0_i32 : i32, i32
  }
  func.func @transform_3(%arg0: i32) -> (i32, i32) {
    %c0_i32 = arith.constant 0 : i32
    %c0_i32_0 = arith.constant 0 : i32
    return %arg0, %c0_i32 : i32, i32
  }
  func.func @transform_4(%arg0: i32) -> (i32, i32) {
    %c0_i32 = arith.constant 0 : i32
    %c0_i32_0 = arith.constant 0 : i32
    return %arg0, %c0_i32 : i32, i32
  }
  func.func @transform_5(%arg0: i32) -> (i32, i32, i32) {
    %c0_i32 = arith.constant 0 : i32
    %c0_i32_0 = arith.constant 0 : i32
    %c0_i32_1 = arith.constant 0 : i32
    return %c0_i32, %arg0, %c0_i32_0 : i32, i32, i32
  }
}

module attributes {stable_mosaic.version = 14 : i64} {
  func.func @_dense_body(%arg0: i32, %arg1: memref<1x2000x64xf32, #tpu.memory_space<vmem>>, %arg2: memref<2x2000x32xf32, #tpu.memory_space<vmem>>, %arg3: memref<2000x1xf32, #tpu.memory_space<vmem>>, %arg4: memref<2000x64xf32, #tpu.memory_space<vmem>>, %arg5: memref<2000x64xf32, #tpu.memory_space<vmem>>, %arg6: memref<2x2000x32xf32, #tpu.memory_space<vmem>>) attributes {dimension_semantics = [#tpu.dimension_semantics<arbitrary>], iteration_bounds = array<i64: 5>, scalar_prefetch = 0 : i64, scratch_operands = 0 : i64, tpu.core_type = #tpu.core_type<tc>, window_params = [{transform_indices = @transform_0, window_bounds = array<i64: 1, 2000, 64>}, {transform_indices = @transform_1, window_bounds = array<i64: 2, 2000, 32>}, {transform_indices = @transform_2, window_bounds = array<i64: 2000, 1>}, {transform_indices = @transform_3, window_bounds = array<i64: 2000, 64>}, {transform_indices = @transform_4, window_bounds = array<i64: 2000, 64>}, {transform_indices = @transform_5, window_bounds = array<i64: 2, 2000, 32>}]} {
    %get3A = arith.constant 0 : index
    %get3A_0 = arith.constant 0 : index
    %get3A_1 = arith.constant 0 : index
    %get3A_2 = vector.load %arg2[%get3A, %get3A_0, %get3A_1] : memref<2x2000x32xf32, #tpu.memory_space<vmem>>, vector<1x2000x32xf32>
    %get3A_3 = vector.shape_cast %get3A_2 : vector<1x2000x32xf32> to vector<2000x32xf32>
    %get3A_4 = arith.constant 1 : index
    %get3A_5 = arith.constant 0 : index
    %get3A_6 = arith.constant 0 : index
    %get3A_7 = vector.load %arg2[%get3A_4, %get3A_5, %get3A_6] : memref<2x2000x32xf32, #tpu.memory_space<vmem>>, vector<1x2000x32xf32>
    %get3A_8 = vector.shape_cast %get3A_7 : vector<1x2000x32xf32> to vector<2000x32xf32>
    %concatenate3A = tpu.concatenate %get3A_3, %get3A_8 in 1 : vector<2000x32xf32>, vector<2000x32xf32> -> vector<2000x64xf32>
    %get3A_9 = arith.constant 0 : index
    %get3A_10 = arith.constant 0 : index
    %get3A_11 = vector.load %arg3[%get3A_9, %get3A_10] : memref<2000x1xf32, #tpu.memory_space<vmem>>, vector<2000x1xf32>
    %get3A_12 = arith.constant 0 : index
    %get3A_13 = arith.constant 0 : index
    %get3A_14 = arith.constant 0 : index
    %get3A_15 = vector.load %arg1[%get3A_12, %get3A_13, %get3A_14] : memref<1x2000x64xf32, #tpu.memory_space<vmem>>, vector<1x2000x64xf32>
    %get3A_16 = vector.shape_cast %get3A_15 : vector<1x2000x64xf32> to vector<2000x64xf32>
    %mul3A = arith.constant 2.000000e+00 : f32
    %mul3A_17 = vector.broadcast %mul3A : f32 to vector<2000x1xf32>
    %mul3A_18 = arith.mulf %mul3A_17, %get3A_11 : vector<2000x1xf32>
    %mul3A_19 = vector.broadcast %mul3A_18 : vector<2000x1xf32> to vector<2000x64xf32>
    %mul3A_20 = arith.mulf %mul3A_19, %concatenate3A : vector<2000x64xf32>
    %sub3A = arith.subf %get3A_16, %mul3A_20 : vector<2000x64xf32>
    %get3A_21 = arith.constant 0 : index
    %get3A_22 = arith.constant 0 : index
    %get3A_23 = vector.load %arg4[%get3A_21, %get3A_22] : memref<2000x64xf32, #tpu.memory_space<vmem>>, vector<2000x64xf32>
    %sub3A_24 = arith.subf %sub3A, %get3A_23 : vector<2000x64xf32>
    %swap3A = arith.constant 0 : index
    %swap3A_25 = arith.constant 0 : index
    %swap3A_26 = vector.load %arg5[%swap3A, %swap3A_25] : memref<2000x64xf32, #tpu.memory_space<vmem>>, vector<2000x64xf32>
    tpu.vector_store %arg5[%swap3A, %swap3A_25], %sub3A_24 {strides = array<i32>} : memref<2000x64xf32, #tpu.memory_space<vmem>>, vector<2000x64xf32>,
    %mul3A_27 = vector.broadcast %get3A_11 : vector<2000x1xf32> to vector<2000x64xf32>
    %mul3A_28 = arith.mulf %mul3A_27, %sub3A_24 : vector<2000x64xf32>
    %slice3A = vector.extract_strided_slice %mul3A_28 {offsets = [0, 0], sizes = [2000, 32], strides = [1, 1]} : vector<2000x64xf32> to vector<2000x32xf32>
    %swap3A_29 = arith.constant 0 : index
    %swap3A_30 = arith.constant 0 : index
    %swap3A_31 = arith.constant 0 : index
    %swap3A_32 = vector.load %arg6[%swap3A_29, %swap3A_30, %swap3A_31] : memref<2x2000x32xf32, #tpu.memory_space<vmem>>, vector<1x2000x32xf32>
    %swap3A_33 = vector.shape_cast %swap3A_32 : vector<1x2000x32xf32> to vector<2000x32xf32>
    %swap3A_34 = vector.shape_cast %slice3A : vector<2000x32xf32> to vector<1x2000x32xf32>
    tpu.vector_store %arg6[%swap3A_29, %swap3A_30, %swap3A_31], %swap3A_34 {strides = array<i32>} : memref<2x2000x32xf32, #tpu.memory_space<vmem>>, vector<1x2000x32xf32>,
    %slice3A_35 = vector.extract_strided_slice %mul3A_28 {offsets = [0, 32], sizes = [2000, 32], strides = [1, 1]} : vector<2000x64xf32> to vector<2000x32xf32>
    %swap3A_36 = arith.constant 1 : index
    %swap3A_37 = arith.constant 0 : index
    %swap3A_38 = arith.constant 0 : index
    %swap3A_39 = vector.load %arg6[%swap3A_36, %swap3A_37, %swap3A_38] : memref<2x2000x32xf32, #tpu.memory_space<vmem>>, vector<1x2000x32xf32>
    %swap3A_40 = vector.shape_cast %swap3A_39 : vector<1x2000x32xf32> to vector<2000x32xf32>
    %swap3A_41 = vector.shape_cast %slice3A_35 : vector<2000x32xf32> to vector<1x2000x32xf32>
    tpu.vector_store %arg6[%swap3A_36, %swap3A_37, %swap3A_38], %swap3A_41 {strides = array<i32>} : memref<2x2000x32xf32, #tpu.memory_space<vmem>>, vector<1x2000x32xf32>,
    return
  }
  func.func @transform_0(%arg0: i32) -> (i32, i32, i32) {
    %c1_i32 = arith.constant 1 : i32
    %c0_i32 = arith.constant 0 : i32
    %c0_i32_0 = arith.constant 0 : i32
    return %c1_i32, %arg0, %c0_i32 : i32, i32, i32
  }
  func.func @transform_1(%arg0: i32) -> (i32, i32, i32) {
    %c0_i32 = arith.constant 0 : i32
    %c0_i32_0 = arith.constant 0 : i32
    %c0_i32_1 = arith.constant 0 : i32
    return %c0_i32, %arg0, %c0_i32_0 : i32, i32, i32
  }
  func.func @transform_2(%arg0: i32) -> (i32, i32) {
    %c0_i32 = arith.constant 0 : i32
    %c0_i32_0 = arith.constant 0 : i32
    return %arg0, %c0_i32 : i32, i32
  }
  func.func @transform_3(%arg0: i32) -> (i32, i32) {
    %c0_i32 = arith.constant 0 : i32
    %c0_i32_0 = arith.constant 0 : i32
    return %arg0, %c0_i32 : i32, i32
  }
  func.func @transform_4(%arg0: i32) -> (i32, i32) {
    %c0_i32 = arith.constant 0 : i32
    %c0_i32_0 = arith.constant 0 : i32
    return %arg0, %c0_i32 : i32, i32
  }
  func.func @transform_5(%arg0: i32) -> (i32, i32, i32) {
    %c0_i32 = arith.constant 0 : i32
    %c0_i32_0 = arith.constant 0 : i32
    %c0_i32_1 = arith.constant 0 : i32
    return %c0_i32, %arg0, %c0_i32_0 : i32, i32, i32
  }
}

module attributes {stable_mosaic.version = 14 : i64} {
  func.func @_final_body(%arg0: i32, %arg1: memref<1x2000x64xf32, #tpu.memory_space<vmem>>, %arg2: memref<2x2000x32xf32, #tpu.memory_space<vmem>>, %arg3: memref<2000x1xf32, #tpu.memory_space<vmem>>, %arg4: memref<2000x64xf32, #tpu.memory_space<vmem>>, %arg5: memref<1x64xf32, #tpu.memory_space<vmem>>, %arg6: memref<2000x64xf32, #tpu.memory_space<vmem>>) attributes {dimension_semantics = [#tpu.dimension_semantics<arbitrary>], iteration_bounds = array<i64: 5>, scalar_prefetch = 0 : i64, scratch_operands = 0 : i64, tpu.core_type = #tpu.core_type<tc>, window_params = [{transform_indices = @transform_0, window_bounds = array<i64: 1, 2000, 64>}, {transform_indices = @transform_1, window_bounds = array<i64: 2, 2000, 32>}, {transform_indices = @transform_2, window_bounds = array<i64: 2000, 1>}, {transform_indices = @transform_3, window_bounds = array<i64: 2000, 64>}, {pipeline_mode = #tpu.pipeline_mode<synchronous>, transform_indices = @transform_4, window_bounds = array<i64: 1, 64>}, {transform_indices = @transform_5, window_bounds = array<i64: 2000, 64>}]} {
    %get3A = arith.constant 0 : index
    %get3A_0 = arith.constant 0 : index
    %get3A_1 = arith.constant 0 : index
    %get3A_2 = vector.load %arg2[%get3A, %get3A_0, %get3A_1] : memref<2x2000x32xf32, #tpu.memory_space<vmem>>, vector<1x2000x32xf32>
    %get3A_3 = vector.shape_cast %get3A_2 : vector<1x2000x32xf32> to vector<2000x32xf32>
    %get3A_4 = arith.constant 1 : index
    %get3A_5 = arith.constant 0 : index
    %get3A_6 = arith.constant 0 : index
    %get3A_7 = vector.load %arg2[%get3A_4, %get3A_5, %get3A_6] : memref<2x2000x32xf32, #tpu.memory_space<vmem>>, vector<1x2000x32xf32>
    %get3A_8 = vector.shape_cast %get3A_7 : vector<1x2000x32xf32> to vector<2000x32xf32>
    %concatenate3A = tpu.concatenate %get3A_3, %get3A_8 in 1 : vector<2000x32xf32>, vector<2000x32xf32> -> vector<2000x64xf32>
    %get3A_9 = arith.constant 0 : index
    %get3A_10 = arith.constant 0 : index
    %get3A_11 = arith.constant 0 : index
    %get3A_12 = vector.load %arg1[%get3A_9, %get3A_10, %get3A_11] : memref<1x2000x64xf32, #tpu.memory_space<vmem>>, vector<1x2000x64xf32>
    %get3A_13 = vector.shape_cast %get3A_12 : vector<1x2000x64xf32> to vector<2000x64xf32>
    %get3A_14 = arith.constant 0 : index
    %get3A_15 = arith.constant 0 : index
    %get3A_16 = vector.load %arg3[%get3A_14, %get3A_15] : memref<2000x1xf32, #tpu.memory_space<vmem>>, vector<2000x1xf32>
    %mul3A = vector.broadcast %get3A_16 : vector<2000x1xf32> to vector<2000x64xf32>
    %mul3A_17 = arith.mulf %mul3A, %concatenate3A : vector<2000x64xf32>
    %sub3A = arith.subf %get3A_13, %mul3A_17 : vector<2000x64xf32>
    %get3A_18 = arith.constant 0 : index
    %get3A_19 = arith.constant 0 : index
    %get3A_20 = vector.load %arg4[%get3A_18, %get3A_19] : memref<2000x64xf32, #tpu.memory_space<vmem>>, vector<2000x64xf32>
    %sub3A_21 = arith.subf %sub3A, %get3A_20 : vector<2000x64xf32>
    %get3A_22 = arith.constant 0 : index
    %get3A_23 = arith.constant 0 : index
    %get3A_24 = vector.load %arg5[%get3A_22, %get3A_23] : memref<1x64xf32, #tpu.memory_space<vmem>>, vector<1x64xf32>
    %add3A = vector.broadcast %get3A_24 : vector<1x64xf32> to vector<2000x64xf32>
    %add3A_25 = arith.addf %sub3A_21, %add3A : vector<2000x64xf32>
    %max3A = arith.constant 0.000000e+00 : f32
    %max3A_26 = vector.broadcast %max3A : f32 to vector<2000x64xf32>
    %max3A_27 = arith.maximumf %add3A_25, %max3A_26 : vector<2000x64xf32>
    %swap3A = arith.constant 0 : index
    %swap3A_28 = arith.constant 0 : index
    %swap3A_29 = vector.load %arg6[%swap3A, %swap3A_28] : memref<2000x64xf32, #tpu.memory_space<vmem>>, vector<2000x64xf32>
    tpu.vector_store %arg6[%swap3A, %swap3A_28], %max3A_27 {strides = array<i32>} : memref<2000x64xf32, #tpu.memory_space<vmem>>, vector<2000x64xf32>,
    return
  }
  func.func @transform_0(%arg0: i32) -> (i32, i32, i32) {
    %c0_i32 = arith.constant 0 : i32
    %c0_i32_0 = arith.constant 0 : i32
    %c0_i32_1 = arith.constant 0 : i32
    return %c0_i32, %arg0, %c0_i32_0 : i32, i32, i32
  }
  func.func @transform_1(%arg0: i32) -> (i32, i32, i32) {
    %c0_i32 = arith.constant 0 : i32
    %c0_i32_0 = arith.constant 0 : i32
    %c0_i32_1 = arith.constant 0 : i32
    return %c0_i32, %arg0, %c0_i32_0 : i32, i32, i32
  }
  func.func @transform_2(%arg0: i32) -> (i32, i32) {
    %c0_i32 = arith.constant 0 : i32
    %c0_i32_0 = arith.constant 0 : i32
    return %arg0, %c0_i32 : i32, i32
  }
  func.func @transform_3(%arg0: i32) -> (i32, i32) {
    %c0_i32 = arith.constant 0 : i32
    %c0_i32_0 = arith.constant 0 : i32
    return %arg0, %c0_i32 : i32, i32
  }
  func.func @transform_4(%arg0: i32) -> (i32, i32) {
    %c0_i32 = arith.constant 0 : i32
    %c0_i32_0 = arith.constant 0 : i32
    %c0_i32_1 = arith.constant 0 : i32
    return %c0_i32, %c0_i32_0 : i32, i32
  }
  func.func @transform_5(%arg0: i32) -> (i32, i32) {
    %c0_i32 = arith.constant 0 : i32
    %c0_i32_0 = arith.constant 0 : i32
    return %arg0, %c0_i32 : i32, i32
  }
}

</mosaic_0001>

<sc_bundles>
// kernel: kernel.19.cloned.1.call-start
scs
__scs_entry_jumppad:
0x0: {  	(pc) =	sbr.rel $0x88, $3  }
0x1: {  	(tag) =	ssettag $0x0;
	lr =	simm.s32 $0x1  }
0x2: {  	[smem:$0x3F9D] =	sst lr;
	_ =	strace $0xD0000000  }
0x3: {  	_ = 	snop  }
0x4: {  	_ = 	snop  }
0x5: {  	_ = 	snop  }
0x6: {  	_ = 	snop  }
0x7: {  	_ = 	snop  }
__scs_overlays_trampoline_lowered:
0x8: {  	[smem:$0x3FAC] =	sst s0  }
0x9: {  	[smem:$0x3FAD] =	sst s1  }
0xa: {  	[smem:$0x3FAE] =	sst s2  }
0xb: {  	[smem:$0x3FAF] =	sst s3  }
0xc: {  	[smem:$0x3FB0] =	sst s4  }
0xd: {  	[smem:$0x3FB1] =	sst s5  }
0xe: {  	[smem:$0x3FB2] =	sst s6  }
0xf: {  	[smem:$0x3FB3] =	sst s7  }
0x10: {  	[smem:$0x3FB4] =	sst s8  }
0x11: {  	[smem:$0x3FB5] =	sst s9;
	s0 =	simm.s32 @!p0 $0x0  }
0x12: {  	s1 =	sld [smem:$0x3F9B];
	s0 =	simm.s32 @p0 $0x1  }
0x13: {  	[smem:$0x3FB6] =	sst s0;
	s0 =	simm.s32 @!p1 $0x0  }
0x14: {  	s2 =	sld [smem:$0x3F9A];
	s0 =	simm.s32 @p1 $0x1  }
0x15: {  	[smem:$0x3FB7] =	sst s0;
	s0 =	simm.s32 @!p2 $0x0  }
0x16: {  	s3 =	sld [smem:$0x3FDB];
	s0 =	simm.s32 @p2 $0x1  }
0x17: {  	s4 =	simm.s32 $0x1BF5;
	[smem:$0x3FB9] =	sst s0  }
0x18: {  	s0 =	sld [smem:$0x3F9C];
	_ =	swait.ge [sflag:s4], $0x0  }
0x19: {  	s7 =	sld [smem:$0x3F9D]  }
0x1a: {  	s8 =	sadd.s32 $0xFFFFE003, lr  }
0x1b: {  	s9 =	sadd.s32 $0xFFFFFEF7, lr;
	s5 =	simm.s32 $0xFFFFFFFF;
	p2 =	slt.u32 s8, $0xFFFFF086  }
0x1c: {  	p1 =	slt.u32 s9, $0xF7A;
	s5 =	simm.s32 @!p2 $0x0  }
0x1d: {  	s5 =	simm.s32 @p1 $0x1;
	p0 =	seq.s32 s7, s2  }
0x1e: {  	s7 =	smul.u32 @!p0 $0xF7A, s2;
	p2 =	seq.s32 @!p0 s5, $0x0  }
0x1f: {  	s9 =	smul.u32 $0xF7A, s1;
	s8 =	simm.s32 @!p0 $0x1BF5;
	p2 =	por !p2, p0  }
0x20: {  	[sflag:s8] =	ssyncset.s32 @!p0 $0xFFFFF086;
	s6 =	sadd.s32 @!p0 s3, s7;
	s7 =	simm.s32 @!p0 $0x108  }
0x21: {  	s3 =	sadd.s32 s3, s9;
	s6 =	sadd.s32 @!p0 $0x88, s6;
	s7 =	simm.s32 @p2 $0x1082  }
0x22: {  	[simem:s7], [sflag:s8] =	dma.local @!p0 [hbm:s6], $0xF7A  }
0x23: {  	s9 =	sor.u32 $0xD0000000, s2;
	s6 =	simm.s32 $0x108;
	_ =	swait.ge @!p0 [sflag:s8], $0x0  }
0x24: {  	s3 =	sadd.s32 $0x88, s3;
	s6 =	simm.s32 @!p1 $0x1082;
	[sflag:s4] =	ssyncset.s32 $0xFFFFF086  }
0x25: {  	[simem:s6], [sflag:s4] =	dma.local [hbm:s3], $0xF7A  }
0x26: {  	[smem:$0x3F9D] =	sst s1;
	(tag) =	ssettag s2;
	_ =	strace s9  }
0x27: {  	s1 =	sld [smem:$0x3FAD]  }
0x28: {  	s2 =	sld [smem:$0x3FAE]  }
0x29: {  	s4 =	sld [smem:$0x3FB0]  }
0x2a: {  	p0 =	seq.s32 s5, $0x0;
	s5 =	sld [smem:$0x3FB1]  }
0x2b: {  	s6 =	sld [smem:$0x3FB2]  }
0x2c: {  	s7 =	sld [smem:$0x3FB3]  }
0x2d: {  	s3 =	simm.s32 $0x108;
	s8 =	sld [smem:$0x3FB4]  }
0x2e: {  	s3 =	simm.s32 @!p0 $0x1082;
	s9 =	sld [smem:$0x3FB5]  }
0x2f: {  	lr =	sadd.s32 s0, s3;
	s0 =	sld [smem:$0x3FAC]  }
0x30: {  	s3 =	sld [smem:$0x3FAF]  }
0x31: {  	[smem:$0x3FB8] =	sst s10  }
0x32: {  	s10 =	sld [smem:$0x3FB6];
	_ =	sdelay $0x3  }
0x33: {  	p0 =	seq.s32 s10, $0x1;
	s10 =	sld [smem:$0x3FB8];
	_ =	sdelay $0x3  }
0x34: {  	[smem:$0x3FB8] =	sst s10  }
0x35: {  	s10 =	sld [smem:$0x3FB7];
	_ =	sdelay $0x3  }
0x36: {  	p1 =	seq.s32 s10, $0x1;
	s10 =	sld [smem:$0x3FB8];
	_ =	sdelay $0x3  }
0x37: {  	[smem:$0x3FB8] =	sst s10  }
0x38: {  	s10 =	sld [smem:$0x3FB9]  }
0x39: {  	_ = 	snop;
	(pc) =	sbr.ind lr, $3  }
0x3a: {  	_ = 	snop  }
0x3b: {  	_ = 	snop  }
0x3c: {  	p2 =	seq.s32 s10, $0x1;
	s10 =	sld [smem:$0x3FB8]  }
0x3d: {  	_ =	shalt  }
0x3e: {  	_ =	shalt  }
0x3f: {  	_ =	shalt  }
0x40: {  	_ =	shalt  }
0x41: {  	_ =	shalt  }
0x42: {  	_ =	shalt  }
0x43: {  	_ =	shalt  }
0x44: {  	_ =	shalt  }
0x45: {  	_ =	shalt  }
0x46: {  	_ =	shalt  }
0x47: {  	_ =	shalt  }
0x48: {  	_ =	shalt  }
0x49: {  	_ =	shalt  }
0x4a: {  	_ =	shalt  }
0x4b: {  	_ =	shalt  }
0x4c: {  	_ =	shalt  }
0x4d: {  	_ =	shalt  }
0x4e: {  	_ =	shalt  }
0x4f: {  	_ =	shalt  }
0x50: {  	_ =	shalt  }
0x51: {  	_ =	shalt  }
0x52: {  	_ =	shalt  }
0x53: {  	_ =	shalt  }
0x54: {  	_ =	shalt  }
0x55: {  	_ =	shalt  }
0x56: {  	_ =	shalt  }
0x57: {  	_ =	shalt  }
0x58: {  	_ =	shalt  }
0x59: {  	_ =	shalt  }
0x5a: {  	_ =	shalt  }
0x5b: {  	_ =	shalt  }
0x5c: {  	_ =	shalt  }
0x5d: {  	_ =	shalt  }
0x5e: {  	_ =	shalt  }
0x5f: {  	_ =	shalt  }
0x60: {  	_ =	shalt  }
0x61: {  	_ =	shalt  }
0x62: {  	_ =	shalt  }
0x63: {  	_ =	shalt  }
0x64: {  	_ =	shalt  }
0x65: {  	_ =	shalt  }
0x66: {  	_ =	shalt  }
0x67: {  	_ =	shalt  }
0x68: {  	_ =	shalt  }
0x69: {  	_ =	shalt  }
0x6a: {  	_ =	shalt  }
0x6b: {  	_ =	shalt  }
0x6c: {  	_ =	shalt  }
0x6d: {  	_ =	shalt  }
0x6e: {  	_ =	shalt  }
0x6f: {  	_ =	shalt  }
0x70: {  	_ =	shalt  }
0x71: {  	_ =	shalt  }
0x72: {  	_ =	shalt  }
0x73: {  	_ =	shalt  }
0x74: {  	_ =	shalt  }
0x75: {  	_ =	shalt  }
0x76: {  	_ =	shalt  }
0x77: {  	_ =	shalt  }
0x78: {  	_ =	shalt  }
0x79: {  	_ =	shalt  }
0x7a: {  	_ =	shalt  }
0x7b: {  	_ =	shalt  }
0x7c: {  	_ =	shalt  }
0x7d: {  	_ =	shalt  }
0x7e: {  	_ =	shalt  }
0x7f: {  	_ =	shalt  }
0x80: {  	_ =	shalt  }
0x81: {  	_ =	shalt  }
0x82: {  	_ =	shalt  }
0x83: {  	_ =	shalt  }
0x84: {  	_ =	shalt  }
0x85: {  	_ =	shalt  }
0x86: {  	_ =	shalt  }
0x87: {  	_ =	shalt  }
.Lfunc_end0:
.L_simem_size_0:
called_computation_lowered:
.L_overlay_start_0:
0x88: {  	s2 =	sld [smem:$0x3FD9]  }
0x89: {  	s3 =	sld [smem:$0x3FFE];
	_ =	sdelay $0x1  }
0x8a: {  	s1 =	srdreg.scid  }
0x8b: {  	s0 =	sand.u32 $0x1, s1  }
0x8c: {  	s17 =	sshll.u32 s0, $0xA;
	s2 =	sadd.s32 s3, s2  }
0x8d: {  	s2 =	sadd.s32 s2, s17  }
0x8e: {  	[smem:$0x3FC4] =	sst s2  }
0x8f: {  	_ = 	snop  }
0x90: {  	s2 =	sld [smem:$0x3FD0];
	(tm) =	ssettm $0x1  }
0x91: {  	s18 =	sld [smem:$0x3FFB];
	_ =	sdelay $0x3  }
0x92: {  	_ =	strace s18  }
0x93: {  	s3 =	sld [smem:$0x3FFC];
	_ =	sdelay $0x3  }
0x94: {  	_ =	strace s3  }
0x95: {  	s3 =	sld [smem:$0x3FFD];
	_ =	sdelay $0x3  }
0x96: {  	_ =	strace s3  }
0x97: {  	_ =	strace $0x8FFFFFFF  }
0x98: {  	s19 =	sld [smem:$0x3FDB];
	_ =	sdelay $0x1  }
0x99: {  	s4 =	simm.s32 $_scs_section_size  }
0x9a: {  	s5 =	simm.s32 $_size__tile_overlayer_lowered;
	s6 =	simm.s32 $_tile_overlayer_lowered  }
0x9b: {  	s22 =	simm.s32 $0x1BFF;
	s21 =	sshll.u32 s6, $0x1;
	s3 =	sadd.s32 s4, s19  }
0x9c: {  	s7 =	simm.s32 $0x0;
	s20 =	sshll.u32 s5, $0x1;
	s5 =	sadd.s32 s21, s3  }
0x9d: {  	[timem:s7], [sflag:s22] =	dma.local [hbm:s5], s20  }
0x9e: {  	_ =	swait.ge [sflag:s22], s20  }
0x9f: {  	s4 =	ssub.s32 $0x0, s20;
	[sflag:s22] =	ssyncset.done $0x0  }
0xa0: {  	[sflag:s22] =	ssyncadd.s32 s4;
	_ =	sdelay $0x1  }
0xa1: {  	s23 =	simm.s32 $0x1B8B  }
0xa2: {  	_ =	swait.ge [sflag:s23], $0x1  }
0xa3: {  	[sflag:s23] =	ssyncset.done $0x0  }
0xa4: {  	s25 =	simm.s32 $0x1B8E;
	s24 =	sld [smem:$0x3FFE];
	[sflag:s23] =	ssyncadd.s32 $0xFFFFFFFF  }
0xa5: {  	s26 =	simm.s32 $execute0_lowered;
	[smem:$0x3FD2] =	sst s25  }
0xa6: {  	s5 =	sshll.u32 s26, $0x1;
	_ =	strace $0x80000046;
	[dreg:$0x1] =	wrdreg $0xFFFFFFFF  }
0xa7: {  	s28 =	simm.s32 $_size_execute0_lowered;
	s3 =	sadd.s32 s3, s5;
	[dreg:$0x0] =	wrdreg $0x0  }
0xa8: {  	s5 =	sshll.u32 s28, $0x1;
	[dreg:$0x2] =	wrdreg s3  }
0xa9: {  	[dreg:$0x3] =	wrdreg s5  }
0xaa: {  	[dreg:$0x4] =	wrdreg $0xC0  }
0xab: {  	_ =	task [dreg:s7], $0x5FFFF  }
0xac: {  	[dreg:$0x1] =	wrdreg $0xFFFFFFFF  }
0xad: {  	[dreg:$0x0] =	wrdreg $0x60  }
0xae: {  	[dreg:$0x2] =	wrdreg s2  }
0xaf: {  	[dreg:$0x3] =	wrdreg s24  }
0xb0: {  	[dreg:$0x4] =	wrdreg $0x30000  }
0xb1: {  	[dreg:$0x5] =	wrdreg $0x9  }
0xb2: {  	_ =	task.clear_ibuf [dreg:s7], $0x6FFFF;
	_ =	strace $0x90000046  }
0xb3: {  	s29 =	simm.s32 $0x9;
	_ =	strace $0x80000048  }
0xb4: {  	_ =	swait.ge [sflag:s29], $0x1  }
0xb5: {  	[sflag:s29] =	ssyncadd.s32 $0xFFFFFFFF  }
0xb6: {  	_ =	strace $0x90000048  }
0xb7: {  	_ =	sfence  }
0xb8: {  	s30 =	sld [smem:$0x0];
	_ =	sdelay $0x2  }
0xb9: {  	s31 =	sshll.u32 s1, $0xD;
	s1 =	sshrl.u32 s1, $0x2  }
0xba: {  	s3 =	sand.u32 $0x4000, s31;
	s1 =	sadd.s32 s1, s30  }
0xbb: {  	s0 =	sor.u32 s3, s0;
	s1 =	sshll.u32 s1, $0x11  }
0xbc: {  	s0 =	sor.u32 s1, s0  }
0xbd: {  	s0 =	sadd.s32 $0x8F2B, s0  }
0xbe: {  	[sflag:s0] =	ssyncadd.remote.s32 $0x1  }
0xbf: {  	_ =	sfence.sel $0xFFFF  }
0xc0: {  	[dreg:$0x0] =	wrdreg $0xFFFFFFFF;
	(pc) =	sbr.abs _section_cstart, $3  }
0xc1: {  	[dreg:$0x1] =	wrdreg $0xFFFFFFFF  }
0xc2: {  	_ =	task.clear_ibuf [dreg:s7], $0x2FFFF;
	_ =	strace $0x9FFFFFFF  }
0xc3: {  	(tm) =	ssettm $0x7FFFFFFF  }
tec
execute0_lowered:
.L_overlay_start_1:
0x0: {  	(tag) =	ssettag $0x1  }
0x1: {  	s6 =	rddreg [dreg:$0x0]  }
0x2: {  	s4 =	rddreg [dreg:$0x1]  }
0x3: {  	s1 =	rddreg [dreg:$0x2]  }
0x4: {  	s0 =	rddreg [dreg:$0x3]  }
0x5: {  	s2 =	simm.s32 $0x0;
	s14 =	stileid.u32;
	s3 =	srdreg.scid  }
0x6: {  	[smem:$0x7FF] =	sst s2;
	s5 =	smul.u32 $0x2780, s14;
	s7 =	sand.u32 $0x1, s3  }
0x7: {  	s3 =	sadd.s32 $0x3200, s4;
	s11 =	smul.u32 $0x2800, s14;
	s13 =	sadd.s32 $0x8400, s4  }
0x8: {  	s26 =	smul.u32 $0x2700, s14;
	s28 =	sshll.u32 s14, $0x6;
	s17 =	sadd.s32 $0x27000, s1  }
0x9: {  	p0 =	sne.s32 s14, $0x0;
	_ =	strace $0x80000047;
	s8 =	smul.u32 $0x28000, s7  }
0xa: {  	s10 =	ssub.s32 $0x2, s7;
	s7 =	smul.u32 $0x27100, s7;
	s9 =	sshrl.u32 s5, $0x3  }
0xb: {  	s12 =	sshrl.u32 s10, $0x1;
	s15 =	sadd.s32 s5, s1;
	s5 =	sor.u32 $0x1C01, s28  }
0xc: {  	s16 =	sadd.s32 s26, s1;
	s9 =	sadd.s32 s9, s4;
	s10 =	ssub.s32 s10, s12  }
0xd: {  	s8 =	sadd.s32 s11, s8;
	s29 =	sadd.s32 s26, s7;
	s30 =	sshrl.u32 s7, $0x3  }
0xe: {  	s11 =	simm.s32 $0x1;
	s12 =	simm.s32 $0x2800;
	s14 =	sshrl.u32 s16, $0x3  }
0xf: {  	s16 =	simm.s32 $0x0;
	s4 =	sadd.s32 $0x3400, s9;
	s8 =	sshrl.u32 s8, $0x3  }
0x10: {  	s9 =	sshrl.u32 s29, $0x3;
	s31 =	sadd.s32 s13, s30;
	s6 =	sadd.s32 s6, s8  }
0x11: {  	s7 =	sadd.s32 s13, s9;
	s8 =	sadd.s32 $0x4E00, s31;
	s9 =	smax.u32 s10, $0x1  }
0x12: {  	s10 =	sshrl.u32 s15, $0x3;
	s13 =	simm.s32 $0x80;
	s15 =	sshrl.u32 @!p0 s17, $0x3  }
.LBB2_1:
0x13: {  	[spmem:s10], [sflag:s5] =	dma.local [hbm:s4], $0x4F0  }
0x14: {  	_ =	swait.ge [sflag:s11], $0x4F0  }
0x15: {  	[sflag:s11] =	ssyncset.done $0x0  }
0x16: {  	[sflag:s11] =	ssyncadd.s32 $0xFFFFFB10  }
0x17: {  	[tilespmem:s2], [sflag:$0x1] =	stream.linear.gather [hbm4b:s6+s2], $0x2800, $0x38;
	[tilespmem:$0x5780] =	vst v63  }
0x18: {  	_ =	swait.ge [sflag:s11], $0x2800  }
0x19: {  	[sflag:s11] =	ssyncset.done $0x0  }
0x1a: {  	[sflag:s11] =	ssyncadd.s32 $0xFFFFD800  }
0x1b: {  	[tilespmem:s12], [sflag:$0x1] =	stream.linear.gather [hbm4b:s3+s2], $0x800, $0x38;
	[tilespmem:$0x5780] =	vst v63  }
0x1c: {  	_ =	swait.ge [sflag:s11], $0x800  }
0x1d: {  	[sflag:s11] =	ssyncset.done $0x0  }
0x1e: {  	[sflag:s11] =	ssyncadd.s32 $0xFFFFF800  }
0x1f: {  	s17 =	simm.s32 $0x0;
	[bflag:$0x0] =	sbarrier.arrive $0xFFFF  }
0x20: {  	[spmem:s1] =	stream.indirect.scatter.add.f32 [tilespmem:s12], [sflag:$0x1], $0x10, s17, s13, $0xb8;
	[tilespmem:$0x5780] =	vst v63  }
0x21: {  	_ =	swait.ge [sflag:s11], $0x800  }
0x22: {  	s17 =	simm.s32 $0x200;
	[sflag:s11] =	ssyncset.done $0x0  }
.LBB2_2:
0x23: {  	s18 =	sshra.s32 s17, $0x2;
	[sflag:s11] =	ssyncadd.s32 $0xFFFFF800;
	p1 =	sne.s32 s17, $0x9E00  }
0x24: {  	[spmem:s1] =	stream.indirect.scatter.add.f32 [tilespmem:s12], [sflag:$0x1], $0x10, s18, s13, $0xb8;
	[tilespmem:$0x5780] =	vst v63  }
.Ltmp0:
0x25: {  	_ = 	snop;
	(pc) =	sbr.rel @p1 .LBB2_2-.Ltmp0, $4  }
0x26: {  	_ = 	snop  }
0x27: {  	s17 =	sadd.s32 $0x200, s17  }
0x28: {  	_ =	swait.ge [sflag:s11], $0x800  }
0x29: {  	[sflag:s11] =	ssyncset.done $0x0  }
0x2a: {  	[sflag:s11] =	ssyncadd.s32 $0xFFFFF800  }
0x2b: {  	[bflag:$0x0] =	sbarrier.arrive $0xFFFF  }
0x2c: {  	[hbm:s7], [sflag:s5] =	dma.local [spmem:s14], $0x4E0  }
0x2d: {  	s16 =	sadd.s32 $0x1, s16;
	_ =	swait.ge [sflag:s11], $0x4E0  }
0x2e: {  	p1 =	sne.s32 s16, s9;
	[sflag:s11] =	ssyncset.done $0x0  }
.Ltmp1:
0x2f: {  	s17 =	simm.s32 @!p0 $0x1;
	[sflag:s11] =	ssyncadd.s32 $0xFFFFFB20;
	(pc) =	sbr.rel @p1 .LBB2_1-.Ltmp1, $4  }
0x30: {  	[hbm:s8], [sflag:s5] =	dma.local @!p0 [spmem:s15], $0x20  }
0x31: {  	_ =	swait.ge @!p0 [sflag:s17], $0x20  }
0x32: {  	[sflag:s17] =	ssyncset.done @!p0 $0x0  }
0x33: {  	[sflag:s17] =	ssyncadd.s32 @!p0 $0xFFFFFFE0  }
0x34: {  	_ =	sfence.sel $0x180000  }
0x35: {  	[bflag:$0x0] =	sbarrier.arrive $0xFFFF  }
0x36: {  	_ =	strace $0x90000047  }
0x37: {  	s0 =	sadd.s32 @!p0 $0x100000, s0;
	[bflag:$0x2] =	sbarrier.arrive $0xFFFF  }
0x38: {  	[sflag:s0] =	ssyncadd.tile.s32 @!p0 $0x1;
	_ =	shalt  }
.Lfunc_end2:
_tile_overlayer_lowered:
.L_overlay_start_2:
0x39: {  	(tag) =	ssettag $0x2  }
0x3a: {  	s0 =	rddreg [dreg:$0x0];
	s2 =	stileid.u32  }
0x3b: {  	s1 =	rddreg [dreg:$0x1];
	p0 =	sne.s32 s2, $0x0  }
0x3c: {  	s3 =	rddreg [dreg:$0x2];
	[bflag:$0x3] =	sbarrier.arrive $0xFFFF;
	s2 =	simm.s32 @!p0 $0x1C01  }
0x3d: {  	[timem:s3], [sflag:s2] =	dma.local @!p0 [hbm:s0], s1  }
0x3e: {  	s0 =	simm.s32 @!p0 $0x1  }
0x3f: {  	_ =	swait.ge @!p0 [sflag:s0], s1  }
0x40: {  	s1 =	ssub.s32 @!p0 $0x0, s1;
	[sflag:s0] =	ssyncset.done @!p0 $0x0  }
0x41: {  	[sflag:s0] =	ssyncadd.s32 @!p0 s1  }
0x42: {  	[bflag:$0x3] =	sbarrier.arrive $0xFFFF  }
0x43: {  	_ =	shalt  }

// kernel: kernel.22.cloned.1.call-start
scs
__scs_entry_jumppad:
0x0: {  	(pc) =	sbr.rel $0x88, $3  }
0x1: {  	(tag) =	ssettag $0x0;
	lr =	simm.s32 $0x1  }
0x2: {  	[smem:$0x3F9D] =	sst lr;
	_ =	strace $0xD0000000  }
0x3: {  	_ = 	snop  }
0x4: {  	_ = 	snop  }
0x5: {  	_ = 	snop  }
0x6: {  	_ = 	snop  }
0x7: {  	_ = 	snop  }
__scs_overlays_trampoline_lowered:
0x8: {  	[smem:$0x3FAC] =	sst s0  }
0x9: {  	[smem:$0x3FAD] =	sst s1  }
0xa: {  	[smem:$0x3FAE] =	sst s2  }
0xb: {  	[smem:$0x3FAF] =	sst s3  }
0xc: {  	[smem:$0x3FB0] =	sst s4  }
0xd: {  	[smem:$0x3FB1] =	sst s5  }
0xe: {  	[smem:$0x3FB2] =	sst s6  }
0xf: {  	[smem:$0x3FB3] =	sst s7  }
0x10: {  	[smem:$0x3FB4] =	sst s8  }
0x11: {  	[smem:$0x3FB5] =	sst s9;
	s0 =	simm.s32 @!p0 $0x0  }
0x12: {  	s1 =	sld [smem:$0x3F9B];
	s0 =	simm.s32 @p0 $0x1  }
0x13: {  	[smem:$0x3FB6] =	sst s0;
	s0 =	simm.s32 @!p1 $0x0  }
0x14: {  	s2 =	sld [smem:$0x3F9A];
	s0 =	simm.s32 @p1 $0x1  }
0x15: {  	[smem:$0x3FB7] =	sst s0;
	s0 =	simm.s32 @!p2 $0x0  }
0x16: {  	s3 =	sld [smem:$0x3FDB];
	s0 =	simm.s32 @p2 $0x1  }
0x17: {  	s4 =	simm.s32 $0x1BF5;
	[smem:$0x3FB9] =	sst s0  }
0x18: {  	s0 =	sld [smem:$0x3F9C];
	_ =	swait.ge [sflag:s4], $0x0  }
0x19: {  	s7 =	sld [smem:$0x3F9D]  }
0x1a: {  	s8 =	sadd.s32 $0xFFFFE003, lr  }
0x1b: {  	s9 =	sadd.s32 $0xFFFFFEF7, lr;
	s5 =	simm.s32 $0xFFFFFFFF;
	p2 =	slt.u32 s8, $0xFFFFF086  }
0x1c: {  	p1 =	slt.u32 s9, $0xF7A;
	s5 =	simm.s32 @!p2 $0x0  }
0x1d: {  	s5 =	simm.s32 @p1 $0x1;
	p0 =	seq.s32 s7, s2  }
0x1e: {  	s7 =	smul.u32 @!p0 $0xF7A, s2;
	p2 =	seq.s32 @!p0 s5, $0x0  }
0x1f: {  	s9 =	smul.u32 $0xF7A, s1;
	s8 =	simm.s32 @!p0 $0x1BF5;
	p2 =	por !p2, p0  }
0x20: {  	[sflag:s8] =	ssyncset.s32 @!p0 $0xFFFFF086;
	s6 =	sadd.s32 @!p0 s3, s7;
	s7 =	simm.s32 @!p0 $0x108  }
0x21: {  	s3 =	sadd.s32 s3, s9;
	s6 =	sadd.s32 @!p0 $0x88, s6;
	s7 =	simm.s32 @p2 $0x1082  }
0x22: {  	[simem:s7], [sflag:s8] =	dma.local @!p0 [hbm:s6], $0xF7A  }
0x23: {  	s9 =	sor.u32 $0xD0000000, s2;
	s6 =	simm.s32 $0x108;
	_ =	swait.ge @!p0 [sflag:s8], $0x0  }
0x24: {  	s3 =	sadd.s32 $0x88, s3;
	s6 =	simm.s32 @!p1 $0x1082;
	[sflag:s4] =	ssyncset.s32 $0xFFFFF086  }
0x25: {  	[simem:s6], [sflag:s4] =	dma.local [hbm:s3], $0xF7A  }
0x26: {  	[smem:$0x3F9D] =	sst s1;
	(tag) =	ssettag s2;
	_ =	strace s9  }
0x27: {  	s1 =	sld [smem:$0x3FAD]  }
0x28: {  	s2 =	sld [smem:$0x3FAE]  }
0x29: {  	s4 =	sld [smem:$0x3FB0]  }
0x2a: {  	p0 =	seq.s32 s5, $0x0;
	s5 =	sld [smem:$0x3FB1]  }
0x2b: {  	s6 =	sld [smem:$0x3FB2]  }
0x2c: {  	s7 =	sld [smem:$0x3FB3]  }
0x2d: {  	s3 =	simm.s32 $0x108;
	s8 =	sld [smem:$0x3FB4]  }
0x2e: {  	s3 =	simm.s32 @!p0 $0x1082;
	s9 =	sld [smem:$0x3FB5]  }
0x2f: {  	lr =	sadd.s32 s0, s3;
	s0 =	sld [smem:$0x3FAC]  }
0x30: {  	s3 =	sld [smem:$0x3FAF]  }
0x31: {  	[smem:$0x3FB8] =	sst s10  }
0x32: {  	s10 =	sld [smem:$0x3FB6];
	_ =	sdelay $0x3  }
0x33: {  	p0 =	seq.s32 s10, $0x1;
	s10 =	sld [smem:$0x3FB8];
	_ =	sdelay $0x3  }
0x34: {  	[smem:$0x3FB8] =	sst s10  }
0x35: {  	s10 =	sld [smem:$0x3FB7];
	_ =	sdelay $0x3  }
0x36: {  	p1 =	seq.s32 s10, $0x1;
	s10 =	sld [smem:$0x3FB8];
	_ =	sdelay $0x3  }
0x37: {  	[smem:$0x3FB8] =	sst s10  }
0x38: {  	s10 =	sld [smem:$0x3FB9]  }
0x39: {  	_ = 	snop;
	(pc) =	sbr.ind lr, $3  }
0x3a: {  	_ = 	snop  }
0x3b: {  	_ = 	snop  }
0x3c: {  	p2 =	seq.s32 s10, $0x1;
	s10 =	sld [smem:$0x3FB8]  }
0x3d: {  	_ =	shalt  }
0x3e: {  	_ =	shalt  }
0x3f: {  	_ =	shalt  }
0x40: {  	_ =	shalt  }
0x41: {  	_ =	shalt  }
0x42: {  	_ =	shalt  }
0x43: {  	_ =	shalt  }
0x44: {  	_ =	shalt  }
0x45: {  	_ =	shalt  }
0x46: {  	_ =	shalt  }
0x47: {  	_ =	shalt  }
0x48: {  	_ =	shalt  }
0x49: {  	_ =	shalt  }
0x4a: {  	_ =	shalt  }
0x4b: {  	_ =	shalt  }
0x4c: {  	_ =	shalt  }
0x4d: {  	_ =	shalt  }
0x4e: {  	_ =	shalt  }
0x4f: {  	_ =	shalt  }
0x50: {  	_ =	shalt  }
0x51: {  	_ =	shalt  }
0x52: {  	_ =	shalt  }
0x53: {  	_ =	shalt  }
0x54: {  	_ =	shalt  }
0x55: {  	_ =	shalt  }
0x56: {  	_ =	shalt  }
0x57: {  	_ =	shalt  }
0x58: {  	_ =	shalt  }
0x59: {  	_ =	shalt  }
0x5a: {  	_ =	shalt  }
0x5b: {  	_ =	shalt  }
0x5c: {  	_ =	shalt  }
0x5d: {  	_ =	shalt  }
0x5e: {  	_ =	shalt  }
0x5f: {  	_ =	shalt  }
0x60: {  	_ =	shalt  }
0x61: {  	_ =	shalt  }
0x62: {  	_ =	shalt  }
0x63: {  	_ =	shalt  }
0x64: {  	_ =	shalt  }
0x65: {  	_ =	shalt  }
0x66: {  	_ =	shalt  }
0x67: {  	_ =	shalt  }
0x68: {  	_ =	shalt  }
0x69: {  	_ =	shalt  }
0x6a: {  	_ =	shalt  }
0x6b: {  	_ =	shalt  }
0x6c: {  	_ =	shalt  }
0x6d: {  	_ =	shalt  }
0x6e: {  	_ =	shalt  }
0x6f: {  	_ =	shalt  }
0x70: {  	_ =	shalt  }
0x71: {  	_ =	shalt  }
0x72: {  	_ =	shalt  }
0x73: {  	_ =	shalt  }
0x74: {  	_ =	shalt  }
0x75: {  	_ =	shalt  }
0x76: {  	_ =	shalt  }
0x77: {  	_ =	shalt  }
0x78: {  	_ =	shalt  }
0x79: {  	_ =	shalt  }
0x7a: {  	_ =	shalt  }
0x7b: {  	_ =	shalt  }
0x7c: {  	_ =	shalt  }
0x7d: {  	_ =	shalt  }
0x7e: {  	_ =	shalt  }
0x7f: {  	_ =	shalt  }
0x80: {  	_ =	shalt  }
0x81: {  	_ =	shalt  }
0x82: {  	_ =	shalt  }
0x83: {  	_ =	shalt  }
0x84: {  	_ =	shalt  }
0x85: {  	_ =	shalt  }
0x86: {  	_ =	shalt  }
0x87: {  	_ =	shalt  }
.Lfunc_end0:
.L_simem_size_0:
called_computation.1_lowered:
.L_overlay_start_0:
0x88: {  	s2 =	sld [smem:$0x3FD9]  }
0x89: {  	s3 =	sld [smem:$0x3FFE];
	_ =	sdelay $0x1  }
0x8a: {  	s1 =	srdreg.scid  }
0x8b: {  	s0 =	sand.u32 $0x1, s1  }
0x8c: {  	s17 =	sshll.u32 s0, $0xA;
	s2 =	sadd.s32 s3, s2  }
0x8d: {  	s2 =	sadd.s32 s2, s17  }
0x8e: {  	[smem:$0x3FC4] =	sst s2  }
0x8f: {  	_ = 	snop  }
0x90: {  	s2 =	sld [smem:$0x3FD0];
	(tm) =	ssettm $0x1  }
0x91: {  	s18 =	sld [smem:$0x3FFB];
	_ =	sdelay $0x3  }
0x92: {  	_ =	strace s18  }
0x93: {  	s3 =	sld [smem:$0x3FFC];
	_ =	sdelay $0x3  }
0x94: {  	_ =	strace s3  }
0x95: {  	s3 =	sld [smem:$0x3FFD];
	_ =	sdelay $0x3  }
0x96: {  	_ =	strace s3  }
0x97: {  	_ =	strace $0x8FFFFFFF  }
0x98: {  	s19 =	sld [smem:$0x3FDB];
	_ =	sdelay $0x1  }
0x99: {  	s4 =	simm.s32 $_scs_section_size  }
0x9a: {  	s5 =	simm.s32 $_size__tile_overlayer_lowered;
	s6 =	simm.s32 $_tile_overlayer_lowered  }
0x9b: {  	s22 =	simm.s32 $0x1BFF;
	s21 =	sshll.u32 s6, $0x1;
	s3 =	sadd.s32 s4, s19  }
0x9c: {  	s7 =	simm.s32 $0x0;
	s20 =	sshll.u32 s5, $0x1;
	s5 =	sadd.s32 s21, s3  }
0x9d: {  	[timem:s7], [sflag:s22] =	dma.local [hbm:s5], s20  }
0x9e: {  	_ =	swait.ge [sflag:s22], s20  }
0x9f: {  	s4 =	ssub.s32 $0x0, s20;
	[sflag:s22] =	ssyncset.done $0x0  }
0xa0: {  	[sflag:s22] =	ssyncadd.s32 s4;
	_ =	sdelay $0x1  }
0xa1: {  	s23 =	simm.s32 $0x1B8B  }
0xa2: {  	_ =	swait.ge [sflag:s23], $0x1  }
0xa3: {  	[sflag:s23] =	ssyncset.done $0x0  }
0xa4: {  	s25 =	simm.s32 $0x1B8E;
	s24 =	sld [smem:$0x3FFE];
	[sflag:s23] =	ssyncadd.s32 $0xFFFFFFFF  }
0xa5: {  	s26 =	simm.s32 $execute0_lowered;
	[smem:$0x3FD2] =	sst s25  }
0xa6: {  	s5 =	sshll.u32 s26, $0x1;
	_ =	strace $0x80000049;
	[dreg:$0x1] =	wrdreg $0xFFFFFFFF  }
0xa7: {  	s28 =	simm.s32 $_size_execute0_lowered;
	s3 =	sadd.s32 s3, s5;
	[dreg:$0x0] =	wrdreg $0x0  }
0xa8: {  	s5 =	sshll.u32 s28, $0x1;
	[dreg:$0x2] =	wrdreg s3  }
0xa9: {  	[dreg:$0x3] =	wrdreg s5  }
0xaa: {  	[dreg:$0x4] =	wrdreg $0xC0  }
0xab: {  	_ =	task [dreg:s7], $0x5FFFF  }
0xac: {  	[dreg:$0x1] =	wrdreg $0xFFFFFFFF  }
0xad: {  	[dreg:$0x0] =	wrdreg $0x60  }
0xae: {  	[dreg:$0x2] =	wrdreg s2  }
0xaf: {  	[dreg:$0x3] =	wrdreg s24  }
0xb0: {  	[dreg:$0x4] =	wrdreg $0xBE000  }
0xb1: {  	[dreg:$0x5] =	wrdreg $0x10D000  }
0xb2: {  	[dreg:$0x6] =	wrdreg $0x9  }
0xb3: {  	_ =	task.clear_ibuf [dreg:s7], $0x7FFFF;
	_ =	strace $0x90000049  }
0xb4: {  	s29 =	simm.s32 $0x9;
	_ =	strace $0x8000004B  }
0xb5: {  	_ =	swait.ge [sflag:s29], $0x1  }
0xb6: {  	[sflag:s29] =	ssyncadd.s32 $0xFFFFFFFF  }
0xb7: {  	_ =	strace $0x9000004B  }
0xb8: {  	_ =	sfence  }
0xb9: {  	s30 =	sld [smem:$0x0];
	_ =	sdelay $0x2  }
0xba: {  	s31 =	sshll.u32 s1, $0xD;
	s1 =	sshrl.u32 s1, $0x2  }
0xbb: {  	s3 =	sand.u32 $0x4000, s31;
	s1 =	sadd.s32 s1, s30  }
0xbc: {  	s0 =	sor.u32 s3, s0;
	s1 =	sshll.u32 s1, $0x11  }
0xbd: {  	s0 =	sor.u32 s1, s0  }
0xbe: {  	s0 =	sadd.s32 $0x8F2B, s0  }
0xbf: {  	[sflag:s0] =	ssyncadd.remote.s32 $0x1  }
0xc0: {  	_ =	sfence.sel $0xFFFF  }
0xc1: {  	[dreg:$0x0] =	wrdreg $0xFFFFFFFF;
	(pc) =	sbr.abs _section_cstart, $3  }
0xc2: {  	[dreg:$0x1] =	wrdreg $0xFFFFFFFF  }
0xc3: {  	_ =	task.clear_ibuf [dreg:s7], $0x2FFFF;
	_ =	strace $0x9FFFFFFF  }
0xc4: {  	(tm) =	ssettm $0x7FFFFFFF  }
0xc5: {  	_ =	shalt  }
tec
execute0_lowered:
.L_overlay_start_1:
0x0: {  	(tag) =	ssettag $0x1  }
0x1: {  	s0 =	rddreg [dreg:$0x0]  }
0x2: {  	s4 =	rddreg [dreg:$0x1]  }
0x3: {  	s1 =	rddreg [dreg:$0x2]  }
0x4: {  	s2 =	rddreg [dreg:$0x3];
	s3 =	simm.s32 $0x0  }
0x5: {  	s5 =	stileid.u32;
	s7 =	srdreg.scid;
	s28 =	simm.s32 $0xAE00  }
0x6: {  	s30 =	simm.s32 $0x5;
	s31 =	simm.s32 $0x6;
	s6 =	smul.u32 $0x9E0, s5  }
0x7: {  	s29 =	simm.s32 $0x0;
	[smem:$0x7FF] =	sst s3;
	s8 =	smul.u32 $0x4F00, s5  }
0x8: {  	s7 =	sand.u32 $0x1, s7;
	s12 =	smul.u32 $0x4E00, s5;
	s14 =	sadd.s32 $0x15E600, s4  }
0x9: {  	s18 =	sadd.s32 $0x4E000, s2;
	p0 =	sne.s32 s5, $0x0;
	_ =	strace $0x8000004A  }
0xa: {  	s9 =	ssub.s32 $0x2, s7;
	s13 =	smul.u32 $0x4E200, s7;
	s18 =	sshrl.u32 @!p0 s18, $0x3  }
0xb: {  	s6 =	sadd.s32 s6, s4;
	s10 =	sshrl.u32 s8, $0x3;
	s11 =	sshrl.u32 s9, $0x1  }
0xc: {  	s16 =	sadd.s32 s8, s1;
	s17 =	sadd.s32 s12, s2;
	s26 =	sadd.s32 s12, s1  }
0xd: {  	s19 =	sadd.s32 s10, s4;
	s15 =	ssub.s32 s9, s11;
	s4 =	sshll.u32 s5, $0x6  }
0xe: {  	s20 =	sadd.s32 s12, s13;
	s24 =	sshrl.u32 s13, $0x3;
	s8 =	sadd.s32 $0x1C000, s6  }
0xf: {  	s9 =	sadd.s32 $0x12200, s6;
	s6 =	sadd.s32 $0x4E000, s1;
	s7 =	sadd.s32 $0x3200, s19  }
0x10: {  	s21 =	sor.u32 $0x1C01, s4;
	s22 =	sshrl.u32 s20, $0x3;
	s25 =	sadd.s32 $0x9C00, s24  }
0x11: {  	s13 =	smax.u32 s15, $0x1;
	s15 =	sor.u32 $0x1C02, s4;
	s19 =	simm.s32 $0x1  }
0x12: {  	s20 =	simm.s32 $0x2;
	s24 =	sshrl.u32 s26, $0x3;
	[dreg:$0x5] =	wrdreg s7  }
0x13: {  	s26 =	simm.s32 $0x9E00;
	[dreg:$0x6] =	wrdreg s21;
	s23 =	sadd.s32 s0, s22  }
0x14: {  	s10 =	sadd.s32 s0, s25;
	s11 =	sadd.s32 s14, s22;
	s12 =	sadd.s32 s14, s25  }
0x15: {  	s14 =	sshrl.u32 s16, $0x3;
	s16 =	sshrl.u32 s17, $0x3;
	s17 =	simm.s32 $0x4F00  }
0x16: {  	s21 =	simm.s32 $0x3;
	s22 =	simm.s32 $0x4;
	s25 =	sshrl.u32 @!p0 s6, $0x3  }
0x17: {  	s0 =	simm.s32 $0x7;
	[dreg:$0x7] =	wrdreg s23;
	s23 =	simm.s32 $0x80  }
.LBB2_1:
0x18: {  	s5 =	rddreg [dreg:$0x5]  }
0x19: {  	s6 =	rddreg [dreg:$0x6]  }
0x1a: {  	[spmem:s14], [sflag:s6] =	dma.local [hbm:s5], $0x9E0  }
0x1b: {  	s5 =	rddreg [dreg:$0x7]  }
0x1c: {  	[spmem:s16], [sflag:s15] =	dma.local [hbm:s5], $0x9C0  }
0x1d: {  	[tilespmem:s3], [sflag:$0x3] =	stream.linear.gather [hbm4b:s8+s3], $0x4F00, $0x38;
	[tilespmem:$0x15B20] =	vst v63  }
0x1e: {  	s5 =	simm.s32 @!p0 $0x1C07  }
0x1f: {  	[tilespmem:s17], [sflag:$0x4] =	stream.linear.gather [hbm4b:s9+s3], $0x4F00, $0x38;
	[tilespmem:$0x15B20] =	vst v63  }
0x20: {  	[spmem:s18], [sflag:s5] =	dma.local @!p0 [hbm:s10], $0x40  }
0x21: {  	s5 =	simm.s32 @!p0 $0x7  }
0x22: {  	_ =	swait.ge @!p0 [sflag:s5], $0x40  }
0x23: {  	[sflag:s5] =	ssyncset.done @!p0 $0x0  }
0x24: {  	[sflag:s5] =	ssyncadd.s32 @!p0 $0xFFFFFFC0  }
0x25: {  	_ =	swait.ge [sflag:s19], $0x9E0  }
0x26: {  	[sflag:s19] =	ssyncset.done $0x0  }
0x27: {  	[sflag:s19] =	ssyncadd.s32 $0xFFFFF620  }
0x28: {  	_ =	swait.ge [sflag:s20], $0x9C0  }
0x29: {  	[sflag:s20] =	ssyncset.done $0x0  }
0x2a: {  	[sflag:s20] =	ssyncadd.s32 $0xFFFFF640  }
0x2b: {  	_ =	swait.ge [sflag:s21], $0x4F00  }
0x2c: {  	[sflag:s21] =	ssyncset.done $0x0  }
0x2d: {  	[sflag:s21] =	ssyncadd.s32 $0xFFFFB100  }
0x2e: {  	_ =	swait.ge [sflag:s22], $0x4F00  }
0x2f: {  	[sflag:s22] =	ssyncset.done $0x0  }
0x30: {  	[sflag:s22] =	ssyncadd.s32 $0xFFFFB100  }
0x31: {  	[bflag:$0x0] =	sbarrier.arrive $0xFFFF  }
0x32: {  	[tilespmem:s26], [sflag:$0x1] =	stream.indirect.gather [spmem:s2], $0x20, s3, s23, $0xb8;
	[tilespmem:$0x15B20] =	vst v63  }
0x33: {  	_ = 	snop  }
0x34: {  	[tilespmem:s28], [sflag:$0x2] =	stream.indirect.gather [spmem:s2], $0x20, s23, s23, $0xb8;
	[tilespmem:$0x15B20] =	vst v63  }
0x35: {  	_ =	swait.ge [sflag:s19], $0x1000  }
0x36: {  	[sflag:s19] =	ssyncset.done $0x0  }
0x37: {  	[sflag:s19] =	ssyncadd.s32 $0xFFFFF000  }
0x38: {  	[spmem:s1] =	stream.indirect.scatter.add.f32 [tilespmem:s26], [sflag:$0x5], $0x20, s17, s23, $0xb8;
	[tilespmem:$0x15B20] =	vst v63  }
0x39: {  	_ =	swait.ge [sflag:s20], $0x1000  }
0x3a: {  	[sflag:s20] =	ssyncset.done $0x0  }
0x3b: {  	s6 =	simm.s32 $0x4F80;
	[sflag:s20] =	ssyncadd.s32 $0xFFFFF000  }
0x3c: {  	[spmem:s1] =	stream.indirect.scatter.add.f32 [tilespmem:s28], [sflag:$0x6], $0x20, s6, s23, $0xb8;
	[tilespmem:$0x15B20] =	vst v63  }
0x3d: {  	_ =	swait.ge [sflag:s30], $0x1000  }
0x3e: {  	[sflag:s30] =	ssyncset.done $0x0  }
0x3f: {  	s7 =	simm.s32 $0x100;
	[sflag:s30] =	ssyncadd.s32 $0xFFFFF000  }
0x40: {  	[tilespmem:s26], [sflag:$0x1] =	stream.indirect.gather [spmem:s2], $0x20, s7, s23, $0xb8;
	[tilespmem:$0x15B20] =	vst v63  }
0x41: {  	_ =	swait.ge [sflag:s31], $0x1000  }
0x42: {  	[sflag:s31] =	ssyncset.done $0x0  }
0x43: {  	s6 =	simm.s32 $0x180;
	[sflag:s31] =	ssyncadd.s32 $0xFFFFF000  }
0x44: {  	[tilespmem:s28], [sflag:$0x2] =	stream.indirect.gather [spmem:s2], $0x20, s6, s23, $0xb8;
	[tilespmem:$0x15B20] =	vst v63  }
0x45: {  	_ =	swait.ge [sflag:s19], $0x1000  }
0x46: {  	[sflag:s19] =	ssyncset.done $0x0  }
0x47: {  	s7 =	simm.s32 $0x5000;
	[sflag:s19] =	ssyncadd.s32 $0xFFFFF000  }
0x48: {  	[spmem:s1] =	stream.indirect.scatter.add.f32 [tilespmem:s26], [sflag:$0x5], $0x20, s7, s23, $0xb8;
	[tilespmem:$0x15B20] =	vst v63  }
0x49: {  	_ =	swait.ge [sflag:s20], $0x1000  }
0x4a: {  	[sflag:s20] =	ssyncset.done $0x0  }
0x4b: {  	s5 =	simm.s32 $0xFFFECC00;
	s6 =	simm.s32 $0x5080;
	[sflag:s20] =	ssyncadd.s32 $0xFFFFF000  }
.LBB2_2:
0x4c: {  	[spmem:s1] =	stream.indirect.scatter.add.f32 [tilespmem:s28], [sflag:$0x6], $0x20, s6, s23, $0xb8;
	[tilespmem:$0x15B20] =	vst v63  }
0x4d: {  	s6 =	smov.u32 s5  }
0x4e: {  	p1 =	sne.s32 s5, $0xFFFFFC00;
	s5 =	sadd.s32 $0x400, s5;
	_ =	swait.ge [sflag:s30], $0x1000  }
0x4f: {  	s6 =	sshra.s32 s6, $0x2;
	[sflag:s30] =	ssyncset.done $0x0  }
0x50: {  	s7 =	sadd.s32 $0x4F00, s6;
	[sflag:s30] =	ssyncadd.s32 $0xFFFFF000  }
0x51: {  	[tilespmem:s26], [sflag:$0x1] =	stream.indirect.gather [spmem:s2], $0x20, s7, s23, $0xb8;
	[tilespmem:$0x15B20] =	vst v63  }
0x52: {  	_ =	swait.ge [sflag:s31], $0x1000  }
0x53: {  	[sflag:s31] =	ssyncset.done $0x0  }
0x54: {  	s7 =	sadd.s32 $0x4F80, s6;
	[sflag:s31] =	ssyncadd.s32 $0xFFFFF000  }
0x55: {  	[tilespmem:s28], [sflag:$0x2] =	stream.indirect.gather [spmem:s2], $0x20, s7, s23, $0xb8;
	[tilespmem:$0x15B20] =	vst v63  }
0x56: {  	_ =	swait.ge [sflag:s19], $0x1000  }
0x57: {  	[sflag:s19] =	ssyncset.done $0x0  }
.Ltmp0:
0x58: {  	s7 =	sadd.s32 $0x9E00, s6;
	[sflag:s19] =	ssyncadd.s32 $0xFFFFF000;
	(pc) =	sbr.rel @p1 .LBB2_2-.Ltmp0, $4  }
0x59: {  	[spmem:s1] =	stream.indirect.scatter.add.f32 [tilespmem:s26], [sflag:$0x5], $0x20, s7, s23, $0xb8;
	[tilespmem:$0x15B20] =	vst v63  }
0x5a: {  	_ =	swait.ge [sflag:s20], $0x1000  }
0x5b: {  	[sflag:s20] =	ssyncset.done $0x0  }
0x5c: {  	s6 =	sadd.s32 $0x9E80, s6;
	[sflag:s20] =	ssyncadd.s32 $0xFFFFF000  }
0x5d: {  	[spmem:s1] =	stream.indirect.scatter.add.f32 [tilespmem:s28], [sflag:$0x6], $0x20, s6, s23, $0xb8;
	[tilespmem:$0x15B20] =	vst v63  }
0x5e: {  	_ =	swait.ge [sflag:s30], $0x1000  }
0x5f: {  	[sflag:s30] =	ssyncset.done $0x0  }
0x60: {  	[sflag:s30] =	ssyncadd.s32 $0xFFFFF000  }
0x61: {  	_ =	swait.ge [sflag:s31], $0x1000  }
0x62: {  	[sflag:s31] =	ssyncset.done $0x0  }
0x63: {  	[sflag:s31] =	ssyncadd.s32 $0xFFFFF000  }
0x64: {  	s5 =	sor.u32 $0x1C07, s4;
	[bflag:$0x0] =	sbarrier.arrive $0xFFFF  }
0x65: {  	[hbm:s11], [sflag:s5] =	dma.local [spmem:s24], $0x9C0  }
0x66: {  	_ =	swait.ge [sflag:s0], $0x9C0  }
0x67: {  	s29 =	sadd.s32 $0x1, s29;
	[sflag:s0] =	ssyncset.done $0x0  }
0x68: {  	p1 =	sne.s32 s29, s13;
	[sflag:s0] =	ssyncadd.s32 $0xFFFFF640  }
0x69: {  	[hbm:s12], [sflag:s5] =	dma.local @!p0 [spmem:s25], $0x40  }
.Ltmp1:
0x6a: {  	_ = 	snop;
	(pc) =	sbr.rel @p1 .LBB2_1-.Ltmp1, $4  }
0x6b: {  	s5 =	simm.s32 @!p0 $0x7  }
0x6c: {  	_ =	swait.ge @!p0 [sflag:s5], $0x40  }
0x6d: {  	[sflag:s5] =	ssyncset.done @!p0 $0x0  }
0x6e: {  	[sflag:s5] =	ssyncadd.s32 @!p0 $0xFFFFFFC0  }
0x6f: {  	_ =	sfence.sel $0x180000  }
0x70: {  	[bflag:$0x0] =	sbarrier.arrive $0xFFFF  }
0x71: {  	_ =	strace $0x9000004A  }
0x72: {  	[bflag:$0x2] =	sbarrier.arrive $0xFFFF  }
0x73: {  	s0 =	rddreg [dreg:$0x4]  }
0x74: {  	s0 =	sadd.s32 @!p0 $0x100000, s0  }
0x75: {  	[sflag:s0] =	ssyncadd.tile.s32 @!p0 $0x1;
	_ =	shalt  }
.Lfunc_end2:
_tile_overlayer_lowered:
.L_overlay_start_2:
0x76: {  	(tag) =	ssettag $0x2  }
0x77: {  	s0 =	rddreg [dreg:$0x0];
	s2 =	stileid.u32  }
0x78: {  	s1 =	rddreg [dreg:$0x1];
	p0 =	sne.s32 s2, $0x0  }
0x79: {  	s3 =	rddreg [dreg:$0x2];
	[bflag:$0x3] =	sbarrier.arrive $0xFFFF;
	s2 =	simm.s32 @!p0 $0x1C07  }
0x7a: {  	[timem:s3], [sflag:s2] =	dma.local @!p0 [hbm:s0], s1  }
0x7b: {  	s0 =	simm.s32 @!p0 $0x7  }
0x7c: {  	_ =	swait.ge @!p0 [sflag:s0], s1  }
0x7d: {  	s1 =	ssub.s32 @!p0 $0x0, s1;
	[sflag:s0] =	ssyncset.done @!p0 $0x0  }
0x7e: {  	[sflag:s0] =	ssyncadd.s32 @!p0 s1  }
0x7f: {  	[bflag:$0x3] =	sbarrier.arrive $0xFFFF  }
0x80: {  	_ =	shalt  }

// kernel: kernel.25.cloned.1.call-start
scs
__scs_entry_jumppad:
0x0: {  	(pc) =	sbr.rel $0x88, $3  }
0x1: {  	(tag) =	ssettag $0x0;
	lr =	simm.s32 $0x1  }
0x2: {  	[smem:$0x3F9D] =	sst lr;
	_ =	strace $0xD0000000  }
0x3: {  	_ = 	snop  }
0x4: {  	_ = 	snop  }
0x5: {  	_ = 	snop  }
0x6: {  	_ = 	snop  }
0x7: {  	_ = 	snop  }
__scs_overlays_trampoline_lowered:
0x8: {  	[smem:$0x3FAC] =	sst s0  }
0x9: {  	[smem:$0x3FAD] =	sst s1  }
0xa: {  	[smem:$0x3FAE] =	sst s2  }
0xb: {  	[smem:$0x3FAF] =	sst s3  }
0xc: {  	[smem:$0x3FB0] =	sst s4  }
0xd: {  	[smem:$0x3FB1] =	sst s5  }
0xe: {  	[smem:$0x3FB2] =	sst s6  }
0xf: {  	[smem:$0x3FB3] =	sst s7  }
0x10: {  	[smem:$0x3FB4] =	sst s8  }
0x11: {  	[smem:$0x3FB5] =	sst s9;
	s0 =	simm.s32 @!p0 $0x0  }
0x12: {  	s1 =	sld [smem:$0x3F9B];
	s0 =	simm.s32 @p0 $0x1  }
0x13: {  	[smem:$0x3FB6] =	sst s0;
	s0 =	simm.s32 @!p1 $0x0  }
0x14: {  	s2 =	sld [smem:$0x3F9A];
	s0 =	simm.s32 @p1 $0x1  }
0x15: {  	[smem:$0x3FB7] =	sst s0;
	s0 =	simm.s32 @!p2 $0x0  }
0x16: {  	s3 =	sld [smem:$0x3FDB];
	s0 =	simm.s32 @p2 $0x1  }
0x17: {  	s4 =	simm.s32 $0x1BF5;
	[smem:$0x3FB9] =	sst s0  }
0x18: {  	s0 =	sld [smem:$0x3F9C];
	_ =	swait.ge [sflag:s4], $0x0  }
0x19: {  	s7 =	sld [smem:$0x3F9D]  }
0x1a: {  	s8 =	sadd.s32 $0xFFFFE003, lr  }
0x1b: {  	s9 =	sadd.s32 $0xFFFFFEF7, lr;
	s5 =	simm.s32 $0xFFFFFFFF;
	p2 =	slt.u32 s8, $0xFFFFF086  }
0x1c: {  	p1 =	slt.u32 s9, $0xF7A;
	s5 =	simm.s32 @!p2 $0x0  }
0x1d: {  	s5 =	simm.s32 @p1 $0x1;
	p0 =	seq.s32 s7, s2  }
0x1e: {  	s7 =	smul.u32 @!p0 $0xF7A, s2;
	p2 =	seq.s32 @!p0 s5, $0x0  }
0x1f: {  	s9 =	smul.u32 $0xF7A, s1;
	s8 =	simm.s32 @!p0 $0x1BF5;
	p2 =	por !p2, p0  }
0x20: {  	[sflag:s8] =	ssyncset.s32 @!p0 $0xFFFFF086;
	s6 =	sadd.s32 @!p0 s3, s7;
	s7 =	simm.s32 @!p0 $0x108  }
0x21: {  	s3 =	sadd.s32 s3, s9;
	s6 =	sadd.s32 @!p0 $0x88, s6;
	s7 =	simm.s32 @p2 $0x1082  }
0x22: {  	[simem:s7], [sflag:s8] =	dma.local @!p0 [hbm:s6], $0xF7A  }
0x23: {  	s9 =	sor.u32 $0xD0000000, s2;
	s6 =	simm.s32 $0x108;
	_ =	swait.ge @!p0 [sflag:s8], $0x0  }
0x24: {  	s3 =	sadd.s32 $0x88, s3;
	s6 =	simm.s32 @!p1 $0x1082;
	[sflag:s4] =	ssyncset.s32 $0xFFFFF086  }
0x25: {  	[simem:s6], [sflag:s4] =	dma.local [hbm:s3], $0xF7A  }
0x26: {  	[smem:$0x3F9D] =	sst s1;
	(tag) =	ssettag s2;
	_ =	strace s9  }
0x27: {  	s1 =	sld [smem:$0x3FAD]  }
0x28: {  	s2 =	sld [smem:$0x3FAE]  }
0x29: {  	s4 =	sld [smem:$0x3FB0]  }
0x2a: {  	p0 =	seq.s32 s5, $0x0;
	s5 =	sld [smem:$0x3FB1]  }
0x2b: {  	s6 =	sld [smem:$0x3FB2]  }
0x2c: {  	s7 =	sld [smem:$0x3FB3]  }
0x2d: {  	s3 =	simm.s32 $0x108;
	s8 =	sld [smem:$0x3FB4]  }
0x2e: {  	s3 =	simm.s32 @!p0 $0x1082;
	s9 =	sld [smem:$0x3FB5]  }
0x2f: {  	lr =	sadd.s32 s0, s3;
	s0 =	sld [smem:$0x3FAC]  }
0x30: {  	s3 =	sld [smem:$0x3FAF]  }
0x31: {  	[smem:$0x3FB8] =	sst s10  }
0x32: {  	s10 =	sld [smem:$0x3FB6];
	_ =	sdelay $0x3  }
0x33: {  	p0 =	seq.s32 s10, $0x1;
	s10 =	sld [smem:$0x3FB8];
	_ =	sdelay $0x3  }
0x34: {  	[smem:$0x3FB8] =	sst s10  }
0x35: {  	s10 =	sld [smem:$0x3FB7];
	_ =	sdelay $0x3  }
0x36: {  	p1 =	seq.s32 s10, $0x1;
	s10 =	sld [smem:$0x3FB8];
	_ =	sdelay $0x3  }
0x37: {  	[smem:$0x3FB8] =	sst s10  }
0x38: {  	s10 =	sld [smem:$0x3FB9]  }
0x39: {  	_ = 	snop;
	(pc) =	sbr.ind lr, $3  }
0x3a: {  	_ = 	snop  }
0x3b: {  	_ = 	snop  }
0x3c: {  	p2 =	seq.s32 s10, $0x1;
	s10 =	sld [smem:$0x3FB8]  }
0x3d: {  	_ =	shalt  }
0x3e: {  	_ =	shalt  }
0x3f: {  	_ =	shalt  }
0x40: {  	_ =	shalt  }
0x41: {  	_ =	shalt  }
0x42: {  	_ =	shalt  }
0x43: {  	_ =	shalt  }
0x44: {  	_ =	shalt  }
0x45: {  	_ =	shalt  }
0x46: {  	_ =	shalt  }
0x47: {  	_ =	shalt  }
0x48: {  	_ =	shalt  }
0x49: {  	_ =	shalt  }
0x4a: {  	_ =	shalt  }
0x4b: {  	_ =	shalt  }
0x4c: {  	_ =	shalt  }
0x4d: {  	_ =	shalt  }
0x4e: {  	_ =	shalt  }
0x4f: {  	_ =	shalt  }
0x50: {  	_ =	shalt  }
0x51: {  	_ =	shalt  }
0x52: {  	_ =	shalt  }
0x53: {  	_ =	shalt  }
0x54: {  	_ =	shalt  }
0x55: {  	_ =	shalt  }
0x56: {  	_ =	shalt  }
0x57: {  	_ =	shalt  }
0x58: {  	_ =	shalt  }
0x59: {  	_ =	shalt  }
0x5a: {  	_ =	shalt  }
0x5b: {  	_ =	shalt  }
0x5c: {  	_ =	shalt  }
0x5d: {  	_ =	shalt  }
0x5e: {  	_ =	shalt  }
0x5f: {  	_ =	shalt  }
0x60: {  	_ =	shalt  }
0x61: {  	_ =	shalt  }
0x62: {  	_ =	shalt  }
0x63: {  	_ =	shalt  }
0x64: {  	_ =	shalt  }
0x65: {  	_ =	shalt  }
0x66: {  	_ =	shalt  }
0x67: {  	_ =	shalt  }
0x68: {  	_ =	shalt  }
0x69: {  	_ =	shalt  }
0x6a: {  	_ =	shalt  }
0x6b: {  	_ =	shalt  }
0x6c: {  	_ =	shalt  }
0x6d: {  	_ =	shalt  }
0x6e: {  	_ =	shalt  }
0x6f: {  	_ =	shalt  }
0x70: {  	_ =	shalt  }
0x71: {  	_ =	shalt  }
0x72: {  	_ =	shalt  }
0x73: {  	_ =	shalt  }
0x74: {  	_ =	shalt  }
0x75: {  	_ =	shalt  }
0x76: {  	_ =	shalt  }
0x77: {  	_ =	shalt  }
0x78: {  	_ =	shalt  }
0x79: {  	_ =	shalt  }
0x7a: {  	_ =	shalt  }
0x7b: {  	_ =	shalt  }
0x7c: {  	_ =	shalt  }
0x7d: {  	_ =	shalt  }
0x7e: {  	_ =	shalt  }
0x7f: {  	_ =	shalt  }
0x80: {  	_ =	shalt  }
0x81: {  	_ =	shalt  }
0x82: {  	_ =	shalt  }
0x83: {  	_ =	shalt  }
0x84: {  	_ =	shalt  }
0x85: {  	_ =	shalt  }
0x86: {  	_ =	shalt  }
0x87: {  	_ =	shalt  }
.Lfunc_end0:
.L_simem_size_0:
called_computation.2_lowered:
.L_overlay_start_0:
0x88: {  	s2 =	sld [smem:$0x3FD9]  }
0x89: {  	s3 =	sld [smem:$0x3FFE];
	_ =	sdelay $0x1  }
0x8a: {  	s1 =	srdreg.scid  }
0x8b: {  	s0 =	sand.u32 $0x1, s1  }
0x8c: {  	s17 =	sshll.u32 s0, $0xA;
	s2 =	sadd.s32 s3, s2  }
0x8d: {  	s2 =	sadd.s32 s2, s17  }
0x8e: {  	[smem:$0x3FC4] =	sst s2  }
0x8f: {  	_ = 	snop  }
0x90: {  	s2 =	sld [smem:$0x3FD0];
	(tm) =	ssettm $0x1  }
0x91: {  	s18 =	sld [smem:$0x3FFB];
	_ =	sdelay $0x3  }
0x92: {  	_ =	strace s18  }
0x93: {  	s3 =	sld [smem:$0x3FFC];
	_ =	sdelay $0x3  }
0x94: {  	_ =	strace s3  }
0x95: {  	s3 =	sld [smem:$0x3FFD];
	_ =	sdelay $0x3  }
0x96: {  	_ =	strace s3  }
0x97: {  	_ =	strace $0x8FFFFFFF  }
0x98: {  	s19 =	sld [smem:$0x3FDB];
	_ =	sdelay $0x1  }
0x99: {  	s4 =	simm.s32 $_scs_section_size  }
0x9a: {  	s5 =	simm.s32 $_size__tile_overlayer_lowered;
	s6 =	simm.s32 $_tile_overlayer_lowered  }
0x9b: {  	s22 =	simm.s32 $0x1BFF;
	s21 =	sshll.u32 s6, $0x1;
	s3 =	sadd.s32 s4, s19  }
0x9c: {  	s7 =	simm.s32 $0x0;
	s20 =	sshll.u32 s5, $0x1;
	s5 =	sadd.s32 s21, s3  }
0x9d: {  	[timem:s7], [sflag:s22] =	dma.local [hbm:s5], s20  }
0x9e: {  	_ =	swait.ge [sflag:s22], s20  }
0x9f: {  	s4 =	ssub.s32 $0x0, s20;
	[sflag:s22] =	ssyncset.done $0x0  }
0xa0: {  	[sflag:s22] =	ssyncadd.s32 s4;
	_ =	sdelay $0x1  }
0xa1: {  	s23 =	simm.s32 $0x1B8B  }
0xa2: {  	_ =	swait.ge [sflag:s23], $0x1  }
0xa3: {  	[sflag:s23] =	ssyncset.done $0x0  }
0xa4: {  	s25 =	simm.s32 $0x1B8E;
	s24 =	sld [smem:$0x3FFE];
	[sflag:s23] =	ssyncadd.s32 $0xFFFFFFFF  }
0xa5: {  	s26 =	simm.s32 $execute0_lowered;
	[smem:$0x3FD2] =	sst s25  }
0xa6: {  	s5 =	sshll.u32 s26, $0x1;
	_ =	strace $0x8000004C;
	[dreg:$0x1] =	wrdreg $0xFFFFFFFF  }
0xa7: {  	s28 =	simm.s32 $_size_execute0_lowered;
	s3 =	sadd.s32 s3, s5;
	[dreg:$0x0] =	wrdreg $0x0  }
0xa8: {  	s5 =	sshll.u32 s28, $0x1;
	[dreg:$0x2] =	wrdreg s3  }
0xa9: {  	[dreg:$0x3] =	wrdreg s5  }
0xaa: {  	[dreg:$0x4] =	wrdreg $0xC0  }
0xab: {  	_ =	task [dreg:s7], $0x5FFFF  }
0xac: {  	[dreg:$0x1] =	wrdreg $0xFFFFFFFF  }
0xad: {  	[dreg:$0x0] =	wrdreg $0x60  }
0xae: {  	[dreg:$0x2] =	wrdreg s2  }
0xaf: {  	[dreg:$0x3] =	wrdreg s24  }
0xb0: {  	[dreg:$0x4] =	wrdreg $0xBE000  }
0xb1: {  	[dreg:$0x5] =	wrdreg $0x10D000  }
0xb2: {  	[dreg:$0x6] =	wrdreg $0x9  }
0xb3: {  	_ =	task.clear_ibuf [dreg:s7], $0x7FFFF;
	_ =	strace $0x9000004C  }
0xb4: {  	s29 =	simm.s32 $0x9;
	_ =	strace $0x8000004E  }
0xb5: {  	_ =	swait.ge [sflag:s29], $0x1  }
0xb6: {  	[sflag:s29] =	ssyncadd.s32 $0xFFFFFFFF  }
0xb7: {  	_ =	strace $0x9000004E  }
0xb8: {  	_ =	sfence  }
0xb9: {  	s30 =	sld [smem:$0x0];
	_ =	sdelay $0x2  }
0xba: {  	s31 =	sshll.u32 s1, $0xD;
	s1 =	sshrl.u32 s1, $0x2  }
0xbb: {  	s3 =	sand.u32 $0x4000, s31;
	s1 =	sadd.s32 s1, s30  }
0xbc: {  	s0 =	sor.u32 s3, s0;
	s1 =	sshll.u32 s1, $0x11  }
0xbd: {  	s0 =	sor.u32 s1, s0  }
0xbe: {  	s0 =	sadd.s32 $0x8F2B, s0  }
0xbf: {  	[sflag:s0] =	ssyncadd.remote.s32 $0x1  }
0xc0: {  	_ =	sfence.sel $0xFFFF  }
0xc1: {  	[dreg:$0x0] =	wrdreg $0xFFFFFFFF;
	(pc) =	sbr.abs _section_cstart, $3  }
0xc2: {  	[dreg:$0x1] =	wrdreg $0xFFFFFFFF  }
0xc3: {  	_ =	task.clear_ibuf [dreg:s7], $0x2FFFF;
	_ =	strace $0x9FFFFFFF  }
0xc4: {  	(tm) =	ssettm $0x7FFFFFFF  }
0xc5: {  	_ =	shalt  }
tec
execute0_lowered:
.L_overlay_start_1:
0x0: {  	(tag) =	ssettag $0x1  }
0x1: {  	s0 =	rddreg [dreg:$0x0]  }
0x2: {  	s4 =	rddreg [dreg:$0x1]  }
0x3: {  	s1 =	rddreg [dreg:$0x2]  }
0x4: {  	s2 =	rddreg [dreg:$0x3];
	s3 =	simm.s32 $0x0  }
0x5: {  	s5 =	stileid.u32;
	s7 =	srdreg.scid;
	s28 =	simm.s32 $0xAE00  }
0x6: {  	s30 =	simm.s32 $0x5;
	s31 =	simm.s32 $0x6;
	s6 =	smul.u32 $0x9E0, s5  }
0x7: {  	s29 =	simm.s32 $0x0;
	[smem:$0x7FF] =	sst s3;
	s8 =	smul.u32 $0x4F00, s5  }
0x8: {  	s7 =	sand.u32 $0x1, s7;
	s12 =	smul.u32 $0x4E00, s5;
	s14 =	sadd.s32 $0x15E600, s4  }
0x9: {  	s18 =	sadd.s32 $0x4E000, s2;
	p0 =	sne.s32 s5, $0x0;
	_ =	strace $0x8000004D  }
0xa: {  	s9 =	ssub.s32 $0x2, s7;
	s13 =	smul.u32 $0x4E200, s7;
	s18 =	sshrl.u32 @!p0 s18, $0x3  }
0xb: {  	s6 =	sadd.s32 s6, s4;
	s10 =	sshrl.u32 s8, $0x3;
	s11 =	sshrl.u32 s9, $0x1  }
0xc: {  	s16 =	sadd.s32 s8, s1;
	s17 =	sadd.s32 s12, s2;
	s26 =	sadd.s32 s12, s1  }
0xd: {  	s19 =	sadd.s32 s10, s4;
	s15 =	ssub.s32 s9, s11;
	s4 =	sshll.u32 s5, $0x6  }
0xe: {  	s20 =	sadd.s32 s12, s13;
	s24 =	sshrl.u32 s13, $0x3;
	s8 =	sadd.s32 $0x1C000, s6  }
0xf: {  	s9 =	sadd.s32 $0x12200, s6;
	s6 =	sadd.s32 $0x4E000, s1;
	s7 =	sadd.s32 $0x3200, s19  }
0x10: {  	s21 =	sor.u32 $0x1C01, s4;
	s22 =	sshrl.u32 s20, $0x3;
	s25 =	sadd.s32 $0x9C00, s24  }
0x11: {  	s13 =	smax.u32 s15, $0x1;
	s15 =	sor.u32 $0x1C02, s4;
	s19 =	simm.s32 $0x1  }
0x12: {  	s20 =	simm.s32 $0x2;
	s24 =	sshrl.u32 s26, $0x3;
	[dreg:$0x5] =	wrdreg s7  }
0x13: {  	s26 =	simm.s32 $0x9E00;
	[dreg:$0x6] =	wrdreg s21;
	s23 =	sadd.s32 s0, s22  }
0x14: {  	s10 =	sadd.s32 s0, s25;
	s11 =	sadd.s32 s14, s22;
	s12 =	sadd.s32 s14, s25  }
0x15: {  	s14 =	sshrl.u32 s16, $0x3;
	s16 =	sshrl.u32 s17, $0x3;
	s17 =	simm.s32 $0x4F00  }
0x16: {  	s21 =	simm.s32 $0x3;
	s22 =	simm.s32 $0x4;
	s25 =	sshrl.u32 @!p0 s6, $0x3  }
0x17: {  	s0 =	simm.s32 $0x7;
	[dreg:$0x7] =	wrdreg s23;
	s23 =	simm.s32 $0x80  }
.LBB2_1:
0x18: {  	s5 =	rddreg [dreg:$0x5]  }
0x19: {  	s6 =	rddreg [dreg:$0x6]  }
0x1a: {  	[spmem:s14], [sflag:s6] =	dma.local [hbm:s5], $0x9E0  }
0x1b: {  	s5 =	rddreg [dreg:$0x7]  }
0x1c: {  	[spmem:s16], [sflag:s15] =	dma.local [hbm:s5], $0x9C0  }
0x1d: {  	[tilespmem:s3], [sflag:$0x3] =	stream.linear.gather [hbm4b:s8+s3], $0x4F00, $0x38;
	[tilespmem:$0x15B20] =	vst v63  }
0x1e: {  	s5 =	simm.s32 @!p0 $0x1C07  }
0x1f: {  	[tilespmem:s17], [sflag:$0x4] =	stream.linear.gather [hbm4b:s9+s3], $0x4F00, $0x38;
	[tilespmem:$0x15B20] =	vst v63  }
0x20: {  	[spmem:s18], [sflag:s5] =	dma.local @!p0 [hbm:s10], $0x40  }
0x21: {  	s5 =	simm.s32 @!p0 $0x7  }
0x22: {  	_ =	swait.ge @!p0 [sflag:s5], $0x40  }
0x23: {  	[sflag:s5] =	ssyncset.done @!p0 $0x0  }
0x24: {  	[sflag:s5] =	ssyncadd.s32 @!p0 $0xFFFFFFC0  }
0x25: {  	_ =	swait.ge [sflag:s19], $0x9E0  }
0x26: {  	[sflag:s19] =	ssyncset.done $0x0  }
0x27: {  	[sflag:s19] =	ssyncadd.s32 $0xFFFFF620  }
0x28: {  	_ =	swait.ge [sflag:s20], $0x9C0  }
0x29: {  	[sflag:s20] =	ssyncset.done $0x0  }
0x2a: {  	[sflag:s20] =	ssyncadd.s32 $0xFFFFF640  }
0x2b: {  	_ =	swait.ge [sflag:s21], $0x4F00  }
0x2c: {  	[sflag:s21] =	ssyncset.done $0x0  }
0x2d: {  	[sflag:s21] =	ssyncadd.s32 $0xFFFFB100  }
0x2e: {  	_ =	swait.ge [sflag:s22], $0x4F00  }
0x2f: {  	[sflag:s22] =	ssyncset.done $0x0  }
0x30: {  	[sflag:s22] =	ssyncadd.s32 $0xFFFFB100  }
0x31: {  	[bflag:$0x0] =	sbarrier.arrive $0xFFFF  }
0x32: {  	[tilespmem:s26], [sflag:$0x1] =	stream.indirect.gather [spmem:s2], $0x20, s3, s23, $0xb8;
	[tilespmem:$0x15B20] =	vst v63  }
0x33: {  	_ = 	snop  }
0x34: {  	[tilespmem:s28], [sflag:$0x2] =	stream.indirect.gather [spmem:s2], $0x20, s23, s23, $0xb8;
	[tilespmem:$0x15B20] =	vst v63  }
0x35: {  	_ =	swait.ge [sflag:s19], $0x1000  }
0x36: {  	[sflag:s19] =	ssyncset.done $0x0  }
0x37: {  	[sflag:s19] =	ssyncadd.s32 $0xFFFFF000  }
0x38: {  	[spmem:s1] =	stream.indirect.scatter.add.f32 [tilespmem:s26], [sflag:$0x5], $0x20, s17, s23, $0xb8;
	[tilespmem:$0x15B20] =	vst v63  }
0x39: {  	_ =	swait.ge [sflag:s20], $0x1000  }
0x3a: {  	[sflag:s20] =	ssyncset.done $0x0  }
0x3b: {  	s6 =	simm.s32 $0x4F80;
	[sflag:s20] =	ssyncadd.s32 $0xFFFFF000  }
0x3c: {  	[spmem:s1] =	stream.indirect.scatter.add.f32 [tilespmem:s28], [sflag:$0x6], $0x20, s6, s23, $0xb8;
	[tilespmem:$0x15B20] =	vst v63  }
0x3d: {  	_ =	swait.ge [sflag:s30], $0x1000  }
0x3e: {  	[sflag:s30] =	ssyncset.done $0x0  }
0x3f: {  	s7 =	simm.s32 $0x100;
	[sflag:s30] =	ssyncadd.s32 $0xFFFFF000  }
0x40: {  	[tilespmem:s26], [sflag:$0x1] =	stream.indirect.gather [spmem:s2], $0x20, s7, s23, $0xb8;
	[tilespmem:$0x15B20] =	vst v63  }
0x41: {  	_ =	swait.ge [sflag:s31], $0x1000  }
0x42: {  	[sflag:s31] =	ssyncset.done $0x0  }
0x43: {  	s6 =	simm.s32 $0x180;
	[sflag:s31] =	ssyncadd.s32 $0xFFFFF000  }
0x44: {  	[tilespmem:s28], [sflag:$0x2] =	stream.indirect.gather [spmem:s2], $0x20, s6, s23, $0xb8;
	[tilespmem:$0x15B20] =	vst v63  }
0x45: {  	_ =	swait.ge [sflag:s19], $0x1000  }
0x46: {  	[sflag:s19] =	ssyncset.done $0x0  }
0x47: {  	s7 =	simm.s32 $0x5000;
	[sflag:s19] =	ssyncadd.s32 $0xFFFFF000  }
0x48: {  	[spmem:s1] =	stream.indirect.scatter.add.f32 [tilespmem:s26], [sflag:$0x5], $0x20, s7, s23, $0xb8;
	[tilespmem:$0x15B20] =	vst v63  }
0x49: {  	_ =	swait.ge [sflag:s20], $0x1000  }
0x4a: {  	[sflag:s20] =	ssyncset.done $0x0  }
0x4b: {  	s5 =	simm.s32 $0xFFFECC00;
	s6 =	simm.s32 $0x5080;
	[sflag:s20] =	ssyncadd.s32 $0xFFFFF000  }
.LBB2_2:
0x4c: {  	[spmem:s1] =	stream.indirect.scatter.add.f32 [tilespmem:s28], [sflag:$0x6], $0x20, s6, s23, $0xb8;
	[tilespmem:$0x15B20] =	vst v63  }
0x4d: {  	s6 =	smov.u32 s5  }
0x4e: {  	p1 =	sne.s32 s5, $0xFFFFFC00;
	s5 =	sadd.s32 $0x400, s5;
	_ =	swait.ge [sflag:s30], $0x1000  }
0x4f: {  	s6 =	sshra.s32 s6, $0x2;
	[sflag:s30] =	ssyncset.done $0x0  }
0x50: {  	s7 =	sadd.s32 $0x4F00, s6;
	[sflag:s30] =	ssyncadd.s32 $0xFFFFF000  }
0x51: {  	[tilespmem:s26], [sflag:$0x1] =	stream.indirect.gather [spmem:s2], $0x20, s7, s23, $0xb8;
	[tilespmem:$0x15B20] =	vst v63  }
0x52: {  	_ =	swait.ge [sflag:s31], $0x1000  }
0x53: {  	[sflag:s31] =	ssyncset.done $0x0  }
0x54: {  	s7 =	sadd.s32 $0x4F80, s6;
	[sflag:s31] =	ssyncadd.s32 $0xFFFFF000  }
0x55: {  	[tilespmem:s28], [sflag:$0x2] =	stream.indirect.gather [spmem:s2], $0x20, s7, s23, $0xb8;
	[tilespmem:$0x15B20] =	vst v63  }
0x56: {  	_ =	swait.ge [sflag:s19], $0x1000  }
0x57: {  	[sflag:s19] =	ssyncset.done $0x0  }
.Ltmp0:
0x58: {  	s7 =	sadd.s32 $0x9E00, s6;
	[sflag:s19] =	ssyncadd.s32 $0xFFFFF000;
	(pc) =	sbr.rel @p1 .LBB2_2-.Ltmp0, $4  }
0x59: {  	[spmem:s1] =	stream.indirect.scatter.add.f32 [tilespmem:s26], [sflag:$0x5], $0x20, s7, s23, $0xb8;
	[tilespmem:$0x15B20] =	vst v63  }
0x5a: {  	_ =	swait.ge [sflag:s20], $0x1000  }
0x5b: {  	[sflag:s20] =	ssyncset.done $0x0  }
0x5c: {  	s6 =	sadd.s32 $0x9E80, s6;
	[sflag:s20] =	ssyncadd.s32 $0xFFFFF000  }
0x5d: {  	[spmem:s1] =	stream.indirect.scatter.add.f32 [tilespmem:s28], [sflag:$0x6], $0x20, s6, s23, $0xb8;
	[tilespmem:$0x15B20] =	vst v63  }
0x5e: {  	_ =	swait.ge [sflag:s30], $0x1000  }
0x5f: {  	[sflag:s30] =	ssyncset.done $0x0  }
0x60: {  	[sflag:s30] =	ssyncadd.s32 $0xFFFFF000  }
0x61: {  	_ =	swait.ge [sflag:s31], $0x1000  }
0x62: {  	[sflag:s31] =	ssyncset.done $0x0  }
0x63: {  	[sflag:s31] =	ssyncadd.s32 $0xFFFFF000  }
0x64: {  	s5 =	sor.u32 $0x1C07, s4;
	[bflag:$0x0] =	sbarrier.arrive $0xFFFF  }
0x65: {  	[hbm:s11], [sflag:s5] =	dma.local [spmem:s24], $0x9C0  }
0x66: {  	_ =	swait.ge [sflag:s0], $0x9C0  }
0x67: {  	s29 =	sadd.s32 $0x1, s29;
	[sflag:s0] =	ssyncset.done $0x0  }
0x68: {  	p1 =	sne.s32 s29, s13;
	[sflag:s0] =	ssyncadd.s32 $0xFFFFF640  }
0x69: {  	[hbm:s12], [sflag:s5] =	dma.local @!p0 [spmem:s25], $0x40  }
.Ltmp1:
0x6a: {  	_ = 	snop;
	(pc) =	sbr.rel @p1 .LBB2_1-.Ltmp1, $4  }
0x6b: {  	s5 =	simm.s32 @!p0 $0x7  }
0x6c: {  	_ =	swait.ge @!p0 [sflag:s5], $0x40  }
0x6d: {  	[sflag:s5] =	ssyncset.done @!p0 $0x0  }
0x6e: {  	[sflag:s5] =	ssyncadd.s32 @!p0 $0xFFFFFFC0  }
0x6f: {  	_ =	sfence.sel $0x180000  }
0x70: {  	[bflag:$0x0] =	sbarrier.arrive $0xFFFF  }
0x71: {  	_ =	strace $0x9000004D  }
0x72: {  	[bflag:$0x2] =	sbarrier.arrive $0xFFFF  }
0x73: {  	s0 =	rddreg [dreg:$0x4]  }
0x74: {  	s0 =	sadd.s32 @!p0 $0x100000, s0  }
0x75: {  	[sflag:s0] =	ssyncadd.tile.s32 @!p0 $0x1;
	_ =	shalt  }
.Lfunc_end2:
_tile_overlayer_lowered:
.L_overlay_start_2:
0x76: {  	(tag) =	ssettag $0x2  }
0x77: {  	s0 =	rddreg [dreg:$0x0];
	s2 =	stileid.u32  }
0x78: {  	s1 =	rddreg [dreg:$0x1];
	p0 =	sne.s32 s2, $0x0  }
0x79: {  	s3 =	rddreg [dreg:$0x2];
	[bflag:$0x3] =	sbarrier.arrive $0xFFFF;
	s2 =	simm.s32 @!p0 $0x1C07  }
0x7a: {  	[timem:s3], [sflag:s2] =	dma.local @!p0 [hbm:s0], s1  }
0x7b: {  	s0 =	simm.s32 @!p0 $0x7  }
0x7c: {  	_ =	swait.ge @!p0 [sflag:s0], s1  }
0x7d: {  	s1 =	ssub.s32 @!p0 $0x0, s1;
	[sflag:s0] =	ssyncset.done @!p0 $0x0  }
0x7e: {  	[sflag:s0] =	ssyncadd.s32 @!p0 s1  }
0x7f: {  	[bflag:$0x3] =	sbarrier.arrive $0xFFFF  }
0x80: {  	_ =	shalt  }

// kernel: kernel.28.cloned.1.call-start
scs
__scs_entry_jumppad:
0x0: {  	(pc) =	sbr.rel $0x88, $3  }
0x1: {  	(tag) =	ssettag $0x0;
	lr =	simm.s32 $0x1  }
0x2: {  	[smem:$0x3F9D] =	sst lr;
	_ =	strace $0xD0000000  }
0x3: {  	_ = 	snop  }
0x4: {  	_ = 	snop  }
0x5: {  	_ = 	snop  }
0x6: {  	_ = 	snop  }
0x7: {  	_ = 	snop  }
__scs_overlays_trampoline_lowered:
0x8: {  	[smem:$0x3FAC] =	sst s0  }
0x9: {  	[smem:$0x3FAD] =	sst s1  }
0xa: {  	[smem:$0x3FAE] =	sst s2  }
0xb: {  	[smem:$0x3FAF] =	sst s3  }
0xc: {  	[smem:$0x3FB0] =	sst s4  }
0xd: {  	[smem:$0x3FB1] =	sst s5  }
0xe: {  	[smem:$0x3FB2] =	sst s6  }
0xf: {  	[smem:$0x3FB3] =	sst s7  }
0x10: {  	[smem:$0x3FB4] =	sst s8  }
0x11: {  	[smem:$0x3FB5] =	sst s9;
	s0 =	simm.s32 @!p0 $0x0  }
0x12: {  	s1 =	sld [smem:$0x3F9B];
	s0 =	simm.s32 @p0 $0x1  }
0x13: {  	[smem:$0x3FB6] =	sst s0;
	s0 =	simm.s32 @!p1 $0x0  }
0x14: {  	s2 =	sld [smem:$0x3F9A];
	s0 =	simm.s32 @p1 $0x1  }
0x15: {  	[smem:$0x3FB7] =	sst s0;
	s0 =	simm.s32 @!p2 $0x0  }
0x16: {  	s3 =	sld [smem:$0x3FDB];
	s0 =	simm.s32 @p2 $0x1  }
0x17: {  	s4 =	simm.s32 $0x1BF5;
	[smem:$0x3FB9] =	sst s0  }
0x18: {  	s0 =	sld [smem:$0x3F9C];
	_ =	swait.ge [sflag:s4], $0x0  }
0x19: {  	s7 =	sld [smem:$0x3F9D]  }
0x1a: {  	s8 =	sadd.s32 $0xFFFFE003, lr  }
0x1b: {  	s9 =	sadd.s32 $0xFFFFFEF7, lr;
	s5 =	simm.s32 $0xFFFFFFFF;
	p2 =	slt.u32 s8, $0xFFFFF086  }
0x1c: {  	p1 =	slt.u32 s9, $0xF7A;
	s5 =	simm.s32 @!p2 $0x0  }
0x1d: {  	s5 =	simm.s32 @p1 $0x1;
	p0 =	seq.s32 s7, s2  }
0x1e: {  	s7 =	smul.u32 @!p0 $0xF7A, s2;
	p2 =	seq.s32 @!p0 s5, $0x0  }
0x1f: {  	s9 =	smul.u32 $0xF7A, s1;
	s8 =	simm.s32 @!p0 $0x1BF5;
	p2 =	por !p2, p0  }
0x20: {  	[sflag:s8] =	ssyncset.s32 @!p0 $0xFFFFF086;
	s6 =	sadd.s32 @!p0 s3, s7;
	s7 =	simm.s32 @!p0 $0x108  }
0x21: {  	s3 =	sadd.s32 s3, s9;
	s6 =	sadd.s32 @!p0 $0x88, s6;
	s7 =	simm.s32 @p2 $0x1082  }
0x22: {  	[simem:s7], [sflag:s8] =	dma.local @!p0 [hbm:s6], $0xF7A  }
0x23: {  	s9 =	sor.u32 $0xD0000000, s2;
	s6 =	simm.s32 $0x108;
	_ =	swait.ge @!p0 [sflag:s8], $0x0  }
0x24: {  	s3 =	sadd.s32 $0x88, s3;
	s6 =	simm.s32 @!p1 $0x1082;
	[sflag:s4] =	ssyncset.s32 $0xFFFFF086  }
0x25: {  	[simem:s6], [sflag:s4] =	dma.local [hbm:s3], $0xF7A  }
0x26: {  	[smem:$0x3F9D] =	sst s1;
	(tag) =	ssettag s2;
	_ =	strace s9  }
0x27: {  	s1 =	sld [smem:$0x3FAD]  }
0x28: {  	s2 =	sld [smem:$0x3FAE]  }
0x29: {  	s4 =	sld [smem:$0x3FB0]  }
0x2a: {  	p0 =	seq.s32 s5, $0x0;
	s5 =	sld [smem:$0x3FB1]  }
0x2b: {  	s6 =	sld [smem:$0x3FB2]  }
0x2c: {  	s7 =	sld [smem:$0x3FB3]  }
0x2d: {  	s3 =	simm.s32 $0x108;
	s8 =	sld [smem:$0x3FB4]  }
0x2e: {  	s3 =	simm.s32 @!p0 $0x1082;
	s9 =	sld [smem:$0x3FB5]  }
0x2f: {  	lr =	sadd.s32 s0, s3;
	s0 =	sld [smem:$0x3FAC]  }
0x30: {  	s3 =	sld [smem:$0x3FAF]  }
0x31: {  	[smem:$0x3FB8] =	sst s10  }
0x32: {  	s10 =	sld [smem:$0x3FB6];
	_ =	sdelay $0x3  }
0x33: {  	p0 =	seq.s32 s10, $0x1;
	s10 =	sld [smem:$0x3FB8];
	_ =	sdelay $0x3  }
0x34: {  	[smem:$0x3FB8] =	sst s10  }
0x35: {  	s10 =	sld [smem:$0x3FB7];
	_ =	sdelay $0x3  }
0x36: {  	p1 =	seq.s32 s10, $0x1;
	s10 =	sld [smem:$0x3FB8];
	_ =	sdelay $0x3  }
0x37: {  	[smem:$0x3FB8] =	sst s10  }
0x38: {  	s10 =	sld [smem:$0x3FB9]  }
0x39: {  	_ = 	snop;
	(pc) =	sbr.ind lr, $3  }
0x3a: {  	_ = 	snop  }
0x3b: {  	_ = 	snop  }
0x3c: {  	p2 =	seq.s32 s10, $0x1;
	s10 =	sld [smem:$0x3FB8]  }
0x3d: {  	_ =	shalt  }
0x3e: {  	_ =	shalt  }
0x3f: {  	_ =	shalt  }
0x40: {  	_ =	shalt  }
0x41: {  	_ =	shalt  }
0x42: {  	_ =	shalt  }
0x43: {  	_ =	shalt  }
0x44: {  	_ =	shalt  }
0x45: {  	_ =	shalt  }
0x46: {  	_ =	shalt  }
0x47: {  	_ =	shalt  }
0x48: {  	_ =	shalt  }
0x49: {  	_ =	shalt  }
0x4a: {  	_ =	shalt  }
0x4b: {  	_ =	shalt  }
0x4c: {  	_ =	shalt  }
0x4d: {  	_ =	shalt  }
0x4e: {  	_ =	shalt  }
0x4f: {  	_ =	shalt  }
0x50: {  	_ =	shalt  }
0x51: {  	_ =	shalt  }
0x52: {  	_ =	shalt  }
0x53: {  	_ =	shalt  }
0x54: {  	_ =	shalt  }
0x55: {  	_ =	shalt  }
0x56: {  	_ =	shalt  }
0x57: {  	_ =	shalt  }
0x58: {  	_ =	shalt  }
0x59: {  	_ =	shalt  }
0x5a: {  	_ =	shalt  }
0x5b: {  	_ =	shalt  }
0x5c: {  	_ =	shalt  }
0x5d: {  	_ =	shalt  }
0x5e: {  	_ =	shalt  }
0x5f: {  	_ =	shalt  }
0x60: {  	_ =	shalt  }
0x61: {  	_ =	shalt  }
0x62: {  	_ =	shalt  }
0x63: {  	_ =	shalt  }
0x64: {  	_ =	shalt  }
0x65: {  	_ =	shalt  }
0x66: {  	_ =	shalt  }
0x67: {  	_ =	shalt  }
0x68: {  	_ =	shalt  }
0x69: {  	_ =	shalt  }
0x6a: {  	_ =	shalt  }
0x6b: {  	_ =	shalt  }
0x6c: {  	_ =	shalt  }
0x6d: {  	_ =	shalt  }
0x6e: {  	_ =	shalt  }
0x6f: {  	_ =	shalt  }
0x70: {  	_ =	shalt  }
0x71: {  	_ =	shalt  }
0x72: {  	_ =	shalt  }
0x73: {  	_ =	shalt  }
0x74: {  	_ =	shalt  }
0x75: {  	_ =	shalt  }
0x76: {  	_ =	shalt  }
0x77: {  	_ =	shalt  }
0x78: {  	_ =	shalt  }
0x79: {  	_ =	shalt  }
0x7a: {  	_ =	shalt  }
0x7b: {  	_ =	shalt  }
0x7c: {  	_ =	shalt  }
0x7d: {  	_ =	shalt  }
0x7e: {  	_ =	shalt  }
0x7f: {  	_ =	shalt  }
0x80: {  	_ =	shalt  }
0x81: {  	_ =	shalt  }
0x82: {  	_ =	shalt  }
0x83: {  	_ =	shalt  }
0x84: {  	_ =	shalt  }
0x85: {  	_ =	shalt  }
0x86: {  	_ =	shalt  }
0x87: {  	_ =	shalt  }
.Lfunc_end0:
.L_simem_size_0:
called_computation.3_lowered:
.L_overlay_start_0:
0x88: {  	s2 =	sld [smem:$0x3FD9]  }
0x89: {  	s3 =	sld [smem:$0x3FFE];
	_ =	sdelay $0x1  }
0x8a: {  	s1 =	srdreg.scid  }
0x8b: {  	s0 =	sand.u32 $0x1, s1  }
0x8c: {  	s17 =	sshll.u32 s0, $0xA;
	s2 =	sadd.s32 s3, s2  }
0x8d: {  	s2 =	sadd.s32 s2, s17  }
0x8e: {  	[smem:$0x3FC4] =	sst s2  }
0x8f: {  	_ = 	snop  }
0x90: {  	s2 =	sld [smem:$0x3FD0];
	(tm) =	ssettm $0x1  }
0x91: {  	s18 =	sld [smem:$0x3FFB];
	_ =	sdelay $0x3  }
0x92: {  	_ =	strace s18  }
0x93: {  	s3 =	sld [smem:$0x3FFC];
	_ =	sdelay $0x3  }
0x94: {  	_ =	strace s3  }
0x95: {  	s3 =	sld [smem:$0x3FFD];
	_ =	sdelay $0x3  }
0x96: {  	_ =	strace s3  }
0x97: {  	_ =	strace $0x8FFFFFFF  }
0x98: {  	s19 =	sld [smem:$0x3FDB];
	_ =	sdelay $0x1  }
0x99: {  	s4 =	simm.s32 $_scs_section_size  }
0x9a: {  	s5 =	simm.s32 $_size__tile_overlayer_lowered;
	s6 =	simm.s32 $_tile_overlayer_lowered  }
0x9b: {  	s22 =	simm.s32 $0x1BFF;
	s21 =	sshll.u32 s6, $0x1;
	s3 =	sadd.s32 s4, s19  }
0x9c: {  	s7 =	simm.s32 $0x0;
	s20 =	sshll.u32 s5, $0x1;
	s5 =	sadd.s32 s21, s3  }
0x9d: {  	[timem:s7], [sflag:s22] =	dma.local [hbm:s5], s20  }
0x9e: {  	_ =	swait.ge [sflag:s22], s20  }
0x9f: {  	s4 =	ssub.s32 $0x0, s20;
	[sflag:s22] =	ssyncset.done $0x0  }
0xa0: {  	[sflag:s22] =	ssyncadd.s32 s4;
	_ =	sdelay $0x1  }
0xa1: {  	s23 =	simm.s32 $0x1B8B  }
0xa2: {  	_ =	swait.ge [sflag:s23], $0x1  }
0xa3: {  	[sflag:s23] =	ssyncset.done $0x0  }
0xa4: {  	s25 =	simm.s32 $0x1B8E;
	s24 =	sld [smem:$0x3FFE];
	[sflag:s23] =	ssyncadd.s32 $0xFFFFFFFF  }
0xa5: {  	s26 =	simm.s32 $execute0_lowered;
	[smem:$0x3FD2] =	sst s25  }
0xa6: {  	s5 =	sshll.u32 s26, $0x1;
	_ =	strace $0x8000004F;
	[dreg:$0x1] =	wrdreg $0xFFFFFFFF  }
0xa7: {  	s28 =	simm.s32 $_size_execute0_lowered;
	s3 =	sadd.s32 s3, s5;
	[dreg:$0x0] =	wrdreg $0x0  }
0xa8: {  	s5 =	sshll.u32 s28, $0x1;
	[dreg:$0x2] =	wrdreg s3  }
0xa9: {  	[dreg:$0x3] =	wrdreg s5  }
0xaa: {  	[dreg:$0x4] =	wrdreg $0xC0  }
0xab: {  	_ =	task [dreg:s7], $0x5FFFF  }
0xac: {  	[dreg:$0x1] =	wrdreg $0xFFFFFFFF  }
0xad: {  	[dreg:$0x0] =	wrdreg $0x60  }
0xae: {  	[dreg:$0x2] =	wrdreg s2  }
0xaf: {  	[dreg:$0x3] =	wrdreg s24  }
0xb0: {  	[dreg:$0x4] =	wrdreg $0xBE000  }
0xb1: {  	[dreg:$0x5] =	wrdreg $0x10D000  }
0xb2: {  	[dreg:$0x6] =	wrdreg $0x9  }
0xb3: {  	_ =	task.clear_ibuf [dreg:s7], $0x7FFFF;
	_ =	strace $0x9000004F  }
0xb4: {  	s29 =	simm.s32 $0x9;
	_ =	strace $0x80000051  }
0xb5: {  	_ =	swait.ge [sflag:s29], $0x1  }
0xb6: {  	[sflag:s29] =	ssyncadd.s32 $0xFFFFFFFF  }
0xb7: {  	_ =	strace $0x90000051  }
0xb8: {  	_ =	sfence  }
0xb9: {  	s30 =	sld [smem:$0x0];
	_ =	sdelay $0x2  }
0xba: {  	s31 =	sshll.u32 s1, $0xD;
	s1 =	sshrl.u32 s1, $0x2  }
0xbb: {  	s3 =	sand.u32 $0x4000, s31;
	s1 =	sadd.s32 s1, s30  }
0xbc: {  	s0 =	sor.u32 s3, s0;
	s1 =	sshll.u32 s1, $0x11  }
0xbd: {  	s0 =	sor.u32 s1, s0  }
0xbe: {  	s0 =	sadd.s32 $0x8F2B, s0  }
0xbf: {  	[sflag:s0] =	ssyncadd.remote.s32 $0x1  }
0xc0: {  	_ =	sfence.sel $0xFFFF  }
0xc1: {  	[dreg:$0x0] =	wrdreg $0xFFFFFFFF;
	(pc) =	sbr.abs _section_cstart, $3  }
0xc2: {  	[dreg:$0x1] =	wrdreg $0xFFFFFFFF  }
0xc3: {  	_ =	task.clear_ibuf [dreg:s7], $0x2FFFF;
	_ =	strace $0x9FFFFFFF  }
0xc4: {  	(tm) =	ssettm $0x7FFFFFFF  }
0xc5: {  	_ =	shalt  }
tec
execute0_lowered:
.L_overlay_start_1:
0x0: {  	(tag) =	ssettag $0x1  }
0x1: {  	s0 =	rddreg [dreg:$0x0]  }
0x2: {  	s4 =	rddreg [dreg:$0x1]  }
0x3: {  	s1 =	rddreg [dreg:$0x2]  }
0x4: {  	s2 =	rddreg [dreg:$0x3];
	s3 =	simm.s32 $0x0  }
0x5: {  	s5 =	stileid.u32;
	s7 =	srdreg.scid;
	s28 =	simm.s32 $0xAE00  }
0x6: {  	s30 =	simm.s32 $0x5;
	s31 =	simm.s32 $0x6;
	s6 =	smul.u32 $0x9E0, s5  }
0x7: {  	s29 =	simm.s32 $0x0;
	[smem:$0x7FF] =	sst s3;
	s8 =	smul.u32 $0x4F00, s5  }
0x8: {  	s7 =	sand.u32 $0x1, s7;
	s12 =	smul.u32 $0x4E00, s5;
	s14 =	sadd.s32 $0x15E600, s4  }
0x9: {  	s18 =	sadd.s32 $0x4E000, s2;
	p0 =	sne.s32 s5, $0x0;
	_ =	strace $0x80000050  }
0xa: {  	s9 =	ssub.s32 $0x2, s7;
	s13 =	smul.u32 $0x4E200, s7;
	s18 =	sshrl.u32 @!p0 s18, $0x3  }
0xb: {  	s6 =	sadd.s32 s6, s4;
	s10 =	sshrl.u32 s8, $0x3;
	s11 =	sshrl.u32 s9, $0x1  }
0xc: {  	s16 =	sadd.s32 s8, s1;
	s17 =	sadd.s32 s12, s2;
	s26 =	sadd.s32 s12, s1  }
0xd: {  	s19 =	sadd.s32 s10, s4;
	s15 =	ssub.s32 s9, s11;
	s4 =	sshll.u32 s5, $0x6  }
0xe: {  	s20 =	sadd.s32 s12, s13;
	s24 =	sshrl.u32 s13, $0x3;
	s8 =	sadd.s32 $0x1C000, s6  }
0xf: {  	s9 =	sadd.s32 $0x12200, s6;
	s6 =	sadd.s32 $0x4E000, s1;
	s7 =	sadd.s32 $0x3200, s19  }
0x10: {  	s21 =	sor.u32 $0x1C01, s4;
	s22 =	sshrl.u32 s20, $0x3;
	s25 =	sadd.s32 $0x9C00, s24  }
0x11: {  	s13 =	smax.u32 s15, $0x1;
	s15 =	sor.u32 $0x1C02, s4;
	s19 =	simm.s32 $0x1  }
0x12: {  	s20 =	simm.s32 $0x2;
	s24 =	sshrl.u32 s26, $0x3;
	[dreg:$0x5] =	wrdreg s7  }
0x13: {  	s26 =	simm.s32 $0x9E00;
	[dreg:$0x6] =	wrdreg s21;
	s23 =	sadd.s32 s0, s22  }
0x14: {  	s10 =	sadd.s32 s0, s25;
	s11 =	sadd.s32 s14, s22;
	s12 =	sadd.s32 s14, s25  }
0x15: {  	s14 =	sshrl.u32 s16, $0x3;
	s16 =	sshrl.u32 s17, $0x3;
	s17 =	simm.s32 $0x4F00  }
0x16: {  	s21 =	simm.s32 $0x3;
	s22 =	simm.s32 $0x4;
	s25 =	sshrl.u32 @!p0 s6, $0x3  }
0x17: {  	s0 =	simm.s32 $0x7;
	[dreg:$0x7] =	wrdreg s23;
	s23 =	simm.s32 $0x80  }
.LBB2_1:
0x18: {  	s5 =	rddreg [dreg:$0x5]  }
0x19: {  	s6 =	rddreg [dreg:$0x6]  }
0x1a: {  	[spmem:s14], [sflag:s6] =	dma.local [hbm:s5], $0x9E0  }
0x1b: {  	s5 =	rddreg [dreg:$0x7]  }
0x1c: {  	[spmem:s16], [sflag:s15] =	dma.local [hbm:s5], $0x9C0  }
0x1d: {  	[tilespmem:s3], [sflag:$0x3] =	stream.linear.gather [hbm4b:s8+s3], $0x4F00, $0x38;
	[tilespmem:$0x15B20] =	vst v63  }
0x1e: {  	s5 =	simm.s32 @!p0 $0x1C07  }
0x1f: {  	[tilespmem:s17], [sflag:$0x4] =	stream.linear.gather [hbm4b:s9+s3], $0x4F00, $0x38;
	[tilespmem:$0x15B20] =	vst v63  }
0x20: {  	[spmem:s18], [sflag:s5] =	dma.local @!p0 [hbm:s10], $0x40  }
0x21: {  	s5 =	simm.s32 @!p0 $0x7  }
0x22: {  	_ =	swait.ge @!p0 [sflag:s5], $0x40  }
0x23: {  	[sflag:s5] =	ssyncset.done @!p0 $0x0  }
0x24: {  	[sflag:s5] =	ssyncadd.s32 @!p0 $0xFFFFFFC0  }
0x25: {  	_ =	swait.ge [sflag:s19], $0x9E0  }
0x26: {  	[sflag:s19] =	ssyncset.done $0x0  }
0x27: {  	[sflag:s19] =	ssyncadd.s32 $0xFFFFF620  }
0x28: {  	_ =	swait.ge [sflag:s20], $0x9C0  }
0x29: {  	[sflag:s20] =	ssyncset.done $0x0  }
0x2a: {  	[sflag:s20] =	ssyncadd.s32 $0xFFFFF640  }
0x2b: {  	_ =	swait.ge [sflag:s21], $0x4F00  }
0x2c: {  	[sflag:s21] =	ssyncset.done $0x0  }
0x2d: {  	[sflag:s21] =	ssyncadd.s32 $0xFFFFB100  }
0x2e: {  	_ =	swait.ge [sflag:s22], $0x4F00  }
0x2f: {  	[sflag:s22] =	ssyncset.done $0x0  }
0x30: {  	[sflag:s22] =	ssyncadd.s32 $0xFFFFB100  }
0x31: {  	[bflag:$0x0] =	sbarrier.arrive $0xFFFF  }
0x32: {  	[tilespmem:s26], [sflag:$0x1] =	stream.indirect.gather [spmem:s2], $0x20, s3, s23, $0xb8;
	[tilespmem:$0x15B20] =	vst v63  }
0x33: {  	_ = 	snop  }
0x34: {  	[tilespmem:s28], [sflag:$0x2] =	stream.indirect.gather [spmem:s2], $0x20, s23, s23, $0xb8;
	[tilespmem:$0x15B20] =	vst v63  }
0x35: {  	_ =	swait.ge [sflag:s19], $0x1000  }
0x36: {  	[sflag:s19] =	ssyncset.done $0x0  }
0x37: {  	[sflag:s19] =	ssyncadd.s32 $0xFFFFF000  }
0x38: {  	[spmem:s1] =	stream.indirect.scatter.add.f32 [tilespmem:s26], [sflag:$0x5], $0x20, s17, s23, $0xb8;
	[tilespmem:$0x15B20] =	vst v63  }
0x39: {  	_ =	swait.ge [sflag:s20], $0x1000  }
0x3a: {  	[sflag:s20] =	ssyncset.done $0x0  }
0x3b: {  	s6 =	simm.s32 $0x4F80;
	[sflag:s20] =	ssyncadd.s32 $0xFFFFF000  }
0x3c: {  	[spmem:s1] =	stream.indirect.scatter.add.f32 [tilespmem:s28], [sflag:$0x6], $0x20, s6, s23, $0xb8;
	[tilespmem:$0x15B20] =	vst v63  }
0x3d: {  	_ =	swait.ge [sflag:s30], $0x1000  }
0x3e: {  	[sflag:s30] =	ssyncset.done $0x0  }
0x3f: {  	s7 =	simm.s32 $0x100;
	[sflag:s30] =	ssyncadd.s32 $0xFFFFF000  }
0x40: {  	[tilespmem:s26], [sflag:$0x1] =	stream.indirect.gather [spmem:s2], $0x20, s7, s23, $0xb8;
	[tilespmem:$0x15B20] =	vst v63  }
0x41: {  	_ =	swait.ge [sflag:s31], $0x1000  }
0x42: {  	[sflag:s31] =	ssyncset.done $0x0  }
0x43: {  	s6 =	simm.s32 $0x180;
	[sflag:s31] =	ssyncadd.s32 $0xFFFFF000  }
0x44: {  	[tilespmem:s28], [sflag:$0x2] =	stream.indirect.gather [spmem:s2], $0x20, s6, s23, $0xb8;
	[tilespmem:$0x15B20] =	vst v63  }
0x45: {  	_ =	swait.ge [sflag:s19], $0x1000  }
0x46: {  	[sflag:s19] =	ssyncset.done $0x0  }
0x47: {  	s7 =	simm.s32 $0x5000;
	[sflag:s19] =	ssyncadd.s32 $0xFFFFF000  }
0x48: {  	[spmem:s1] =	stream.indirect.scatter.add.f32 [tilespmem:s26], [sflag:$0x5], $0x20, s7, s23, $0xb8;
	[tilespmem:$0x15B20] =	vst v63  }
0x49: {  	_ =	swait.ge [sflag:s20], $0x1000  }
0x4a: {  	[sflag:s20] =	ssyncset.done $0x0  }
0x4b: {  	s5 =	simm.s32 $0xFFFECC00;
	s6 =	simm.s32 $0x5080;
	[sflag:s20] =	ssyncadd.s32 $0xFFFFF000  }
.LBB2_2:
0x4c: {  	[spmem:s1] =	stream.indirect.scatter.add.f32 [tilespmem:s28], [sflag:$0x6], $0x20, s6, s23, $0xb8;
	[tilespmem:$0x15B20] =	vst v63  }
0x4d: {  	s6 =	smov.u32 s5  }
0x4e: {  	p1 =	sne.s32 s5, $0xFFFFFC00;
	s5 =	sadd.s32 $0x400, s5;
	_ =	swait.ge [sflag:s30], $0x1000  }
0x4f: {  	s6 =	sshra.s32 s6, $0x2;
	[sflag:s30] =	ssyncset.done $0x0  }
0x50: {  	s7 =	sadd.s32 $0x4F00, s6;
	[sflag:s30] =	ssyncadd.s32 $0xFFFFF000  }
0x51: {  	[tilespmem:s26], [sflag:$0x1] =	stream.indirect.gather [spmem:s2], $0x20, s7, s23, $0xb8;
	[tilespmem:$0x15B20] =	vst v63  }
0x52: {  	_ =	swait.ge [sflag:s31], $0x1000  }
0x53: {  	[sflag:s31] =	ssyncset.done $0x0  }
0x54: {  	s7 =	sadd.s32 $0x4F80, s6;
	[sflag:s31] =	ssyncadd.s32 $0xFFFFF000  }
0x55: {  	[tilespmem:s28], [sflag:$0x2] =	stream.indirect.gather [spmem:s2], $0x20, s7, s23, $0xb8;
	[tilespmem:$0x15B20] =	vst v63  }
0x56: {  	_ =	swait.ge [sflag:s19], $0x1000  }
0x57: {  	[sflag:s19] =	ssyncset.done $0x0  }
.Ltmp0:
0x58: {  	s7 =	sadd.s32 $0x9E00, s6;
	[sflag:s19] =	ssyncadd.s32 $0xFFFFF000;
	(pc) =	sbr.rel @p1 .LBB2_2-.Ltmp0, $4  }
0x59: {  	[spmem:s1] =	stream.indirect.scatter.add.f32 [tilespmem:s26], [sflag:$0x5], $0x20, s7, s23, $0xb8;
	[tilespmem:$0x15B20] =	vst v63  }
0x5a: {  	_ =	swait.ge [sflag:s20], $0x1000  }
0x5b: {  	[sflag:s20] =	ssyncset.done $0x0  }
0x5c: {  	s6 =	sadd.s32 $0x9E80, s6;
	[sflag:s20] =	ssyncadd.s32 $0xFFFFF000  }
0x5d: {  	[spmem:s1] =	stream.indirect.scatter.add.f32 [tilespmem:s28], [sflag:$0x6], $0x20, s6, s23, $0xb8;
	[tilespmem:$0x15B20] =	vst v63  }
0x5e: {  	_ =	swait.ge [sflag:s30], $0x1000  }
0x5f: {  	[sflag:s30] =	ssyncset.done $0x0  }
0x60: {  	[sflag:s30] =	ssyncadd.s32 $0xFFFFF000  }
0x61: {  	_ =	swait.ge [sflag:s31], $0x1000  }
0x62: {  	[sflag:s31] =	ssyncset.done $0x0  }
0x63: {  	[sflag:s31] =	ssyncadd.s32 $0xFFFFF000  }
0x64: {  	s5 =	sor.u32 $0x1C07, s4;
	[bflag:$0x0] =	sbarrier.arrive $0xFFFF  }
0x65: {  	[hbm:s11], [sflag:s5] =	dma.local [spmem:s24], $0x9C0  }
0x66: {  	_ =	swait.ge [sflag:s0], $0x9C0  }
0x67: {  	s29 =	sadd.s32 $0x1, s29;
	[sflag:s0] =	ssyncset.done $0x0  }
0x68: {  	p1 =	sne.s32 s29, s13;
	[sflag:s0] =	ssyncadd.s32 $0xFFFFF640  }
0x69: {  	[hbm:s12], [sflag:s5] =	dma.local @!p0 [spmem:s25], $0x40  }
.Ltmp1:
0x6a: {  	_ = 	snop;
	(pc) =	sbr.rel @p1 .LBB2_1-.Ltmp1, $4  }
0x6b: {  	s5 =	simm.s32 @!p0 $0x7  }
0x6c: {  	_ =	swait.ge @!p0 [sflag:s5], $0x40  }
0x6d: {  	[sflag:s5] =	ssyncset.done @!p0 $0x0  }
0x6e: {  	[sflag:s5] =	ssyncadd.s32 @!p0 $0xFFFFFFC0  }
0x6f: {  	_ =	sfence.sel $0x180000  }
0x70: {  	[bflag:$0x0] =	sbarrier.arrive $0xFFFF  }
0x71: {  	_ =	strace $0x90000050  }
0x72: {  	[bflag:$0x2] =	sbarrier.arrive $0xFFFF  }
0x73: {  	s0 =	rddreg [dreg:$0x4]  }
0x74: {  	s0 =	sadd.s32 @!p0 $0x100000, s0  }
0x75: {  	[sflag:s0] =	ssyncadd.tile.s32 @!p0 $0x1;
	_ =	shalt  }
.Lfunc_end2:
_tile_overlayer_lowered:
.L_overlay_start_2:
0x76: {  	(tag) =	ssettag $0x2  }
0x77: {  	s0 =	rddreg [dreg:$0x0];
	s2 =	stileid.u32  }
0x78: {  	s1 =	rddreg [dreg:$0x1];
	p0 =	sne.s32 s2, $0x0  }
0x79: {  	s3 =	rddreg [dreg:$0x2];
	[bflag:$0x3] =	sbarrier.arrive $0xFFFF;
	s2 =	simm.s32 @!p0 $0x1C07  }
0x7a: {  	[timem:s3], [sflag:s2] =	dma.local @!p0 [hbm:s0], s1  }
0x7b: {  	s0 =	simm.s32 @!p0 $0x7  }
0x7c: {  	_ =	swait.ge @!p0 [sflag:s0], s1  }
0x7d: {  	s1 =	ssub.s32 @!p0 $0x0, s1;
	[sflag:s0] =	ssyncset.done @!p0 $0x0  }
0x7e: {  	[sflag:s0] =	ssyncadd.s32 @!p0 s1  }
0x7f: {  	[bflag:$0x3] =	sbarrier.arrive $0xFFFF  }
0x80: {  	_ =	shalt  }

// kernel: kernel.31.cloned.1.call-start
scs
__scs_entry_jumppad:
0x0: {  	(pc) =	sbr.rel $0x88, $3  }
0x1: {  	(tag) =	ssettag $0x0;
	lr =	simm.s32 $0x1  }
0x2: {  	[smem:$0x3F9D] =	sst lr;
	_ =	strace $0xD0000000  }
0x3: {  	_ = 	snop  }
0x4: {  	_ = 	snop  }
0x5: {  	_ = 	snop  }
0x6: {  	_ = 	snop  }
0x7: {  	_ = 	snop  }
__scs_overlays_trampoline_lowered:
0x8: {  	[smem:$0x3FAC] =	sst s0  }
0x9: {  	[smem:$0x3FAD] =	sst s1  }
0xa: {  	[smem:$0x3FAE] =	sst s2  }
0xb: {  	[smem:$0x3FAF] =	sst s3  }
0xc: {  	[smem:$0x3FB0] =	sst s4  }
0xd: {  	[smem:$0x3FB1] =	sst s5  }
0xe: {  	[smem:$0x3FB2] =	sst s6  }
0xf: {  	[smem:$0x3FB3] =	sst s7  }
0x10: {  	[smem:$0x3FB4] =	sst s8  }
0x11: {  	[smem:$0x3FB5] =	sst s9;
	s0 =	simm.s32 @!p0 $0x0  }
0x12: {  	s1 =	sld [smem:$0x3F9B];
	s0 =	simm.s32 @p0 $0x1  }
0x13: {  	[smem:$0x3FB6] =	sst s0;
	s0 =	simm.s32 @!p1 $0x0  }
0x14: {  	s2 =	sld [smem:$0x3F9A];
	s0 =	simm.s32 @p1 $0x1  }
0x15: {  	[smem:$0x3FB7] =	sst s0;
	s0 =	simm.s32 @!p2 $0x0  }
0x16: {  	s3 =	sld [smem:$0x3FDB];
	s0 =	simm.s32 @p2 $0x1  }
0x17: {  	s4 =	simm.s32 $0x1BF5;
	[smem:$0x3FB9] =	sst s0  }
0x18: {  	s0 =	sld [smem:$0x3F9C];
	_ =	swait.ge [sflag:s4], $0x0  }
0x19: {  	s7 =	sld [smem:$0x3F9D]  }
0x1a: {  	s8 =	sadd.s32 $0xFFFFE003, lr  }
0x1b: {  	s9 =	sadd.s32 $0xFFFFFEF7, lr;
	s5 =	simm.s32 $0xFFFFFFFF;
	p2 =	slt.u32 s8, $0xFFFFF086  }
0x1c: {  	p1 =	slt.u32 s9, $0xF7A;
	s5 =	simm.s32 @!p2 $0x0  }
0x1d: {  	s5 =	simm.s32 @p1 $0x1;
	p0 =	seq.s32 s7, s2  }
0x1e: {  	s7 =	smul.u32 @!p0 $0xF7A, s2;
	p2 =	seq.s32 @!p0 s5, $0x0  }
0x1f: {  	s9 =	smul.u32 $0xF7A, s1;
	s8 =	simm.s32 @!p0 $0x1BF5;
	p2 =	por !p2, p0  }
0x20: {  	[sflag:s8] =	ssyncset.s32 @!p0 $0xFFFFF086;
	s6 =	sadd.s32 @!p0 s3, s7;
	s7 =	simm.s32 @!p0 $0x108  }
0x21: {  	s3 =	sadd.s32 s3, s9;
	s6 =	sadd.s32 @!p0 $0x88, s6;
	s7 =	simm.s32 @p2 $0x1082  }
0x22: {  	[simem:s7], [sflag:s8] =	dma.local @!p0 [hbm:s6], $0xF7A  }
0x23: {  	s9 =	sor.u32 $0xD0000000, s2;
	s6 =	simm.s32 $0x108;
	_ =	swait.ge @!p0 [sflag:s8], $0x0  }
0x24: {  	s3 =	sadd.s32 $0x88, s3;
	s6 =	simm.s32 @!p1 $0x1082;
	[sflag:s4] =	ssyncset.s32 $0xFFFFF086  }
0x25: {  	[simem:s6], [sflag:s4] =	dma.local [hbm:s3], $0xF7A  }
0x26: {  	[smem:$0x3F9D] =	sst s1;
	(tag) =	ssettag s2;
	_ =	strace s9  }
0x27: {  	s1 =	sld [smem:$0x3FAD]  }
0x28: {  	s2 =	sld [smem:$0x3FAE]  }
0x29: {  	s4 =	sld [smem:$0x3FB0]  }
0x2a: {  	p0 =	seq.s32 s5, $0x0;
	s5 =	sld [smem:$0x3FB1]  }
0x2b: {  	s6 =	sld [smem:$0x3FB2]  }
0x2c: {  	s7 =	sld [smem:$0x3FB3]  }
0x2d: {  	s3 =	simm.s32 $0x108;
	s8 =	sld [smem:$0x3FB4]  }
0x2e: {  	s3 =	simm.s32 @!p0 $0x1082;
	s9 =	sld [smem:$0x3FB5]  }
0x2f: {  	lr =	sadd.s32 s0, s3;
	s0 =	sld [smem:$0x3FAC]  }
0x30: {  	s3 =	sld [smem:$0x3FAF]  }
0x31: {  	[smem:$0x3FB8] =	sst s10  }
0x32: {  	s10 =	sld [smem:$0x3FB6];
	_ =	sdelay $0x3  }
0x33: {  	p0 =	seq.s32 s10, $0x1;
	s10 =	sld [smem:$0x3FB8];
	_ =	sdelay $0x3  }
0x34: {  	[smem:$0x3FB8] =	sst s10  }
0x35: {  	s10 =	sld [smem:$0x3FB7];
	_ =	sdelay $0x3  }
0x36: {  	p1 =	seq.s32 s10, $0x1;
	s10 =	sld [smem:$0x3FB8];
	_ =	sdelay $0x3  }
0x37: {  	[smem:$0x3FB8] =	sst s10  }
0x38: {  	s10 =	sld [smem:$0x3FB9]  }
0x39: {  	_ = 	snop;
	(pc) =	sbr.ind lr, $3  }
0x3a: {  	_ = 	snop  }
0x3b: {  	_ = 	snop  }
0x3c: {  	p2 =	seq.s32 s10, $0x1;
	s10 =	sld [smem:$0x3FB8]  }
0x3d: {  	_ =	shalt  }
0x3e: {  	_ =	shalt  }
0x3f: {  	_ =	shalt  }
0x40: {  	_ =	shalt  }
0x41: {  	_ =	shalt  }
0x42: {  	_ =	shalt  }
0x43: {  	_ =	shalt  }
0x44: {  	_ =	shalt  }
0x45: {  	_ =	shalt  }
0x46: {  	_ =	shalt  }
0x47: {  	_ =	shalt  }
0x48: {  	_ =	shalt  }
0x49: {  	_ =	shalt  }
0x4a: {  	_ =	shalt  }
0x4b: {  	_ =	shalt  }
0x4c: {  	_ =	shalt  }
0x4d: {  	_ =	shalt  }
0x4e: {  	_ =	shalt  }
0x4f: {  	_ =	shalt  }
0x50: {  	_ =	shalt  }
0x51: {  	_ =	shalt  }
0x52: {  	_ =	shalt  }
0x53: {  	_ =	shalt  }
0x54: {  	_ =	shalt  }
0x55: {  	_ =	shalt  }
0x56: {  	_ =	shalt  }
0x57: {  	_ =	shalt  }
0x58: {  	_ =	shalt  }
0x59: {  	_ =	shalt  }
0x5a: {  	_ =	shalt  }
0x5b: {  	_ =	shalt  }
0x5c: {  	_ =	shalt  }
0x5d: {  	_ =	shalt  }
0x5e: {  	_ =	shalt  }
0x5f: {  	_ =	shalt  }
0x60: {  	_ =	shalt  }
0x61: {  	_ =	shalt  }
0x62: {  	_ =	shalt  }
0x63: {  	_ =	shalt  }
0x64: {  	_ =	shalt  }
0x65: {  	_ =	shalt  }
0x66: {  	_ =	shalt  }
0x67: {  	_ =	shalt  }
0x68: {  	_ =	shalt  }
0x69: {  	_ =	shalt  }
0x6a: {  	_ =	shalt  }
0x6b: {  	_ =	shalt  }
0x6c: {  	_ =	shalt  }
0x6d: {  	_ =	shalt  }
0x6e: {  	_ =	shalt  }
0x6f: {  	_ =	shalt  }
0x70: {  	_ =	shalt  }
0x71: {  	_ =	shalt  }
0x72: {  	_ =	shalt  }
0x73: {  	_ =	shalt  }
0x74: {  	_ =	shalt  }
0x75: {  	_ =	shalt  }
0x76: {  	_ =	shalt  }
0x77: {  	_ =	shalt  }
0x78: {  	_ =	shalt  }
0x79: {  	_ =	shalt  }
0x7a: {  	_ =	shalt  }
0x7b: {  	_ =	shalt  }
0x7c: {  	_ =	shalt  }
0x7d: {  	_ =	shalt  }
0x7e: {  	_ =	shalt  }
0x7f: {  	_ =	shalt  }
0x80: {  	_ =	shalt  }
0x81: {  	_ =	shalt  }
0x82: {  	_ =	shalt  }
0x83: {  	_ =	shalt  }
0x84: {  	_ =	shalt  }
0x85: {  	_ =	shalt  }
0x86: {  	_ =	shalt  }
0x87: {  	_ =	shalt  }
.Lfunc_end0:
.L_simem_size_0:
called_computation.4_lowered:
.L_overlay_start_0:
0x88: {  	s2 =	sld [smem:$0x3FD9]  }
0x89: {  	s3 =	sld [smem:$0x3FFE];
	_ =	sdelay $0x1  }
0x8a: {  	s1 =	srdreg.scid  }
0x8b: {  	s0 =	sand.u32 $0x1, s1  }
0x8c: {  	s17 =	sshll.u32 s0, $0xA;
	s2 =	sadd.s32 s3, s2  }
0x8d: {  	s2 =	sadd.s32 s2, s17  }
0x8e: {  	[smem:$0x3FC4] =	sst s2  }
0x8f: {  	_ = 	snop  }
0x90: {  	s2 =	sld [smem:$0x3FD0];
	(tm) =	ssettm $0x1  }
0x91: {  	s18 =	sld [smem:$0x3FFB];
	_ =	sdelay $0x3  }
0x92: {  	_ =	strace s18  }
0x93: {  	s3 =	sld [smem:$0x3FFC];
	_ =	sdelay $0x3  }
0x94: {  	_ =	strace s3  }
0x95: {  	s3 =	sld [smem:$0x3FFD];
	_ =	sdelay $0x3  }
0x96: {  	_ =	strace s3  }
0x97: {  	_ =	strace $0x8FFFFFFF  }
0x98: {  	s19 =	sld [smem:$0x3FDB];
	_ =	sdelay $0x1  }
0x99: {  	s4 =	simm.s32 $_scs_section_size  }
0x9a: {  	s5 =	simm.s32 $_size__tile_overlayer_lowered;
	s6 =	simm.s32 $_tile_overlayer_lowered  }
0x9b: {  	s22 =	simm.s32 $0x1BFF;
	s21 =	sshll.u32 s6, $0x1;
	s3 =	sadd.s32 s4, s19  }
0x9c: {  	s7 =	simm.s32 $0x0;
	s20 =	sshll.u32 s5, $0x1;
	s5 =	sadd.s32 s21, s3  }
0x9d: {  	[timem:s7], [sflag:s22] =	dma.local [hbm:s5], s20  }
0x9e: {  	_ =	swait.ge [sflag:s22], s20  }
0x9f: {  	s4 =	ssub.s32 $0x0, s20;
	[sflag:s22] =	ssyncset.done $0x0  }
0xa0: {  	[sflag:s22] =	ssyncadd.s32 s4;
	_ =	sdelay $0x1  }
0xa1: {  	s23 =	simm.s32 $0x1B8B  }
0xa2: {  	_ =	swait.ge [sflag:s23], $0x1  }
0xa3: {  	[sflag:s23] =	ssyncset.done $0x0  }
0xa4: {  	s25 =	simm.s32 $0x1B8E;
	s24 =	sld [smem:$0x3FFE];
	[sflag:s23] =	ssyncadd.s32 $0xFFFFFFFF  }
0xa5: {  	s26 =	simm.s32 $execute0_lowered;
	[smem:$0x3FD2] =	sst s25  }
0xa6: {  	s5 =	sshll.u32 s26, $0x1;
	_ =	strace $0x80000052;
	[dreg:$0x1] =	wrdreg $0xFFFFFFFF  }
0xa7: {  	s28 =	simm.s32 $_size_execute0_lowered;
	s3 =	sadd.s32 s3, s5;
	[dreg:$0x0] =	wrdreg $0x0  }
0xa8: {  	s5 =	sshll.u32 s28, $0x1;
	[dreg:$0x2] =	wrdreg s3  }
0xa9: {  	[dreg:$0x3] =	wrdreg s5  }
0xaa: {  	[dreg:$0x4] =	wrdreg $0xC0  }
0xab: {  	_ =	task [dreg:s7], $0x5FFFF  }
0xac: {  	[dreg:$0x1] =	wrdreg $0xFFFFFFFF  }
0xad: {  	[dreg:$0x0] =	wrdreg $0x60  }
0xae: {  	[dreg:$0x2] =	wrdreg s2  }
0xaf: {  	[dreg:$0x3] =	wrdreg s24  }
0xb0: {  	[dreg:$0x4] =	wrdreg $0xBE000  }
0xb1: {  	[dreg:$0x5] =	wrdreg $0x10D000  }
0xb2: {  	[dreg:$0x6] =	wrdreg $0x9  }
0xb3: {  	_ =	task.clear_ibuf [dreg:s7], $0x7FFFF;
	_ =	strace $0x90000052  }
0xb4: {  	s29 =	simm.s32 $0x9;
	_ =	strace $0x80000054  }
0xb5: {  	_ =	swait.ge [sflag:s29], $0x1  }
0xb6: {  	[sflag:s29] =	ssyncadd.s32 $0xFFFFFFFF  }
0xb7: {  	_ =	strace $0x90000054  }
0xb8: {  	_ =	sfence  }
0xb9: {  	s30 =	sld [smem:$0x0];
	_ =	sdelay $0x2  }
0xba: {  	s31 =	sshll.u32 s1, $0xD;
	s1 =	sshrl.u32 s1, $0x2  }
0xbb: {  	s3 =	sand.u32 $0x4000, s31;
	s1 =	sadd.s32 s1, s30  }
0xbc: {  	s0 =	sor.u32 s3, s0;
	s1 =	sshll.u32 s1, $0x11  }
0xbd: {  	s0 =	sor.u32 s1, s0  }
0xbe: {  	s0 =	sadd.s32 $0x8F2B, s0  }
0xbf: {  	[sflag:s0] =	ssyncadd.remote.s32 $0x1  }
0xc0: {  	_ =	sfence.sel $0xFFFF  }
0xc1: {  	[dreg:$0x0] =	wrdreg $0xFFFFFFFF;
	(pc) =	sbr.abs _section_cstart, $3  }
0xc2: {  	[dreg:$0x1] =	wrdreg $0xFFFFFFFF  }
0xc3: {  	_ =	task.clear_ibuf [dreg:s7], $0x2FFFF;
	_ =	strace $0x9FFFFFFF  }
0xc4: {  	(tm) =	ssettm $0x7FFFFFFF  }
0xc5: {  	_ =	shalt  }
tec
execute0_lowered:
.L_overlay_start_1:
0x0: {  	(tag) =	ssettag $0x1  }
0x1: {  	s0 =	rddreg [dreg:$0x0]  }
0x2: {  	s4 =	rddreg [dreg:$0x1]  }
0x3: {  	s1 =	rddreg [dreg:$0x2]  }
0x4: {  	s2 =	rddreg [dreg:$0x3];
	s3 =	simm.s32 $0x0  }
0x5: {  	s5 =	stileid.u32;
	s7 =	srdreg.scid;
	s28 =	simm.s32 $0xAE00  }
0x6: {  	s30 =	simm.s32 $0x5;
	s31 =	simm.s32 $0x6;
	s6 =	smul.u32 $0x9E0, s5  }
0x7: {  	s29 =	simm.s32 $0x0;
	[smem:$0x7FF] =	sst s3;
	s8 =	smul.u32 $0x4F00, s5  }
0x8: {  	s7 =	sand.u32 $0x1, s7;
	s12 =	smul.u32 $0x4E00, s5;
	s14 =	sadd.s32 $0x15E600, s4  }
0x9: {  	s18 =	sadd.s32 $0x4E000, s2;
	p0 =	sne.s32 s5, $0x0;
	_ =	strace $0x80000053  }
0xa: {  	s9 =	ssub.s32 $0x2, s7;
	s13 =	smul.u32 $0x4E200, s7;
	s18 =	sshrl.u32 @!p0 s18, $0x3  }
0xb: {  	s6 =	sadd.s32 s6, s4;
	s10 =	sshrl.u32 s8, $0x3;
	s11 =	sshrl.u32 s9, $0x1  }
0xc: {  	s16 =	sadd.s32 s8, s1;
	s17 =	sadd.s32 s12, s2;
	s26 =	sadd.s32 s12, s1  }
0xd: {  	s19 =	sadd.s32 s10, s4;
	s15 =	ssub.s32 s9, s11;
	s4 =	sshll.u32 s5, $0x6  }
0xe: {  	s20 =	sadd.s32 s12, s13;
	s24 =	sshrl.u32 s13, $0x3;
	s8 =	sadd.s32 $0x1C000, s6  }
0xf: {  	s9 =	sadd.s32 $0x12200, s6;
	s6 =	sadd.s32 $0x4E000, s1;
	s7 =	sadd.s32 $0x3200, s19  }
0x10: {  	s21 =	sor.u32 $0x1C01, s4;
	s22 =	sshrl.u32 s20, $0x3;
	s25 =	sadd.s32 $0x9C00, s24  }
0x11: {  	s13 =	smax.u32 s15, $0x1;
	s15 =	sor.u32 $0x1C02, s4;
	s19 =	simm.s32 $0x1  }
0x12: {  	s20 =	simm.s32 $0x2;
	s24 =	sshrl.u32 s26, $0x3;
	[dreg:$0x5] =	wrdreg s7  }
0x13: {  	s26 =	simm.s32 $0x9E00;
	[dreg:$0x6] =	wrdreg s21;
	s23 =	sadd.s32 s0, s22  }
0x14: {  	s10 =	sadd.s32 s0, s25;
	s11 =	sadd.s32 s14, s22;
	s12 =	sadd.s32 s14, s25  }
0x15: {  	s14 =	sshrl.u32 s16, $0x3;
	s16 =	sshrl.u32 s17, $0x3;
	s17 =	simm.s32 $0x4F00  }
0x16: {  	s21 =	simm.s32 $0x3;
	s22 =	simm.s32 $0x4;
	s25 =	sshrl.u32 @!p0 s6, $0x3  }
0x17: {  	s0 =	simm.s32 $0x7;
	[dreg:$0x7] =	wrdreg s23;
	s23 =	simm.s32 $0x80  }
.LBB2_1:
0x18: {  	s5 =	rddreg [dreg:$0x5]  }
0x19: {  	s6 =	rddreg [dreg:$0x6]  }
0x1a: {  	[spmem:s14], [sflag:s6] =	dma.local [hbm:s5], $0x9E0  }
0x1b: {  	s5 =	rddreg [dreg:$0x7]  }
0x1c: {  	[spmem:s16], [sflag:s15] =	dma.local [hbm:s5], $0x9C0  }
0x1d: {  	[tilespmem:s3], [sflag:$0x3] =	stream.linear.gather [hbm4b:s8+s3], $0x4F00, $0x38;
	[tilespmem:$0x15B20] =	vst v63  }
0x1e: {  	s5 =	simm.s32 @!p0 $0x1C07  }
0x1f: {  	[tilespmem:s17], [sflag:$0x4] =	stream.linear.gather [hbm4b:s9+s3], $0x4F00, $0x38;
	[tilespmem:$0x15B20] =	vst v63  }
0x20: {  	[spmem:s18], [sflag:s5] =	dma.local @!p0 [hbm:s10], $0x40  }
0x21: {  	s5 =	simm.s32 @!p0 $0x7  }
0x22: {  	_ =	swait.ge @!p0 [sflag:s5], $0x40  }
0x23: {  	[sflag:s5] =	ssyncset.done @!p0 $0x0  }
0x24: {  	[sflag:s5] =	ssyncadd.s32 @!p0 $0xFFFFFFC0  }
0x25: {  	_ =	swait.ge [sflag:s19], $0x9E0  }
0x26: {  	[sflag:s19] =	ssyncset.done $0x0  }
0x27: {  	[sflag:s19] =	ssyncadd.s32 $0xFFFFF620  }
0x28: {  	_ =	swait.ge [sflag:s20], $0x9C0  }
0x29: {  	[sflag:s20] =	ssyncset.done $0x0  }
0x2a: {  	[sflag:s20] =	ssyncadd.s32 $0xFFFFF640  }
0x2b: {  	_ =	swait.ge [sflag:s21], $0x4F00  }
0x2c: {  	[sflag:s21] =	ssyncset.done $0x0  }
0x2d: {  	[sflag:s21] =	ssyncadd.s32 $0xFFFFB100  }
0x2e: {  	_ =	swait.ge [sflag:s22], $0x4F00  }
0x2f: {  	[sflag:s22] =	ssyncset.done $0x0  }
0x30: {  	[sflag:s22] =	ssyncadd.s32 $0xFFFFB100  }
0x31: {  	[bflag:$0x0] =	sbarrier.arrive $0xFFFF  }
0x32: {  	[tilespmem:s26], [sflag:$0x1] =	stream.indirect.gather [spmem:s2], $0x20, s3, s23, $0xb8;
	[tilespmem:$0x15B20] =	vst v63  }
0x33: {  	_ = 	snop  }
0x34: {  	[tilespmem:s28], [sflag:$0x2] =	stream.indirect.gather [spmem:s2], $0x20, s23, s23, $0xb8;
	[tilespmem:$0x15B20] =	vst v63  }
0x35: {  	_ =	swait.ge [sflag:s19], $0x1000  }
0x36: {  	[sflag:s19] =	ssyncset.done $0x0  }
0x37: {  	[sflag:s19] =	ssyncadd.s32 $0xFFFFF000  }
0x38: {  	[spmem:s1] =	stream.indirect.scatter.add.f32 [tilespmem:s26], [sflag:$0x5], $0x20, s17, s23, $0xb8;
	[tilespmem:$0x15B20] =	vst v63  }
0x39: {  	_ =	swait.ge [sflag:s20], $0x1000  }
0x3a: {  	[sflag:s20] =	ssyncset.done $0x0  }
0x3b: {  	s6 =	simm.s32 $0x4F80;
	[sflag:s20] =	ssyncadd.s32 $0xFFFFF000  }
0x3c: {  	[spmem:s1] =	stream.indirect.scatter.add.f32 [tilespmem:s28], [sflag:$0x6], $0x20, s6, s23, $0xb8;
	[tilespmem:$0x15B20] =	vst v63  }
0x3d: {  	_ =	swait.ge [sflag:s30], $0x1000  }
0x3e: {  	[sflag:s30] =	ssyncset.done $0x0  }
0x3f: {  	s7 =	simm.s32 $0x100;
	[sflag:s30] =	ssyncadd.s32 $0xFFFFF000  }
0x40: {  	[tilespmem:s26], [sflag:$0x1] =	stream.indirect.gather [spmem:s2], $0x20, s7, s23, $0xb8;
	[tilespmem:$0x15B20] =	vst v63  }
0x41: {  	_ =	swait.ge [sflag:s31], $0x1000  }
0x42: {  	[sflag:s31] =	ssyncset.done $0x0  }
0x43: {  	s6 =	simm.s32 $0x180;
	[sflag:s31] =	ssyncadd.s32 $0xFFFFF000  }
0x44: {  	[tilespmem:s28], [sflag:$0x2] =	stream.indirect.gather [spmem:s2], $0x20, s6, s23, $0xb8;
	[tilespmem:$0x15B20] =	vst v63  }
0x45: {  	_ =	swait.ge [sflag:s19], $0x1000  }
0x46: {  	[sflag:s19] =	ssyncset.done $0x0  }
0x47: {  	s7 =	simm.s32 $0x5000;
	[sflag:s19] =	ssyncadd.s32 $0xFFFFF000  }
0x48: {  	[spmem:s1] =	stream.indirect.scatter.add.f32 [tilespmem:s26], [sflag:$0x5], $0x20, s7, s23, $0xb8;
	[tilespmem:$0x15B20] =	vst v63  }
0x49: {  	_ =	swait.ge [sflag:s20], $0x1000  }
0x4a: {  	[sflag:s20] =	ssyncset.done $0x0  }
0x4b: {  	s5 =	simm.s32 $0xFFFECC00;
	s6 =	simm.s32 $0x5080;
	[sflag:s20] =	ssyncadd.s32 $0xFFFFF000  }
.LBB2_2:
0x4c: {  	[spmem:s1] =	stream.indirect.scatter.add.f32 [tilespmem:s28], [sflag:$0x6], $0x20, s6, s23, $0xb8;
	[tilespmem:$0x15B20] =	vst v63  }
0x4d: {  	s6 =	smov.u32 s5  }
0x4e: {  	p1 =	sne.s32 s5, $0xFFFFFC00;
	s5 =	sadd.s32 $0x400, s5;
	_ =	swait.ge [sflag:s30], $0x1000  }
0x4f: {  	s6 =	sshra.s32 s6, $0x2;
	[sflag:s30] =	ssyncset.done $0x0  }
0x50: {  	s7 =	sadd.s32 $0x4F00, s6;
	[sflag:s30] =	ssyncadd.s32 $0xFFFFF000  }
0x51: {  	[tilespmem:s26], [sflag:$0x1] =	stream.indirect.gather [spmem:s2], $0x20, s7, s23, $0xb8;
	[tilespmem:$0x15B20] =	vst v63  }
0x52: {  	_ =	swait.ge [sflag:s31], $0x1000  }
0x53: {  	[sflag:s31] =	ssyncset.done $0x0  }
0x54: {  	s7 =	sadd.s32 $0x4F80, s6;
	[sflag:s31] =	ssyncadd.s32 $0xFFFFF000  }
0x55: {  	[tilespmem:s28], [sflag:$0x2] =	stream.indirect.gather [spmem:s2], $0x20, s7, s23, $0xb8;
	[tilespmem:$0x15B20] =	vst v63  }
0x56: {  	_ =	swait.ge [sflag:s19], $0x1000  }
0x57: {  	[sflag:s19] =	ssyncset.done $0x0  }
.Ltmp0:
0x58: {  	s7 =	sadd.s32 $0x9E00, s6;
	[sflag:s19] =	ssyncadd.s32 $0xFFFFF000;
	(pc) =	sbr.rel @p1 .LBB2_2-.Ltmp0, $4  }
0x59: {  	[spmem:s1] =	stream.indirect.scatter.add.f32 [tilespmem:s26], [sflag:$0x5], $0x20, s7, s23, $0xb8;
	[tilespmem:$0x15B20] =	vst v63  }
0x5a: {  	_ =	swait.ge [sflag:s20], $0x1000  }
0x5b: {  	[sflag:s20] =	ssyncset.done $0x0  }
0x5c: {  	s6 =	sadd.s32 $0x9E80, s6;
	[sflag:s20] =	ssyncadd.s32 $0xFFFFF000  }
0x5d: {  	[spmem:s1] =	stream.indirect.scatter.add.f32 [tilespmem:s28], [sflag:$0x6], $0x20, s6, s23, $0xb8;
	[tilespmem:$0x15B20] =	vst v63  }
0x5e: {  	_ =	swait.ge [sflag:s30], $0x1000  }
0x5f: {  	[sflag:s30] =	ssyncset.done $0x0  }
0x60: {  	[sflag:s30] =	ssyncadd.s32 $0xFFFFF000  }
0x61: {  	_ =	swait.ge [sflag:s31], $0x1000  }
0x62: {  	[sflag:s31] =	ssyncset.done $0x0  }
0x63: {  	[sflag:s31] =	ssyncadd.s32 $0xFFFFF000  }
0x64: {  	s5 =	sor.u32 $0x1C07, s4;
	[bflag:$0x0] =	sbarrier.arrive $0xFFFF  }
0x65: {  	[hbm:s11], [sflag:s5] =	dma.local [spmem:s24], $0x9C0  }
0x66: {  	_ =	swait.ge [sflag:s0], $0x9C0  }
0x67: {  	s29 =	sadd.s32 $0x1, s29;
	[sflag:s0] =	ssyncset.done $0x0  }
0x68: {  	p1 =	sne.s32 s29, s13;
	[sflag:s0] =	ssyncadd.s32 $0xFFFFF640  }
0x69: {  	[hbm:s12], [sflag:s5] =	dma.local @!p0 [spmem:s25], $0x40  }
.Ltmp1:
0x6a: {  	_ = 	snop;
	(pc) =	sbr.rel @p1 .LBB2_1-.Ltmp1, $4  }
0x6b: {  	s5 =	simm.s32 @!p0 $0x7  }
0x6c: {  	_ =	swait.ge @!p0 [sflag:s5], $0x40  }
0x6d: {  	[sflag:s5] =	ssyncset.done @!p0 $0x0  }
0x6e: {  	[sflag:s5] =	ssyncadd.s32 @!p0 $0xFFFFFFC0  }
0x6f: {  	_ =	sfence.sel $0x180000  }
0x70: {  	[bflag:$0x0] =	sbarrier.arrive $0xFFFF  }
0x71: {  	_ =	strace $0x90000053  }
0x72: {  	[bflag:$0x2] =	sbarrier.arrive $0xFFFF  }
0x73: {  	s0 =	rddreg [dreg:$0x4]  }
0x74: {  	s0 =	sadd.s32 @!p0 $0x100000, s0  }
0x75: {  	[sflag:s0] =	ssyncadd.tile.s32 @!p0 $0x1;
	_ =	shalt  }
.Lfunc_end2:
_tile_overlayer_lowered:
.L_overlay_start_2:
0x76: {  	(tag) =	ssettag $0x2  }
0x77: {  	s0 =	rddreg [dreg:$0x0];
	s2 =	stileid.u32  }
0x78: {  	s1 =	rddreg [dreg:$0x1];
	p0 =	sne.s32 s2, $0x0  }
0x79: {  	s3 =	rddreg [dreg:$0x2];
	[bflag:$0x3] =	sbarrier.arrive $0xFFFF;
	s2 =	simm.s32 @!p0 $0x1C07  }
0x7a: {  	[timem:s3], [sflag:s2] =	dma.local @!p0 [hbm:s0], s1  }
0x7b: {  	s0 =	simm.s32 @!p0 $0x7  }
0x7c: {  	_ =	swait.ge @!p0 [sflag:s0], s1  }
0x7d: {  	s1 =	ssub.s32 @!p0 $0x0, s1;
	[sflag:s0] =	ssyncset.done @!p0 $0x0  }
0x7e: {  	[sflag:s0] =	ssyncadd.s32 @!p0 s1  }
0x7f: {  	[bflag:$0x3] =	sbarrier.arrive $0xFFFF  }
0x80: {  	_ =	shalt  }

// kernel: kernel.34.cloned.1.call-start
scs
__scs_entry_jumppad:
0x0: {  	(pc) =	sbr.rel $0x88, $3  }
0x1: {  	(tag) =	ssettag $0x0;
	lr =	simm.s32 $0x1  }
0x2: {  	[smem:$0x3F9D] =	sst lr;
	_ =	strace $0xD0000000  }
0x3: {  	_ = 	snop  }
0x4: {  	_ = 	snop  }
0x5: {  	_ = 	snop  }
0x6: {  	_ = 	snop  }
0x7: {  	_ = 	snop  }
__scs_overlays_trampoline_lowered:
0x8: {  	[smem:$0x3FAC] =	sst s0  }
0x9: {  	[smem:$0x3FAD] =	sst s1  }
0xa: {  	[smem:$0x3FAE] =	sst s2  }
0xb: {  	[smem:$0x3FAF] =	sst s3  }
0xc: {  	[smem:$0x3FB0] =	sst s4  }
0xd: {  	[smem:$0x3FB1] =	sst s5  }
0xe: {  	[smem:$0x3FB2] =	sst s6  }
0xf: {  	[smem:$0x3FB3] =	sst s7  }
0x10: {  	[smem:$0x3FB4] =	sst s8  }
0x11: {  	[smem:$0x3FB5] =	sst s9;
	s0 =	simm.s32 @!p0 $0x0  }
0x12: {  	s1 =	sld [smem:$0x3F9B];
	s0 =	simm.s32 @p0 $0x1  }
0x13: {  	[smem:$0x3FB6] =	sst s0;
	s0 =	simm.s32 @!p1 $0x0  }
0x14: {  	s2 =	sld [smem:$0x3F9A];
	s0 =	simm.s32 @p1 $0x1  }
0x15: {  	[smem:$0x3FB7] =	sst s0;
	s0 =	simm.s32 @!p2 $0x0  }
0x16: {  	s3 =	sld [smem:$0x3FDB];
	s0 =	simm.s32 @p2 $0x1  }
0x17: {  	s4 =	simm.s32 $0x1BF5;
	[smem:$0x3FB9] =	sst s0  }
0x18: {  	s0 =	sld [smem:$0x3F9C];
	_ =	swait.ge [sflag:s4], $0x0  }
0x19: {  	s7 =	sld [smem:$0x3F9D]  }
0x1a: {  	s8 =	sadd.s32 $0xFFFFE003, lr  }
0x1b: {  	s9 =	sadd.s32 $0xFFFFFEF7, lr;
	s5 =	simm.s32 $0xFFFFFFFF;
	p2 =	slt.u32 s8, $0xFFFFF086  }
0x1c: {  	p1 =	slt.u32 s9, $0xF7A;
	s5 =	simm.s32 @!p2 $0x0  }
0x1d: {  	s5 =	simm.s32 @p1 $0x1;
	p0 =	seq.s32 s7, s2  }
0x1e: {  	s7 =	smul.u32 @!p0 $0xF7A, s2;
	p2 =	seq.s32 @!p0 s5, $0x0  }
0x1f: {  	s9 =	smul.u32 $0xF7A, s1;
	s8 =	simm.s32 @!p0 $0x1BF5;
	p2 =	por !p2, p0  }
0x20: {  	[sflag:s8] =	ssyncset.s32 @!p0 $0xFFFFF086;
	s6 =	sadd.s32 @!p0 s3, s7;
	s7 =	simm.s32 @!p0 $0x108  }
0x21: {  	s3 =	sadd.s32 s3, s9;
	s6 =	sadd.s32 @!p0 $0x88, s6;
	s7 =	simm.s32 @p2 $0x1082  }
0x22: {  	[simem:s7], [sflag:s8] =	dma.local @!p0 [hbm:s6], $0xF7A  }
0x23: {  	s9 =	sor.u32 $0xD0000000, s2;
	s6 =	simm.s32 $0x108;
	_ =	swait.ge @!p0 [sflag:s8], $0x0  }
0x24: {  	s3 =	sadd.s32 $0x88, s3;
	s6 =	simm.s32 @!p1 $0x1082;
	[sflag:s4] =	ssyncset.s32 $0xFFFFF086  }
0x25: {  	[simem:s6], [sflag:s4] =	dma.local [hbm:s3], $0xF7A  }
0x26: {  	[smem:$0x3F9D] =	sst s1;
	(tag) =	ssettag s2;
	_ =	strace s9  }
0x27: {  	s1 =	sld [smem:$0x3FAD]  }
0x28: {  	s2 =	sld [smem:$0x3FAE]  }
0x29: {  	s4 =	sld [smem:$0x3FB0]  }
0x2a: {  	p0 =	seq.s32 s5, $0x0;
	s5 =	sld [smem:$0x3FB1]  }
0x2b: {  	s6 =	sld [smem:$0x3FB2]  }
0x2c: {  	s7 =	sld [smem:$0x3FB3]  }
0x2d: {  	s3 =	simm.s32 $0x108;
	s8 =	sld [smem:$0x3FB4]  }
0x2e: {  	s3 =	simm.s32 @!p0 $0x1082;
	s9 =	sld [smem:$0x3FB5]  }
0x2f: {  	lr =	sadd.s32 s0, s3;
	s0 =	sld [smem:$0x3FAC]  }
0x30: {  	s3 =	sld [smem:$0x3FAF]  }
0x31: {  	[smem:$0x3FB8] =	sst s10  }
0x32: {  	s10 =	sld [smem:$0x3FB6];
	_ =	sdelay $0x3  }
0x33: {  	p0 =	seq.s32 s10, $0x1;
	s10 =	sld [smem:$0x3FB8];
	_ =	sdelay $0x3  }
0x34: {  	[smem:$0x3FB8] =	sst s10  }
0x35: {  	s10 =	sld [smem:$0x3FB7];
	_ =	sdelay $0x3  }
0x36: {  	p1 =	seq.s32 s10, $0x1;
	s10 =	sld [smem:$0x3FB8];
	_ =	sdelay $0x3  }
0x37: {  	[smem:$0x3FB8] =	sst s10  }
0x38: {  	s10 =	sld [smem:$0x3FB9]  }
0x39: {  	_ = 	snop;
	(pc) =	sbr.ind lr, $3  }
0x3a: {  	_ = 	snop  }
0x3b: {  	_ = 	snop  }
0x3c: {  	p2 =	seq.s32 s10, $0x1;
	s10 =	sld [smem:$0x3FB8]  }
0x3d: {  	_ =	shalt  }
0x3e: {  	_ =	shalt  }
0x3f: {  	_ =	shalt  }
0x40: {  	_ =	shalt  }
0x41: {  	_ =	shalt  }
0x42: {  	_ =	shalt  }
0x43: {  	_ =	shalt  }
0x44: {  	_ =	shalt  }
0x45: {  	_ =	shalt  }
0x46: {  	_ =	shalt  }
0x47: {  	_ =	shalt  }
0x48: {  	_ =	shalt  }
0x49: {  	_ =	shalt  }
0x4a: {  	_ =	shalt  }
0x4b: {  	_ =	shalt  }
0x4c: {  	_ =	shalt  }
0x4d: {  	_ =	shalt  }
0x4e: {  	_ =	shalt  }
0x4f: {  	_ =	shalt  }
0x50: {  	_ =	shalt  }
0x51: {  	_ =	shalt  }
0x52: {  	_ =	shalt  }
0x53: {  	_ =	shalt  }
0x54: {  	_ =	shalt  }
0x55: {  	_ =	shalt  }
0x56: {  	_ =	shalt  }
0x57: {  	_ =	shalt  }
0x58: {  	_ =	shalt  }
0x59: {  	_ =	shalt  }
0x5a: {  	_ =	shalt  }
0x5b: {  	_ =	shalt  }
0x5c: {  	_ =	shalt  }
0x5d: {  	_ =	shalt  }
0x5e: {  	_ =	shalt  }
0x5f: {  	_ =	shalt  }
0x60: {  	_ =	shalt  }
0x61: {  	_ =	shalt  }
0x62: {  	_ =	shalt  }
0x63: {  	_ =	shalt  }
0x64: {  	_ =	shalt  }
0x65: {  	_ =	shalt  }
0x66: {  	_ =	shalt  }
0x67: {  	_ =	shalt  }
0x68: {  	_ =	shalt  }
0x69: {  	_ =	shalt  }
0x6a: {  	_ =	shalt  }
0x6b: {  	_ =	shalt  }
0x6c: {  	_ =	shalt  }
0x6d: {  	_ =	shalt  }
0x6e: {  	_ =	shalt  }
0x6f: {  	_ =	shalt  }
0x70: {  	_ =	shalt  }
0x71: {  	_ =	shalt  }
0x72: {  	_ =	shalt  }
0x73: {  	_ =	shalt  }
0x74: {  	_ =	shalt  }
0x75: {  	_ =	shalt  }
0x76: {  	_ =	shalt  }
0x77: {  	_ =	shalt  }
0x78: {  	_ =	shalt  }
0x79: {  	_ =	shalt  }
0x7a: {  	_ =	shalt  }
0x7b: {  	_ =	shalt  }
0x7c: {  	_ =	shalt  }
0x7d: {  	_ =	shalt  }
0x7e: {  	_ =	shalt  }
0x7f: {  	_ =	shalt  }
0x80: {  	_ =	shalt  }
0x81: {  	_ =	shalt  }
0x82: {  	_ =	shalt  }
0x83: {  	_ =	shalt  }
0x84: {  	_ =	shalt  }
0x85: {  	_ =	shalt  }
0x86: {  	_ =	shalt  }
0x87: {  	_ =	shalt  }
.Lfunc_end0:
.L_simem_size_0:
called_computation.5_lowered:
.L_overlay_start_0:
0x88: {  	s2 =	sld [smem:$0x3FD9]  }
0x89: {  	s3 =	sld [smem:$0x3FFE];
	_ =	sdelay $0x1  }
0x8a: {  	s1 =	srdreg.scid  }
0x8b: {  	s0 =	sand.u32 $0x1, s1  }
0x8c: {  	s17 =	sshll.u32 s0, $0xA;
	s2 =	sadd.s32 s3, s2  }
0x8d: {  	s2 =	sadd.s32 s2, s17  }
0x8e: {  	[smem:$0x3FC4] =	sst s2  }
0x8f: {  	_ = 	snop  }
0x90: {  	s2 =	sld [smem:$0x3FD0];
	(tm) =	ssettm $0x1  }
0x91: {  	s18 =	sld [smem:$0x3FFB];
	_ =	sdelay $0x3  }
0x92: {  	_ =	strace s18  }
0x93: {  	s3 =	sld [smem:$0x3FFC];
	_ =	sdelay $0x3  }
0x94: {  	_ =	strace s3  }
0x95: {  	s3 =	sld [smem:$0x3FFD];
	_ =	sdelay $0x3  }
0x96: {  	_ =	strace s3  }
0x97: {  	_ =	strace $0x8FFFFFFF  }
0x98: {  	s19 =	sld [smem:$0x3FDB];
	_ =	sdelay $0x1  }
0x99: {  	s4 =	simm.s32 $_scs_section_size  }
0x9a: {  	s5 =	simm.s32 $_size__tile_overlayer_lowered;
	s6 =	simm.s32 $_tile_overlayer_lowered  }
0x9b: {  	s22 =	simm.s32 $0x1BFF;
	s21 =	sshll.u32 s6, $0x1;
	s3 =	sadd.s32 s4, s19  }
0x9c: {  	s7 =	simm.s32 $0x0;
	s20 =	sshll.u32 s5, $0x1;
	s5 =	sadd.s32 s21, s3  }
0x9d: {  	[timem:s7], [sflag:s22] =	dma.local [hbm:s5], s20  }
0x9e: {  	_ =	swait.ge [sflag:s22], s20  }
0x9f: {  	s4 =	ssub.s32 $0x0, s20;
	[sflag:s22] =	ssyncset.done $0x0  }
0xa0: {  	[sflag:s22] =	ssyncadd.s32 s4;
	_ =	sdelay $0x1  }
0xa1: {  	s23 =	simm.s32 $0x1B8B  }
0xa2: {  	_ =	swait.ge [sflag:s23], $0x1  }
0xa3: {  	[sflag:s23] =	ssyncset.done $0x0  }
0xa4: {  	s25 =	simm.s32 $0x1B8E;
	s24 =	sld [smem:$0x3FFE];
	[sflag:s23] =	ssyncadd.s32 $0xFFFFFFFF  }
0xa5: {  	s26 =	simm.s32 $execute0_lowered;
	[smem:$0x3FD2] =	sst s25  }
0xa6: {  	s5 =	sshll.u32 s26, $0x1;
	_ =	strace $0x80000055;
	[dreg:$0x1] =	wrdreg $0xFFFFFFFF  }
0xa7: {  	s28 =	simm.s32 $_size_execute0_lowered;
	s3 =	sadd.s32 s3, s5;
	[dreg:$0x0] =	wrdreg $0x0  }
0xa8: {  	s5 =	sshll.u32 s28, $0x1;
	[dreg:$0x2] =	wrdreg s3  }
0xa9: {  	[dreg:$0x3] =	wrdreg s5  }
0xaa: {  	[dreg:$0x4] =	wrdreg $0xC0  }
0xab: {  	_ =	task [dreg:s7], $0x5FFFF  }
0xac: {  	[dreg:$0x1] =	wrdreg $0xFFFFFFFF  }
0xad: {  	[dreg:$0x0] =	wrdreg $0x60  }
0xae: {  	[dreg:$0x2] =	wrdreg s2  }
0xaf: {  	[dreg:$0x3] =	wrdreg s24  }
0xb0: {  	[dreg:$0x4] =	wrdreg $0xBE000  }
0xb1: {  	[dreg:$0x5] =	wrdreg $0x10D000  }
0xb2: {  	[dreg:$0x6] =	wrdreg $0x9  }
0xb3: {  	_ =	task.clear_ibuf [dreg:s7], $0x7FFFF;
	_ =	strace $0x90000055  }
0xb4: {  	s29 =	simm.s32 $0x9;
	_ =	strace $0x80000057  }
0xb5: {  	_ =	swait.ge [sflag:s29], $0x1  }
0xb6: {  	[sflag:s29] =	ssyncadd.s32 $0xFFFFFFFF  }
0xb7: {  	_ =	strace $0x90000057  }
0xb8: {  	_ =	sfence  }
0xb9: {  	s30 =	sld [smem:$0x0];
	_ =	sdelay $0x2  }
0xba: {  	s31 =	sshll.u32 s1, $0xD;
	s1 =	sshrl.u32 s1, $0x2  }
0xbb: {  	s3 =	sand.u32 $0x4000, s31;
	s1 =	sadd.s32 s1, s30  }
0xbc: {  	s0 =	sor.u32 s3, s0;
	s1 =	sshll.u32 s1, $0x11  }
0xbd: {  	s0 =	sor.u32 s1, s0  }
0xbe: {  	s0 =	sadd.s32 $0x8F2B, s0  }
0xbf: {  	[sflag:s0] =	ssyncadd.remote.s32 $0x1  }
0xc0: {  	_ =	sfence.sel $0xFFFF  }
0xc1: {  	[dreg:$0x0] =	wrdreg $0xFFFFFFFF;
	(pc) =	sbr.abs _section_cstart, $3  }
0xc2: {  	[dreg:$0x1] =	wrdreg $0xFFFFFFFF  }
0xc3: {  	_ =	task.clear_ibuf [dreg:s7], $0x2FFFF;
	_ =	strace $0x9FFFFFFF  }
0xc4: {  	(tm) =	ssettm $0x7FFFFFFF  }
0xc5: {  	_ =	shalt  }
tec
execute0_lowered:
.L_overlay_start_1:
0x0: {  	(tag) =	ssettag $0x1  }
0x1: {  	s0 =	rddreg [dreg:$0x0]  }
0x2: {  	s4 =	rddreg [dreg:$0x1]  }
0x3: {  	s1 =	rddreg [dreg:$0x2]  }
0x4: {  	s2 =	rddreg [dreg:$0x3];
	s3 =	simm.s32 $0x0  }
0x5: {  	s5 =	stileid.u32;
	s7 =	srdreg.scid;
	s28 =	simm.s32 $0xAE00  }
0x6: {  	s30 =	simm.s32 $0x5;
	s31 =	simm.s32 $0x6;
	s6 =	smul.u32 $0x9E0, s5  }
0x7: {  	s29 =	simm.s32 $0x0;
	[smem:$0x7FF] =	sst s3;
	s8 =	smul.u32 $0x4F00, s5  }
0x8: {  	s7 =	sand.u32 $0x1, s7;
	s12 =	smul.u32 $0x4E00, s5;
	s14 =	sadd.s32 $0x15E600, s4  }
0x9: {  	s18 =	sadd.s32 $0x4E000, s2;
	p0 =	sne.s32 s5, $0x0;
	_ =	strace $0x80000056  }
0xa: {  	s9 =	ssub.s32 $0x2, s7;
	s13 =	smul.u32 $0x4E200, s7;
	s18 =	sshrl.u32 @!p0 s18, $0x3  }
0xb: {  	s6 =	sadd.s32 s6, s4;
	s10 =	sshrl.u32 s8, $0x3;
	s11 =	sshrl.u32 s9, $0x1  }
0xc: {  	s16 =	sadd.s32 s8, s1;
	s17 =	sadd.s32 s12, s2;
	s26 =	sadd.s32 s12, s1  }
0xd: {  	s19 =	sadd.s32 s10, s4;
	s15 =	ssub.s32 s9, s11;
	s4 =	sshll.u32 s5, $0x6  }
0xe: {  	s20 =	sadd.s32 s12, s13;
	s24 =	sshrl.u32 s13, $0x3;
	s8 =	sadd.s32 $0x1C000, s6  }
0xf: {  	s9 =	sadd.s32 $0x12200, s6;
	s6 =	sadd.s32 $0x4E000, s1;
	s7 =	sadd.s32 $0x3200, s19  }
0x10: {  	s21 =	sor.u32 $0x1C01, s4;
	s22 =	sshrl.u32 s20, $0x3;
	s25 =	sadd.s32 $0x9C00, s24  }
0x11: {  	s13 =	smax.u32 s15, $0x1;
	s15 =	sor.u32 $0x1C02, s4;
	s19 =	simm.s32 $0x1  }
0x12: {  	s20 =	simm.s32 $0x2;
	s24 =	sshrl.u32 s26, $0x3;
	[dreg:$0x5] =	wrdreg s7  }
0x13: {  	s26 =	simm.s32 $0x9E00;
	[dreg:$0x6] =	wrdreg s21;
	s23 =	sadd.s32 s0, s22  }
0x14: {  	s10 =	sadd.s32 s0, s25;
	s11 =	sadd.s32 s14, s22;
	s12 =	sadd.s32 s14, s25  }
0x15: {  	s14 =	sshrl.u32 s16, $0x3;
	s16 =	sshrl.u32 s17, $0x3;
	s17 =	simm.s32 $0x4F00  }
0x16: {  	s21 =	simm.s32 $0x3;
	s22 =	simm.s32 $0x4;
	s25 =	sshrl.u32 @!p0 s6, $0x3  }
0x17: {  	s0 =	simm.s32 $0x7;
	[dreg:$0x7] =	wrdreg s23;
	s23 =	simm.s32 $0x80  }
.LBB2_1:
0x18: {  	s5 =	rddreg [dreg:$0x5]  }
0x19: {  	s6 =	rddreg [dreg:$0x6]  }
0x1a: {  	[spmem:s14], [sflag:s6] =	dma.local [hbm:s5], $0x9E0  }
0x1b: {  	s5 =	rddreg [dreg:$0x7]  }
0x1c: {  	[spmem:s16], [sflag:s15] =	dma.local [hbm:s5], $0x9C0  }
0x1d: {  	[tilespmem:s3], [sflag:$0x3] =	stream.linear.gather [hbm4b:s8+s3], $0x4F00, $0x38;
	[tilespmem:$0x15B20] =	vst v63  }
0x1e: {  	s5 =	simm.s32 @!p0 $0x1C07  }
0x1f: {  	[tilespmem:s17], [sflag:$0x4] =	stream.linear.gather [hbm4b:s9+s3], $0x4F00, $0x38;
	[tilespmem:$0x15B20] =	vst v63  }
0x20: {  	[spmem:s18], [sflag:s5] =	dma.local @!p0 [hbm:s10], $0x40  }
0x21: {  	s5 =	simm.s32 @!p0 $0x7  }
0x22: {  	_ =	swait.ge @!p0 [sflag:s5], $0x40  }
0x23: {  	[sflag:s5] =	ssyncset.done @!p0 $0x0  }
0x24: {  	[sflag:s5] =	ssyncadd.s32 @!p0 $0xFFFFFFC0  }
0x25: {  	_ =	swait.ge [sflag:s19], $0x9E0  }
0x26: {  	[sflag:s19] =	ssyncset.done $0x0  }
0x27: {  	[sflag:s19] =	ssyncadd.s32 $0xFFFFF620  }
0x28: {  	_ =	swait.ge [sflag:s20], $0x9C0  }
0x29: {  	[sflag:s20] =	ssyncset.done $0x0  }
0x2a: {  	[sflag:s20] =	ssyncadd.s32 $0xFFFFF640  }
0x2b: {  	_ =	swait.ge [sflag:s21], $0x4F00  }
0x2c: {  	[sflag:s21] =	ssyncset.done $0x0  }
0x2d: {  	[sflag:s21] =	ssyncadd.s32 $0xFFFFB100  }
0x2e: {  	_ =	swait.ge [sflag:s22], $0x4F00  }
0x2f: {  	[sflag:s22] =	ssyncset.done $0x0  }
0x30: {  	[sflag:s22] =	ssyncadd.s32 $0xFFFFB100  }
0x31: {  	[bflag:$0x0] =	sbarrier.arrive $0xFFFF  }
0x32: {  	[tilespmem:s26], [sflag:$0x1] =	stream.indirect.gather [spmem:s2], $0x20, s3, s23, $0xb8;
	[tilespmem:$0x15B20] =	vst v63  }
0x33: {  	_ = 	snop  }
0x34: {  	[tilespmem:s28], [sflag:$0x2] =	stream.indirect.gather [spmem:s2], $0x20, s23, s23, $0xb8;
	[tilespmem:$0x15B20] =	vst v63  }
0x35: {  	_ =	swait.ge [sflag:s19], $0x1000  }
0x36: {  	[sflag:s19] =	ssyncset.done $0x0  }
0x37: {  	[sflag:s19] =	ssyncadd.s32 $0xFFFFF000  }
0x38: {  	[spmem:s1] =	stream.indirect.scatter.add.f32 [tilespmem:s26], [sflag:$0x5], $0x20, s17, s23, $0xb8;
	[tilespmem:$0x15B20] =	vst v63  }
0x39: {  	_ =	swait.ge [sflag:s20], $0x1000  }
0x3a: {  	[sflag:s20] =	ssyncset.done $0x0  }
0x3b: {  	s6 =	simm.s32 $0x4F80;
	[sflag:s20] =	ssyncadd.s32 $0xFFFFF000  }
0x3c: {  	[spmem:s1] =	stream.indirect.scatter.add.f32 [tilespmem:s28], [sflag:$0x6], $0x20, s6, s23, $0xb8;
	[tilespmem:$0x15B20] =	vst v63  }
0x3d: {  	_ =	swait.ge [sflag:s30], $0x1000  }
0x3e: {  	[sflag:s30] =	ssyncset.done $0x0  }
0x3f: {  	s7 =	simm.s32 $0x100;
	[sflag:s30] =	ssyncadd.s32 $0xFFFFF000  }
0x40: {  	[tilespmem:s26], [sflag:$0x1] =	stream.indirect.gather [spmem:s2], $0x20, s7, s23, $0xb8;
	[tilespmem:$0x15B20] =	vst v63  }
0x41: {  	_ =	swait.ge [sflag:s31], $0x1000  }
0x42: {  	[sflag:s31] =	ssyncset.done $0x0  }
0x43: {  	s6 =	simm.s32 $0x180;
	[sflag:s31] =	ssyncadd.s32 $0xFFFFF000  }
0x44: {  	[tilespmem:s28], [sflag:$0x2] =	stream.indirect.gather [spmem:s2], $0x20, s6, s23, $0xb8;
	[tilespmem:$0x15B20] =	vst v63  }
0x45: {  	_ =	swait.ge [sflag:s19], $0x1000  }
0x46: {  	[sflag:s19] =	ssyncset.done $0x0  }
0x47: {  	s7 =	simm.s32 $0x5000;
	[sflag:s19] =	ssyncadd.s32 $0xFFFFF000  }
0x48: {  	[spmem:s1] =	stream.indirect.scatter.add.f32 [tilespmem:s26], [sflag:$0x5], $0x20, s7, s23, $0xb8;
	[tilespmem:$0x15B20] =	vst v63  }
0x49: {  	_ =	swait.ge [sflag:s20], $0x1000  }
0x4a: {  	[sflag:s20] =	ssyncset.done $0x0  }
0x4b: {  	s5 =	simm.s32 $0xFFFECC00;
	s6 =	simm.s32 $0x5080;
	[sflag:s20] =	ssyncadd.s32 $0xFFFFF000  }
.LBB2_2:
0x4c: {  	[spmem:s1] =	stream.indirect.scatter.add.f32 [tilespmem:s28], [sflag:$0x6], $0x20, s6, s23, $0xb8;
	[tilespmem:$0x15B20] =	vst v63  }
0x4d: {  	s6 =	smov.u32 s5  }
0x4e: {  	p1 =	sne.s32 s5, $0xFFFFFC00;
	s5 =	sadd.s32 $0x400, s5;
	_ =	swait.ge [sflag:s30], $0x1000  }
0x4f: {  	s6 =	sshra.s32 s6, $0x2;
	[sflag:s30] =	ssyncset.done $0x0  }
0x50: {  	s7 =	sadd.s32 $0x4F00, s6;
	[sflag:s30] =	ssyncadd.s32 $0xFFFFF000  }
0x51: {  	[tilespmem:s26], [sflag:$0x1] =	stream.indirect.gather [spmem:s2], $0x20, s7, s23, $0xb8;
	[tilespmem:$0x15B20] =	vst v63  }
0x52: {  	_ =	swait.ge [sflag:s31], $0x1000  }
0x53: {  	[sflag:s31] =	ssyncset.done $0x0  }
0x54: {  	s7 =	sadd.s32 $0x4F80, s6;
	[sflag:s31] =	ssyncadd.s32 $0xFFFFF000  }
0x55: {  	[tilespmem:s28], [sflag:$0x2] =	stream.indirect.gather [spmem:s2], $0x20, s7, s23, $0xb8;
	[tilespmem:$0x15B20] =	vst v63  }
0x56: {  	_ =	swait.ge [sflag:s19], $0x1000  }
0x57: {  	[sflag:s19] =	ssyncset.done $0x0  }
.Ltmp0:
0x58: {  	s7 =	sadd.s32 $0x9E00, s6;
	[sflag:s19] =	ssyncadd.s32 $0xFFFFF000;
	(pc) =	sbr.rel @p1 .LBB2_2-.Ltmp0, $4  }
0x59: {  	[spmem:s1] =	stream.indirect.scatter.add.f32 [tilespmem:s26], [sflag:$0x5], $0x20, s7, s23, $0xb8;
	[tilespmem:$0x15B20] =	vst v63  }
0x5a: {  	_ =	swait.ge [sflag:s20], $0x1000  }
0x5b: {  	[sflag:s20] =	ssyncset.done $0x0  }
0x5c: {  	s6 =	sadd.s32 $0x9E80, s6;
	[sflag:s20] =	ssyncadd.s32 $0xFFFFF000  }
0x5d: {  	[spmem:s1] =	stream.indirect.scatter.add.f32 [tilespmem:s28], [sflag:$0x6], $0x20, s6, s23, $0xb8;
	[tilespmem:$0x15B20] =	vst v63  }
0x5e: {  	_ =	swait.ge [sflag:s30], $0x1000  }
0x5f: {  	[sflag:s30] =	ssyncset.done $0x0  }
0x60: {  	[sflag:s30] =	ssyncadd.s32 $0xFFFFF000  }
0x61: {  	_ =	swait.ge [sflag:s31], $0x1000  }
0x62: {  	[sflag:s31] =	ssyncset.done $0x0  }
0x63: {  	[sflag:s31] =	ssyncadd.s32 $0xFFFFF000  }
0x64: {  	s5 =	sor.u32 $0x1C07, s4;
	[bflag:$0x0] =	sbarrier.arrive $0xFFFF  }
0x65: {  	[hbm:s11], [sflag:s5] =	dma.local [spmem:s24], $0x9C0  }
0x66: {  	_ =	swait.ge [sflag:s0], $0x9C0  }
0x67: {  	s29 =	sadd.s32 $0x1, s29;
	[sflag:s0] =	ssyncset.done $0x0  }
0x68: {  	p1 =	sne.s32 s29, s13;
	[sflag:s0] =	ssyncadd.s32 $0xFFFFF640  }
0x69: {  	[hbm:s12], [sflag:s5] =	dma.local @!p0 [spmem:s25], $0x40  }
.Ltmp1:
0x6a: {  	_ = 	snop;
	(pc) =	sbr.rel @p1 .LBB2_1-.Ltmp1, $4  }
0x6b: {  	s5 =	simm.s32 @!p0 $0x7  }
0x6c: {  	_ =	swait.ge @!p0 [sflag:s5], $0x40  }
0x6d: {  	[sflag:s5] =	ssyncset.done @!p0 $0x0  }
0x6e: {  	[sflag:s5] =	ssyncadd.s32 @!p0 $0xFFFFFFC0  }
0x6f: {  	_ =	sfence.sel $0x180000  }
0x70: {  	[bflag:$0x0] =	sbarrier.arrive $0xFFFF  }
0x71: {  	_ =	strace $0x90000056  }
0x72: {  	[bflag:$0x2] =	sbarrier.arrive $0xFFFF  }
0x73: {  	s0 =	rddreg [dreg:$0x4]  }
0x74: {  	s0 =	sadd.s32 @!p0 $0x100000, s0  }
0x75: {  	[sflag:s0] =	ssyncadd.tile.s32 @!p0 $0x1;
	_ =	shalt  }
.Lfunc_end2:
_tile_overlayer_lowered:
.L_overlay_start_2:
0x76: {  	(tag) =	ssettag $0x2  }
0x77: {  	s0 =	rddreg [dreg:$0x0];
	s2 =	stileid.u32  }
0x78: {  	s1 =	rddreg [dreg:$0x1];
	p0 =	sne.s32 s2, $0x0  }
0x79: {  	s3 =	rddreg [dreg:$0x2];
	[bflag:$0x3] =	sbarrier.arrive $0xFFFF;
	s2 =	simm.s32 @!p0 $0x1C07  }
0x7a: {  	[timem:s3], [sflag:s2] =	dma.local @!p0 [hbm:s0], s1  }
0x7b: {  	s0 =	simm.s32 @!p0 $0x7  }
0x7c: {  	_ =	swait.ge @!p0 [sflag:s0], s1  }
0x7d: {  	s1 =	ssub.s32 @!p0 $0x0, s1;
	[sflag:s0] =	ssyncset.done @!p0 $0x0  }
0x7e: {  	[sflag:s0] =	ssyncadd.s32 @!p0 s1  }
0x7f: {  	[bflag:$0x3] =	sbarrier.arrive $0xFFFF  }
0x80: {  	_ =	shalt  }

// kernel: kernel.37.cloned.1.call-start
scs
__scs_entry_jumppad:
0x0: {  	(pc) =	sbr.rel $0x88, $3  }
0x1: {  	(tag) =	ssettag $0x0;
	lr =	simm.s32 $0x1  }
0x2: {  	[smem:$0x3F9D] =	sst lr;
	_ =	strace $0xD0000000  }
0x3: {  	_ = 	snop  }
0x4: {  	_ = 	snop  }
0x5: {  	_ = 	snop  }
0x6: {  	_ = 	snop  }
0x7: {  	_ = 	snop  }
__scs_overlays_trampoline_lowered:
0x8: {  	[smem:$0x3FAC] =	sst s0  }
0x9: {  	[smem:$0x3FAD] =	sst s1  }
0xa: {  	[smem:$0x3FAE] =	sst s2  }
0xb: {  	[smem:$0x3FAF] =	sst s3  }
0xc: {  	[smem:$0x3FB0] =	sst s4  }
0xd: {  	[smem:$0x3FB1] =	sst s5  }
0xe: {  	[smem:$0x3FB2] =	sst s6  }
0xf: {  	[smem:$0x3FB3] =	sst s7  }
0x10: {  	[smem:$0x3FB4] =	sst s8  }
0x11: {  	[smem:$0x3FB5] =	sst s9;
	s0 =	simm.s32 @!p0 $0x0  }
0x12: {  	s1 =	sld [smem:$0x3F9B];
	s0 =	simm.s32 @p0 $0x1  }
0x13: {  	[smem:$0x3FB6] =	sst s0;
	s0 =	simm.s32 @!p1 $0x0  }
0x14: {  	s2 =	sld [smem:$0x3F9A];
	s0 =	simm.s32 @p1 $0x1  }
0x15: {  	[smem:$0x3FB7] =	sst s0;
	s0 =	simm.s32 @!p2 $0x0  }
0x16: {  	s3 =	sld [smem:$0x3FDB];
	s0 =	simm.s32 @p2 $0x1  }
0x17: {  	s4 =	simm.s32 $0x1BF5;
	[smem:$0x3FB9] =	sst s0  }
0x18: {  	s0 =	sld [smem:$0x3F9C];
	_ =	swait.ge [sflag:s4], $0x0  }
0x19: {  	s7 =	sld [smem:$0x3F9D]  }
0x1a: {  	s8 =	sadd.s32 $0xFFFFE003, lr  }
0x1b: {  	s9 =	sadd.s32 $0xFFFFFEF7, lr;
	s5 =	simm.s32 $0xFFFFFFFF;
	p2 =	slt.u32 s8, $0xFFFFF086  }
0x1c: {  	p1 =	slt.u32 s9, $0xF7A;
	s5 =	simm.s32 @!p2 $0x0  }
0x1d: {  	s5 =	simm.s32 @p1 $0x1;
	p0 =	seq.s32 s7, s2  }
0x1e: {  	s7 =	smul.u32 @!p0 $0xF7A, s2;
	p2 =	seq.s32 @!p0 s5, $0x0  }
0x1f: {  	s9 =	smul.u32 $0xF7A, s1;
	s8 =	simm.s32 @!p0 $0x1BF5;
	p2 =	por !p2, p0  }
0x20: {  	[sflag:s8] =	ssyncset.s32 @!p0 $0xFFFFF086;
	s6 =	sadd.s32 @!p0 s3, s7;
	s7 =	simm.s32 @!p0 $0x108  }
0x21: {  	s3 =	sadd.s32 s3, s9;
	s6 =	sadd.s32 @!p0 $0x88, s6;
	s7 =	simm.s32 @p2 $0x1082  }
0x22: {  	[simem:s7], [sflag:s8] =	dma.local @!p0 [hbm:s6], $0xF7A  }
0x23: {  	s9 =	sor.u32 $0xD0000000, s2;
	s6 =	simm.s32 $0x108;
	_ =	swait.ge @!p0 [sflag:s8], $0x0  }
0x24: {  	s3 =	sadd.s32 $0x88, s3;
	s6 =	simm.s32 @!p1 $0x1082;
	[sflag:s4] =	ssyncset.s32 $0xFFFFF086  }
0x25: {  	[simem:s6], [sflag:s4] =	dma.local [hbm:s3], $0xF7A  }
0x26: {  	[smem:$0x3F9D] =	sst s1;
	(tag) =	ssettag s2;
	_ =	strace s9  }
0x27: {  	s1 =	sld [smem:$0x3FAD]  }
0x28: {  	s2 =	sld [smem:$0x3FAE]  }
0x29: {  	s4 =	sld [smem:$0x3FB0]  }
0x2a: {  	p0 =	seq.s32 s5, $0x0;
	s5 =	sld [smem:$0x3FB1]  }
0x2b: {  	s6 =	sld [smem:$0x3FB2]  }
0x2c: {  	s7 =	sld [smem:$0x3FB3]  }
0x2d: {  	s3 =	simm.s32 $0x108;
	s8 =	sld [smem:$0x3FB4]  }
0x2e: {  	s3 =	simm.s32 @!p0 $0x1082;
	s9 =	sld [smem:$0x3FB5]  }
0x2f: {  	lr =	sadd.s32 s0, s3;
	s0 =	sld [smem:$0x3FAC]  }
0x30: {  	s3 =	sld [smem:$0x3FAF]  }
0x31: {  	[smem:$0x3FB8] =	sst s10  }
0x32: {  	s10 =	sld [smem:$0x3FB6];
	_ =	sdelay $0x3  }
0x33: {  	p0 =	seq.s32 s10, $0x1;
	s10 =	sld [smem:$0x3FB8];
	_ =	sdelay $0x3  }
0x34: {  	[smem:$0x3FB8] =	sst s10  }
0x35: {  	s10 =	sld [smem:$0x3FB7];
	_ =	sdelay $0x3  }
0x36: {  	p1 =	seq.s32 s10, $0x1;
	s10 =	sld [smem:$0x3FB8];
	_ =	sdelay $0x3  }
0x37: {  	[smem:$0x3FB8] =	sst s10  }
0x38: {  	s10 =	sld [smem:$0x3FB9]  }
0x39: {  	_ = 	snop;
	(pc) =	sbr.ind lr, $3  }
0x3a: {  	_ = 	snop  }
0x3b: {  	_ = 	snop  }
0x3c: {  	p2 =	seq.s32 s10, $0x1;
	s10 =	sld [smem:$0x3FB8]  }
0x3d: {  	_ =	shalt  }
0x3e: {  	_ =	shalt  }
0x3f: {  	_ =	shalt  }
0x40: {  	_ =	shalt  }
0x41: {  	_ =	shalt  }
0x42: {  	_ =	shalt  }
0x43: {  	_ =	shalt  }
0x44: {  	_ =	shalt  }
0x45: {  	_ =	shalt  }
0x46: {  	_ =	shalt  }
0x47: {  	_ =	shalt  }
0x48: {  	_ =	shalt  }
0x49: {  	_ =	shalt  }
0x4a: {  	_ =	shalt  }
0x4b: {  	_ =	shalt  }
0x4c: {  	_ =	shalt  }
0x4d: {  	_ =	shalt  }
0x4e: {  	_ =	shalt  }
0x4f: {  	_ =	shalt  }
0x50: {  	_ =	shalt  }
0x51: {  	_ =	shalt  }
0x52: {  	_ =	shalt  }
0x53: {  	_ =	shalt  }
0x54: {  	_ =	shalt  }
0x55: {  	_ =	shalt  }
0x56: {  	_ =	shalt  }
0x57: {  	_ =	shalt  }
0x58: {  	_ =	shalt  }
0x59: {  	_ =	shalt  }
0x5a: {  	_ =	shalt  }
0x5b: {  	_ =	shalt  }
0x5c: {  	_ =	shalt  }
0x5d: {  	_ =	shalt  }
0x5e: {  	_ =	shalt  }
0x5f: {  	_ =	shalt  }
0x60: {  	_ =	shalt  }
0x61: {  	_ =	shalt  }
0x62: {  	_ =	shalt  }
0x63: {  	_ =	shalt  }
0x64: {  	_ =	shalt  }
0x65: {  	_ =	shalt  }
0x66: {  	_ =	shalt  }
0x67: {  	_ =	shalt  }
0x68: {  	_ =	shalt  }
0x69: {  	_ =	shalt  }
0x6a: {  	_ =	shalt  }
0x6b: {  	_ =	shalt  }
0x6c: {  	_ =	shalt  }
0x6d: {  	_ =	shalt  }
0x6e: {  	_ =	shalt  }
0x6f: {  	_ =	shalt  }
0x70: {  	_ =	shalt  }
0x71: {  	_ =	shalt  }
0x72: {  	_ =	shalt  }
0x73: {  	_ =	shalt  }
0x74: {  	_ =	shalt  }
0x75: {  	_ =	shalt  }
0x76: {  	_ =	shalt  }
0x77: {  	_ =	shalt  }
0x78: {  	_ =	shalt  }
0x79: {  	_ =	shalt  }
0x7a: {  	_ =	shalt  }
0x7b: {  	_ =	shalt  }
0x7c: {  	_ =	shalt  }
0x7d: {  	_ =	shalt  }
0x7e: {  	_ =	shalt  }
0x7f: {  	_ =	shalt  }
0x80: {  	_ =	shalt  }
0x81: {  	_ =	shalt  }
0x82: {  	_ =	shalt  }
0x83: {  	_ =	shalt  }
0x84: {  	_ =	shalt  }
0x85: {  	_ =	shalt  }
0x86: {  	_ =	shalt  }
0x87: {  	_ =	shalt  }
.Lfunc_end0:
.L_simem_size_0:
called_computation.6_lowered:
.L_overlay_start_0:
0x88: {  	s2 =	sld [smem:$0x3FD9]  }
0x89: {  	s3 =	sld [smem:$0x3FFE];
	_ =	sdelay $0x1  }
0x8a: {  	s1 =	srdreg.scid  }
0x8b: {  	s0 =	sand.u32 $0x1, s1  }
0x8c: {  	s17 =	sshll.u32 s0, $0xA;
	s2 =	sadd.s32 s3, s2  }
0x8d: {  	s2 =	sadd.s32 s2, s17  }
0x8e: {  	[smem:$0x3FC4] =	sst s2  }
0x8f: {  	_ = 	snop  }
0x90: {  	s2 =	sld [smem:$0x3FD0];
	(tm) =	ssettm $0x1  }
0x91: {  	s18 =	sld [smem:$0x3FFB];
	_ =	sdelay $0x3  }
0x92: {  	_ =	strace s18  }
0x93: {  	s3 =	sld [smem:$0x3FFC];
	_ =	sdelay $0x3  }
0x94: {  	_ =	strace s3  }
0x95: {  	s3 =	sld [smem:$0x3FFD];
	_ =	sdelay $0x3  }
0x96: {  	_ =	strace s3  }
0x97: {  	_ =	strace $0x8FFFFFFF  }
0x98: {  	s19 =	sld [smem:$0x3FDB];
	_ =	sdelay $0x1  }
0x99: {  	s4 =	simm.s32 $_scs_section_size  }
0x9a: {  	s5 =	simm.s32 $_size__tile_overlayer_lowered;
	s6 =	simm.s32 $_tile_overlayer_lowered  }
0x9b: {  	s22 =	simm.s32 $0x1BFF;
	s21 =	sshll.u32 s6, $0x1;
	s3 =	sadd.s32 s4, s19  }
0x9c: {  	s7 =	simm.s32 $0x0;
	s20 =	sshll.u32 s5, $0x1;
	s5 =	sadd.s32 s21, s3  }
0x9d: {  	[timem:s7], [sflag:s22] =	dma.local [hbm:s5], s20  }
0x9e: {  	_ =	swait.ge [sflag:s22], s20  }
0x9f: {  	s4 =	ssub.s32 $0x0, s20;
	[sflag:s22] =	ssyncset.done $0x0  }
0xa0: {  	[sflag:s22] =	ssyncadd.s32 s4;
	_ =	sdelay $0x1  }
0xa1: {  	s23 =	simm.s32 $0x1B8B  }
0xa2: {  	_ =	swait.ge [sflag:s23], $0x1  }
0xa3: {  	[sflag:s23] =	ssyncset.done $0x0  }
0xa4: {  	s25 =	simm.s32 $0x1B8E;
	s24 =	sld [smem:$0x3FFE];
	[sflag:s23] =	ssyncadd.s32 $0xFFFFFFFF  }
0xa5: {  	s26 =	simm.s32 $execute0_lowered;
	[smem:$0x3FD2] =	sst s25  }
0xa6: {  	s5 =	sshll.u32 s26, $0x1;
	_ =	strace $0x80000058;
	[dreg:$0x1] =	wrdreg $0xFFFFFFFF  }
0xa7: {  	s28 =	simm.s32 $_size_execute0_lowered;
	s3 =	sadd.s32 s3, s5;
	[dreg:$0x0] =	wrdreg $0x0  }
0xa8: {  	s5 =	sshll.u32 s28, $0x1;
	[dreg:$0x2] =	wrdreg s3  }
0xa9: {  	[dreg:$0x3] =	wrdreg s5  }
0xaa: {  	[dreg:$0x4] =	wrdreg $0xC0  }
0xab: {  	_ =	task [dreg:s7], $0x5FFFF  }
0xac: {  	[dreg:$0x1] =	wrdreg $0xFFFFFFFF  }
0xad: {  	[dreg:$0x0] =	wrdreg $0x60  }
0xae: {  	[dreg:$0x2] =	wrdreg s2  }
0xaf: {  	[dreg:$0x3] =	wrdreg s24  }
0xb0: {  	[dreg:$0x4] =	wrdreg $0xBE000  }
0xb1: {  	[dreg:$0x5] =	wrdreg $0x10D000  }
0xb2: {  	[dreg:$0x6] =	wrdreg $0x9  }
0xb3: {  	_ =	task.clear_ibuf [dreg:s7], $0x7FFFF;
	_ =	strace $0x90000058  }
0xb4: {  	s29 =	simm.s32 $0x9;
	_ =	strace $0x8000005A  }
0xb5: {  	_ =	swait.ge [sflag:s29], $0x1  }
0xb6: {  	[sflag:s29] =	ssyncadd.s32 $0xFFFFFFFF  }
0xb7: {  	_ =	strace $0x9000005A  }
0xb8: {  	_ =	sfence  }
0xb9: {  	s30 =	sld [smem:$0x0];
	_ =	sdelay $0x2  }
0xba: {  	s31 =	sshll.u32 s1, $0xD;
	s1 =	sshrl.u32 s1, $0x2  }
0xbb: {  	s3 =	sand.u32 $0x4000, s31;
	s1 =	sadd.s32 s1, s30  }
0xbc: {  	s0 =	sor.u32 s3, s0;
	s1 =	sshll.u32 s1, $0x11  }
0xbd: {  	s0 =	sor.u32 s1, s0  }
0xbe: {  	s0 =	sadd.s32 $0x8F2B, s0  }
0xbf: {  	[sflag:s0] =	ssyncadd.remote.s32 $0x1  }
0xc0: {  	_ =	sfence.sel $0xFFFF  }
0xc1: {  	[dreg:$0x0] =	wrdreg $0xFFFFFFFF;
	(pc) =	sbr.abs _section_cstart, $3  }
0xc2: {  	[dreg:$0x1] =	wrdreg $0xFFFFFFFF  }
0xc3: {  	_ =	task.clear_ibuf [dreg:s7], $0x2FFFF;
	_ =	strace $0x9FFFFFFF  }
0xc4: {  	(tm) =	ssettm $0x7FFFFFFF  }
0xc5: {  	_ =	shalt  }
tec
execute0_lowered:
.L_overlay_start_1:
0x0: {  	(tag) =	ssettag $0x1  }
0x1: {  	s0 =	rddreg [dreg:$0x0]  }
0x2: {  	s4 =	rddreg [dreg:$0x1]  }
0x3: {  	s1 =	rddreg [dreg:$0x2]  }
0x4: {  	s2 =	rddreg [dreg:$0x3];
	s3 =	simm.s32 $0x0  }
0x5: {  	s5 =	stileid.u32;
	s7 =	srdreg.scid;
	s28 =	simm.s32 $0xAE00  }
0x6: {  	s30 =	simm.s32 $0x5;
	s31 =	simm.s32 $0x6;
	s6 =	smul.u32 $0x9E0, s5  }
0x7: {  	s29 =	simm.s32 $0x0;
	[smem:$0x7FF] =	sst s3;
	s8 =	smul.u32 $0x4F00, s5  }
0x8: {  	s7 =	sand.u32 $0x1, s7;
	s12 =	smul.u32 $0x4E00, s5;
	s14 =	sadd.s32 $0x15E600, s4  }
0x9: {  	s18 =	sadd.s32 $0x4E000, s2;
	p0 =	sne.s32 s5, $0x0;
	_ =	strace $0x80000059  }
0xa: {  	s9 =	ssub.s32 $0x2, s7;
	s13 =	smul.u32 $0x4E200, s7;
	s18 =	sshrl.u32 @!p0 s18, $0x3  }
0xb: {  	s6 =	sadd.s32 s6, s4;
	s10 =	sshrl.u32 s8, $0x3;
	s11 =	sshrl.u32 s9, $0x1  }
0xc: {  	s16 =	sadd.s32 s8, s1;
	s17 =	sadd.s32 s12, s2;
	s26 =	sadd.s32 s12, s1  }
0xd: {  	s19 =	sadd.s32 s10, s4;
	s15 =	ssub.s32 s9, s11;
	s4 =	sshll.u32 s5, $0x6  }
0xe: {  	s20 =	sadd.s32 s12, s13;
	s24 =	sshrl.u32 s13, $0x3;
	s8 =	sadd.s32 $0x1C000, s6  }
0xf: {  	s9 =	sadd.s32 $0x12200, s6;
	s6 =	sadd.s32 $0x4E000, s1;
	s7 =	sadd.s32 $0x3200, s19  }
0x10: {  	s21 =	sor.u32 $0x1C01, s4;
	s22 =	sshrl.u32 s20, $0x3;
	s25 =	sadd.s32 $0x9C00, s24  }
0x11: {  	s13 =	smax.u32 s15, $0x1;
	s15 =	sor.u32 $0x1C02, s4;
	s19 =	simm.s32 $0x1  }
0x12: {  	s20 =	simm.s32 $0x2;
	s24 =	sshrl.u32 s26, $0x3;
	[dreg:$0x5] =	wrdreg s7  }
0x13: {  	s26 =	simm.s32 $0x9E00;
	[dreg:$0x6] =	wrdreg s21;
	s23 =	sadd.s32 s0, s22  }
0x14: {  	s10 =	sadd.s32 s0, s25;
	s11 =	sadd.s32 s14, s22;
	s12 =	sadd.s32 s14, s25  }
0x15: {  	s14 =	sshrl.u32 s16, $0x3;
	s16 =	sshrl.u32 s17, $0x3;
	s17 =	simm.s32 $0x4F00  }
0x16: {  	s21 =	simm.s32 $0x3;
	s22 =	simm.s32 $0x4;
	s25 =	sshrl.u32 @!p0 s6, $0x3  }
0x17: {  	s0 =	simm.s32 $0x7;
	[dreg:$0x7] =	wrdreg s23;
	s23 =	simm.s32 $0x80  }
.LBB2_1:
0x18: {  	s5 =	rddreg [dreg:$0x5]  }
0x19: {  	s6 =	rddreg [dreg:$0x6]  }
0x1a: {  	[spmem:s14], [sflag:s6] =	dma.local [hbm:s5], $0x9E0  }
0x1b: {  	s5 =	rddreg [dreg:$0x7]  }
0x1c: {  	[spmem:s16], [sflag:s15] =	dma.local [hbm:s5], $0x9C0  }
0x1d: {  	[tilespmem:s3], [sflag:$0x3] =	stream.linear.gather [hbm4b:s8+s3], $0x4F00, $0x38;
	[tilespmem:$0x15B20] =	vst v63  }
0x1e: {  	s5 =	simm.s32 @!p0 $0x1C07  }
0x1f: {  	[tilespmem:s17], [sflag:$0x4] =	stream.linear.gather [hbm4b:s9+s3], $0x4F00, $0x38;
	[tilespmem:$0x15B20] =	vst v63  }
0x20: {  	[spmem:s18], [sflag:s5] =	dma.local @!p0 [hbm:s10], $0x40  }
0x21: {  	s5 =	simm.s32 @!p0 $0x7  }
0x22: {  	_ =	swait.ge @!p0 [sflag:s5], $0x40  }
0x23: {  	[sflag:s5] =	ssyncset.done @!p0 $0x0  }
0x24: {  	[sflag:s5] =	ssyncadd.s32 @!p0 $0xFFFFFFC0  }
0x25: {  	_ =	swait.ge [sflag:s19], $0x9E0  }
0x26: {  	[sflag:s19] =	ssyncset.done $0x0  }
0x27: {  	[sflag:s19] =	ssyncadd.s32 $0xFFFFF620  }
0x28: {  	_ =	swait.ge [sflag:s20], $0x9C0  }
0x29: {  	[sflag:s20] =	ssyncset.done $0x0  }
0x2a: {  	[sflag:s20] =	ssyncadd.s32 $0xFFFFF640  }
0x2b: {  	_ =	swait.ge [sflag:s21], $0x4F00  }
0x2c: {  	[sflag:s21] =	ssyncset.done $0x0  }
0x2d: {  	[sflag:s21] =	ssyncadd.s32 $0xFFFFB100  }
0x2e: {  	_ =	swait.ge [sflag:s22], $0x4F00  }
0x2f: {  	[sflag:s22] =	ssyncset.done $0x0  }
0x30: {  	[sflag:s22] =	ssyncadd.s32 $0xFFFFB100  }
0x31: {  	[bflag:$0x0] =	sbarrier.arrive $0xFFFF  }
0x32: {  	[tilespmem:s26], [sflag:$0x1] =	stream.indirect.gather [spmem:s2], $0x20, s3, s23, $0xb8;
	[tilespmem:$0x15B20] =	vst v63  }
0x33: {  	_ = 	snop  }
0x34: {  	[tilespmem:s28], [sflag:$0x2] =	stream.indirect.gather [spmem:s2], $0x20, s23, s23, $0xb8;
	[tilespmem:$0x15B20] =	vst v63  }
0x35: {  	_ =	swait.ge [sflag:s19], $0x1000  }
0x36: {  	[sflag:s19] =	ssyncset.done $0x0  }
0x37: {  	[sflag:s19] =	ssyncadd.s32 $0xFFFFF000  }
0x38: {  	[spmem:s1] =	stream.indirect.scatter.add.f32 [tilespmem:s26], [sflag:$0x5], $0x20, s17, s23, $0xb8;
	[tilespmem:$0x15B20] =	vst v63  }
0x39: {  	_ =	swait.ge [sflag:s20], $0x1000  }
0x3a: {  	[sflag:s20] =	ssyncset.done $0x0  }
0x3b: {  	s6 =	simm.s32 $0x4F80;
	[sflag:s20] =	ssyncadd.s32 $0xFFFFF000  }
0x3c: {  	[spmem:s1] =	stream.indirect.scatter.add.f32 [tilespmem:s28], [sflag:$0x6], $0x20, s6, s23, $0xb8;
	[tilespmem:$0x15B20] =	vst v63  }
0x3d: {  	_ =	swait.ge [sflag:s30], $0x1000  }
0x3e: {  	[sflag:s30] =	ssyncset.done $0x0  }
0x3f: {  	s7 =	simm.s32 $0x100;
	[sflag:s30] =	ssyncadd.s32 $0xFFFFF000  }
0x40: {  	[tilespmem:s26], [sflag:$0x1] =	stream.indirect.gather [spmem:s2], $0x20, s7, s23, $0xb8;
	[tilespmem:$0x15B20] =	vst v63  }
0x41: {  	_ =	swait.ge [sflag:s31], $0x1000  }
0x42: {  	[sflag:s31] =	ssyncset.done $0x0  }
0x43: {  	s6 =	simm.s32 $0x180;
	[sflag:s31] =	ssyncadd.s32 $0xFFFFF000  }
0x44: {  	[tilespmem:s28], [sflag:$0x2] =	stream.indirect.gather [spmem:s2], $0x20, s6, s23, $0xb8;
	[tilespmem:$0x15B20] =	vst v63  }
0x45: {  	_ =	swait.ge [sflag:s19], $0x1000  }
0x46: {  	[sflag:s19] =	ssyncset.done $0x0  }
0x47: {  	s7 =	simm.s32 $0x5000;
	[sflag:s19] =	ssyncadd.s32 $0xFFFFF000  }
0x48: {  	[spmem:s1] =	stream.indirect.scatter.add.f32 [tilespmem:s26], [sflag:$0x5], $0x20, s7, s23, $0xb8;
	[tilespmem:$0x15B20] =	vst v63  }
0x49: {  	_ =	swait.ge [sflag:s20], $0x1000  }
0x4a: {  	[sflag:s20] =	ssyncset.done $0x0  }
0x4b: {  	s5 =	simm.s32 $0xFFFECC00;
	s6 =	simm.s32 $0x5080;
	[sflag:s20] =	ssyncadd.s32 $0xFFFFF000  }
.LBB2_2:
0x4c: {  	[spmem:s1] =	stream.indirect.scatter.add.f32 [tilespmem:s28], [sflag:$0x6], $0x20, s6, s23, $0xb8;
	[tilespmem:$0x15B20] =	vst v63  }
0x4d: {  	s6 =	smov.u32 s5  }
0x4e: {  	p1 =	sne.s32 s5, $0xFFFFFC00;
	s5 =	sadd.s32 $0x400, s5;
	_ =	swait.ge [sflag:s30], $0x1000  }
0x4f: {  	s6 =	sshra.s32 s6, $0x2;
	[sflag:s30] =	ssyncset.done $0x0  }
0x50: {  	s7 =	sadd.s32 $0x4F00, s6;
	[sflag:s30] =	ssyncadd.s32 $0xFFFFF000  }
0x51: {  	[tilespmem:s26], [sflag:$0x1] =	stream.indirect.gather [spmem:s2], $0x20, s7, s23, $0xb8;
	[tilespmem:$0x15B20] =	vst v63  }
0x52: {  	_ =	swait.ge [sflag:s31], $0x1000  }
0x53: {  	[sflag:s31] =	ssyncset.done $0x0  }
0x54: {  	s7 =	sadd.s32 $0x4F80, s6;
	[sflag:s31] =	ssyncadd.s32 $0xFFFFF000  }
0x55: {  	[tilespmem:s28], [sflag:$0x2] =	stream.indirect.gather [spmem:s2], $0x20, s7, s23, $0xb8;
	[tilespmem:$0x15B20] =	vst v63  }
0x56: {  	_ =	swait.ge [sflag:s19], $0x1000  }
0x57: {  	[sflag:s19] =	ssyncset.done $0x0  }
.Ltmp0:
0x58: {  	s7 =	sadd.s32 $0x9E00, s6;
	[sflag:s19] =	ssyncadd.s32 $0xFFFFF000;
	(pc) =	sbr.rel @p1 .LBB2_2-.Ltmp0, $4  }
0x59: {  	[spmem:s1] =	stream.indirect.scatter.add.f32 [tilespmem:s26], [sflag:$0x5], $0x20, s7, s23, $0xb8;
	[tilespmem:$0x15B20] =	vst v63  }
0x5a: {  	_ =	swait.ge [sflag:s20], $0x1000  }
0x5b: {  	[sflag:s20] =	ssyncset.done $0x0  }
0x5c: {  	s6 =	sadd.s32 $0x9E80, s6;
	[sflag:s20] =	ssyncadd.s32 $0xFFFFF000  }
0x5d: {  	[spmem:s1] =	stream.indirect.scatter.add.f32 [tilespmem:s28], [sflag:$0x6], $0x20, s6, s23, $0xb8;
	[tilespmem:$0x15B20] =	vst v63  }
0x5e: {  	_ =	swait.ge [sflag:s30], $0x1000  }
0x5f: {  	[sflag:s30] =	ssyncset.done $0x0  }
0x60: {  	[sflag:s30] =	ssyncadd.s32 $0xFFFFF000  }
0x61: {  	_ =	swait.ge [sflag:s31], $0x1000  }
0x62: {  	[sflag:s31] =	ssyncset.done $0x0  }
0x63: {  	[sflag:s31] =	ssyncadd.s32 $0xFFFFF000  }
0x64: {  	s5 =	sor.u32 $0x1C07, s4;
	[bflag:$0x0] =	sbarrier.arrive $0xFFFF  }
0x65: {  	[hbm:s11], [sflag:s5] =	dma.local [spmem:s24], $0x9C0  }
0x66: {  	_ =	swait.ge [sflag:s0], $0x9C0  }
0x67: {  	s29 =	sadd.s32 $0x1, s29;
	[sflag:s0] =	ssyncset.done $0x0  }
0x68: {  	p1 =	sne.s32 s29, s13;
	[sflag:s0] =	ssyncadd.s32 $0xFFFFF640  }
0x69: {  	[hbm:s12], [sflag:s5] =	dma.local @!p0 [spmem:s25], $0x40  }
.Ltmp1:
0x6a: {  	_ = 	snop;
	(pc) =	sbr.rel @p1 .LBB2_1-.Ltmp1, $4  }
0x6b: {  	s5 =	simm.s32 @!p0 $0x7  }
0x6c: {  	_ =	swait.ge @!p0 [sflag:s5], $0x40  }
0x6d: {  	[sflag:s5] =	ssyncset.done @!p0 $0x0  }
0x6e: {  	[sflag:s5] =	ssyncadd.s32 @!p0 $0xFFFFFFC0  }
0x6f: {  	_ =	sfence.sel $0x180000  }
0x70: {  	[bflag:$0x0] =	sbarrier.arrive $0xFFFF  }
0x71: {  	_ =	strace $0x90000059  }
0x72: {  	[bflag:$0x2] =	sbarrier.arrive $0xFFFF  }
0x73: {  	s0 =	rddreg [dreg:$0x4]  }
0x74: {  	s0 =	sadd.s32 @!p0 $0x100000, s0  }
0x75: {  	[sflag:s0] =	ssyncadd.tile.s32 @!p0 $0x1;
	_ =	shalt  }
.Lfunc_end2:
_tile_overlayer_lowered:
.L_overlay_start_2:
0x76: {  	(tag) =	ssettag $0x2  }
0x77: {  	s0 =	rddreg [dreg:$0x0];
	s2 =	stileid.u32  }
0x78: {  	s1 =	rddreg [dreg:$0x1];
	p0 =	sne.s32 s2, $0x0  }
0x79: {  	s3 =	rddreg [dreg:$0x2];
	[bflag:$0x3] =	sbarrier.arrive $0xFFFF;
	s2 =	simm.s32 @!p0 $0x1C07  }
0x7a: {  	[timem:s3], [sflag:s2] =	dma.local @!p0 [hbm:s0], s1  }
0x7b: {  	s0 =	simm.s32 @!p0 $0x7  }
0x7c: {  	_ =	swait.ge @!p0 [sflag:s0], s1  }
0x7d: {  	s1 =	ssub.s32 @!p0 $0x0, s1;
	[sflag:s0] =	ssyncset.done @!p0 $0x0  }
0x7e: {  	[sflag:s0] =	ssyncadd.s32 @!p0 s1  }
0x7f: {  	[bflag:$0x3] =	sbarrier.arrive $0xFFFF  }
0x80: {  	_ =	shalt  }

// kernel: kernel.40.cloned.1.call-start
scs
__scs_entry_jumppad:
0x0: {  	(pc) =	sbr.rel $0x88, $3  }
0x1: {  	(tag) =	ssettag $0x0;
	lr =	simm.s32 $0x1  }
0x2: {  	[smem:$0x3F9D] =	sst lr;
	_ =	strace $0xD0000000  }
0x3: {  	_ = 	snop  }
0x4: {  	_ = 	snop  }
0x5: {  	_ = 	snop  }
0x6: {  	_ = 	snop  }
0x7: {  	_ = 	snop  }
__scs_overlays_trampoline_lowered:
0x8: {  	[smem:$0x3FAC] =	sst s0  }
0x9: {  	[smem:$0x3FAD] =	sst s1  }
0xa: {  	[smem:$0x3FAE] =	sst s2  }
0xb: {  	[smem:$0x3FAF] =	sst s3  }
0xc: {  	[smem:$0x3FB0] =	sst s4  }
0xd: {  	[smem:$0x3FB1] =	sst s5  }
0xe: {  	[smem:$0x3FB2] =	sst s6  }
0xf: {  	[smem:$0x3FB3] =	sst s7  }
0x10: {  	[smem:$0x3FB4] =	sst s8  }
0x11: {  	[smem:$0x3FB5] =	sst s9;
	s0 =	simm.s32 @!p0 $0x0  }
0x12: {  	s1 =	sld [smem:$0x3F9B];
	s0 =	simm.s32 @p0 $0x1  }
0x13: {  	[smem:$0x3FB6] =	sst s0;
	s0 =	simm.s32 @!p1 $0x0  }
0x14: {  	s2 =	sld [smem:$0x3F9A];
	s0 =	simm.s32 @p1 $0x1  }
0x15: {  	[smem:$0x3FB7] =	sst s0;
	s0 =	simm.s32 @!p2 $0x0  }
0x16: {  	s3 =	sld [smem:$0x3FDB];
	s0 =	simm.s32 @p2 $0x1  }
0x17: {  	s4 =	simm.s32 $0x1BF5;
	[smem:$0x3FB9] =	sst s0  }
0x18: {  	s0 =	sld [smem:$0x3F9C];
	_ =	swait.ge [sflag:s4], $0x0  }
0x19: {  	s7 =	sld [smem:$0x3F9D]  }
0x1a: {  	s8 =	sadd.s32 $0xFFFFE003, lr  }
0x1b: {  	s9 =	sadd.s32 $0xFFFFFEF7, lr;
	s5 =	simm.s32 $0xFFFFFFFF;
	p2 =	slt.u32 s8, $0xFFFFF086  }
0x1c: {  	p1 =	slt.u32 s9, $0xF7A;
	s5 =	simm.s32 @!p2 $0x0  }
0x1d: {  	s5 =	simm.s32 @p1 $0x1;
	p0 =	seq.s32 s7, s2  }
0x1e: {  	s7 =	smul.u32 @!p0 $0xF7A, s2;
	p2 =	seq.s32 @!p0 s5, $0x0  }
0x1f: {  	s9 =	smul.u32 $0xF7A, s1;
	s8 =	simm.s32 @!p0 $0x1BF5;
	p2 =	por !p2, p0  }
0x20: {  	[sflag:s8] =	ssyncset.s32 @!p0 $0xFFFFF086;
	s6 =	sadd.s32 @!p0 s3, s7;
	s7 =	simm.s32 @!p0 $0x108  }
0x21: {  	s3 =	sadd.s32 s3, s9;
	s6 =	sadd.s32 @!p0 $0x88, s6;
	s7 =	simm.s32 @p2 $0x1082  }
0x22: {  	[simem:s7], [sflag:s8] =	dma.local @!p0 [hbm:s6], $0xF7A  }
0x23: {  	s9 =	sor.u32 $0xD0000000, s2;
	s6 =	simm.s32 $0x108;
	_ =	swait.ge @!p0 [sflag:s8], $0x0  }
0x24: {  	s3 =	sadd.s32 $0x88, s3;
	s6 =	simm.s32 @!p1 $0x1082;
	[sflag:s4] =	ssyncset.s32 $0xFFFFF086  }
0x25: {  	[simem:s6], [sflag:s4] =	dma.local [hbm:s3], $0xF7A  }
0x26: {  	[smem:$0x3F9D] =	sst s1;
	(tag) =	ssettag s2;
	_ =	strace s9  }
0x27: {  	s1 =	sld [smem:$0x3FAD]  }
0x28: {  	s2 =	sld [smem:$0x3FAE]  }
0x29: {  	s4 =	sld [smem:$0x3FB0]  }
0x2a: {  	p0 =	seq.s32 s5, $0x0;
	s5 =	sld [smem:$0x3FB1]  }
0x2b: {  	s6 =	sld [smem:$0x3FB2]  }
0x2c: {  	s7 =	sld [smem:$0x3FB3]  }
0x2d: {  	s3 =	simm.s32 $0x108;
	s8 =	sld [smem:$0x3FB4]  }
0x2e: {  	s3 =	simm.s32 @!p0 $0x1082;
	s9 =	sld [smem:$0x3FB5]  }
0x2f: {  	lr =	sadd.s32 s0, s3;
	s0 =	sld [smem:$0x3FAC]  }
0x30: {  	s3 =	sld [smem:$0x3FAF]  }
0x31: {  	[smem:$0x3FB8] =	sst s10  }
0x32: {  	s10 =	sld [smem:$0x3FB6];
	_ =	sdelay $0x3  }
0x33: {  	p0 =	seq.s32 s10, $0x1;
	s10 =	sld [smem:$0x3FB8];
	_ =	sdelay $0x3  }
0x34: {  	[smem:$0x3FB8] =	sst s10  }
0x35: {  	s10 =	sld [smem:$0x3FB7];
	_ =	sdelay $0x3  }
0x36: {  	p1 =	seq.s32 s10, $0x1;
	s10 =	sld [smem:$0x3FB8];
	_ =	sdelay $0x3  }
0x37: {  	[smem:$0x3FB8] =	sst s10  }
0x38: {  	s10 =	sld [smem:$0x3FB9]  }
0x39: {  	_ = 	snop;
	(pc) =	sbr.ind lr, $3  }
0x3a: {  	_ = 	snop  }
0x3b: {  	_ = 	snop  }
0x3c: {  	p2 =	seq.s32 s10, $0x1;
	s10 =	sld [smem:$0x3FB8]  }
0x3d: {  	_ =	shalt  }
0x3e: {  	_ =	shalt  }
0x3f: {  	_ =	shalt  }
0x40: {  	_ =	shalt  }
0x41: {  	_ =	shalt  }
0x42: {  	_ =	shalt  }
0x43: {  	_ =	shalt  }
0x44: {  	_ =	shalt  }
0x45: {  	_ =	shalt  }
0x46: {  	_ =	shalt  }
0x47: {  	_ =	shalt  }
0x48: {  	_ =	shalt  }
0x49: {  	_ =	shalt  }
0x4a: {  	_ =	shalt  }
0x4b: {  	_ =	shalt  }
0x4c: {  	_ =	shalt  }
0x4d: {  	_ =	shalt  }
0x4e: {  	_ =	shalt  }
0x4f: {  	_ =	shalt  }
0x50: {  	_ =	shalt  }
0x51: {  	_ =	shalt  }
0x52: {  	_ =	shalt  }
0x53: {  	_ =	shalt  }
0x54: {  	_ =	shalt  }
0x55: {  	_ =	shalt  }
0x56: {  	_ =	shalt  }
0x57: {  	_ =	shalt  }
0x58: {  	_ =	shalt  }
0x59: {  	_ =	shalt  }
0x5a: {  	_ =	shalt  }
0x5b: {  	_ =	shalt  }
0x5c: {  	_ =	shalt  }
0x5d: {  	_ =	shalt  }
0x5e: {  	_ =	shalt  }
0x5f: {  	_ =	shalt  }
0x60: {  	_ =	shalt  }
0x61: {  	_ =	shalt  }
0x62: {  	_ =	shalt  }
0x63: {  	_ =	shalt  }
0x64: {  	_ =	shalt  }
0x65: {  	_ =	shalt  }
0x66: {  	_ =	shalt  }
0x67: {  	_ =	shalt  }
0x68: {  	_ =	shalt  }
0x69: {  	_ =	shalt  }
0x6a: {  	_ =	shalt  }
0x6b: {  	_ =	shalt  }
0x6c: {  	_ =	shalt  }
0x6d: {  	_ =	shalt  }
0x6e: {  	_ =	shalt  }
0x6f: {  	_ =	shalt  }
0x70: {  	_ =	shalt  }
0x71: {  	_ =	shalt  }
0x72: {  	_ =	shalt  }
0x73: {  	_ =	shalt  }
0x74: {  	_ =	shalt  }
0x75: {  	_ =	shalt  }
0x76: {  	_ =	shalt  }
0x77: {  	_ =	shalt  }
0x78: {  	_ =	shalt  }
0x79: {  	_ =	shalt  }
0x7a: {  	_ =	shalt  }
0x7b: {  	_ =	shalt  }
0x7c: {  	_ =	shalt  }
0x7d: {  	_ =	shalt  }
0x7e: {  	_ =	shalt  }
0x7f: {  	_ =	shalt  }
0x80: {  	_ =	shalt  }
0x81: {  	_ =	shalt  }
0x82: {  	_ =	shalt  }
0x83: {  	_ =	shalt  }
0x84: {  	_ =	shalt  }
0x85: {  	_ =	shalt  }
0x86: {  	_ =	shalt  }
0x87: {  	_ =	shalt  }
.Lfunc_end0:
.L_simem_size_0:
called_computation.7_lowered:
.L_overlay_start_0:
0x88: {  	s2 =	sld [smem:$0x3FD9]  }
0x89: {  	s3 =	sld [smem:$0x3FFE];
	_ =	sdelay $0x1  }
0x8a: {  	s1 =	srdreg.scid  }
0x8b: {  	s0 =	sand.u32 $0x1, s1  }
0x8c: {  	s17 =	sshll.u32 s0, $0xA;
	s2 =	sadd.s32 s3, s2  }
0x8d: {  	s2 =	sadd.s32 s2, s17  }
0x8e: {  	[smem:$0x3FC4] =	sst s2  }
0x8f: {  	_ = 	snop  }
0x90: {  	s2 =	sld [smem:$0x3FD0];
	(tm) =	ssettm $0x1  }
0x91: {  	s18 =	sld [smem:$0x3FFB];
	_ =	sdelay $0x3  }
0x92: {  	_ =	strace s18  }
0x93: {  	s3 =	sld [smem:$0x3FFC];
	_ =	sdelay $0x3  }
0x94: {  	_ =	strace s3  }
0x95: {  	s3 =	sld [smem:$0x3FFD];
	_ =	sdelay $0x3  }
0x96: {  	_ =	strace s3  }
0x97: {  	_ =	strace $0x8FFFFFFF  }
0x98: {  	s19 =	sld [smem:$0x3FDB];
	_ =	sdelay $0x1  }
0x99: {  	s4 =	simm.s32 $_scs_section_size  }
0x9a: {  	s5 =	simm.s32 $_size__tile_overlayer_lowered;
	s6 =	simm.s32 $_tile_overlayer_lowered  }
0x9b: {  	s22 =	simm.s32 $0x1BFF;
	s21 =	sshll.u32 s6, $0x1;
	s3 =	sadd.s32 s4, s19  }
0x9c: {  	s7 =	simm.s32 $0x0;
	s20 =	sshll.u32 s5, $0x1;
	s5 =	sadd.s32 s21, s3  }
0x9d: {  	[timem:s7], [sflag:s22] =	dma.local [hbm:s5], s20  }
0x9e: {  	_ =	swait.ge [sflag:s22], s20  }
0x9f: {  	s4 =	ssub.s32 $0x0, s20;
	[sflag:s22] =	ssyncset.done $0x0  }
0xa0: {  	[sflag:s22] =	ssyncadd.s32 s4;
	_ =	sdelay $0x1  }
0xa1: {  	s23 =	simm.s32 $0x1B8B  }
0xa2: {  	_ =	swait.ge [sflag:s23], $0x1  }
0xa3: {  	[sflag:s23] =	ssyncset.done $0x0  }
0xa4: {  	s25 =	simm.s32 $0x1B8E;
	s24 =	sld [smem:$0x3FFE];
	[sflag:s23] =	ssyncadd.s32 $0xFFFFFFFF  }
0xa5: {  	s26 =	simm.s32 $execute0_lowered;
	[smem:$0x3FD2] =	sst s25  }
0xa6: {  	s5 =	sshll.u32 s26, $0x1;
	_ =	strace $0x8000005B;
	[dreg:$0x1] =	wrdreg $0xFFFFFFFF  }
0xa7: {  	s28 =	simm.s32 $_size_execute0_lowered;
	s3 =	sadd.s32 s3, s5;
	[dreg:$0x0] =	wrdreg $0x0  }
0xa8: {  	s5 =	sshll.u32 s28, $0x1;
	[dreg:$0x2] =	wrdreg s3  }
0xa9: {  	[dreg:$0x3] =	wrdreg s5  }
0xaa: {  	[dreg:$0x4] =	wrdreg $0xC0  }
0xab: {  	_ =	task [dreg:s7], $0x5FFFF  }
0xac: {  	[dreg:$0x1] =	wrdreg $0xFFFFFFFF  }
0xad: {  	[dreg:$0x0] =	wrdreg $0x60  }
0xae: {  	[dreg:$0x2] =	wrdreg s2  }
0xaf: {  	[dreg:$0x3] =	wrdreg s24  }
0xb0: {  	[dreg:$0x4] =	wrdreg $0xBE000  }
0xb1: {  	[dreg:$0x5] =	wrdreg $0x10D000  }
0xb2: {  	[dreg:$0x6] =	wrdreg $0x9  }
0xb3: {  	_ =	task.clear_ibuf [dreg:s7], $0x7FFFF;
	_ =	strace $0x9000005B  }
0xb4: {  	s29 =	simm.s32 $0x9;
	_ =	strace $0x8000005D  }
0xb5: {  	_ =	swait.ge [sflag:s29], $0x1  }
0xb6: {  	[sflag:s29] =	ssyncadd.s32 $0xFFFFFFFF  }
0xb7: {  	_ =	strace $0x9000005D  }
0xb8: {  	_ =	sfence  }
0xb9: {  	s30 =	sld [smem:$0x0];
	_ =	sdelay $0x2  }
0xba: {  	s31 =	sshll.u32 s1, $0xD;
	s1 =	sshrl.u32 s1, $0x2  }
0xbb: {  	s3 =	sand.u32 $0x4000, s31;
	s1 =	sadd.s32 s1, s30  }
0xbc: {  	s0 =	sor.u32 s3, s0;
	s1 =	sshll.u32 s1, $0x11  }
0xbd: {  	s0 =	sor.u32 s1, s0  }
0xbe: {  	s0 =	sadd.s32 $0x8F2B, s0  }
0xbf: {  	[sflag:s0] =	ssyncadd.remote.s32 $0x1  }
0xc0: {  	_ =	sfence.sel $0xFFFF  }
0xc1: {  	[dreg:$0x0] =	wrdreg $0xFFFFFFFF;
	(pc) =	sbr.abs _section_cstart, $3  }
0xc2: {  	[dreg:$0x1] =	wrdreg $0xFFFFFFFF  }
0xc3: {  	_ =	task.clear_ibuf [dreg:s7], $0x2FFFF;
	_ =	strace $0x9FFFFFFF  }
0xc4: {  	(tm) =	ssettm $0x7FFFFFFF  }
0xc5: {  	_ =	shalt  }
tec
execute0_lowered:
.L_overlay_start_1:
0x0: {  	(tag) =	ssettag $0x1  }
0x1: {  	s0 =	rddreg [dreg:$0x0]  }
0x2: {  	s4 =	rddreg [dreg:$0x1]  }
0x3: {  	s1 =	rddreg [dreg:$0x2]  }
0x4: {  	s2 =	rddreg [dreg:$0x3];
	s3 =	simm.s32 $0x0  }
0x5: {  	s5 =	stileid.u32;
	s7 =	srdreg.scid;
	s28 =	simm.s32 $0xAE00  }
0x6: {  	s30 =	simm.s32 $0x5;
	s31 =	simm.s32 $0x6;
	s6 =	smul.u32 $0x9E0, s5  }
0x7: {  	s29 =	simm.s32 $0x0;
	[smem:$0x7FF] =	sst s3;
	s8 =	smul.u32 $0x4F00, s5  }
0x8: {  	s7 =	sand.u32 $0x1, s7;
	s12 =	smul.u32 $0x4E00, s5;
	s14 =	sadd.s32 $0x15E600, s4  }
0x9: {  	s18 =	sadd.s32 $0x4E000, s2;
	p0 =	sne.s32 s5, $0x0;
	_ =	strace $0x8000005C  }
0xa: {  	s9 =	ssub.s32 $0x2, s7;
	s13 =	smul.u32 $0x4E200, s7;
	s18 =	sshrl.u32 @!p0 s18, $0x3  }
0xb: {  	s6 =	sadd.s32 s6, s4;
	s10 =	sshrl.u32 s8, $0x3;
	s11 =	sshrl.u32 s9, $0x1  }
0xc: {  	s16 =	sadd.s32 s8, s1;
	s17 =	sadd.s32 s12, s2;
	s26 =	sadd.s32 s12, s1  }
0xd: {  	s19 =	sadd.s32 s10, s4;
	s15 =	ssub.s32 s9, s11;
	s4 =	sshll.u32 s5, $0x6  }
0xe: {  	s20 =	sadd.s32 s12, s13;
	s24 =	sshrl.u32 s13, $0x3;
	s8 =	sadd.s32 $0x1C000, s6  }
0xf: {  	s9 =	sadd.s32 $0x12200, s6;
	s6 =	sadd.s32 $0x4E000, s1;
	s7 =	sadd.s32 $0x3200, s19  }
0x10: {  	s21 =	sor.u32 $0x1C01, s4;
	s22 =	sshrl.u32 s20, $0x3;
	s25 =	sadd.s32 $0x9C00, s24  }
0x11: {  	s13 =	smax.u32 s15, $0x1;
	s15 =	sor.u32 $0x1C02, s4;
	s19 =	simm.s32 $0x1  }
0x12: {  	s20 =	simm.s32 $0x2;
	s24 =	sshrl.u32 s26, $0x3;
	[dreg:$0x5] =	wrdreg s7  }
0x13: {  	s26 =	simm.s32 $0x9E00;
	[dreg:$0x6] =	wrdreg s21;
	s23 =	sadd.s32 s0, s22  }
0x14: {  	s10 =	sadd.s32 s0, s25;
	s11 =	sadd.s32 s14, s22;
	s12 =	sadd.s32 s14, s25  }
0x15: {  	s14 =	sshrl.u32 s16, $0x3;
	s16 =	sshrl.u32 s17, $0x3;
	s17 =	simm.s32 $0x4F00  }
0x16: {  	s21 =	simm.s32 $0x3;
	s22 =	simm.s32 $0x4;
	s25 =	sshrl.u32 @!p0 s6, $0x3  }
0x17: {  	s0 =	simm.s32 $0x7;
	[dreg:$0x7] =	wrdreg s23;
	s23 =	simm.s32 $0x80  }
.LBB2_1:
0x18: {  	s5 =	rddreg [dreg:$0x5]  }
0x19: {  	s6 =	rddreg [dreg:$0x6]  }
0x1a: {  	[spmem:s14], [sflag:s6] =	dma.local [hbm:s5], $0x9E0  }
0x1b: {  	s5 =	rddreg [dreg:$0x7]  }
0x1c: {  	[spmem:s16], [sflag:s15] =	dma.local [hbm:s5], $0x9C0  }
0x1d: {  	[tilespmem:s3], [sflag:$0x3] =	stream.linear.gather [hbm4b:s8+s3], $0x4F00, $0x38;
	[tilespmem:$0x15B20] =	vst v63  }
0x1e: {  	s5 =	simm.s32 @!p0 $0x1C07  }
0x1f: {  	[tilespmem:s17], [sflag:$0x4] =	stream.linear.gather [hbm4b:s9+s3], $0x4F00, $0x38;
	[tilespmem:$0x15B20] =	vst v63  }
0x20: {  	[spmem:s18], [sflag:s5] =	dma.local @!p0 [hbm:s10], $0x40  }
0x21: {  	s5 =	simm.s32 @!p0 $0x7  }
0x22: {  	_ =	swait.ge @!p0 [sflag:s5], $0x40  }
0x23: {  	[sflag:s5] =	ssyncset.done @!p0 $0x0  }
0x24: {  	[sflag:s5] =	ssyncadd.s32 @!p0 $0xFFFFFFC0  }
0x25: {  	_ =	swait.ge [sflag:s19], $0x9E0  }
0x26: {  	[sflag:s19] =	ssyncset.done $0x0  }
0x27: {  	[sflag:s19] =	ssyncadd.s32 $0xFFFFF620  }
0x28: {  	_ =	swait.ge [sflag:s20], $0x9C0  }
0x29: {  	[sflag:s20] =	ssyncset.done $0x0  }
0x2a: {  	[sflag:s20] =	ssyncadd.s32 $0xFFFFF640  }
0x2b: {  	_ =	swait.ge [sflag:s21], $0x4F00  }
0x2c: {  	[sflag:s21] =	ssyncset.done $0x0  }
0x2d: {  	[sflag:s21] =	ssyncadd.s32 $0xFFFFB100  }
0x2e: {  	_ =	swait.ge [sflag:s22], $0x4F00  }
0x2f: {  	[sflag:s22] =	ssyncset.done $0x0  }
0x30: {  	[sflag:s22] =	ssyncadd.s32 $0xFFFFB100  }
0x31: {  	[bflag:$0x0] =	sbarrier.arrive $0xFFFF  }
0x32: {  	[tilespmem:s26], [sflag:$0x1] =	stream.indirect.gather [spmem:s2], $0x20, s3, s23, $0xb8;
	[tilespmem:$0x15B20] =	vst v63  }
0x33: {  	_ = 	snop  }
0x34: {  	[tilespmem:s28], [sflag:$0x2] =	stream.indirect.gather [spmem:s2], $0x20, s23, s23, $0xb8;
	[tilespmem:$0x15B20] =	vst v63  }
0x35: {  	_ =	swait.ge [sflag:s19], $0x1000  }
0x36: {  	[sflag:s19] =	ssyncset.done $0x0  }
0x37: {  	[sflag:s19] =	ssyncadd.s32 $0xFFFFF000  }
0x38: {  	[spmem:s1] =	stream.indirect.scatter.add.f32 [tilespmem:s26], [sflag:$0x5], $0x20, s17, s23, $0xb8;
	[tilespmem:$0x15B20] =	vst v63  }
0x39: {  	_ =	swait.ge [sflag:s20], $0x1000  }
0x3a: {  	[sflag:s20] =	ssyncset.done $0x0  }
0x3b: {  	s6 =	simm.s32 $0x4F80;
	[sflag:s20] =	ssyncadd.s32 $0xFFFFF000  }
0x3c: {  	[spmem:s1] =	stream.indirect.scatter.add.f32 [tilespmem:s28], [sflag:$0x6], $0x20, s6, s23, $0xb8;
	[tilespmem:$0x15B20] =	vst v63  }
0x3d: {  	_ =	swait.ge [sflag:s30], $0x1000  }
0x3e: {  	[sflag:s30] =	ssyncset.done $0x0  }
0x3f: {  	s7 =	simm.s32 $0x100;
	[sflag:s30] =	ssyncadd.s32 $0xFFFFF000  }
0x40: {  	[tilespmem:s26], [sflag:$0x1] =	stream.indirect.gather [spmem:s2], $0x20, s7, s23, $0xb8;
	[tilespmem:$0x15B20] =	vst v63  }
0x41: {  	_ =	swait.ge [sflag:s31], $0x1000  }
0x42: {  	[sflag:s31] =	ssyncset.done $0x0  }
0x43: {  	s6 =	simm.s32 $0x180;
	[sflag:s31] =	ssyncadd.s32 $0xFFFFF000  }
0x44: {  	[tilespmem:s28], [sflag:$0x2] =	stream.indirect.gather [spmem:s2], $0x20, s6, s23, $0xb8;
	[tilespmem:$0x15B20] =	vst v63  }
0x45: {  	_ =	swait.ge [sflag:s19], $0x1000  }
0x46: {  	[sflag:s19] =	ssyncset.done $0x0  }
0x47: {  	s7 =	simm.s32 $0x5000;
	[sflag:s19] =	ssyncadd.s32 $0xFFFFF000  }
0x48: {  	[spmem:s1] =	stream.indirect.scatter.add.f32 [tilespmem:s26], [sflag:$0x5], $0x20, s7, s23, $0xb8;
	[tilespmem:$0x15B20] =	vst v63  }
0x49: {  	_ =	swait.ge [sflag:s20], $0x1000  }
0x4a: {  	[sflag:s20] =	ssyncset.done $0x0  }
0x4b: {  	s5 =	simm.s32 $0xFFFECC00;
	s6 =	simm.s32 $0x5080;
	[sflag:s20] =	ssyncadd.s32 $0xFFFFF000  }
.LBB2_2:
0x4c: {  	[spmem:s1] =	stream.indirect.scatter.add.f32 [tilespmem:s28], [sflag:$0x6], $0x20, s6, s23, $0xb8;
	[tilespmem:$0x15B20] =	vst v63  }
0x4d: {  	s6 =	smov.u32 s5  }
0x4e: {  	p1 =	sne.s32 s5, $0xFFFFFC00;
	s5 =	sadd.s32 $0x400, s5;
	_ =	swait.ge [sflag:s30], $0x1000  }
0x4f: {  	s6 =	sshra.s32 s6, $0x2;
	[sflag:s30] =	ssyncset.done $0x0  }
0x50: {  	s7 =	sadd.s32 $0x4F00, s6;
	[sflag:s30] =	ssyncadd.s32 $0xFFFFF000  }
0x51: {  	[tilespmem:s26], [sflag:$0x1] =	stream.indirect.gather [spmem:s2], $0x20, s7, s23, $0xb8;
	[tilespmem:$0x15B20] =	vst v63  }
0x52: {  	_ =	swait.ge [sflag:s31], $0x1000  }
0x53: {  	[sflag:s31] =	ssyncset.done $0x0  }
0x54: {  	s7 =	sadd.s32 $0x4F80, s6;
	[sflag:s31] =	ssyncadd.s32 $0xFFFFF000  }
0x55: {  	[tilespmem:s28], [sflag:$0x2] =	stream.indirect.gather [spmem:s2], $0x20, s7, s23, $0xb8;
	[tilespmem:$0x15B20] =	vst v63  }
0x56: {  	_ =	swait.ge [sflag:s19], $0x1000  }
0x57: {  	[sflag:s19] =	ssyncset.done $0x0  }
.Ltmp0:
0x58: {  	s7 =	sadd.s32 $0x9E00, s6;
	[sflag:s19] =	ssyncadd.s32 $0xFFFFF000;
	(pc) =	sbr.rel @p1 .LBB2_2-.Ltmp0, $4  }
0x59: {  	[spmem:s1] =	stream.indirect.scatter.add.f32 [tilespmem:s26], [sflag:$0x5], $0x20, s7, s23, $0xb8;
	[tilespmem:$0x15B20] =	vst v63  }
0x5a: {  	_ =	swait.ge [sflag:s20], $0x1000  }
0x5b: {  	[sflag:s20] =	ssyncset.done $0x0  }
0x5c: {  	s6 =	sadd.s32 $0x9E80, s6;
	[sflag:s20] =	ssyncadd.s32 $0xFFFFF000  }
0x5d: {  	[spmem:s1] =	stream.indirect.scatter.add.f32 [tilespmem:s28], [sflag:$0x6], $0x20, s6, s23, $0xb8;
	[tilespmem:$0x15B20] =	vst v63  }
0x5e: {  	_ =	swait.ge [sflag:s30], $0x1000  }
0x5f: {  	[sflag:s30] =	ssyncset.done $0x0  }
0x60: {  	[sflag:s30] =	ssyncadd.s32 $0xFFFFF000  }
0x61: {  	_ =	swait.ge [sflag:s31], $0x1000  }
0x62: {  	[sflag:s31] =	ssyncset.done $0x0  }
0x63: {  	[sflag:s31] =	ssyncadd.s32 $0xFFFFF000  }
0x64: {  	s5 =	sor.u32 $0x1C07, s4;
	[bflag:$0x0] =	sbarrier.arrive $0xFFFF  }
0x65: {  	[hbm:s11], [sflag:s5] =	dma.local [spmem:s24], $0x9C0  }
0x66: {  	_ =	swait.ge [sflag:s0], $0x9C0  }
0x67: {  	s29 =	sadd.s32 $0x1, s29;
	[sflag:s0] =	ssyncset.done $0x0  }
0x68: {  	p1 =	sne.s32 s29, s13;
	[sflag:s0] =	ssyncadd.s32 $0xFFFFF640  }
0x69: {  	[hbm:s12], [sflag:s5] =	dma.local @!p0 [spmem:s25], $0x40  }
.Ltmp1:
0x6a: {  	_ = 	snop;
	(pc) =	sbr.rel @p1 .LBB2_1-.Ltmp1, $4  }
0x6b: {  	s5 =	simm.s32 @!p0 $0x7  }
0x6c: {  	_ =	swait.ge @!p0 [sflag:s5], $0x40  }
0x6d: {  	[sflag:s5] =	ssyncset.done @!p0 $0x0  }
0x6e: {  	[sflag:s5] =	ssyncadd.s32 @!p0 $0xFFFFFFC0  }
0x6f: {  	_ =	sfence.sel $0x180000  }
0x70: {  	[bflag:$0x0] =	sbarrier.arrive $0xFFFF  }
0x71: {  	_ =	strace $0x9000005C  }
0x72: {  	[bflag:$0x2] =	sbarrier.arrive $0xFFFF  }
0x73: {  	s0 =	rddreg [dreg:$0x4]  }
0x74: {  	s0 =	sadd.s32 @!p0 $0x100000, s0  }
0x75: {  	[sflag:s0] =	ssyncadd.tile.s32 @!p0 $0x1;
	_ =	shalt  }
.Lfunc_end2:
_tile_overlayer_lowered:
.L_overlay_start_2:
0x76: {  	(tag) =	ssettag $0x2  }
0x77: {  	s0 =	rddreg [dreg:$0x0];
	s2 =	stileid.u32  }
0x78: {  	s1 =	rddreg [dreg:$0x1];
	p0 =	sne.s32 s2, $0x0  }
0x79: {  	s3 =	rddreg [dreg:$0x2];
	[bflag:$0x3] =	sbarrier.arrive $0xFFFF;
	s2 =	simm.s32 @!p0 $0x1C07  }
0x7a: {  	[timem:s3], [sflag:s2] =	dma.local @!p0 [hbm:s0], s1  }
0x7b: {  	s0 =	simm.s32 @!p0 $0x7  }
0x7c: {  	_ =	swait.ge @!p0 [sflag:s0], s1  }
0x7d: {  	s1 =	ssub.s32 @!p0 $0x0, s1;
	[sflag:s0] =	ssyncset.done @!p0 $0x0  }
0x7e: {  	[sflag:s0] =	ssyncadd.s32 @!p0 s1  }
0x7f: {  	[bflag:$0x3] =	sbarrier.arrive $0xFFFF  }
0x80: {  	_ =	shalt  }

</sc_bundles>
